<compile_context>
chip_gen: v7x
topology: tpu7x:2x2x1
jax: 0.10.2.dev20260603
libtpu: 0.0.44.dev20260713+nightly
codegen_flags: <defaults>
</compile_context>

<pallas_src>
import functools
import jax
import jax.numpy as jnp
from jax import lax
from jax.experimental import pallas as pl
from jax.experimental.pallas import tpu as pltpu, tpu_sc as plsc

N = 10000
E = 320000
NEG = 0.2
NC = 2
NS = 16
NW = NC * NS
EPW = E // NW
ROWS_PW = N // NS
CH = 400
NCHUNK = EPW // CH


def _lrelu(v):
    return jnp.where(v > 0, v, NEG * v)



def _tc_a_body(x_ref, w_ref, as_ref, ad_ref, we1_ref, ae1_ref, we2_ref,
               ae2_ref, we3_ref, ae3_ref, ei_ref,
               h_ref, s_ref, d_ref, sdmax_ref, cs_ref, src_ref, dst_ref):
    h = x_ref[...] @ w_ref[...]
    h_ref[...] = h
    s = h @ as_ref[...]
    d = h @ ad_ref[...]
    s_ref[...] = s
    d_ref[...] = d
    sdmax_ref[...] = jnp.stack([s.max(), d.max()])[None, :]
    ves = []
    for we_r, ae_r in ((we1_ref, ae1_ref), (we2_ref, ae2_ref), (we3_ref, ae3_ref)):
        ves.append(we_r[...] @ ae_r[...])
    vflat = jnp.concatenate(ves)
    cs_ref[...] = vflat[:, None] * jnp.ones((1, 16), jnp.float32)
    ei = ei_ref[...]
    src_ref[...] = ei[0]
    dst_ref[...] = ei[1]


def _tc_a(x, W1, as1, ad1, We1, ae1, We2, ae2, We3, ae3, edge_index):
    return pl.pallas_call(
        _tc_a_body,
        out_shape=(
            jax.ShapeDtypeStruct((N, 32), jnp.float32),
            jax.ShapeDtypeStruct((N,), jnp.float32),
            jax.ShapeDtypeStruct((N,), jnp.float32),
            jax.ShapeDtypeStruct((1, 2), jnp.float32),
            jax.ShapeDtypeStruct((12, 16), jnp.float32),
            jax.ShapeDtypeStruct((E,), jnp.int32),
            jax.ShapeDtypeStruct((E,), jnp.int32),
        ),
    )(x, W1, as1, ad1, We1, ae1, We2, ae2, We3, ae3, edge_index)


def _tc_b_body(n0_ref, n1_ref, e1_ref, e2_ref, e3_ref, etlmax_ref):
    nacc = n0_ref[...] + n1_ref[...]
    deg = jnp.clip(nacc[:, 3], 1.0, None)
    maxes = []
    for j, er in enumerate((e1_ref, e2_ref, e3_ref)):
        etl = nacc[:, j] / deg
        er[...] = etl
        maxes.append(etl.max())
    etlmax_ref[...] = jnp.stack(maxes)[None, :]


def _tc_b(nacc0, nacc1):
    return pl.pallas_call(
        _tc_b_body,
        out_shape=(
            jax.ShapeDtypeStruct((N,), jnp.float32),
            jax.ShapeDtypeStruct((N,), jnp.float32),
            jax.ShapeDtypeStruct((N,), jnp.float32),
            jax.ShapeDtypeStruct((1, 3), jnp.float32),
        ),
    )(nacc0, nacc1)


def _combine(a0_ref, a1_ref, n0_ref, n1_ref, h_ref, s_ref, d_ref, etl_ref,
             m_ref, b_ref):
    al = _lrelu(s_ref[...] + d_ref[...] + etl_ref[...])
    exl = jnp.exp(al - m_ref[0])[:, None]
    acc = a0_ref[...] + a1_ref[...]
    den = (n0_ref[...] + n1_ref[...])[:, 0:1]
    out = (acc + exl * h_ref[...]) / (den + exl) + b_ref[...][None, :]
    return jnp.maximum(out, 0.0)


def _tc_lj_body(a0_ref, a1_ref, n0_ref, n1_ref, h_ref, s_ref, d_ref, etl_ref,
                m_ref, b_ref, w_ref, as_ref, ad_ref,
                hn_ref, sn_ref, dn_ref, sdmax_ref):
    out = _combine(a0_ref, a1_ref, n0_ref, n1_ref, h_ref, s_ref, d_ref,
                   etl_ref, m_ref, b_ref)
    hn = out @ w_ref[...]
    hn_ref[...] = hn
    s = hn @ as_ref[...]
    d = hn @ ad_ref[...]
    sn_ref[...] = s
    dn_ref[...] = d
    sdmax_ref[...] = jnp.stack([s.max(), d.max()])[None, :]


def _tc_lj(dh, accD, h_prev, s, d, etl_col, M, b_prev, W, a_s, a_d):
    m2 = jnp.full((1,), M, jnp.float32)
    acc, den = accD
    return pl.pallas_call(
        _tc_lj_body,
        out_shape=(
            jax.ShapeDtypeStruct((N, dh), jnp.float32),
            jax.ShapeDtypeStruct((N,), jnp.float32),
            jax.ShapeDtypeStruct((N,), jnp.float32),
            jax.ShapeDtypeStruct((1, 2), jnp.float32),
        ),
        in_specs=[pl.BlockSpec(memory_space=pltpu.VMEM)] * 8
        + [pl.BlockSpec(memory_space=pltpu.SMEM)]
        + [pl.BlockSpec(memory_space=pltpu.VMEM)] * 4,
    )(acc[0], acc[1], den[0], den[1], h_prev, s, d, etl_col, m2, b_prev,
      W, a_s, a_d)


def _tc_l4_body(a0_ref, a1_ref, n0_ref, n1_ref, h_ref, s_ref, d_ref, etl_ref,
                m_ref, b3_ref, w4_ref, b4_ref, y_ref):
    out = _combine(a0_ref, a1_ref, n0_ref, n1_ref, h_ref, s_ref, d_ref,
                   etl_ref, m_ref, b3_ref)
    y_ref[...] = out @ w4_ref[...] + b4_ref[...][None, :]


def _tc_l4(accD, h3, s3, d3, etl3, M3, b3, W4, b4):
    m2 = jnp.full((1,), M3, jnp.float32)
    acc, den = accD
    return pl.pallas_call(
        _tc_l4_body,
        out_shape=jax.ShapeDtypeStruct((N, 512), jnp.float32),
        in_specs=[pl.BlockSpec(memory_space=pltpu.VMEM)] * 8
        + [pl.BlockSpec(memory_space=pltpu.SMEM)]
        + [pl.BlockSpec(memory_space=pltpu.VMEM)] * 3,
    )(acc[0], acc[1], den[0], den[1], h3, s3, d3, etl3, m2, b3, W4, b4)



_MESH = plsc.VectorSubcoreMesh(core_axis_name="c", subcore_axis_name="s")


ZROWS = 1000
ZTILES = N // ZROWS


def _zero_spmem_slice(acc_sh, zeros_hbm, sid):
    @pl.when(sid < ZTILES)
    def _():
        base = sid * ZROWS
        pltpu.sync_copy(zeros_hbm.at[pl.ds(base, ZROWS)],
                        acc_sh.at[pl.ds(base, ZROWS)])


def _sc_pre_body(ea_hbm, cs_hbm, dst_hbm, z_hbm,
                 out_hbm, et1_hbm, et2_hbm, et3_hbm, etmax_hbm,
                 ea_v, cs_v, dst_v, e1_v, e2_v, e3_v, rows_v, mrow_v, acc_sh):
    cid = lax.axis_index("c")
    sid = lax.axis_index("s")
    wid = cid * NS + sid

    pltpu.sync_copy(cs_hbm, cs_v)
    _zero_spmem_slice(acc_sh, z_hbm, sid)
    plsc.subcore_barrier()

    cs = [cs_v[r, pl.ds(0, 16)] for r in range(12)]
    lane = lax.iota(jnp.int32, 16)
    u0 = jnp.where(lane == 0, 1.0, 0.0)
    u1 = jnp.where(lane == 1, 1.0, 0.0)
    u2 = jnp.where(lane == 2, 1.0, 0.0)
    u3 = jnp.where(lane == 3, 1.0, 0.0)
    neg = jnp.full((16,), -3.0e38, jnp.float32)

    def chunk(i, carry):
        m1, m2, m3 = carry
        base = wid * EPW + i * CH
        pltpu.sync_copy(dst_hbm.at[pl.ds(base, CH)], dst_v)
        pltpu.sync_copy(ea_hbm.at[pl.ds(base * 4, CH * 4)], ea_v)

        def group(g, c):
            g1, g2, g3 = c
            o = pl.multiple_of(g * 16, 16)
            ridx = (lane + o) * 4
            x = [plsc.load_gather(ea_v, [ridx + k]) for k in range(4)]
            et1 = x[0] * cs[0] + x[1] * cs[1] + (x[2] * cs[2] + x[3] * cs[3])
            et2 = x[0] * cs[4] + x[1] * cs[5] + (x[2] * cs[6] + x[3] * cs[7])
            et3 = x[0] * cs[8] + x[1] * cs[9] + (x[2] * cs[10] + x[3] * cs[11])
            e1_v[pl.ds(o, 16)] = et1
            e2_v[pl.ds(o, 16)] = et2
            e3_v[pl.ds(o, 16)] = et3
            return (jnp.maximum(g1, et1), jnp.maximum(g2, et2),
                    jnp.maximum(g3, et3))

        m1, m2, m3 = lax.fori_loop(0, CH // 16, group, (m1, m2, m3))

        def build(e, _):
            ix = jnp.full((16,), e, jnp.int32)
            x1 = plsc.load_gather(e1_v, [ix])
            x2 = plsc.load_gather(e2_v, [ix])
            x3 = plsc.load_gather(e3_v, [ix])
            rows_v[e, pl.ds(0, 16)] = x1 * u0 + x2 * u1 + (x3 * u2 + u3)
            return 0

        lax.fori_loop(0, CH, build, 0)
        pltpu.sync_copy(rows_v, acc_sh.at[dst_v], add=True)
        pltpu.sync_copy(e1_v, et1_hbm.at[pl.ds(base, CH)])
        pltpu.sync_copy(e2_v, et2_hbm.at[pl.ds(base, CH)])
        pltpu.sync_copy(e3_v, et3_hbm.at[pl.ds(base, CH)])
        return (m1, m2, m3)

    m1, m2, m3 = lax.fori_loop(0, NCHUNK, chunk, (neg, neg, neg))
    mrow_v[pl.ds(0, 16)] = m1
    mrow_v[pl.ds(16, 16)] = m2
    mrow_v[pl.ds(32, 16)] = m3
    pltpu.sync_copy(mrow_v, etmax_hbm.at[cid, sid])
    plsc.subcore_barrier()

    @pl.when(sid < ZTILES)
    def _():
        pltpu.sync_copy(acc_sh.at[pl.ds(sid * ZROWS, ZROWS)],
                        out_hbm.at[cid, pl.ds(sid * ZROWS, ZROWS)])


@functools.partial(
    pl.kernel,
    out_type=(
        jax.ShapeDtypeStruct((NC, N, 16), jnp.float32),
        jax.ShapeDtypeStruct((E,), jnp.float32),
        jax.ShapeDtypeStruct((E,), jnp.float32),
        jax.ShapeDtypeStruct((E,), jnp.float32),
        jax.ShapeDtypeStruct((NC, NS, 48), jnp.float32),
    ),
    mesh=_MESH,
    compiler_params=pltpu.CompilerParams(needs_layout_passes=False, use_tc_tiling_on_sc=False),
    scratch_types=[
        pltpu.VMEM((CH * 4,), jnp.float32),
        pltpu.VMEM((12, 16), jnp.float32),
        pltpu.VMEM((CH,), jnp.int32),
        pltpu.VMEM((CH,), jnp.float32),
        pltpu.VMEM((CH,), jnp.float32),
        pltpu.VMEM((CH,), jnp.float32),
        pltpu.VMEM((CH, 16), jnp.float32),
        pltpu.VMEM((48,), jnp.float32),
        pltpu.VMEM_SHARED((N, 16), jnp.float32),
    ],
)
def _sc_pre(ea_hbm, cs_hbm, dst_hbm, z_hbm, out_hbm, et1_hbm, et2_hbm,
            et3_hbm, etmax_hbm, *scratch):
    _sc_pre_body(ea_hbm, cs_hbm, dst_hbm, z_hbm, out_hbm, et1_hbm, et2_hbm,
                 et3_hbm, etmax_hbm, *scratch)


def _sc_layer_body(dh, src_hbm, dst_hbm, et_hbm, s_hbm, d_hbm, m_hbm, h_hbm,
                   zacc_hbm, zden_hbm, acc_hbm, den_hbm, s_v, d_v, m_v,
                   src_a, dst_a, et_a, rowsh_a, gsem_a,
                   src_b, dst_b, et_b, rowsh_b, gsem_b,
                   ex_v, exrows_v, acc_sh, den_sh):
    cid = lax.axis_index("c")
    sid = lax.axis_index("s")
    wid = cid * NS + sid

    pltpu.sync_copy(s_hbm, s_v)
    pltpu.sync_copy(d_hbm, d_v)
    pltpu.sync_copy(m_hbm, m_v)
    _zero_spmem_slice(acc_sh, zacc_hbm, sid)
    _zero_spmem_slice(den_sh, zden_hbm, sid)
    plsc.subcore_barrier()

    mvec = m_v[...]
    unit = jnp.where(lax.iota(jnp.int32, 16) == 0, 1.0, 0.0)

    def load_idx(i, srcb, dstb, etb):
        base = wid * EPW + i * CH
        pltpu.sync_copy(src_hbm.at[pl.ds(base, CH)], srcb)
        pltpu.sync_copy(dst_hbm.at[pl.ds(base, CH)], dstb)
        pltpu.sync_copy(et_hbm.at[pl.ds(base, CH)], etb)

    def attn_scale_scatter(srcb, dstb, etb, rowshb, gsem):
        def attn(r, _):
            o = pl.multiple_of(r * 16, 16)
            sv = plsc.load_gather(s_v, [srcb[pl.ds(o, 16)]])
            dv = plsc.load_gather(d_v, [dstb[pl.ds(o, 16)]])
            al = _lrelu(sv + dv + etb[pl.ds(o, 16)])
            ex_v[pl.ds(o, 16)] = jnp.exp(al - mvec)
            return 0

        lax.fori_loop(0, CH // 16, attn, 0)
        pltpu.make_async_copy(h_hbm.at[srcb], rowshb, gsem).wait()

        def scale(e, _):
            x = plsc.load_gather(ex_v, [jnp.full((16,), e, jnp.int32)])
            for k in range(dh // 16):
                rowshb[e, pl.ds(k * 16, 16)] = rowshb[e, pl.ds(k * 16, 16)] * x
            exrows_v[e, pl.ds(0, 16)] = unit * x
            return 0

        lax.fori_loop(0, CH, scale, 0)
        pltpu.sync_copy(rowshb, acc_sh.at[dstb], add=True)
        pltpu.sync_copy(exrows_v, den_sh.at[dstb], add=True)

    load_idx(0, src_a, dst_a, et_a)
    pltpu.async_copy(h_hbm.at[src_a], rowsh_a, gsem_a)

    def pair(g, _):
        c0 = g * 2
        load_idx(c0 + 1, src_b, dst_b, et_b)
        pltpu.async_copy(h_hbm.at[src_b], rowsh_b, gsem_b)
        attn_scale_scatter(src_a, dst_a, et_a, rowsh_a, gsem_a)
        load_idx(c0 + 2, src_a, dst_a, et_a)
        pltpu.async_copy(h_hbm.at[src_a], rowsh_a, gsem_a)
        attn_scale_scatter(src_b, dst_b, et_b, rowsh_b, gsem_b)
        return 0

    lax.fori_loop(0, (NCHUNK - 1) // 2, pair, 0)
    attn_scale_scatter(src_a, dst_a, et_a, rowsh_a, gsem_a)
    plsc.subcore_barrier()

    @pl.when(sid < ZTILES)
    def _():
        pltpu.sync_copy(acc_sh.at[pl.ds(sid * ZROWS, ZROWS)],
                        acc_hbm.at[cid, pl.ds(sid * ZROWS, ZROWS)])
        pltpu.sync_copy(den_sh.at[pl.ds(sid * ZROWS, ZROWS)],
                        den_hbm.at[cid, pl.ds(sid * ZROWS, ZROWS)])


def _make_sc_layer(dh):
    @functools.partial(
        pl.kernel,
        out_type=(
            jax.ShapeDtypeStruct((NC, N, dh), jnp.float32),
            jax.ShapeDtypeStruct((NC, N, 16), jnp.float32),
        ),
        mesh=_MESH,
        compiler_params=pltpu.CompilerParams(needs_layout_passes=False, use_tc_tiling_on_sc=False),
        scratch_types=[
            pltpu.VMEM((N,), jnp.float32),
            pltpu.VMEM((N,), jnp.float32),
            pltpu.VMEM((16,), jnp.float32),
            pltpu.VMEM((CH,), jnp.int32),
            pltpu.VMEM((CH,), jnp.int32),
            pltpu.VMEM((CH,), jnp.float32),
            pltpu.VMEM((CH, dh), jnp.float32),
            pltpu.SemaphoreType.DMA,
            pltpu.VMEM((CH,), jnp.int32),
            pltpu.VMEM((CH,), jnp.int32),
            pltpu.VMEM((CH,), jnp.float32),
            pltpu.VMEM((CH, dh), jnp.float32),
            pltpu.SemaphoreType.DMA,
            pltpu.VMEM((CH,), jnp.float32),
            pltpu.VMEM((CH, 16), jnp.float32),
            pltpu.VMEM_SHARED((N, dh), jnp.float32),
            pltpu.VMEM_SHARED((N, 16), jnp.float32),
        ],
    )
    def sc_layer(src_hbm, dst_hbm, et_hbm, s_hbm, d_hbm, m_hbm, h_hbm,
                 zacc_hbm, zden_hbm, acc_hbm, den_hbm, *scratch):
        _sc_layer_body(dh, src_hbm, dst_hbm, et_hbm, s_hbm, d_hbm, m_hbm,
                       h_hbm, zacc_hbm, zden_hbm, acc_hbm, den_hbm, *scratch)

    return sc_layer


_sc_layer32 = _make_sc_layer(32)
_sc_layer64 = _make_sc_layer(64)



def kernel(x, edge_index, edge_attr, W1, as1, ad1, We1, ae1, b1,
           W2, as2, ad2, We2, ae2, b2, W3, as3, ad3, We3, ae3, b3, W4, b4):
    z16 = jnp.zeros((N, 16), jnp.float32)
    z32 = jnp.zeros((N, 32), jnp.float32)
    z64 = jnp.zeros((N, 64), jnp.float32)

    h1, s1, d1, sdmax1, CS, src, dst = _tc_a(
        x, W1, as1, ad1, We1, ae1, We2, ae2, We3, ae3, edge_index)
    naccD, e1, e2, e3, etmaxT = _sc_pre(edge_attr.reshape(E * 4), CS, dst, z16)
    ett = (e1, e2, e3)
    etl1, etl2, etl3, etlmax = _tc_b(naccD[0], naccD[1])

    etmax = jnp.max(etmaxT.reshape(NC, NS, 3, 16), axis=(0, 1, 3))
    emax = jnp.maximum(etmax, etlmax[0])

    M1 = sdmax1[0, 0] + sdmax1[0, 1] + emax[0]
    m1 = jnp.full((16,), M1, jnp.float32)
    accD1 = _sc_layer32(src, dst, ett[0], s1, d1, m1, h1, z32, z16)

    h2, s2, d2, sdmax2 = _tc_lj(64, accD1, h1, s1, d1, etl1, M1,
                                b1, W2, as2, ad2)
    M2 = sdmax2[0, 0] + sdmax2[0, 1] + emax[1]
    m2 = jnp.full((16,), M2, jnp.float32)
    accD2 = _sc_layer64(src, dst, ett[1], s2, d2, m2, h2, z64, z16)

    h3, s3, d3, sdmax3 = _tc_lj(64, accD2, h2, s2, d2, etl2, M2,
                                b2, W3, as3, ad3)
    M3 = sdmax3[0, 0] + sdmax3[0, 1] + emax[2]
    m3 = jnp.full((16,), M3, jnp.float32)
    accD3 = _sc_layer64(src, dst, ett[2], s3, d3, m3, h3, z64, z16)

    return _tc_l4(accD3, h3, s3, d3, etl3, M3, b3, W4, b4)

# --- scband reference (transcript-rebuilt; emitter-appended) ---
"""Pipeline reference for scband-sequential-graph-features-extractor-18665927868854 (READ-ONLY COPY).

The authoritative reference and input builder live on the scoring server;
editing this copy changes nothing except your own understanding.
"""

import jax, jax.numpy as jnp
import numpy as np

N = 10000
E = 320000
D_IN = 128
D_EDGE = 4
D_OUT = 512
NEG_SLOPE = 0.2


def _glorot(k, shape):
    fan_in, fan_out = shape[0], shape[-1]
    return jax.random.normal(k, shape, dtype=jnp.float32) * np.sqrt(2.0 / (fan_in + fan_out))


def setup_inputs(seed: int = 0):
    key = jax.random.key(seed)
    k = lambda i: jax.random.fold_in(key, i)
    inp = {}
    inp["x"] = jax.random.normal(k(0), (N, D_IN), dtype=jnp.float32)
    inp["edge_index"] = jax.random.randint(k(1), (2, E), 0, N, dtype=jnp.int32)
    inp["edge_attr"] = jax.random.normal(k(2), (E, D_EDGE), dtype=jnp.float32)
    dims = [(D_IN, 32), (32, 64), (64, 64)]
    ki = 3
    for i, (di, do) in enumerate(dims):
        j = i + 1
        inp["W%d" % j] = _glorot(k(ki), (di, do)); ki += 1
        inp["as%d" % j] = jax.random.normal(k(ki), (do,), dtype=jnp.float32) * 0.1; ki += 1
        inp["ad%d" % j] = jax.random.normal(k(ki), (do,), dtype=jnp.float32) * 0.1; ki += 1
        inp["We%d" % j] = _glorot(k(ki), (D_EDGE, do)); ki += 1
        inp["ae%d" % j] = jax.random.normal(k(ki), (do,), dtype=jnp.float32) * 0.1; ki += 1
        inp["b%d" % j] = jnp.zeros((do,), dtype=jnp.float32)
    inp["W4"] = _glorot(k(ki), (64, D_OUT)); ki += 1
    inp["b4"] = jnp.zeros((D_OUT,), dtype=jnp.float32)
    return inp


def _gat_layer(h_in, src, dst, ea, W, a_s, a_d, We, a_e, b, n):
    h = h_in @ W
    alpha = (h * a_s).sum(axis=-1)[src] + (h * a_d).sum(axis=-1)[dst] + ((ea @ We) * a_e).sum(axis=-1)
    alpha = jnp.where(alpha > 0, alpha, NEG_SLOPE * alpha)
    m = jax.ops.segment_max(alpha, dst, num_segments=n)
    ex = jnp.exp(alpha - m[dst])
    denom = jax.ops.segment_sum(ex, dst, num_segments=n)
    coef = ex / denom[dst]
    out = jax.ops.segment_sum(h[src] * coef[:, None], dst, num_segments=n)
    return out + b


def _forward(x, edge_index, edge_attr, W1, as1, ad1, We1, ae1, b1, W2, as2, ad2, We2, ae2, b2, W3, as3, ad3, We3, ae3, b3, W4, b4):
    n = x.shape[0]
    src, dst = edge_index[0], edge_index[1]
    ones = jnp.ones(src.shape[0], dtype=jnp.float32)
    deg = jax.ops.segment_sum(ones, dst, num_segments=n)
    loop_attr = jax.ops.segment_sum(edge_attr, dst, num_segments=n) / jnp.clip(deg, 1.0)[:, None]
    loop = jnp.arange(n, dtype=src.dtype)
    src2 = jnp.concatenate([src, loop])
    dst2 = jnp.concatenate([dst, loop])
    ea2 = jnp.concatenate([edge_attr, loop_attr], axis=0)
    h = jax.nn.relu(_gat_layer(x, src2, dst2, ea2, W1, as1, ad1, We1, ae1, b1, n))
    h = jax.nn.relu(_gat_layer(h, src2, dst2, ea2, W2, as2, ad2, We2, ae2, b2, n))
    h = jax.nn.relu(_gat_layer(h, src2, dst2, ea2, W3, as3, ad3, We3, ae3, b3, n))
    return h @ W4 + b4


def reference(x, edge_index, edge_attr, W1, as1, ad1, We1, ae1, b1, W2, as2, ad2, We2, ae2, b2, W3, as3, ad3, We3, ae3, b3, W4, b4):
    return _forward(x, edge_index, edge_attr, W1, as1, ad1, We1, ae1, b1, W2, as2, ad2, We2, ae2, b2, W3, as3, ad3, We3, ae3, b3, W4, b4)

if __name__ == "__main__":
    import jax
    _d = setup_inputs()
    print(jax.jit(kernel)(*tuple(_d.values())))

</pallas_src>

<mosaic_0001>
#map = affine_map<(d0, d1) -> (0)>
#map1 = affine_map<(d0, d1) -> (0, 0)>
#map2 = affine_map<(d0, d1) -> (0, 0, 0)>
module attributes {stable_mosaic.version = 14 : i64} {
  func.func @sc_layer(%arg0: i32, %arg1: i32, %arg2: memref<320000xi32, #tpu.memory_space<hbm>>, %arg3: memref<320000xi32, #tpu.memory_space<hbm>>, %arg4: memref<320000xf32, #tpu.memory_space<hbm>>, %arg5: memref<10000xf32, #tpu.memory_space<hbm>>, %arg6: memref<10000xf32, #tpu.memory_space<hbm>>, %arg7: memref<16xf32, #tpu.memory_space<hbm>>, %arg8: memref<10000x64xf32, #tpu.memory_space<hbm>>, %arg9: memref<10000x64xf32, #tpu.memory_space<hbm>>, %arg10: memref<10000x16xf32, #tpu.memory_space<hbm>>, %arg11: memref<2x10000x64xf32, #tpu.memory_space<hbm>>, %arg12: memref<2x10000x16xf32, #tpu.memory_space<hbm>>, %arg13: memref<10000xf32, #tpu.memory_space<vmem>>, %arg14: memref<10000xf32, #tpu.memory_space<vmem>>, %arg15: memref<16xf32, #tpu.memory_space<vmem>>, %arg16: memref<400xi32, #tpu.memory_space<vmem>>, %arg17: memref<400xi32, #tpu.memory_space<vmem>>, %arg18: memref<400xf32, #tpu.memory_space<vmem>>, %arg19: memref<400x64xf32, #tpu.memory_space<vmem>>, %arg20: memref<!tpu.dma_semaphore, #tpu.memory_space<semaphore_mem>>, %arg21: memref<400xi32, #tpu.memory_space<vmem>>, %arg22: memref<400xi32, #tpu.memory_space<vmem>>, %arg23: memref<400xf32, #tpu.memory_space<vmem>>, %arg24: memref<400x64xf32, #tpu.memory_space<vmem>>, %arg25: memref<!tpu.dma_semaphore, #tpu.memory_space<semaphore_mem>>, %arg26: memref<400xf32, #tpu.memory_space<vmem>>, %arg27: memref<400x16xf32, #tpu.memory_space<vmem>>, %arg28: memref<10000x64xf32, #tpu.memory_space<vmem_shared>>, %arg29: memref<10000x16xf32, #tpu.memory_space<vmem_shared>>) attributes {dimension_semantics = [#tpu.dimension_semantics<core_parallel>, #tpu.dimension_semantics<subcore_parallel>], iteration_bounds = array<i64: 2, 16>, scalar_prefetch = 0 : i64, scratch_operands = 17 : i64, tpu.core_type = #tpu.core_type<sc_vector_subcore>, window_params = [{transform_indices = #map}, {transform_indices = #map}, {transform_indices = #map}, {transform_indices = #map}, {transform_indices = #map}, {transform_indices = #map}, {transform_indices = #map1}, {transform_indices = #map1}, {transform_indices = #map1}, {transform_indices = #map2}, {transform_indices = #map2}]} {
    %mul3A = arith.constant 16 : i32
    %mul3A_0 = arith.muli %arg0, %mul3A : i32
    %add3A = arith.addi %mul3A_0, %arg1 : i32
    "tpu.region"() ({
      %run_scoped3A = tpu.sem_alloc : memref<!tpu.dma_semaphore, #tpu.memory_space<semaphore_mem>>
      tpu.enqueue_dma source(%arg5 : memref<10000xf32, #tpu.memory_space<hbm>>) target(%arg13 : memref<10000xf32, #tpu.memory_space<vmem>>) target_semaphore(%run_scoped3A : memref<!tpu.dma_semaphore, #tpu.memory_space<semaphore_mem>>)
      tpu.wait_dma2 semaphore(%run_scoped3A : memref<!tpu.dma_semaphore, #tpu.memory_space<semaphore_mem>>) src(%arg5 : memref<10000xf32, #tpu.memory_space<hbm>>) dst(%arg13 : memref<10000xf32, #tpu.memory_space<vmem>>)
      tpu.yield
    }) : () -> ()
    "tpu.region"() ({
      %run_scoped3A = tpu.sem_alloc : memref<!tpu.dma_semaphore, #tpu.memory_space<semaphore_mem>>
      tpu.enqueue_dma source(%arg6 : memref<10000xf32, #tpu.memory_space<hbm>>) target(%arg14 : memref<10000xf32, #tpu.memory_space<vmem>>) target_semaphore(%run_scoped3A : memref<!tpu.dma_semaphore, #tpu.memory_space<semaphore_mem>>)
      tpu.wait_dma2 semaphore(%run_scoped3A : memref<!tpu.dma_semaphore, #tpu.memory_space<semaphore_mem>>) src(%arg6 : memref<10000xf32, #tpu.memory_space<hbm>>) dst(%arg14 : memref<10000xf32, #tpu.memory_space<vmem>>)
      tpu.yield
    }) : () -> ()
    "tpu.region"() ({
      %run_scoped3A = tpu.sem_alloc : memref<!tpu.dma_semaphore, #tpu.memory_space<semaphore_mem>>
      tpu.enqueue_dma source(%arg7 : memref<16xf32, #tpu.memory_space<hbm>>) target(%arg15 : memref<16xf32, #tpu.memory_space<vmem>>) target_semaphore(%run_scoped3A : memref<!tpu.dma_semaphore, #tpu.memory_space<semaphore_mem>>)
      tpu.wait_dma2 semaphore(%run_scoped3A : memref<!tpu.dma_semaphore, #tpu.memory_space<semaphore_mem>>) src(%arg7 : memref<16xf32, #tpu.memory_space<hbm>>) dst(%arg15 : memref<16xf32, #tpu.memory_space<vmem>>)
      tpu.yield
    }) : () -> ()
    %lt3A = arith.constant 10 : i32
    %lt3A_1 = arith.cmpi slt, %arg1, %lt3A : i32
    %convert_element_type3A = arith.extui %lt3A_1 : i1 to i32
    %cond3A = arith.constant 0 : i32
    %cond3A_2 = arith.cmpi ne, %convert_element_type3A, %cond3A : i32
    scf.if %cond3A_2 {
      %mul3A_47 = arith.constant 1000 : i32
      %mul3A_48 = arith.muli %arg1, %mul3A_47 : i32
      "tpu.region"() ({
        %run_scoped3A = tpu.sem_alloc : memref<!tpu.dma_semaphore, #tpu.memory_space<semaphore_mem>>
        %dma_start3A_49 = arith.constant 0 : i32
        %dma_start3A_50 = tpu.memref_slice %arg28[%mul3A_48, %dma_start3A_49] : memref<10000x64xf32, #tpu.memory_space<vmem_shared>> -> memref<1000x64xf32, #tpu.memory_space<vmem_shared>>
        %dma_start3A_51 = arith.constant 0 : i32
        %dma_start3A_52 = tpu.memref_slice %arg9[%mul3A_48, %dma_start3A_51] : memref<10000x64xf32, #tpu.memory_space<hbm>> -> memref<1000x64xf32, #tpu.memory_space<hbm>>
        tpu.enqueue_dma source(%dma_start3A_52 : memref<1000x64xf32, #tpu.memory_space<hbm>>) target(%dma_start3A_50 : memref<1000x64xf32, #tpu.memory_space<vmem_shared>>) target_semaphore(%run_scoped3A : memref<!tpu.dma_semaphore, #tpu.memory_space<semaphore_mem>>)
        %dma_wait3A_53 = arith.constant 0 : i32
        %dma_wait3A_54 = tpu.memref_slice %arg28[%mul3A_48, %dma_wait3A_53] : memref<10000x64xf32, #tpu.memory_space<vmem_shared>> -> memref<1000x64xf32, #tpu.memory_space<vmem_shared>>
        %dma_wait3A_55 = arith.constant 0 : i32
        %dma_wait3A_56 = tpu.memref_slice %arg9[%mul3A_48, %dma_wait3A_55] : memref<10000x64xf32, #tpu.memory_space<hbm>> -> memref<1000x64xf32, #tpu.memory_space<hbm>>
        tpu.wait_dma2 semaphore(%run_scoped3A : memref<!tpu.dma_semaphore, #tpu.memory_space<semaphore_mem>>) src(%dma_wait3A_56 : memref<1000x64xf32, #tpu.memory_space<hbm>>) dst(%dma_wait3A_54 : memref<1000x64xf32, #tpu.memory_space<vmem_shared>>)
        tpu.yield
      }) : () -> ()
    } else {
    }
    %lt3A_3 = arith.constant 10 : i32
    %lt3A_4 = arith.cmpi slt, %arg1, %lt3A_3 : i32
    %convert_element_type3A_5 = arith.extui %lt3A_4 : i1 to i32
    %cond3A_6 = arith.constant 0 : i32
    %cond3A_7 = arith.cmpi ne, %convert_element_type3A_5, %cond3A_6 : i32
    scf.if %cond3A_7 {
      %mul3A_47 = arith.constant 1000 : i32
      %mul3A_48 = arith.muli %arg1, %mul3A_47 : i32
      "tpu.region"() ({
        %run_scoped3A = tpu.sem_alloc : memref<!tpu.dma_semaphore, #tpu.memory_space<semaphore_mem>>
        %dma_start3A_49 = arith.constant 0 : i32
        %dma_start3A_50 = tpu.memref_slice %arg29[%mul3A_48, %dma_start3A_49] : memref<10000x16xf32, #tpu.memory_space<vmem_shared>> -> memref<1000x16xf32, #tpu.memory_space<vmem_shared>>
        %dma_start3A_51 = arith.constant 0 : i32
        %dma_start3A_52 = tpu.memref_slice %arg10[%mul3A_48, %dma_start3A_51] : memref<10000x16xf32, #tpu.memory_space<hbm>> -> memref<1000x16xf32, #tpu.memory_space<hbm>>
        tpu.enqueue_dma source(%dma_start3A_52 : memref<1000x16xf32, #tpu.memory_space<hbm>>) target(%dma_start3A_50 : memref<1000x16xf32, #tpu.memory_space<vmem_shared>>) target_semaphore(%run_scoped3A : memref<!tpu.dma_semaphore, #tpu.memory_space<semaphore_mem>>)
        %dma_wait3A_53 = arith.constant 0 : i32
        %dma_wait3A_54 = tpu.memref_slice %arg29[%mul3A_48, %dma_wait3A_53] : memref<10000x16xf32, #tpu.memory_space<vmem_shared>> -> memref<1000x16xf32, #tpu.memory_space<vmem_shared>>
        %dma_wait3A_55 = arith.constant 0 : i32
        %dma_wait3A_56 = tpu.memref_slice %arg10[%mul3A_48, %dma_wait3A_55] : memref<10000x16xf32, #tpu.memory_space<hbm>> -> memref<1000x16xf32, #tpu.memory_space<hbm>>
        tpu.wait_dma2 semaphore(%run_scoped3A : memref<!tpu.dma_semaphore, #tpu.memory_space<semaphore_mem>>) src(%dma_wait3A_56 : memref<1000x16xf32, #tpu.memory_space<hbm>>) dst(%dma_wait3A_54 : memref<1000x16xf32, #tpu.memory_space<vmem_shared>>)
        tpu.yield
      }) : () -> ()
    } else {
    }
    %barrier3A = arith.constant 0 : index
    tpu.barrier barrier_id(%barrier3A)
    %get3A = arith.constant 0 : index
    %get3A_8 = tpu.vector_load %arg15[%get3A] {strides = array<i32>} : memref<16xf32, #tpu.memory_space<vmem>>, vector<16xf32>,
    %iota3A = tpu.iota {dimensions = array<i32: 0>} : vector<16xi32>
    %eq3A = arith.constant 0 : i32
    %eq3A_9 = vector.broadcast %eq3A : i32 to vector<16xi32>
    %eq3A_10 = arith.cmpi eq, %iota3A, %eq3A_9 : vector<16xi32>
    %jit3A = arith.constant 1.000000e+00 : f32
    %jit3A_11 = arith.constant 0.000000e+00 : f32
    %broadcast_in_dim3A = vector.broadcast %jit3A : f32 to vector<16xf32>
    %broadcast_in_dim3A_12 = vector.broadcast %jit3A_11 : f32 to vector<16xf32>
    %select_n3A = arith.select %eq3A_10, %broadcast_in_dim3A, %broadcast_in_dim3A_12 : vector<16xi1>, vector<16xf32>
    %mul3A_13 = arith.constant 10000 : i32
    %mul3A_14 = arith.muli %add3A, %mul3A_13 : i32
    %add3A_15 = arith.constant 0 : i32
    %add3A_16 = arith.addi %mul3A_14, %add3A_15 : i32
    "tpu.region"() ({
      %run_scoped3A = tpu.sem_alloc : memref<!tpu.dma_semaphore, #tpu.memory_space<semaphore_mem>>
      %dma_start3A_47 = tpu.memref_slice %arg2[%add3A_16] : memref<320000xi32, #tpu.memory_space<hbm>> -> memref<400xi32, #tpu.memory_space<hbm>>
      %dma_start3A_48 = tpu.memref_slice %arg2[%add3A_16] : memref<320000xi32, #tpu.memory_space<hbm>> -> memref<400xi32, #tpu.memory_space<hbm>>
      tpu.enqueue_dma source(%dma_start3A_48 : memref<400xi32, #tpu.memory_space<hbm>>) target(%arg16 : memref<400xi32, #tpu.memory_space<vmem>>) target_semaphore(%run_scoped3A : memref<!tpu.dma_semaphore, #tpu.memory_space<semaphore_mem>>)
      %dma_wait3A_49 = tpu.memref_slice %arg2[%add3A_16] : memref<320000xi32, #tpu.memory_space<hbm>> -> memref<400xi32, #tpu.memory_space<hbm>>
      %dma_wait3A_50 = tpu.memref_slice %arg2[%add3A_16] : memref<320000xi32, #tpu.memory_space<hbm>> -> memref<400xi32, #tpu.memory_space<hbm>>
      tpu.wait_dma2 semaphore(%run_scoped3A : memref<!tpu.dma_semaphore, #tpu.memory_space<semaphore_mem>>) src(%dma_wait3A_50 : memref<400xi32, #tpu.memory_space<hbm>>) dst(%arg16 : memref<400xi32, #tpu.memory_space<vmem>>)
      tpu.yield
    }) : () -> ()
    "tpu.region"() ({
      %run_scoped3A = tpu.sem_alloc : memref<!tpu.dma_semaphore, #tpu.memory_space<semaphore_mem>>
      %dma_start3A_47 = tpu.memref_slice %arg3[%add3A_16] : memref<320000xi32, #tpu.memory_space<hbm>> -> memref<400xi32, #tpu.memory_space<hbm>>
      %dma_start3A_48 = tpu.memref_slice %arg3[%add3A_16] : memref<320000xi32, #tpu.memory_space<hbm>> -> memref<400xi32, #tpu.memory_space<hbm>>
      tpu.enqueue_dma source(%dma_start3A_48 : memref<400xi32, #tpu.memory_space<hbm>>) target(%arg17 : memref<400xi32, #tpu.memory_space<vmem>>) target_semaphore(%run_scoped3A : memref<!tpu.dma_semaphore, #tpu.memory_space<semaphore_mem>>)
      %dma_wait3A_49 = tpu.memref_slice %arg3[%add3A_16] : memref<320000xi32, #tpu.memory_space<hbm>> -> memref<400xi32, #tpu.memory_space<hbm>>
      %dma_wait3A_50 = tpu.memref_slice %arg3[%add3A_16] : memref<320000xi32, #tpu.memory_space<hbm>> -> memref<400xi32, #tpu.memory_space<hbm>>
      tpu.wait_dma2 semaphore(%run_scoped3A : memref<!tpu.dma_semaphore, #tpu.memory_space<semaphore_mem>>) src(%dma_wait3A_50 : memref<400xi32, #tpu.memory_space<hbm>>) dst(%arg17 : memref<400xi32, #tpu.memory_space<vmem>>)
      tpu.yield
    }) : () -> ()
    "tpu.region"() ({
      %run_scoped3A = tpu.sem_alloc : memref<!tpu.dma_semaphore, #tpu.memory_space<semaphore_mem>>
      %dma_start3A_47 = tpu.memref_slice %arg4[%add3A_16] : memref<320000xf32, #tpu.memory_space<hbm>> -> memref<400xf32, #tpu.memory_space<hbm>>
      %dma_start3A_48 = tpu.memref_slice %arg4[%add3A_16] : memref<320000xf32, #tpu.memory_space<hbm>> -> memref<400xf32, #tpu.memory_space<hbm>>
      tpu.enqueue_dma source(%dma_start3A_48 : memref<400xf32, #tpu.memory_space<hbm>>) target(%arg18 : memref<400xf32, #tpu.memory_space<vmem>>) target_semaphore(%run_scoped3A : memref<!tpu.dma_semaphore, #tpu.memory_space<semaphore_mem>>)
      %dma_wait3A_49 = tpu.memref_slice %arg4[%add3A_16] : memref<320000xf32, #tpu.memory_space<hbm>> -> memref<400xf32, #tpu.memory_space<hbm>>
      %dma_wait3A_50 = tpu.memref_slice %arg4[%add3A_16] : memref<320000xf32, #tpu.memory_space<hbm>> -> memref<400xf32, #tpu.memory_space<hbm>>
      tpu.wait_dma2 semaphore(%run_scoped3A : memref<!tpu.dma_semaphore, #tpu.memory_space<semaphore_mem>>) src(%dma_wait3A_50 : memref<400xf32, #tpu.memory_space<hbm>>) dst(%arg18 : memref<400xf32, #tpu.memory_space<vmem>>)
      tpu.yield
    }) : () -> ()
    %dma_start3A = arith.constant 0 : i32
    %dma_start3A_17 = arith.constant 0 : i32
    %dma_start3A_18 = tpu.memref_slice %arg8[%dma_start3A, %dma_start3A_17] : memref<10000x64xf32, #tpu.memory_space<hbm>> -> memref<10000x64xf32, #tpu.memory_space<hbm>>
    tpu.enqueue_indirect_dma source(%dma_start3A_18 : memref<10000x64xf32, #tpu.memory_space<hbm>>) target(%arg19 : memref<400x64xf32, #tpu.memory_space<vmem>>) offsets(%arg16 : memref<400xi32, #tpu.memory_space<vmem>>) semaphore(%arg20 : memref<!tpu.dma_semaphore, #tpu.memory_space<semaphore_mem>>)
    %scan3A = arith.constant 0 : i32
    %scan3A_19 = arith.constant 0 : i32
    %scan3A_20 = arith.constant 12 : i32
    %scan3A_21 = arith.addi %scan3A_19, %scan3A_20 : i32
    %scan3A_22 = arith.constant 1 : i32
    %scan3A_23 = scf.for %scan3A_47 = %scan3A_19 to %scan3A_21 step %scan3A_22 iter_args(%scan3A_48 = %scan3A) -> (i32)  : i32 {
      %mul3A_49 = arith.constant 2 : i32
      %mul3A_50 = arith.muli %scan3A_47, %mul3A_49 : i32
      %add3A_51 = arith.constant 1 : i32
      %add3A_52 = arith.addi %mul3A_50, %add3A_51 : i32
      %mul3A_53 = arith.constant 10000 : i32
      %mul3A_54 = arith.muli %add3A, %mul3A_53 : i32
      %mul3A_55 = arith.constant 400 : i32
      %mul3A_56 = arith.muli %add3A_52, %mul3A_55 : i32
      %add3A_57 = arith.addi %mul3A_54, %mul3A_56 : i32
      "tpu.region"() ({
        %run_scoped3A = tpu.sem_alloc : memref<!tpu.dma_semaphore, #tpu.memory_space<semaphore_mem>>
        %dma_start3A_106 = tpu.memref_slice %arg2[%add3A_57] : memref<320000xi32, #tpu.memory_space<hbm>> -> memref<400xi32, #tpu.memory_space<hbm>>
        %dma_start3A_107 = tpu.memref_slice %arg2[%add3A_57] : memref<320000xi32, #tpu.memory_space<hbm>> -> memref<400xi32, #tpu.memory_space<hbm>>
        tpu.enqueue_dma source(%dma_start3A_107 : memref<400xi32, #tpu.memory_space<hbm>>) target(%arg21 : memref<400xi32, #tpu.memory_space<vmem>>) target_semaphore(%run_scoped3A : memref<!tpu.dma_semaphore, #tpu.memory_space<semaphore_mem>>)
        %dma_wait3A_108 = tpu.memref_slice %arg2[%add3A_57] : memref<320000xi32, #tpu.memory_space<hbm>> -> memref<400xi32, #tpu.memory_space<hbm>>
        %dma_wait3A_109 = tpu.memref_slice %arg2[%add3A_57] : memref<320000xi32, #tpu.memory_space<hbm>> -> memref<400xi32, #tpu.memory_space<hbm>>
        tpu.wait_dma2 semaphore(%run_scoped3A : memref<!tpu.dma_semaphore, #tpu.memory_space<semaphore_mem>>) src(%dma_wait3A_109 : memref<400xi32, #tpu.memory_space<hbm>>) dst(%arg21 : memref<400xi32, #tpu.memory_space<vmem>>)
        tpu.yield
      }) : () -> ()
      "tpu.region"() ({
        %run_scoped3A = tpu.sem_alloc : memref<!tpu.dma_semaphore, #tpu.memory_space<semaphore_mem>>
        %dma_start3A_106 = tpu.memref_slice %arg3[%add3A_57] : memref<320000xi32, #tpu.memory_space<hbm>> -> memref<400xi32, #tpu.memory_space<hbm>>
        %dma_start3A_107 = tpu.memref_slice %arg3[%add3A_57] : memref<320000xi32, #tpu.memory_space<hbm>> -> memref<400xi32, #tpu.memory_space<hbm>>
        tpu.enqueue_dma source(%dma_start3A_107 : memref<400xi32, #tpu.memory_space<hbm>>) target(%arg22 : memref<400xi32, #tpu.memory_space<vmem>>) target_semaphore(%run_scoped3A : memref<!tpu.dma_semaphore, #tpu.memory_space<semaphore_mem>>)
        %dma_wait3A_108 = tpu.memref_slice %arg3[%add3A_57] : memref<320000xi32, #tpu.memory_space<hbm>> -> memref<400xi32, #tpu.memory_space<hbm>>
        %dma_wait3A_109 = tpu.memref_slice %arg3[%add3A_57] : memref<320000xi32, #tpu.memory_space<hbm>> -> memref<400xi32, #tpu.memory_space<hbm>>
        tpu.wait_dma2 semaphore(%run_scoped3A : memref<!tpu.dma_semaphore, #tpu.memory_space<semaphore_mem>>) src(%dma_wait3A_109 : memref<400xi32, #tpu.memory_space<hbm>>) dst(%arg22 : memref<400xi32, #tpu.memory_space<vmem>>)
        tpu.yield
      }) : () -> ()
      "tpu.region"() ({
        %run_scoped3A = tpu.sem_alloc : memref<!tpu.dma_semaphore, #tpu.memory_space<semaphore_mem>>
        %dma_start3A_106 = tpu.memref_slice %arg4[%add3A_57] : memref<320000xf32, #tpu.memory_space<hbm>> -> memref<400xf32, #tpu.memory_space<hbm>>
        %dma_start3A_107 = tpu.memref_slice %arg4[%add3A_57] : memref<320000xf32, #tpu.memory_space<hbm>> -> memref<400xf32, #tpu.memory_space<hbm>>
        tpu.enqueue_dma source(%dma_start3A_107 : memref<400xf32, #tpu.memory_space<hbm>>) target(%arg23 : memref<400xf32, #tpu.memory_space<vmem>>) target_semaphore(%run_scoped3A : memref<!tpu.dma_semaphore, #tpu.memory_space<semaphore_mem>>)
        %dma_wait3A_108 = tpu.memref_slice %arg4[%add3A_57] : memref<320000xf32, #tpu.memory_space<hbm>> -> memref<400xf32, #tpu.memory_space<hbm>>
        %dma_wait3A_109 = tpu.memref_slice %arg4[%add3A_57] : memref<320000xf32, #tpu.memory_space<hbm>> -> memref<400xf32, #tpu.memory_space<hbm>>
        tpu.wait_dma2 semaphore(%run_scoped3A : memref<!tpu.dma_semaphore, #tpu.memory_space<semaphore_mem>>) src(%dma_wait3A_109 : memref<400xf32, #tpu.memory_space<hbm>>) dst(%arg23 : memref<400xf32, #tpu.memory_space<vmem>>)
        tpu.yield
      }) : () -> ()
      %dma_start3A_58 = arith.constant 0 : i32
      %dma_start3A_59 = arith.constant 0 : i32
      %dma_start3A_60 = tpu.memref_slice %arg8[%dma_start3A_58, %dma_start3A_59] : memref<10000x64xf32, #tpu.memory_space<hbm>> -> memref<10000x64xf32, #tpu.memory_space<hbm>>
      tpu.enqueue_indirect_dma source(%dma_start3A_60 : memref<10000x64xf32, #tpu.memory_space<hbm>>) target(%arg24 : memref<400x64xf32, #tpu.memory_space<vmem>>) offsets(%arg21 : memref<400xi32, #tpu.memory_space<vmem>>) semaphore(%arg25 : memref<!tpu.dma_semaphore, #tpu.memory_space<semaphore_mem>>)
      %scan3A_61 = arith.constant 0 : i32
      %scan3A_62 = arith.constant 0 : i32
      %scan3A_63 = arith.constant 25 : i32
      %scan3A_64 = arith.addi %scan3A_62, %scan3A_63 : i32
      %scan3A_65 = arith.constant 1 : i32
      %scan3A_66 = scf.for %scan3A_106 = %scan3A_62 to %scan3A_64 step %scan3A_65 iter_args(%scan3A_107 = %scan3A_61) -> (i32)  : i32 {
        %mul3A_108 = arith.constant 16 : i32
        %mul3A_109 = arith.muli %scan3A_106, %mul3A_108 : i32
        %multiple_of3A = tpu.assume_multiple %mul3A_109, 16 : i32
        %get3A_110 = arith.index_cast %multiple_of3A : i32 to index
        %get3A_111 = tpu.vector_load %arg16[%get3A_110] {strides = array<i32>} : memref<400xi32, #tpu.memory_space<vmem>>, vector<16xi32>,
        %gather3A = tpu.vector_load_idx %arg13[%get3A_111] : memref<10000xf32, #tpu.memory_space<vmem>>[vector<16xi32>], vector<16xf32>,
        %get3A_112 = arith.index_cast %multiple_of3A : i32 to index
        %get3A_113 = tpu.vector_load %arg17[%get3A_112] {strides = array<i32>} : memref<400xi32, #tpu.memory_space<vmem>>, vector<16xi32>,
        %gather3A_114 = tpu.vector_load_idx %arg14[%get3A_113] : memref<10000xf32, #tpu.memory_space<vmem>>[vector<16xi32>], vector<16xf32>,
        %add3A_115 = arith.addf %gather3A, %gather3A_114 : vector<16xf32>
        %get3A_116 = arith.index_cast %multiple_of3A : i32 to index
        %get3A_117 = tpu.vector_load %arg18[%get3A_116] {strides = array<i32>} : memref<400xf32, #tpu.memory_space<vmem>>, vector<16xf32>,
        %add3A_118 = arith.addf %add3A_115, %get3A_117 : vector<16xf32>
        %gt3A = arith.constant 0.000000e+00 : f32
        %gt3A_119 = vector.broadcast %gt3A : f32 to vector<16xf32>
        %gt3A_120 = arith.cmpf ogt, %add3A_118, %gt3A_119 : vector<16xf32>
        %mul3A_121 = arith.constant 2.000000e-01 : f32
        %mul3A_122 = vector.broadcast %mul3A_121 : f32 to vector<16xf32>
        %mul3A_123 = arith.mulf %mul3A_122, %add3A_118 : vector<16xf32>
        %select_n3A_124 = arith.select %gt3A_120, %add3A_118, %mul3A_123 : vector<16xi1>, vector<16xf32>
        %sub3A = arith.subf %select_n3A_124, %get3A_8 : vector<16xf32>
        %exp3A = math.exp %sub3A : vector<16xf32>
        %swap3A = arith.index_cast %multiple_of3A : i32 to index
        %swap3A_125 = tpu.vector_load %arg26[%swap3A] {strides = array<i32>} : memref<400xf32, #tpu.memory_space<vmem>>, vector<16xf32>,
        tpu.vector_store %arg26[%swap3A], %exp3A {strides = array<i32>} : memref<400xf32, #tpu.memory_space<vmem>>, vector<16xf32>,
        %scan3A_126 = arith.constant 0 : i32
        scf.yield %scan3A_126 : i32
      }
      %scan3A_67 = arith.constant 25 : i32
      %dma_wait3A_68 = arith.constant 0 : i32
      %dma_wait3A_69 = arith.constant 0 : i32
      %dma_wait3A_70 = tpu.memref_slice %arg8[%dma_wait3A_68, %dma_wait3A_69] : memref<10000x64xf32, #tpu.memory_space<hbm>> -> memref<10000x64xf32, #tpu.memory_space<hbm>>
      tpu.wait_indirect_dma semaphore(%arg20 : memref<!tpu.dma_semaphore, #tpu.memory_space<semaphore_mem>>) src(%dma_wait3A_70 : memref<10000x64xf32, #tpu.memory_space<hbm>>) dst(%arg19 : memref<400x64xf32, #tpu.memory_space<vmem>>)
      %scan3A_71 = arith.constant 0 : i32
      %scan3A_72 = arith.constant 0 : i32
      %scan3A_73 = arith.constant 400 : i32
      %scan3A_74 = arith.addi %scan3A_72, %scan3A_73 : i32
      %scan3A_75 = arith.constant 1 : i32
      %scan3A_76 = scf.for %scan3A_106 = %scan3A_72 to %scan3A_74 step %scan3A_75 iter_args(%scan3A_107 = %scan3A_71) -> (i32)  : i32 {
        %broadcast_in_dim3A_108 = vector.broadcast %scan3A_106 : i32 to vector<16xi32>
        %gather3A = tpu.vector_load_idx %arg26[%broadcast_in_dim3A_108] : memref<400xf32, #tpu.memory_space<vmem>>[vector<16xi32>], vector<16xf32>,
        %get3A_109 = arith.index_cast %scan3A_106 : i32 to index
        %get3A_110 = arith.constant 0 : index
        %get3A_111 = tpu.vector_load %arg19[%get3A_109, %get3A_110] {strides = array<i32>} : memref<400x64xf32, #tpu.memory_space<vmem>>, vector<16xf32>,
        %mul3A_112 = arith.mulf %get3A_111, %gather3A : vector<16xf32>
        %swap3A = arith.index_cast %scan3A_106 : i32 to index
        %swap3A_113 = arith.constant 0 : index
        %swap3A_114 = tpu.vector_load %arg19[%swap3A, %swap3A_113] {strides = array<i32>} : memref<400x64xf32, #tpu.memory_space<vmem>>, vector<16xf32>,
        tpu.vector_store %arg19[%swap3A, %swap3A_113], %mul3A_112 {strides = array<i32>} : memref<400x64xf32, #tpu.memory_space<vmem>>, vector<16xf32>,
        %get3A_115 = arith.index_cast %scan3A_106 : i32 to index
        %get3A_116 = arith.constant 16 : index
        %get3A_117 = tpu.vector_load %arg19[%get3A_115, %get3A_116] {strides = array<i32>} : memref<400x64xf32, #tpu.memory_space<vmem>>, vector<16xf32>,
        %mul3A_118 = arith.mulf %get3A_117, %gather3A : vector<16xf32>
        %swap3A_119 = arith.index_cast %scan3A_106 : i32 to index
        %swap3A_120 = arith.constant 16 : index
        %swap3A_121 = tpu.vector_load %arg19[%swap3A_119, %swap3A_120] {strides = array<i32>} : memref<400x64xf32, #tpu.memory_space<vmem>>, vector<16xf32>,
        tpu.vector_store %arg19[%swap3A_119, %swap3A_120], %mul3A_118 {strides = array<i32>} : memref<400x64xf32, #tpu.memory_space<vmem>>, vector<16xf32>,
        %get3A_122 = arith.index_cast %scan3A_106 : i32 to index
        %get3A_123 = arith.constant 32 : index
        %get3A_124 = tpu.vector_load %arg19[%get3A_122, %get3A_123] {strides = array<i32>} : memref<400x64xf32, #tpu.memory_space<vmem>>, vector<16xf32>,
        %mul3A_125 = arith.mulf %get3A_124, %gather3A : vector<16xf32>
        %swap3A_126 = arith.index_cast %scan3A_106 : i32 to index
        %swap3A_127 = arith.constant 32 : index
        %swap3A_128 = tpu.vector_load %arg19[%swap3A_126, %swap3A_127] {strides = array<i32>} : memref<400x64xf32, #tpu.memory_space<vmem>>, vector<16xf32>,
        tpu.vector_store %arg19[%swap3A_126, %swap3A_127], %mul3A_125 {strides = array<i32>} : memref<400x64xf32, #tpu.memory_space<vmem>>, vector<16xf32>,
        %get3A_129 = arith.index_cast %scan3A_106 : i32 to index
        %get3A_130 = arith.constant 48 : index
        %get3A_131 = tpu.vector_load %arg19[%get3A_129, %get3A_130] {strides = array<i32>} : memref<400x64xf32, #tpu.memory_space<vmem>>, vector<16xf32>,
        %mul3A_132 = arith.mulf %get3A_131, %gather3A : vector<16xf32>
        %swap3A_133 = arith.index_cast %scan3A_106 : i32 to index
        %swap3A_134 = arith.constant 48 : index
        %swap3A_135 = tpu.vector_load %arg19[%swap3A_133, %swap3A_134] {strides = array<i32>} : memref<400x64xf32, #tpu.memory_space<vmem>>, vector<16xf32>,
        tpu.vector_store %arg19[%swap3A_133, %swap3A_134], %mul3A_132 {strides = array<i32>} : memref<400x64xf32, #tpu.memory_space<vmem>>, vector<16xf32>,
        %mul3A_136 = arith.mulf %select_n3A, %gather3A : vector<16xf32>
        %swap3A_137 = arith.index_cast %scan3A_106 : i32 to index
        %swap3A_138 = arith.constant 0 : index
        %swap3A_139 = tpu.vector_load %arg27[%swap3A_137, %swap3A_138] {strides = array<i32>} : memref<400x16xf32, #tpu.memory_space<vmem>>, vector<16xf32>,
        tpu.vector_store %arg27[%swap3A_137, %swap3A_138], %mul3A_136 {strides = array<i32>} : memref<400x16xf32, #tpu.memory_space<vmem>>, vector<16xf32>,
        %scan3A_140 = arith.constant 0 : i32
        scf.yield %scan3A_140 : i32
      }
      %scan3A_77 = arith.constant 400 : i32
      "tpu.region"() ({
        %run_scoped3A = tpu.sem_alloc : memref<!tpu.dma_semaphore, #tpu.memory_space<semaphore_mem>>
        %dma_start3A_106 = arith.constant 0 : i32
        %dma_start3A_107 = arith.constant 0 : i32
        %dma_start3A_108 = tpu.memref_slice %arg28[%dma_start3A_106, %dma_start3A_107] : memref<10000x64xf32, #tpu.memory_space<vmem_shared>> -> memref<10000x64xf32, #tpu.memory_space<vmem_shared>>
        tpu.enqueue_indirect_dma source(%arg19 : memref<400x64xf32, #tpu.memory_space<vmem>>) target(%dma_start3A_108 : memref<10000x64xf32, #tpu.memory_space<vmem_shared>>) offsets(%arg17 : memref<400xi32, #tpu.memory_space<vmem>>) semaphore(%run_scoped3A : memref<!tpu.dma_semaphore, #tpu.memory_space<semaphore_mem>>) {add = true}
        %dma_wait3A_109 = arith.constant 0 : i32
        %dma_wait3A_110 = arith.constant 0 : i32
        %dma_wait3A_111 = tpu.memref_slice %arg28[%dma_wait3A_109, %dma_wait3A_110] : memref<10000x64xf32, #tpu.memory_space<vmem_shared>> -> memref<10000x64xf32, #tpu.memory_space<vmem_shared>>
        tpu.wait_indirect_dma semaphore(%run_scoped3A : memref<!tpu.dma_semaphore, #tpu.memory_space<semaphore_mem>>) src(%arg19 : memref<400x64xf32, #tpu.memory_space<vmem>>) dst(%dma_wait3A_111 : memref<10000x64xf32, #tpu.memory_space<vmem_shared>>)
        tpu.yield
      }) : () -> ()
      "tpu.region"() ({
        %run_scoped3A = tpu.sem_alloc : memref<!tpu.dma_semaphore, #tpu.memory_space<semaphore_mem>>
        %dma_start3A_106 = arith.constant 0 : i32
        %dma_start3A_107 = arith.constant 0 : i32
        %dma_start3A_108 = tpu.memref_slice %arg29[%dma_start3A_106, %dma_start3A_107] : memref<10000x16xf32, #tpu.memory_space<vmem_shared>> -> memref<10000x16xf32, #tpu.memory_space<vmem_shared>>
        tpu.enqueue_indirect_dma source(%arg27 : memref<400x16xf32, #tpu.memory_space<vmem>>) target(%dma_start3A_108 : memref<10000x16xf32, #tpu.memory_space<vmem_shared>>) offsets(%arg17 : memref<400xi32, #tpu.memory_space<vmem>>) semaphore(%run_scoped3A : memref<!tpu.dma_semaphore, #tpu.memory_space<semaphore_mem>>) {add = true}
        %dma_wait3A_109 = arith.constant 0 : i32
        %dma_wait3A_110 = arith.constant 0 : i32
        %dma_wait3A_111 = tpu.memref_slice %arg29[%dma_wait3A_109, %dma_wait3A_110] : memref<10000x16xf32, #tpu.memory_space<vmem_shared>> -> memref<10000x16xf32, #tpu.memory_space<vmem_shared>>
        tpu.wait_indirect_dma semaphore(%run_scoped3A : memref<!tpu.dma_semaphore, #tpu.memory_space<semaphore_mem>>) src(%arg27 : memref<400x16xf32, #tpu.memory_space<vmem>>) dst(%dma_wait3A_111 : memref<10000x16xf32, #tpu.memory_space<vmem_shared>>)
        tpu.yield
      }) : () -> ()
      %add3A_78 = arith.constant 2 : i32
      %add3A_79 = arith.addi %mul3A_50, %add3A_78 : i32
      %mul3A_80 = arith.constant 10000 : i32
      %mul3A_81 = arith.muli %add3A, %mul3A_80 : i32
      %mul3A_82 = arith.constant 400 : i32
      %mul3A_83 = arith.muli %add3A_79, %mul3A_82 : i32
      %add3A_84 = arith.addi %mul3A_81, %mul3A_83 : i32
      "tpu.region"() ({
        %run_scoped3A = tpu.sem_alloc : memref<!tpu.dma_semaphore, #tpu.memory_space<semaphore_mem>>
        %dma_start3A_106 = tpu.memref_slice %arg2[%add3A_84] : memref<320000xi32, #tpu.memory_space<hbm>> -> memref<400xi32, #tpu.memory_space<hbm>>
        %dma_start3A_107 = tpu.memref_slice %arg2[%add3A_84] : memref<320000xi32, #tpu.memory_space<hbm>> -> memref<400xi32, #tpu.memory_space<hbm>>
        tpu.enqueue_dma source(%dma_start3A_107 : memref<400xi32, #tpu.memory_space<hbm>>) target(%arg16 : memref<400xi32, #tpu.memory_space<vmem>>) target_semaphore(%run_scoped3A : memref<!tpu.dma_semaphore, #tpu.memory_space<semaphore_mem>>)
        %dma_wait3A_108 = tpu.memref_slice %arg2[%add3A_84] : memref<320000xi32, #tpu.memory_space<hbm>> -> memref<400xi32, #tpu.memory_space<hbm>>
        %dma_wait3A_109 = tpu.memref_slice %arg2[%add3A_84] : memref<320000xi32, #tpu.memory_space<hbm>> -> memref<400xi32, #tpu.memory_space<hbm>>
        tpu.wait_dma2 semaphore(%run_scoped3A : memref<!tpu.dma_semaphore, #tpu.memory_space<semaphore_mem>>) src(%dma_wait3A_109 : memref<400xi32, #tpu.memory_space<hbm>>) dst(%arg16 : memref<400xi32, #tpu.memory_space<vmem>>)
        tpu.yield
      }) : () -> ()
      "tpu.region"() ({
        %run_scoped3A = tpu.sem_alloc : memref<!tpu.dma_semaphore, #tpu.memory_space<semaphore_mem>>
        %dma_start3A_106 = tpu.memref_slice %arg3[%add3A_84] : memref<320000xi32, #tpu.memory_space<hbm>> -> memref<400xi32, #tpu.memory_space<hbm>>
        %dma_start3A_107 = tpu.memref_slice %arg3[%add3A_84] : memref<320000xi32, #tpu.memory_space<hbm>> -> memref<400xi32, #tpu.memory_space<hbm>>
        tpu.enqueue_dma source(%dma_start3A_107 : memref<400xi32, #tpu.memory_space<hbm>>) target(%arg17 : memref<400xi32, #tpu.memory_space<vmem>>) target_semaphore(%run_scoped3A : memref<!tpu.dma_semaphore, #tpu.memory_space<semaphore_mem>>)
        %dma_wait3A_108 = tpu.memref_slice %arg3[%add3A_84] : memref<320000xi32, #tpu.memory_space<hbm>> -> memref<400xi32, #tpu.memory_space<hbm>>
        %dma_wait3A_109 = tpu.memref_slice %arg3[%add3A_84] : memref<320000xi32, #tpu.memory_space<hbm>> -> memref<400xi32, #tpu.memory_space<hbm>>
        tpu.wait_dma2 semaphore(%run_scoped3A : memref<!tpu.dma_semaphore, #tpu.memory_space<semaphore_mem>>) src(%dma_wait3A_109 : memref<400xi32, #tpu.memory_space<hbm>>) dst(%arg17 : memref<400xi32, #tpu.memory_space<vmem>>)
        tpu.yield
      }) : () -> ()
      "tpu.region"() ({
        %run_scoped3A = tpu.sem_alloc : memref<!tpu.dma_semaphore, #tpu.memory_space<semaphore_mem>>
        %dma_start3A_106 = tpu.memref_slice %arg4[%add3A_84] : memref<320000xf32, #tpu.memory_space<hbm>> -> memref<400xf32, #tpu.memory_space<hbm>>
        %dma_start3A_107 = tpu.memref_slice %arg4[%add3A_84] : memref<320000xf32, #tpu.memory_space<hbm>> -> memref<400xf32, #tpu.memory_space<hbm>>
        tpu.enqueue_dma source(%dma_start3A_107 : memref<400xf32, #tpu.memory_space<hbm>>) target(%arg18 : memref<400xf32, #tpu.memory_space<vmem>>) target_semaphore(%run_scoped3A : memref<!tpu.dma_semaphore, #tpu.memory_space<semaphore_mem>>)
        %dma_wait3A_108 = tpu.memref_slice %arg4[%add3A_84] : memref<320000xf32, #tpu.memory_space<hbm>> -> memref<400xf32, #tpu.memory_space<hbm>>
        %dma_wait3A_109 = tpu.memref_slice %arg4[%add3A_84] : memref<320000xf32, #tpu.memory_space<hbm>> -> memref<400xf32, #tpu.memory_space<hbm>>
        tpu.wait_dma2 semaphore(%run_scoped3A : memref<!tpu.dma_semaphore, #tpu.memory_space<semaphore_mem>>) src(%dma_wait3A_109 : memref<400xf32, #tpu.memory_space<hbm>>) dst(%arg18 : memref<400xf32, #tpu.memory_space<vmem>>)
        tpu.yield
      }) : () -> ()
      %dma_start3A_85 = arith.constant 0 : i32
      %dma_start3A_86 = arith.constant 0 : i32
      %dma_start3A_87 = tpu.memref_slice %arg8[%dma_start3A_85, %dma_start3A_86] : memref<10000x64xf32, #tpu.memory_space<hbm>> -> memref<10000x64xf32, #tpu.memory_space<hbm>>
      tpu.enqueue_indirect_dma source(%dma_start3A_87 : memref<10000x64xf32, #tpu.memory_space<hbm>>) target(%arg19 : memref<400x64xf32, #tpu.memory_space<vmem>>) offsets(%arg16 : memref<400xi32, #tpu.memory_space<vmem>>) semaphore(%arg20 : memref<!tpu.dma_semaphore, #tpu.memory_space<semaphore_mem>>)
      %scan3A_88 = arith.constant 0 : i32
      %scan3A_89 = arith.constant 0 : i32
      %scan3A_90 = arith.constant 25 : i32
      %scan3A_91 = arith.addi %scan3A_89, %scan3A_90 : i32
      %scan3A_92 = arith.constant 1 : i32
      %scan3A_93 = scf.for %scan3A_106 = %scan3A_89 to %scan3A_91 step %scan3A_92 iter_args(%scan3A_107 = %scan3A_88) -> (i32)  : i32 {
        %mul3A_108 = arith.constant 16 : i32
        %mul3A_109 = arith.muli %scan3A_106, %mul3A_108 : i32
        %multiple_of3A = tpu.assume_multiple %mul3A_109, 16 : i32
        %get3A_110 = arith.index_cast %multiple_of3A : i32 to index
        %get3A_111 = tpu.vector_load %arg21[%get3A_110] {strides = array<i32>} : memref<400xi32, #tpu.memory_space<vmem>>, vector<16xi32>,
        %gather3A = tpu.vector_load_idx %arg13[%get3A_111] : memref<10000xf32, #tpu.memory_space<vmem>>[vector<16xi32>], vector<16xf32>,
        %get3A_112 = arith.index_cast %multiple_of3A : i32 to index
        %get3A_113 = tpu.vector_load %arg22[%get3A_112] {strides = array<i32>} : memref<400xi32, #tpu.memory_space<vmem>>, vector<16xi32>,
        %gather3A_114 = tpu.vector_load_idx %arg14[%get3A_113] : memref<10000xf32, #tpu.memory_space<vmem>>[vector<16xi32>], vector<16xf32>,
        %add3A_115 = arith.addf %gather3A, %gather3A_114 : vector<16xf32>
        %get3A_116 = arith.index_cast %multiple_of3A : i32 to index
        %get3A_117 = tpu.vector_load %arg23[%get3A_116] {strides = array<i32>} : memref<400xf32, #tpu.memory_space<vmem>>, vector<16xf32>,
        %add3A_118 = arith.addf %add3A_115, %get3A_117 : vector<16xf32>
        %gt3A = arith.constant 0.000000e+00 : f32
        %gt3A_119 = vector.broadcast %gt3A : f32 to vector<16xf32>
        %gt3A_120 = arith.cmpf ogt, %add3A_118, %gt3A_119 : vector<16xf32>
        %mul3A_121 = arith.constant 2.000000e-01 : f32
        %mul3A_122 = vector.broadcast %mul3A_121 : f32 to vector<16xf32>
        %mul3A_123 = arith.mulf %mul3A_122, %add3A_118 : vector<16xf32>
        %select_n3A_124 = arith.select %gt3A_120, %add3A_118, %mul3A_123 : vector<16xi1>, vector<16xf32>
        %sub3A = arith.subf %select_n3A_124, %get3A_8 : vector<16xf32>
        %exp3A = math.exp %sub3A : vector<16xf32>
        %swap3A = arith.index_cast %multiple_of3A : i32 to index
        %swap3A_125 = tpu.vector_load %arg26[%swap3A] {strides = array<i32>} : memref<400xf32, #tpu.memory_space<vmem>>, vector<16xf32>,
        tpu.vector_store %arg26[%swap3A], %exp3A {strides = array<i32>} : memref<400xf32, #tpu.memory_space<vmem>>, vector<16xf32>,
        %scan3A_126 = arith.constant 0 : i32
        scf.yield %scan3A_126 : i32
      }
      %scan3A_94 = arith.constant 25 : i32
      %dma_wait3A_95 = arith.constant 0 : i32
      %dma_wait3A_96 = arith.constant 0 : i32
      %dma_wait3A_97 = tpu.memref_slice %arg8[%dma_wait3A_95, %dma_wait3A_96] : memref<10000x64xf32, #tpu.memory_space<hbm>> -> memref<10000x64xf32, #tpu.memory_space<hbm>>
      tpu.wait_indirect_dma semaphore(%arg25 : memref<!tpu.dma_semaphore, #tpu.memory_space<semaphore_mem>>) src(%dma_wait3A_97 : memref<10000x64xf32, #tpu.memory_space<hbm>>) dst(%arg24 : memref<400x64xf32, #tpu.memory_space<vmem>>)
      %scan3A_98 = arith.constant 0 : i32
      %scan3A_99 = arith.constant 0 : i32
      %scan3A_100 = arith.constant 400 : i32
      %scan3A_101 = arith.addi %scan3A_99, %scan3A_100 : i32
      %scan3A_102 = arith.constant 1 : i32
      %scan3A_103 = scf.for %scan3A_106 = %scan3A_99 to %scan3A_101 step %scan3A_102 iter_args(%scan3A_107 = %scan3A_98) -> (i32)  : i32 {
        %broadcast_in_dim3A_108 = vector.broadcast %scan3A_106 : i32 to vector<16xi32>
        %gather3A = tpu.vector_load_idx %arg26[%broadcast_in_dim3A_108] : memref<400xf32, #tpu.memory_space<vmem>>[vector<16xi32>], vector<16xf32>,
        %get3A_109 = arith.index_cast %scan3A_106 : i32 to index
        %get3A_110 = arith.constant 0 : index
        %get3A_111 = tpu.vector_load %arg24[%get3A_109, %get3A_110] {strides = array<i32>} : memref<400x64xf32, #tpu.memory_space<vmem>>, vector<16xf32>,
        %mul3A_112 = arith.mulf %get3A_111, %gather3A : vector<16xf32>
        %swap3A = arith.index_cast %scan3A_106 : i32 to index
        %swap3A_113 = arith.constant 0 : index
        %swap3A_114 = tpu.vector_load %arg24[%swap3A, %swap3A_113] {strides = array<i32>} : memref<400x64xf32, #tpu.memory_space<vmem>>, vector<16xf32>,
        tpu.vector_store %arg24[%swap3A, %swap3A_113], %mul3A_112 {strides = array<i32>} : memref<400x64xf32, #tpu.memory_space<vmem>>, vector<16xf32>,
        %get3A_115 = arith.index_cast %scan3A_106 : i32 to index
        %get3A_116 = arith.constant 16 : index
        %get3A_117 = tpu.vector_load %arg24[%get3A_115, %get3A_116] {strides = array<i32>} : memref<400x64xf32, #tpu.memory_space<vmem>>, vector<16xf32>,
        %mul3A_118 = arith.mulf %get3A_117, %gather3A : vector<16xf32>
        %swap3A_119 = arith.index_cast %scan3A_106 : i32 to index
        %swap3A_120 = arith.constant 16 : index
        %swap3A_121 = tpu.vector_load %arg24[%swap3A_119, %swap3A_120] {strides = array<i32>} : memref<400x64xf32, #tpu.memory_space<vmem>>, vector<16xf32>,
        tpu.vector_store %arg24[%swap3A_119, %swap3A_120], %mul3A_118 {strides = array<i32>} : memref<400x64xf32, #tpu.memory_space<vmem>>, vector<16xf32>,
        %get3A_122 = arith.index_cast %scan3A_106 : i32 to index
        %get3A_123 = arith.constant 32 : index
        %get3A_124 = tpu.vector_load %arg24[%get3A_122, %get3A_123] {strides = array<i32>} : memref<400x64xf32, #tpu.memory_space<vmem>>, vector<16xf32>,
        %mul3A_125 = arith.mulf %get3A_124, %gather3A : vector<16xf32>
        %swap3A_126 = arith.index_cast %scan3A_106 : i32 to index
        %swap3A_127 = arith.constant 32 : index
        %swap3A_128 = tpu.vector_load %arg24[%swap3A_126, %swap3A_127] {strides = array<i32>} : memref<400x64xf32, #tpu.memory_space<vmem>>, vector<16xf32>,
        tpu.vector_store %arg24[%swap3A_126, %swap3A_127], %mul3A_125 {strides = array<i32>} : memref<400x64xf32, #tpu.memory_space<vmem>>, vector<16xf32>,
        %get3A_129 = arith.index_cast %scan3A_106 : i32 to index
        %get3A_130 = arith.constant 48 : index
        %get3A_131 = tpu.vector_load %arg24[%get3A_129, %get3A_130] {strides = array<i32>} : memref<400x64xf32, #tpu.memory_space<vmem>>, vector<16xf32>,
        %mul3A_132 = arith.mulf %get3A_131, %gather3A : vector<16xf32>
        %swap3A_133 = arith.index_cast %scan3A_106 : i32 to index
        %swap3A_134 = arith.constant 48 : index
        %swap3A_135 = tpu.vector_load %arg24[%swap3A_133, %swap3A_134] {strides = array<i32>} : memref<400x64xf32, #tpu.memory_space<vmem>>, vector<16xf32>,
        tpu.vector_store %arg24[%swap3A_133, %swap3A_134], %mul3A_132 {strides = array<i32>} : memref<400x64xf32, #tpu.memory_space<vmem>>, vector<16xf32>,
        %mul3A_136 = arith.mulf %select_n3A, %gather3A : vector<16xf32>
        %swap3A_137 = arith.index_cast %scan3A_106 : i32 to index
        %swap3A_138 = arith.constant 0 : index
        %swap3A_139 = tpu.vector_load %arg27[%swap3A_137, %swap3A_138] {strides = array<i32>} : memref<400x16xf32, #tpu.memory_space<vmem>>, vector<16xf32>,
        tpu.vector_store %arg27[%swap3A_137, %swap3A_138], %mul3A_136 {strides = array<i32>} : memref<400x16xf32, #tpu.memory_space<vmem>>, vector<16xf32>,
        %scan3A_140 = arith.constant 0 : i32
        scf.yield %scan3A_140 : i32
      }
      %scan3A_104 = arith.constant 400 : i32
      "tpu.region"() ({
        %run_scoped3A = tpu.sem_alloc : memref<!tpu.dma_semaphore, #tpu.memory_space<semaphore_mem>>
        %dma_start3A_106 = arith.constant 0 : i32
        %dma_start3A_107 = arith.constant 0 : i32
        %dma_start3A_108 = tpu.memref_slice %arg28[%dma_start3A_106, %dma_start3A_107] : memref<10000x64xf32, #tpu.memory_space<vmem_shared>> -> memref<10000x64xf32, #tpu.memory_space<vmem_shared>>
        tpu.enqueue_indirect_dma source(%arg24 : memref<400x64xf32, #tpu.memory_space<vmem>>) target(%dma_start3A_108 : memref<10000x64xf32, #tpu.memory_space<vmem_shared>>) offsets(%arg22 : memref<400xi32, #tpu.memory_space<vmem>>) semaphore(%run_scoped3A : memref<!tpu.dma_semaphore, #tpu.memory_space<semaphore_mem>>) {add = true}
        %dma_wait3A_109 = arith.constant 0 : i32
        %dma_wait3A_110 = arith.constant 0 : i32
        %dma_wait3A_111 = tpu.memref_slice %arg28[%dma_wait3A_109, %dma_wait3A_110] : memref<10000x64xf32, #tpu.memory_space<vmem_shared>> -> memref<10000x64xf32, #tpu.memory_space<vmem_shared>>
        tpu.wait_indirect_dma semaphore(%run_scoped3A : memref<!tpu.dma_semaphore, #tpu.memory_space<semaphore_mem>>) src(%arg24 : memref<400x64xf32, #tpu.memory_space<vmem>>) dst(%dma_wait3A_111 : memref<10000x64xf32, #tpu.memory_space<vmem_shared>>)
        tpu.yield
      }) : () -> ()
      "tpu.region"() ({
        %run_scoped3A = tpu.sem_alloc : memref<!tpu.dma_semaphore, #tpu.memory_space<semaphore_mem>>
        %dma_start3A_106 = arith.constant 0 : i32
        %dma_start3A_107 = arith.constant 0 : i32
        %dma_start3A_108 = tpu.memref_slice %arg29[%dma_start3A_106, %dma_start3A_107] : memref<10000x16xf32, #tpu.memory_space<vmem_shared>> -> memref<10000x16xf32, #tpu.memory_space<vmem_shared>>
        tpu.enqueue_indirect_dma source(%arg27 : memref<400x16xf32, #tpu.memory_space<vmem>>) target(%dma_start3A_108 : memref<10000x16xf32, #tpu.memory_space<vmem_shared>>) offsets(%arg22 : memref<400xi32, #tpu.memory_space<vmem>>) semaphore(%run_scoped3A : memref<!tpu.dma_semaphore, #tpu.memory_space<semaphore_mem>>) {add = true}
        %dma_wait3A_109 = arith.constant 0 : i32
        %dma_wait3A_110 = arith.constant 0 : i32
        %dma_wait3A_111 = tpu.memref_slice %arg29[%dma_wait3A_109, %dma_wait3A_110] : memref<10000x16xf32, #tpu.memory_space<vmem_shared>> -> memref<10000x16xf32, #tpu.memory_space<vmem_shared>>
        tpu.wait_indirect_dma semaphore(%run_scoped3A : memref<!tpu.dma_semaphore, #tpu.memory_space<semaphore_mem>>) src(%arg27 : memref<400x16xf32, #tpu.memory_space<vmem>>) dst(%dma_wait3A_111 : memref<10000x16xf32, #tpu.memory_space<vmem_shared>>)
        tpu.yield
      }) : () -> ()
      %scan3A_105 = arith.constant 0 : i32
      scf.yield %scan3A_105 : i32
    }
    %scan3A_24 = arith.constant 12 : i32
    %scan3A_25 = arith.constant 0 : i32
    %scan3A_26 = arith.constant 0 : i32
    %scan3A_27 = arith.constant 25 : i32
    %scan3A_28 = arith.addi %scan3A_26, %scan3A_27 : i32
    %scan3A_29 = arith.constant 1 : i32
    %scan3A_30 = scf.for %scan3A_47 = %scan3A_26 to %scan3A_28 step %scan3A_29 iter_args(%scan3A_48 = %scan3A_25) -> (i32)  : i32 {
      %mul3A_49 = arith.constant 16 : i32
      %mul3A_50 = arith.muli %scan3A_47, %mul3A_49 : i32
      %multiple_of3A = tpu.assume_multiple %mul3A_50, 16 : i32
      %get3A_51 = arith.index_cast %multiple_of3A : i32 to index
      %get3A_52 = tpu.vector_load %arg16[%get3A_51] {strides = array<i32>} : memref<400xi32, #tpu.memory_space<vmem>>, vector<16xi32>,
      %gather3A = tpu.vector_load_idx %arg13[%get3A_52] : memref<10000xf32, #tpu.memory_space<vmem>>[vector<16xi32>], vector<16xf32>,
      %get3A_53 = arith.index_cast %multiple_of3A : i32 to index
      %get3A_54 = tpu.vector_load %arg17[%get3A_53] {strides = array<i32>} : memref<400xi32, #tpu.memory_space<vmem>>, vector<16xi32>,
      %gather3A_55 = tpu.vector_load_idx %arg14[%get3A_54] : memref<10000xf32, #tpu.memory_space<vmem>>[vector<16xi32>], vector<16xf32>,
      %add3A_56 = arith.addf %gather3A, %gather3A_55 : vector<16xf32>
      %get3A_57 = arith.index_cast %multiple_of3A : i32 to index
      %get3A_58 = tpu.vector_load %arg18[%get3A_57] {strides = array<i32>} : memref<400xf32, #tpu.memory_space<vmem>>, vector<16xf32>,
      %add3A_59 = arith.addf %add3A_56, %get3A_58 : vector<16xf32>
      %gt3A = arith.constant 0.000000e+00 : f32
      %gt3A_60 = vector.broadcast %gt3A : f32 to vector<16xf32>
      %gt3A_61 = arith.cmpf ogt, %add3A_59, %gt3A_60 : vector<16xf32>
      %mul3A_62 = arith.constant 2.000000e-01 : f32
      %mul3A_63 = vector.broadcast %mul3A_62 : f32 to vector<16xf32>
      %mul3A_64 = arith.mulf %mul3A_63, %add3A_59 : vector<16xf32>
      %select_n3A_65 = arith.select %gt3A_61, %add3A_59, %mul3A_64 : vector<16xi1>, vector<16xf32>
      %sub3A = arith.subf %select_n3A_65, %get3A_8 : vector<16xf32>
      %exp3A = math.exp %sub3A : vector<16xf32>
      %swap3A = arith.index_cast %multiple_of3A : i32 to index
      %swap3A_66 = tpu.vector_load %arg26[%swap3A] {strides = array<i32>} : memref<400xf32, #tpu.memory_space<vmem>>, vector<16xf32>,
      tpu.vector_store %arg26[%swap3A], %exp3A {strides = array<i32>} : memref<400xf32, #tpu.memory_space<vmem>>, vector<16xf32>,
      %scan3A_67 = arith.constant 0 : i32
      scf.yield %scan3A_67 : i32
    }
    %scan3A_31 = arith.constant 25 : i32
    %dma_wait3A = arith.constant 0 : i32
    %dma_wait3A_32 = arith.constant 0 : i32
    %dma_wait3A_33 = tpu.memref_slice %arg8[%dma_wait3A, %dma_wait3A_32] : memref<10000x64xf32, #tpu.memory_space<hbm>> -> memref<10000x64xf32, #tpu.memory_space<hbm>>
    tpu.wait_indirect_dma semaphore(%arg20 : memref<!tpu.dma_semaphore, #tpu.memory_space<semaphore_mem>>) src(%dma_wait3A_33 : memref<10000x64xf32, #tpu.memory_space<hbm>>) dst(%arg19 : memref<400x64xf32, #tpu.memory_space<vmem>>)
    %scan3A_34 = arith.constant 0 : i32
    %scan3A_35 = arith.constant 0 : i32
    %scan3A_36 = arith.constant 400 : i32
    %scan3A_37 = arith.addi %scan3A_35, %scan3A_36 : i32
    %scan3A_38 = arith.constant 1 : i32
    %scan3A_39 = scf.for %scan3A_47 = %scan3A_35 to %scan3A_37 step %scan3A_38 iter_args(%scan3A_48 = %scan3A_34) -> (i32)  : i32 {
      %broadcast_in_dim3A_49 = vector.broadcast %scan3A_47 : i32 to vector<16xi32>
      %gather3A = tpu.vector_load_idx %arg26[%broadcast_in_dim3A_49] : memref<400xf32, #tpu.memory_space<vmem>>[vector<16xi32>], vector<16xf32>,
      %get3A_50 = arith.index_cast %scan3A_47 : i32 to index
      %get3A_51 = arith.constant 0 : index
      %get3A_52 = tpu.vector_load %arg19[%get3A_50, %get3A_51] {strides = array<i32>} : memref<400x64xf32, #tpu.memory_space<vmem>>, vector<16xf32>,
      %mul3A_53 = arith.mulf %get3A_52, %gather3A : vector<16xf32>
      %swap3A = arith.index_cast %scan3A_47 : i32 to index
      %swap3A_54 = arith.constant 0 : index
      %swap3A_55 = tpu.vector_load %arg19[%swap3A, %swap3A_54] {strides = array<i32>} : memref<400x64xf32, #tpu.memory_space<vmem>>, vector<16xf32>,
      tpu.vector_store %arg19[%swap3A, %swap3A_54], %mul3A_53 {strides = array<i32>} : memref<400x64xf32, #tpu.memory_space<vmem>>, vector<16xf32>,
      %get3A_56 = arith.index_cast %scan3A_47 : i32 to index
      %get3A_57 = arith.constant 16 : index
      %get3A_58 = tpu.vector_load %arg19[%get3A_56, %get3A_57] {strides = array<i32>} : memref<400x64xf32, #tpu.memory_space<vmem>>, vector<16xf32>,
      %mul3A_59 = arith.mulf %get3A_58, %gather3A : vector<16xf32>
      %swap3A_60 = arith.index_cast %scan3A_47 : i32 to index
      %swap3A_61 = arith.constant 16 : index
      %swap3A_62 = tpu.vector_load %arg19[%swap3A_60, %swap3A_61] {strides = array<i32>} : memref<400x64xf32, #tpu.memory_space<vmem>>, vector<16xf32>,
      tpu.vector_store %arg19[%swap3A_60, %swap3A_61], %mul3A_59 {strides = array<i32>} : memref<400x64xf32, #tpu.memory_space<vmem>>, vector<16xf32>,
      %get3A_63 = arith.index_cast %scan3A_47 : i32 to index
      %get3A_64 = arith.constant 32 : index
      %get3A_65 = tpu.vector_load %arg19[%get3A_63, %get3A_64] {strides = array<i32>} : memref<400x64xf32, #tpu.memory_space<vmem>>, vector<16xf32>,
      %mul3A_66 = arith.mulf %get3A_65, %gather3A : vector<16xf32>
      %swap3A_67 = arith.index_cast %scan3A_47 : i32 to index
      %swap3A_68 = arith.constant 32 : index
      %swap3A_69 = tpu.vector_load %arg19[%swap3A_67, %swap3A_68] {strides = array<i32>} : memref<400x64xf32, #tpu.memory_space<vmem>>, vector<16xf32>,
      tpu.vector_store %arg19[%swap3A_67, %swap3A_68], %mul3A_66 {strides = array<i32>} : memref<400x64xf32, #tpu.memory_space<vmem>>, vector<16xf32>,
      %get3A_70 = arith.index_cast %scan3A_47 : i32 to index
      %get3A_71 = arith.constant 48 : index
      %get3A_72 = tpu.vector_load %arg19[%get3A_70, %get3A_71] {strides = array<i32>} : memref<400x64xf32, #tpu.memory_space<vmem>>, vector<16xf32>,
      %mul3A_73 = arith.mulf %get3A_72, %gather3A : vector<16xf32>
      %swap3A_74 = arith.index_cast %scan3A_47 : i32 to index
      %swap3A_75 = arith.constant 48 : index
      %swap3A_76 = tpu.vector_load %arg19[%swap3A_74, %swap3A_75] {strides = array<i32>} : memref<400x64xf32, #tpu.memory_space<vmem>>, vector<16xf32>,
      tpu.vector_store %arg19[%swap3A_74, %swap3A_75], %mul3A_73 {strides = array<i32>} : memref<400x64xf32, #tpu.memory_space<vmem>>, vector<16xf32>,
      %mul3A_77 = arith.mulf %select_n3A, %gather3A : vector<16xf32>
      %swap3A_78 = arith.index_cast %scan3A_47 : i32 to index
      %swap3A_79 = arith.constant 0 : index
      %swap3A_80 = tpu.vector_load %arg27[%swap3A_78, %swap3A_79] {strides = array<i32>} : memref<400x16xf32, #tpu.memory_space<vmem>>, vector<16xf32>,
      tpu.vector_store %arg27[%swap3A_78, %swap3A_79], %mul3A_77 {strides = array<i32>} : memref<400x16xf32, #tpu.memory_space<vmem>>, vector<16xf32>,
      %scan3A_81 = arith.constant 0 : i32
      scf.yield %scan3A_81 : i32
    }
    %scan3A_40 = arith.constant 400 : i32
    "tpu.region"() ({
      %run_scoped3A = tpu.sem_alloc : memref<!tpu.dma_semaphore, #tpu.memory_space<semaphore_mem>>
      %dma_start3A_47 = arith.constant 0 : i32
      %dma_start3A_48 = arith.constant 0 : i32
      %dma_start3A_49 = tpu.memref_slice %arg28[%dma_start3A_47, %dma_start3A_48] : memref<10000x64xf32, #tpu.memory_space<vmem_shared>> -> memref<10000x64xf32, #tpu.memory_space<vmem_shared>>
      tpu.enqueue_indirect_dma source(%arg19 : memref<400x64xf32, #tpu.memory_space<vmem>>) target(%dma_start3A_49 : memref<10000x64xf32, #tpu.memory_space<vmem_shared>>) offsets(%arg17 : memref<400xi32, #tpu.memory_space<vmem>>) semaphore(%run_scoped3A : memref<!tpu.dma_semaphore, #tpu.memory_space<semaphore_mem>>) {add = true}
      %dma_wait3A_50 = arith.constant 0 : i32
      %dma_wait3A_51 = arith.constant 0 : i32
      %dma_wait3A_52 = tpu.memref_slice %arg28[%dma_wait3A_50, %dma_wait3A_51] : memref<10000x64xf32, #tpu.memory_space<vmem_shared>> -> memref<10000x64xf32, #tpu.memory_space<vmem_shared>>
      tpu.wait_indirect_dma semaphore(%run_scoped3A : memref<!tpu.dma_semaphore, #tpu.memory_space<semaphore_mem>>) src(%arg19 : memref<400x64xf32, #tpu.memory_space<vmem>>) dst(%dma_wait3A_52 : memref<10000x64xf32, #tpu.memory_space<vmem_shared>>)
      tpu.yield
    }) : () -> ()
    "tpu.region"() ({
      %run_scoped3A = tpu.sem_alloc : memref<!tpu.dma_semaphore, #tpu.memory_space<semaphore_mem>>
      %dma_start3A_47 = arith.constant 0 : i32
      %dma_start3A_48 = arith.constant 0 : i32
      %dma_start3A_49 = tpu.memref_slice %arg29[%dma_start3A_47, %dma_start3A_48] : memref<10000x16xf32, #tpu.memory_space<vmem_shared>> -> memref<10000x16xf32, #tpu.memory_space<vmem_shared>>
      tpu.enqueue_indirect_dma source(%arg27 : memref<400x16xf32, #tpu.memory_space<vmem>>) target(%dma_start3A_49 : memref<10000x16xf32, #tpu.memory_space<vmem_shared>>) offsets(%arg17 : memref<400xi32, #tpu.memory_space<vmem>>) semaphore(%run_scoped3A : memref<!tpu.dma_semaphore, #tpu.memory_space<semaphore_mem>>) {add = true}
      %dma_wait3A_50 = arith.constant 0 : i32
      %dma_wait3A_51 = arith.constant 0 : i32
      %dma_wait3A_52 = tpu.memref_slice %arg29[%dma_wait3A_50, %dma_wait3A_51] : memref<10000x16xf32, #tpu.memory_space<vmem_shared>> -> memref<10000x16xf32, #tpu.memory_space<vmem_shared>>
      tpu.wait_indirect_dma semaphore(%run_scoped3A : memref<!tpu.dma_semaphore, #tpu.memory_space<semaphore_mem>>) src(%arg27 : memref<400x16xf32, #tpu.memory_space<vmem>>) dst(%dma_wait3A_52 : memref<10000x16xf32, #tpu.memory_space<vmem_shared>>)
      tpu.yield
    }) : () -> ()
    %barrier3A_41 = arith.constant 0 : index
    tpu.barrier barrier_id(%barrier3A_41)
    %lt3A_42 = arith.constant 10 : i32
    %lt3A_43 = arith.cmpi slt, %arg1, %lt3A_42 : i32
    %convert_element_type3A_44 = arith.extui %lt3A_43 : i1 to i32
    %cond3A_45 = arith.constant 0 : i32
    %cond3A_46 = arith.cmpi ne, %convert_element_type3A_44, %cond3A_45 : i32
    scf.if %cond3A_46 {
      %mul3A_47 = arith.constant 1000 : i32
      %mul3A_48 = arith.muli %arg1, %mul3A_47 : i32
      %mul3A_49 = arith.constant 1000 : i32
      %mul3A_50 = arith.muli %arg1, %mul3A_49 : i32
      "tpu.region"() ({
        %run_scoped3A = tpu.sem_alloc : memref<!tpu.dma_semaphore, #tpu.memory_space<semaphore_mem>>
        %dma_start3A_55 = arith.constant 0 : i32
        %dma_start3A_56 = tpu.memref_slice %arg11[%arg0, %mul3A_50, %dma_start3A_55] : memref<2x10000x64xf32, #tpu.memory_space<hbm>> -> memref<1x1000x64xf32, #tpu.memory_space<hbm>>
        %dma_start3A_57 = tpu.memref_squeeze %dma_start3A_56 : memref<1x1000x64xf32, #tpu.memory_space<hbm>> -> memref<1000x64xf32, #tpu.memory_space<hbm>>
        %dma_start3A_58 = arith.constant 0 : i32
        %dma_start3A_59 = tpu.memref_slice %arg28[%mul3A_48, %dma_start3A_58] : memref<10000x64xf32, #tpu.memory_space<vmem_shared>> -> memref<1000x64xf32, #tpu.memory_space<vmem_shared>>
        tpu.enqueue_dma source(%dma_start3A_59 : memref<1000x64xf32, #tpu.memory_space<vmem_shared>>) target(%dma_start3A_57 : memref<1000x64xf32, #tpu.memory_space<hbm>>) target_semaphore(%run_scoped3A : memref<!tpu.dma_semaphore, #tpu.memory_space<semaphore_mem>>)
        %dma_wait3A_60 = arith.constant 0 : i32
        %dma_wait3A_61 = tpu.memref_slice %arg11[%arg0, %mul3A_50, %dma_wait3A_60] : memref<2x10000x64xf32, #tpu.memory_space<hbm>> -> memref<1x1000x64xf32, #tpu.memory_space<hbm>>
        %dma_wait3A_62 = tpu.memref_squeeze %dma_wait3A_61 : memref<1x1000x64xf32, #tpu.memory_space<hbm>> -> memref<1000x64xf32, #tpu.memory_space<hbm>>
        %dma_wait3A_63 = arith.constant 0 : i32
        %dma_wait3A_64 = tpu.memref_slice %arg28[%mul3A_48, %dma_wait3A_63] : memref<10000x64xf32, #tpu.memory_space<vmem_shared>> -> memref<1000x64xf32, #tpu.memory_space<vmem_shared>>
        tpu.wait_dma2 semaphore(%run_scoped3A : memref<!tpu.dma_semaphore, #tpu.memory_space<semaphore_mem>>) src(%dma_wait3A_64 : memref<1000x64xf32, #tpu.memory_space<vmem_shared>>) dst(%dma_wait3A_62 : memref<1000x64xf32, #tpu.memory_space<hbm>>)
        tpu.yield
      }) : () -> ()
      %mul3A_51 = arith.constant 1000 : i32
      %mul3A_52 = arith.muli %arg1, %mul3A_51 : i32
      %mul3A_53 = arith.constant 1000 : i32
      %mul3A_54 = arith.muli %arg1, %mul3A_53 : i32
      "tpu.region"() ({
        %run_scoped3A = tpu.sem_alloc : memref<!tpu.dma_semaphore, #tpu.memory_space<semaphore_mem>>
        %dma_start3A_55 = arith.constant 0 : i32
        %dma_start3A_56 = tpu.memref_slice %arg12[%arg0, %mul3A_54, %dma_start3A_55] : memref<2x10000x16xf32, #tpu.memory_space<hbm>> -> memref<1x1000x16xf32, #tpu.memory_space<hbm>>
        %dma_start3A_57 = tpu.memref_squeeze %dma_start3A_56 : memref<1x1000x16xf32, #tpu.memory_space<hbm>> -> memref<1000x16xf32, #tpu.memory_space<hbm>>
        %dma_start3A_58 = arith.constant 0 : i32
        %dma_start3A_59 = tpu.memref_slice %arg29[%mul3A_52, %dma_start3A_58] : memref<10000x16xf32, #tpu.memory_space<vmem_shared>> -> memref<1000x16xf32, #tpu.memory_space<vmem_shared>>
        tpu.enqueue_dma source(%dma_start3A_59 : memref<1000x16xf32, #tpu.memory_space<vmem_shared>>) target(%dma_start3A_57 : memref<1000x16xf32, #tpu.memory_space<hbm>>) target_semaphore(%run_scoped3A : memref<!tpu.dma_semaphore, #tpu.memory_space<semaphore_mem>>)
        %dma_wait3A_60 = arith.constant 0 : i32
        %dma_wait3A_61 = tpu.memref_slice %arg12[%arg0, %mul3A_54, %dma_wait3A_60] : memref<2x10000x16xf32, #tpu.memory_space<hbm>> -> memref<1x1000x16xf32, #tpu.memory_space<hbm>>
        %dma_wait3A_62 = tpu.memref_squeeze %dma_wait3A_61 : memref<1x1000x16xf32, #tpu.memory_space<hbm>> -> memref<1000x16xf32, #tpu.memory_space<hbm>>
        %dma_wait3A_63 = arith.constant 0 : i32
        %dma_wait3A_64 = tpu.memref_slice %arg29[%mul3A_52, %dma_wait3A_63] : memref<10000x16xf32, #tpu.memory_space<vmem_shared>> -> memref<1000x16xf32, #tpu.memory_space<vmem_shared>>
        tpu.wait_dma2 semaphore(%run_scoped3A : memref<!tpu.dma_semaphore, #tpu.memory_space<semaphore_mem>>) src(%dma_wait3A_64 : memref<1000x16xf32, #tpu.memory_space<vmem_shared>>) dst(%dma_wait3A_62 : memref<1000x16xf32, #tpu.memory_space<hbm>>)
        tpu.yield
      }) : () -> ()
    } else {
    }
    return
  }
}

#map = affine_map<(d0, d1) -> (0)>
#map1 = affine_map<(d0, d1) -> (0, 0)>
#map2 = affine_map<(d0, d1) -> (0, 0, 0)>
module attributes {stable_mosaic.version = 14 : i64} {
  func.func @_sc_pre(%arg0: i32, %arg1: i32, %arg2: memref<1280000xf32, #tpu.memory_space<hbm>>, %arg3: memref<12x16xf32, #tpu.memory_space<hbm>>, %arg4: memref<320000xi32, #tpu.memory_space<hbm>>, %arg5: memref<10000x16xf32, #tpu.memory_space<hbm>>, %arg6: memref<2x10000x16xf32, #tpu.memory_space<hbm>>, %arg7: memref<320000xf32, #tpu.memory_space<hbm>>, %arg8: memref<320000xf32, #tpu.memory_space<hbm>>, %arg9: memref<320000xf32, #tpu.memory_space<hbm>>, %arg10: memref<2x16x48xf32, #tpu.memory_space<hbm>>, %arg11: memref<1600xf32, #tpu.memory_space<vmem>>, %arg12: memref<12x16xf32, #tpu.memory_space<vmem>>, %arg13: memref<400xi32, #tpu.memory_space<vmem>>, %arg14: memref<400xf32, #tpu.memory_space<vmem>>, %arg15: memref<400xf32, #tpu.memory_space<vmem>>, %arg16: memref<400xf32, #tpu.memory_space<vmem>>, %arg17: memref<400x16xf32, #tpu.memory_space<vmem>>, %arg18: memref<48xf32, #tpu.memory_space<vmem>>, %arg19: memref<10000x16xf32, #tpu.memory_space<vmem_shared>>) attributes {dimension_semantics = [#tpu.dimension_semantics<core_parallel>, #tpu.dimension_semantics<subcore_parallel>], iteration_bounds = array<i64: 2, 16>, scalar_prefetch = 0 : i64, scratch_operands = 9 : i64, tpu.core_type = #tpu.core_type<sc_vector_subcore>, window_params = [{transform_indices = #map}, {transform_indices = #map1}, {transform_indices = #map}, {transform_indices = #map1}, {transform_indices = #map2}, {transform_indices = #map}, {transform_indices = #map}, {transform_indices = #map}, {transform_indices = #map2}]} {
    %mul3A = arith.constant 16 : i32
    %mul3A_0 = arith.muli %arg0, %mul3A : i32
    %add3A = arith.addi %mul3A_0, %arg1 : i32
    "tpu.region"() ({
      %run_scoped3A = tpu.sem_alloc : memref<!tpu.dma_semaphore, #tpu.memory_space<semaphore_mem>>
      tpu.enqueue_dma source(%arg3 : memref<12x16xf32, #tpu.memory_space<hbm>>) target(%arg12 : memref<12x16xf32, #tpu.memory_space<vmem>>) target_semaphore(%run_scoped3A : memref<!tpu.dma_semaphore, #tpu.memory_space<semaphore_mem>>)
      tpu.wait_dma2 semaphore(%run_scoped3A : memref<!tpu.dma_semaphore, #tpu.memory_space<semaphore_mem>>) src(%arg3 : memref<12x16xf32, #tpu.memory_space<hbm>>) dst(%arg12 : memref<12x16xf32, #tpu.memory_space<vmem>>)
      tpu.yield
    }) : () -> ()
    %lt3A = arith.constant 10 : i32
    %lt3A_1 = arith.cmpi slt, %arg1, %lt3A : i32
    %convert_element_type3A = arith.extui %lt3A_1 : i1 to i32
    %cond3A = arith.constant 0 : i32
    %cond3A_2 = arith.cmpi ne, %convert_element_type3A, %cond3A : i32
    scf.if %cond3A_2 {
      %mul3A_96 = arith.constant 1000 : i32
      %mul3A_97 = arith.muli %arg1, %mul3A_96 : i32
      "tpu.region"() ({
        %run_scoped3A = tpu.sem_alloc : memref<!tpu.dma_semaphore, #tpu.memory_space<semaphore_mem>>
        %dma_start3A = arith.constant 0 : i32
        %dma_start3A_98 = tpu.memref_slice %arg19[%mul3A_97, %dma_start3A] : memref<10000x16xf32, #tpu.memory_space<vmem_shared>> -> memref<1000x16xf32, #tpu.memory_space<vmem_shared>>
        %dma_start3A_99 = arith.constant 0 : i32
        %dma_start3A_100 = tpu.memref_slice %arg5[%mul3A_97, %dma_start3A_99] : memref<10000x16xf32, #tpu.memory_space<hbm>> -> memref<1000x16xf32, #tpu.memory_space<hbm>>
        tpu.enqueue_dma source(%dma_start3A_100 : memref<1000x16xf32, #tpu.memory_space<hbm>>) target(%dma_start3A_98 : memref<1000x16xf32, #tpu.memory_space<vmem_shared>>) target_semaphore(%run_scoped3A : memref<!tpu.dma_semaphore, #tpu.memory_space<semaphore_mem>>)
        %dma_wait3A = arith.constant 0 : i32
        %dma_wait3A_101 = tpu.memref_slice %arg19[%mul3A_97, %dma_wait3A] : memref<10000x16xf32, #tpu.memory_space<vmem_shared>> -> memref<1000x16xf32, #tpu.memory_space<vmem_shared>>
        %dma_wait3A_102 = arith.constant 0 : i32
        %dma_wait3A_103 = tpu.memref_slice %arg5[%mul3A_97, %dma_wait3A_102] : memref<10000x16xf32, #tpu.memory_space<hbm>> -> memref<1000x16xf32, #tpu.memory_space<hbm>>
        tpu.wait_dma2 semaphore(%run_scoped3A : memref<!tpu.dma_semaphore, #tpu.memory_space<semaphore_mem>>) src(%dma_wait3A_103 : memref<1000x16xf32, #tpu.memory_space<hbm>>) dst(%dma_wait3A_101 : memref<1000x16xf32, #tpu.memory_space<vmem_shared>>)
        tpu.yield
      }) : () -> ()
    } else {
    }
    %barrier3A = arith.constant 0 : index
    tpu.barrier barrier_id(%barrier3A)
    %get3A = arith.constant 0 : i32
    %get3A_3 = arith.index_cast %get3A : i32 to index
    %get3A_4 = arith.constant 0 : index
    %get3A_5 = tpu.vector_load %arg12[%get3A_3, %get3A_4] {strides = array<i32>} : memref<12x16xf32, #tpu.memory_space<vmem>>, vector<16xf32>,
    %get3A_6 = arith.constant 1 : i32
    %get3A_7 = arith.index_cast %get3A_6 : i32 to index
    %get3A_8 = arith.constant 0 : index
    %get3A_9 = tpu.vector_load %arg12[%get3A_7, %get3A_8] {strides = array<i32>} : memref<12x16xf32, #tpu.memory_space<vmem>>, vector<16xf32>,
    %get3A_10 = arith.constant 2 : i32
    %get3A_11 = arith.index_cast %get3A_10 : i32 to index
    %get3A_12 = arith.constant 0 : index
    %get3A_13 = tpu.vector_load %arg12[%get3A_11, %get3A_12] {strides = array<i32>} : memref<12x16xf32, #tpu.memory_space<vmem>>, vector<16xf32>,
    %get3A_14 = arith.constant 3 : i32
    %get3A_15 = arith.index_cast %get3A_14 : i32 to index
    %get3A_16 = arith.constant 0 : index
    %get3A_17 = tpu.vector_load %arg12[%get3A_15, %get3A_16] {strides = array<i32>} : memref<12x16xf32, #tpu.memory_space<vmem>>, vector<16xf32>,
    %get3A_18 = arith.constant 4 : i32
    %get3A_19 = arith.index_cast %get3A_18 : i32 to index
    %get3A_20 = arith.constant 0 : index
    %get3A_21 = tpu.vector_load %arg12[%get3A_19, %get3A_20] {strides = array<i32>} : memref<12x16xf32, #tpu.memory_space<vmem>>, vector<16xf32>,
    %get3A_22 = arith.constant 5 : i32
    %get3A_23 = arith.index_cast %get3A_22 : i32 to index
    %get3A_24 = arith.constant 0 : index
    %get3A_25 = tpu.vector_load %arg12[%get3A_23, %get3A_24] {strides = array<i32>} : memref<12x16xf32, #tpu.memory_space<vmem>>, vector<16xf32>,
    %get3A_26 = arith.constant 6 : i32
    %get3A_27 = arith.index_cast %get3A_26 : i32 to index
    %get3A_28 = arith.constant 0 : index
    %get3A_29 = tpu.vector_load %arg12[%get3A_27, %get3A_28] {strides = array<i32>} : memref<12x16xf32, #tpu.memory_space<vmem>>, vector<16xf32>,
    %get3A_30 = arith.constant 7 : i32
    %get3A_31 = arith.index_cast %get3A_30 : i32 to index
    %get3A_32 = arith.constant 0 : index
    %get3A_33 = tpu.vector_load %arg12[%get3A_31, %get3A_32] {strides = array<i32>} : memref<12x16xf32, #tpu.memory_space<vmem>>, vector<16xf32>,
    %get3A_34 = arith.constant 8 : i32
    %get3A_35 = arith.index_cast %get3A_34 : i32 to index
    %get3A_36 = arith.constant 0 : index
    %get3A_37 = tpu.vector_load %arg12[%get3A_35, %get3A_36] {strides = array<i32>} : memref<12x16xf32, #tpu.memory_space<vmem>>, vector<16xf32>,
    %get3A_38 = arith.constant 9 : i32
    %get3A_39 = arith.index_cast %get3A_38 : i32 to index
    %get3A_40 = arith.constant 0 : index
    %get3A_41 = tpu.vector_load %arg12[%get3A_39, %get3A_40] {strides = array<i32>} : memref<12x16xf32, #tpu.memory_space<vmem>>, vector<16xf32>,
    %get3A_42 = arith.constant 10 : i32
    %get3A_43 = arith.index_cast %get3A_42 : i32 to index
    %get3A_44 = arith.constant 0 : index
    %get3A_45 = tpu.vector_load %arg12[%get3A_43, %get3A_44] {strides = array<i32>} : memref<12x16xf32, #tpu.memory_space<vmem>>, vector<16xf32>,
    %get3A_46 = arith.constant 11 : i32
    %get3A_47 = arith.index_cast %get3A_46 : i32 to index
    %get3A_48 = arith.constant 0 : index
    %get3A_49 = tpu.vector_load %arg12[%get3A_47, %get3A_48] {strides = array<i32>} : memref<12x16xf32, #tpu.memory_space<vmem>>, vector<16xf32>,
    %iota3A = tpu.iota {dimensions = array<i32: 0>} : vector<16xi32>
    %eq3A = arith.constant 0 : i32
    %eq3A_50 = vector.broadcast %eq3A : i32 to vector<16xi32>
    %eq3A_51 = arith.cmpi eq, %iota3A, %eq3A_50 : vector<16xi32>
    %jit3A = arith.constant 1.000000e+00 : f32
    %jit3A_52 = arith.constant 0.000000e+00 : f32
    %broadcast_in_dim3A = vector.broadcast %jit3A : f32 to vector<16xf32>
    %broadcast_in_dim3A_53 = vector.broadcast %jit3A_52 : f32 to vector<16xf32>
    %select_n3A = arith.select %eq3A_51, %broadcast_in_dim3A, %broadcast_in_dim3A_53 : vector<16xi1>, vector<16xf32>
    %eq3A_54 = arith.constant 1 : i32
    %eq3A_55 = vector.broadcast %eq3A_54 : i32 to vector<16xi32>
    %eq3A_56 = arith.cmpi eq, %iota3A, %eq3A_55 : vector<16xi32>
    %jit3A_57 = arith.constant 1.000000e+00 : f32
    %jit3A_58 = arith.constant 0.000000e+00 : f32
    %broadcast_in_dim3A_59 = vector.broadcast %jit3A_57 : f32 to vector<16xf32>
    %broadcast_in_dim3A_60 = vector.broadcast %jit3A_58 : f32 to vector<16xf32>
    %select_n3A_61 = arith.select %eq3A_56, %broadcast_in_dim3A_59, %broadcast_in_dim3A_60 : vector<16xi1>, vector<16xf32>
    %eq3A_62 = arith.constant 2 : i32
    %eq3A_63 = vector.broadcast %eq3A_62 : i32 to vector<16xi32>
    %eq3A_64 = arith.cmpi eq, %iota3A, %eq3A_63 : vector<16xi32>
    %jit3A_65 = arith.constant 1.000000e+00 : f32
    %jit3A_66 = arith.constant 0.000000e+00 : f32
    %broadcast_in_dim3A_67 = vector.broadcast %jit3A_65 : f32 to vector<16xf32>
    %broadcast_in_dim3A_68 = vector.broadcast %jit3A_66 : f32 to vector<16xf32>
    %select_n3A_69 = arith.select %eq3A_64, %broadcast_in_dim3A_67, %broadcast_in_dim3A_68 : vector<16xi1>, vector<16xf32>
    %eq3A_70 = arith.constant 3 : i32
    %eq3A_71 = vector.broadcast %eq3A_70 : i32 to vector<16xi32>
    %eq3A_72 = arith.cmpi eq, %iota3A, %eq3A_71 : vector<16xi32>
    %jit3A_73 = arith.constant 1.000000e+00 : f32
    %jit3A_74 = arith.constant 0.000000e+00 : f32
    %broadcast_in_dim3A_75 = vector.broadcast %jit3A_73 : f32 to vector<16xf32>
    %broadcast_in_dim3A_76 = vector.broadcast %jit3A_74 : f32 to vector<16xf32>
    %select_n3A_77 = arith.select %eq3A_72, %broadcast_in_dim3A_75, %broadcast_in_dim3A_76 : vector<16xi1>, vector<16xf32>
    %broadcast_in_dim3A_78 = arith.constant -3.000000e+38 : f32
    %broadcast_in_dim3A_79 = vector.broadcast %broadcast_in_dim3A_78 : f32 to vector<16xf32>
    %scan3A = arith.constant 0 : i32
    %scan3A_80 = arith.constant 25 : i32
    %scan3A_81 = arith.addi %scan3A, %scan3A_80 : i32
    %scan3A_82 = arith.constant 1 : i32
    %scan3A_83:3 = scf.for %scan3A_96 = %scan3A to %scan3A_81 step %scan3A_82 iter_args(%scan3A_97 = %broadcast_in_dim3A_79, %scan3A_98 = %broadcast_in_dim3A_79, %scan3A_99 = %broadcast_in_dim3A_79) -> (vector<16xf32>, vector<16xf32>, vector<16xf32>)  : i32 {
      %mul3A_100 = arith.constant 10000 : i32
      %mul3A_101 = arith.muli %add3A, %mul3A_100 : i32
      %mul3A_102 = arith.constant 400 : i32
      %mul3A_103 = arith.muli %scan3A_96, %mul3A_102 : i32
      %add3A_104 = arith.addi %mul3A_101, %mul3A_103 : i32
      "tpu.region"() ({
        %run_scoped3A = tpu.sem_alloc : memref<!tpu.dma_semaphore, #tpu.memory_space<semaphore_mem>>
        %dma_start3A = tpu.memref_slice %arg4[%add3A_104] : memref<320000xi32, #tpu.memory_space<hbm>> -> memref<400xi32, #tpu.memory_space<hbm>>
        %dma_start3A_120 = tpu.memref_slice %arg4[%add3A_104] : memref<320000xi32, #tpu.memory_space<hbm>> -> memref<400xi32, #tpu.memory_space<hbm>>
        tpu.enqueue_dma source(%dma_start3A_120 : memref<400xi32, #tpu.memory_space<hbm>>) target(%arg13 : memref<400xi32, #tpu.memory_space<vmem>>) target_semaphore(%run_scoped3A : memref<!tpu.dma_semaphore, #tpu.memory_space<semaphore_mem>>)
        %dma_wait3A = tpu.memref_slice %arg4[%add3A_104] : memref<320000xi32, #tpu.memory_space<hbm>> -> memref<400xi32, #tpu.memory_space<hbm>>
        %dma_wait3A_121 = tpu.memref_slice %arg4[%add3A_104] : memref<320000xi32, #tpu.memory_space<hbm>> -> memref<400xi32, #tpu.memory_space<hbm>>
        tpu.wait_dma2 semaphore(%run_scoped3A : memref<!tpu.dma_semaphore, #tpu.memory_space<semaphore_mem>>) src(%dma_wait3A_121 : memref<400xi32, #tpu.memory_space<hbm>>) dst(%arg13 : memref<400xi32, #tpu.memory_space<vmem>>)
        tpu.yield
      }) : () -> ()
      %mul3A_105 = arith.constant 4 : i32
      %mul3A_106 = arith.muli %add3A_104, %mul3A_105 : i32
      "tpu.region"() ({
        %run_scoped3A = tpu.sem_alloc : memref<!tpu.dma_semaphore, #tpu.memory_space<semaphore_mem>>
        %dma_start3A = tpu.memref_slice %arg2[%mul3A_106] : memref<1280000xf32, #tpu.memory_space<hbm>> -> memref<1600xf32, #tpu.memory_space<hbm>>
        %dma_start3A_120 = tpu.memref_slice %arg2[%mul3A_106] : memref<1280000xf32, #tpu.memory_space<hbm>> -> memref<1600xf32, #tpu.memory_space<hbm>>
        tpu.enqueue_dma source(%dma_start3A_120 : memref<1600xf32, #tpu.memory_space<hbm>>) target(%arg11 : memref<1600xf32, #tpu.memory_space<vmem>>) target_semaphore(%run_scoped3A : memref<!tpu.dma_semaphore, #tpu.memory_space<semaphore_mem>>)
        %dma_wait3A = tpu.memref_slice %arg2[%mul3A_106] : memref<1280000xf32, #tpu.memory_space<hbm>> -> memref<1600xf32, #tpu.memory_space<hbm>>
        %dma_wait3A_121 = tpu.memref_slice %arg2[%mul3A_106] : memref<1280000xf32, #tpu.memory_space<hbm>> -> memref<1600xf32, #tpu.memory_space<hbm>>
        tpu.wait_dma2 semaphore(%run_scoped3A : memref<!tpu.dma_semaphore, #tpu.memory_space<semaphore_mem>>) src(%dma_wait3A_121 : memref<1600xf32, #tpu.memory_space<hbm>>) dst(%arg11 : memref<1600xf32, #tpu.memory_space<vmem>>)
        tpu.yield
      }) : () -> ()
      %scan3A_107 = arith.constant 0 : i32
      %scan3A_108 = arith.constant 25 : i32
      %scan3A_109 = arith.addi %scan3A_107, %scan3A_108 : i32
      %scan3A_110 = arith.constant 1 : i32
      %scan3A_111:3 = scf.for %scan3A_120 = %scan3A_107 to %scan3A_109 step %scan3A_110 iter_args(%scan3A_121 = %scan3A_97, %scan3A_122 = %scan3A_98, %scan3A_123 = %scan3A_99) -> (vector<16xf32>, vector<16xf32>, vector<16xf32>)  : i32 {
        %mul3A_124 = arith.constant 16 : i32
        %mul3A_125 = arith.muli %scan3A_120, %mul3A_124 : i32
        %multiple_of3A = tpu.assume_multiple %mul3A_125, 16 : i32
        %add3A_126 = vector.broadcast %multiple_of3A : i32 to vector<16xi32>
        %add3A_127 = arith.addi %iota3A, %add3A_126 : vector<16xi32>
        %mul3A_128 = arith.constant 4 : i32
        %mul3A_129 = vector.broadcast %mul3A_128 : i32 to vector<16xi32>
        %mul3A_130 = arith.muli %add3A_127, %mul3A_129 : vector<16xi32>
        %add3A_131 = arith.constant 0 : i32
        %add3A_132 = vector.broadcast %add3A_131 : i32 to vector<16xi32>
        %add3A_133 = arith.addi %mul3A_130, %add3A_132 : vector<16xi32>
        %gather3A = tpu.vector_load_idx %arg11[%add3A_133] : memref<1600xf32, #tpu.memory_space<vmem>>[vector<16xi32>], vector<16xf32>,
        %add3A_134 = arith.constant 1 : i32
        %add3A_135 = vector.broadcast %add3A_134 : i32 to vector<16xi32>
        %add3A_136 = arith.addi %mul3A_130, %add3A_135 : vector<16xi32>
        %gather3A_137 = tpu.vector_load_idx %arg11[%add3A_136] : memref<1600xf32, #tpu.memory_space<vmem>>[vector<16xi32>], vector<16xf32>,
        %add3A_138 = arith.constant 2 : i32
        %add3A_139 = vector.broadcast %add3A_138 : i32 to vector<16xi32>
        %add3A_140 = arith.addi %mul3A_130, %add3A_139 : vector<16xi32>
        %gather3A_141 = tpu.vector_load_idx %arg11[%add3A_140] : memref<1600xf32, #tpu.memory_space<vmem>>[vector<16xi32>], vector<16xf32>,
        %add3A_142 = arith.constant 3 : i32
        %add3A_143 = vector.broadcast %add3A_142 : i32 to vector<16xi32>
        %add3A_144 = arith.addi %mul3A_130, %add3A_143 : vector<16xi32>
        %gather3A_145 = tpu.vector_load_idx %arg11[%add3A_144] : memref<1600xf32, #tpu.memory_space<vmem>>[vector<16xi32>], vector<16xf32>,
        %mul3A_146 = arith.mulf %gather3A, %get3A_5 : vector<16xf32>
        %mul3A_147 = arith.mulf %gather3A_137, %get3A_9 : vector<16xf32>
        %add3A_148 = arith.addf %mul3A_146, %mul3A_147 : vector<16xf32>
        %mul3A_149 = arith.mulf %gather3A_141, %get3A_13 : vector<16xf32>
        %mul3A_150 = arith.mulf %gather3A_145, %get3A_17 : vector<16xf32>
        %add3A_151 = arith.addf %mul3A_149, %mul3A_150 : vector<16xf32>
        %add3A_152 = arith.addf %add3A_148, %add3A_151 : vector<16xf32>
        %mul3A_153 = arith.mulf %gather3A, %get3A_21 : vector<16xf32>
        %mul3A_154 = arith.mulf %gather3A_137, %get3A_25 : vector<16xf32>
        %add3A_155 = arith.addf %mul3A_153, %mul3A_154 : vector<16xf32>
        %mul3A_156 = arith.mulf %gather3A_141, %get3A_29 : vector<16xf32>
        %mul3A_157 = arith.mulf %gather3A_145, %get3A_33 : vector<16xf32>
        %add3A_158 = arith.addf %mul3A_156, %mul3A_157 : vector<16xf32>
        %add3A_159 = arith.addf %add3A_155, %add3A_158 : vector<16xf32>
        %mul3A_160 = arith.mulf %gather3A, %get3A_37 : vector<16xf32>
        %mul3A_161 = arith.mulf %gather3A_137, %get3A_41 : vector<16xf32>
        %add3A_162 = arith.addf %mul3A_160, %mul3A_161 : vector<16xf32>
        %mul3A_163 = arith.mulf %gather3A_141, %get3A_45 : vector<16xf32>
        %mul3A_164 = arith.mulf %gather3A_145, %get3A_49 : vector<16xf32>
        %add3A_165 = arith.addf %mul3A_163, %mul3A_164 : vector<16xf32>
        %add3A_166 = arith.addf %add3A_162, %add3A_165 : vector<16xf32>
        %swap3A_167 = arith.index_cast %multiple_of3A : i32 to index
        %swap3A_168 = tpu.vector_load %arg14[%swap3A_167] {strides = array<i32>} : memref<400xf32, #tpu.memory_space<vmem>>, vector<16xf32>,
        tpu.vector_store %arg14[%swap3A_167], %add3A_152 {strides = array<i32>} : memref<400xf32, #tpu.memory_space<vmem>>, vector<16xf32>,
        %swap3A_169 = arith.index_cast %multiple_of3A : i32 to index
        %swap3A_170 = tpu.vector_load %arg15[%swap3A_169] {strides = array<i32>} : memref<400xf32, #tpu.memory_space<vmem>>, vector<16xf32>,
        tpu.vector_store %arg15[%swap3A_169], %add3A_159 {strides = array<i32>} : memref<400xf32, #tpu.memory_space<vmem>>, vector<16xf32>,
        %swap3A_171 = arith.index_cast %multiple_of3A : i32 to index
        %swap3A_172 = tpu.vector_load %arg16[%swap3A_171] {strides = array<i32>} : memref<400xf32, #tpu.memory_space<vmem>>, vector<16xf32>,
        tpu.vector_store %arg16[%swap3A_171], %add3A_166 {strides = array<i32>} : memref<400xf32, #tpu.memory_space<vmem>>, vector<16xf32>,
        %max3A = arith.maximumf %scan3A_121, %add3A_152 : vector<16xf32>
        %max3A_173 = arith.maximumf %scan3A_122, %add3A_159 : vector<16xf32>
        %max3A_174 = arith.maximumf %scan3A_123, %add3A_166 : vector<16xf32>
        scf.yield %max3A, %max3A_173, %max3A_174 : vector<16xf32>, vector<16xf32>, vector<16xf32>
      }
      %scan3A_112 = arith.constant 25 : i32
      %scan3A_113 = arith.constant 0 : i32
      %scan3A_114 = arith.constant 0 : i32
      %scan3A_115 = arith.constant 400 : i32
      %scan3A_116 = arith.addi %scan3A_114, %scan3A_115 : i32
      %scan3A_117 = arith.constant 1 : i32
      %scan3A_118 = scf.for %scan3A_120 = %scan3A_114 to %scan3A_116 step %scan3A_117 iter_args(%scan3A_121 = %scan3A_113) -> (i32)  : i32 {
        %broadcast_in_dim3A_122 = vector.broadcast %scan3A_120 : i32 to vector<16xi32>
        %gather3A = tpu.vector_load_idx %arg14[%broadcast_in_dim3A_122] : memref<400xf32, #tpu.memory_space<vmem>>[vector<16xi32>], vector<16xf32>,
        %gather3A_123 = tpu.vector_load_idx %arg15[%broadcast_in_dim3A_122] : memref<400xf32, #tpu.memory_space<vmem>>[vector<16xi32>], vector<16xf32>,
        %gather3A_124 = tpu.vector_load_idx %arg16[%broadcast_in_dim3A_122] : memref<400xf32, #tpu.memory_space<vmem>>[vector<16xi32>], vector<16xf32>,
        %mul3A_125 = arith.mulf %gather3A, %select_n3A : vector<16xf32>
        %mul3A_126 = arith.mulf %gather3A_123, %select_n3A_61 : vector<16xf32>
        %add3A_127 = arith.addf %mul3A_125, %mul3A_126 : vector<16xf32>
        %mul3A_128 = arith.mulf %gather3A_124, %select_n3A_69 : vector<16xf32>
        %add3A_129 = arith.addf %mul3A_128, %select_n3A_77 : vector<16xf32>
        %add3A_130 = arith.addf %add3A_127, %add3A_129 : vector<16xf32>
        %swap3A_131 = arith.index_cast %scan3A_120 : i32 to index
        %swap3A_132 = arith.constant 0 : index
        %swap3A_133 = tpu.vector_load %arg17[%swap3A_131, %swap3A_132] {strides = array<i32>} : memref<400x16xf32, #tpu.memory_space<vmem>>, vector<16xf32>,
        tpu.vector_store %arg17[%swap3A_131, %swap3A_132], %add3A_130 {strides = array<i32>} : memref<400x16xf32, #tpu.memory_space<vmem>>, vector<16xf32>,
        %scan3A_134 = arith.constant 0 : i32
        scf.yield %scan3A_134 : i32
      }
      %scan3A_119 = arith.constant 400 : i32
      "tpu.region"() ({
        %run_scoped3A = tpu.sem_alloc : memref<!tpu.dma_semaphore, #tpu.memory_space<semaphore_mem>>
        %dma_start3A = arith.constant 0 : i32
        %dma_start3A_120 = arith.constant 0 : i32
        %dma_start3A_121 = tpu.memref_slice %arg19[%dma_start3A, %dma_start3A_120] : memref<10000x16xf32, #tpu.memory_space<vmem_shared>> -> memref<10000x16xf32, #tpu.memory_space<vmem_shared>>
        tpu.enqueue_indirect_dma source(%arg17 : memref<400x16xf32, #tpu.memory_space<vmem>>) target(%dma_start3A_121 : memref<10000x16xf32, #tpu.memory_space<vmem_shared>>) offsets(%arg13 : memref<400xi32, #tpu.memory_space<vmem>>) semaphore(%run_scoped3A : memref<!tpu.dma_semaphore, #tpu.memory_space<semaphore_mem>>) {add = true}
        %dma_wait3A = arith.constant 0 : i32
        %dma_wait3A_122 = arith.constant 0 : i32
        %dma_wait3A_123 = tpu.memref_slice %arg19[%dma_wait3A, %dma_wait3A_122] : memref<10000x16xf32, #tpu.memory_space<vmem_shared>> -> memref<10000x16xf32, #tpu.memory_space<vmem_shared>>
        tpu.wait_indirect_dma semaphore(%run_scoped3A : memref<!tpu.dma_semaphore, #tpu.memory_space<semaphore_mem>>) src(%arg17 : memref<400x16xf32, #tpu.memory_space<vmem>>) dst(%dma_wait3A_123 : memref<10000x16xf32, #tpu.memory_space<vmem_shared>>)
        tpu.yield
      }) : () -> ()
      "tpu.region"() ({
        %run_scoped3A = tpu.sem_alloc : memref<!tpu.dma_semaphore, #tpu.memory_space<semaphore_mem>>
        %dma_start3A = tpu.memref_slice %arg7[%add3A_104] : memref<320000xf32, #tpu.memory_space<hbm>> -> memref<400xf32, #tpu.memory_space<hbm>>
        %dma_start3A_120 = tpu.memref_slice %arg7[%add3A_104] : memref<320000xf32, #tpu.memory_space<hbm>> -> memref<400xf32, #tpu.memory_space<hbm>>
        tpu.enqueue_dma source(%arg14 : memref<400xf32, #tpu.memory_space<vmem>>) target(%dma_start3A_120 : memref<400xf32, #tpu.memory_space<hbm>>) target_semaphore(%run_scoped3A : memref<!tpu.dma_semaphore, #tpu.memory_space<semaphore_mem>>)
        %dma_wait3A = tpu.memref_slice %arg7[%add3A_104] : memref<320000xf32, #tpu.memory_space<hbm>> -> memref<400xf32, #tpu.memory_space<hbm>>
        %dma_wait3A_121 = tpu.memref_slice %arg7[%add3A_104] : memref<320000xf32, #tpu.memory_space<hbm>> -> memref<400xf32, #tpu.memory_space<hbm>>
        tpu.wait_dma2 semaphore(%run_scoped3A : memref<!tpu.dma_semaphore, #tpu.memory_space<semaphore_mem>>) src(%arg14 : memref<400xf32, #tpu.memory_space<vmem>>) dst(%dma_wait3A_121 : memref<400xf32, #tpu.memory_space<hbm>>)
        tpu.yield
      }) : () -> ()
      "tpu.region"() ({
        %run_scoped3A = tpu.sem_alloc : memref<!tpu.dma_semaphore, #tpu.memory_space<semaphore_mem>>
        %dma_start3A = tpu.memref_slice %arg8[%add3A_104] : memref<320000xf32, #tpu.memory_space<hbm>> -> memref<400xf32, #tpu.memory_space<hbm>>
        %dma_start3A_120 = tpu.memref_slice %arg8[%add3A_104] : memref<320000xf32, #tpu.memory_space<hbm>> -> memref<400xf32, #tpu.memory_space<hbm>>
        tpu.enqueue_dma source(%arg15 : memref<400xf32, #tpu.memory_space<vmem>>) target(%dma_start3A_120 : memref<400xf32, #tpu.memory_space<hbm>>) target_semaphore(%run_scoped3A : memref<!tpu.dma_semaphore, #tpu.memory_space<semaphore_mem>>)
        %dma_wait3A = tpu.memref_slice %arg8[%add3A_104] : memref<320000xf32, #tpu.memory_space<hbm>> -> memref<400xf32, #tpu.memory_space<hbm>>
        %dma_wait3A_121 = tpu.memref_slice %arg8[%add3A_104] : memref<320000xf32, #tpu.memory_space<hbm>> -> memref<400xf32, #tpu.memory_space<hbm>>
        tpu.wait_dma2 semaphore(%run_scoped3A : memref<!tpu.dma_semaphore, #tpu.memory_space<semaphore_mem>>) src(%arg15 : memref<400xf32, #tpu.memory_space<vmem>>) dst(%dma_wait3A_121 : memref<400xf32, #tpu.memory_space<hbm>>)
        tpu.yield
      }) : () -> ()
      "tpu.region"() ({
        %run_scoped3A = tpu.sem_alloc : memref<!tpu.dma_semaphore, #tpu.memory_space<semaphore_mem>>
        %dma_start3A = tpu.memref_slice %arg9[%add3A_104] : memref<320000xf32, #tpu.memory_space<hbm>> -> memref<400xf32, #tpu.memory_space<hbm>>
        %dma_start3A_120 = tpu.memref_slice %arg9[%add3A_104] : memref<320000xf32, #tpu.memory_space<hbm>> -> memref<400xf32, #tpu.memory_space<hbm>>
        tpu.enqueue_dma source(%arg16 : memref<400xf32, #tpu.memory_space<vmem>>) target(%dma_start3A_120 : memref<400xf32, #tpu.memory_space<hbm>>) target_semaphore(%run_scoped3A : memref<!tpu.dma_semaphore, #tpu.memory_space<semaphore_mem>>)
        %dma_wait3A = tpu.memref_slice %arg9[%add3A_104] : memref<320000xf32, #tpu.memory_space<hbm>> -> memref<400xf32, #tpu.memory_space<hbm>>
        %dma_wait3A_121 = tpu.memref_slice %arg9[%add3A_104] : memref<320000xf32, #tpu.memory_space<hbm>> -> memref<400xf32, #tpu.memory_space<hbm>>
        tpu.wait_dma2 semaphore(%run_scoped3A : memref<!tpu.dma_semaphore, #tpu.memory_space<semaphore_mem>>) src(%arg16 : memref<400xf32, #tpu.memory_space<vmem>>) dst(%dma_wait3A_121 : memref<400xf32, #tpu.memory_space<hbm>>)
        tpu.yield
      }) : () -> ()
      scf.yield %scan3A_111#0, %scan3A_111#1, %scan3A_111#2 : vector<16xf32>, vector<16xf32>, vector<16xf32>
    }
    %scan3A_84 = arith.constant 25 : i32
    %swap3A = arith.constant 0 : index
    %swap3A_85 = tpu.vector_load %arg18[%swap3A] {strides = array<i32>} : memref<48xf32, #tpu.memory_space<vmem>>, vector<16xf32>,
    tpu.vector_store %arg18[%swap3A], %scan3A_83#0 {strides = array<i32>} : memref<48xf32, #tpu.memory_space<vmem>>, vector<16xf32>,
    %swap3A_86 = arith.constant 16 : index
    %swap3A_87 = tpu.vector_load %arg18[%swap3A_86] {strides = array<i32>} : memref<48xf32, #tpu.memory_space<vmem>>, vector<16xf32>,
    tpu.vector_store %arg18[%swap3A_86], %scan3A_83#1 {strides = array<i32>} : memref<48xf32, #tpu.memory_space<vmem>>, vector<16xf32>,
    %swap3A_88 = arith.constant 32 : index
    %swap3A_89 = tpu.vector_load %arg18[%swap3A_88] {strides = array<i32>} : memref<48xf32, #tpu.memory_space<vmem>>, vector<16xf32>,
    tpu.vector_store %arg18[%swap3A_88], %scan3A_83#2 {strides = array<i32>} : memref<48xf32, #tpu.memory_space<vmem>>, vector<16xf32>,
    "tpu.region"() ({
      %run_scoped3A = tpu.sem_alloc : memref<!tpu.dma_semaphore, #tpu.memory_space<semaphore_mem>>
      %dma_start3A = arith.constant 0 : i32
      %dma_start3A_96 = tpu.memref_slice %arg10[%arg0, %arg1, %dma_start3A] : memref<2x16x48xf32, #tpu.memory_space<hbm>> -> memref<1x1x48xf32, #tpu.memory_space<hbm>>
      %dma_start3A_97 = tpu.memref_squeeze %dma_start3A_96 : memref<1x1x48xf32, #tpu.memory_space<hbm>> -> memref<48xf32, #tpu.memory_space<hbm>>
      %dma_start3A_98 = arith.constant 0 : i32
      %dma_start3A_99 = tpu.memref_slice %arg10[%arg0, %arg1, %dma_start3A_98] : memref<2x16x48xf32, #tpu.memory_space<hbm>> -> memref<1x1x48xf32, #tpu.memory_space<hbm>>
      %dma_start3A_100 = tpu.memref_squeeze %dma_start3A_99 : memref<1x1x48xf32, #tpu.memory_space<hbm>> -> memref<48xf32, #tpu.memory_space<hbm>>
      tpu.enqueue_dma source(%arg18 : memref<48xf32, #tpu.memory_space<vmem>>) target(%dma_start3A_100 : memref<48xf32, #tpu.memory_space<hbm>>) target_semaphore(%run_scoped3A : memref<!tpu.dma_semaphore, #tpu.memory_space<semaphore_mem>>)
      %dma_wait3A = arith.constant 0 : i32
      %dma_wait3A_101 = tpu.memref_slice %arg10[%arg0, %arg1, %dma_wait3A] : memref<2x16x48xf32, #tpu.memory_space<hbm>> -> memref<1x1x48xf32, #tpu.memory_space<hbm>>
      %dma_wait3A_102 = tpu.memref_squeeze %dma_wait3A_101 : memref<1x1x48xf32, #tpu.memory_space<hbm>> -> memref<48xf32, #tpu.memory_space<hbm>>
      %dma_wait3A_103 = arith.constant 0 : i32
      %dma_wait3A_104 = tpu.memref_slice %arg10[%arg0, %arg1, %dma_wait3A_103] : memref<2x16x48xf32, #tpu.memory_space<hbm>> -> memref<1x1x48xf32, #tpu.memory_space<hbm>>
      %dma_wait3A_105 = tpu.memref_squeeze %dma_wait3A_104 : memref<1x1x48xf32, #tpu.memory_space<hbm>> -> memref<48xf32, #tpu.memory_space<hbm>>
      tpu.wait_dma2 semaphore(%run_scoped3A : memref<!tpu.dma_semaphore, #tpu.memory_space<semaphore_mem>>) src(%arg18 : memref<48xf32, #tpu.memory_space<vmem>>) dst(%dma_wait3A_105 : memref<48xf32, #tpu.memory_space<hbm>>)
      tpu.yield
    }) : () -> ()
    %barrier3A_90 = arith.constant 0 : index
    tpu.barrier barrier_id(%barrier3A_90)
    %lt3A_91 = arith.constant 10 : i32
    %lt3A_92 = arith.cmpi slt, %arg1, %lt3A_91 : i32
    %convert_element_type3A_93 = arith.extui %lt3A_92 : i1 to i32
    %cond3A_94 = arith.constant 0 : i32
    %cond3A_95 = arith.cmpi ne, %convert_element_type3A_93, %cond3A_94 : i32
    scf.if %cond3A_95 {
      %mul3A_96 = arith.constant 1000 : i32
      %mul3A_97 = arith.muli %arg1, %mul3A_96 : i32
      %mul3A_98 = arith.constant 1000 : i32
      %mul3A_99 = arith.muli %arg1, %mul3A_98 : i32
      "tpu.region"() ({
        %run_scoped3A = tpu.sem_alloc : memref<!tpu.dma_semaphore, #tpu.memory_space<semaphore_mem>>
        %dma_start3A = arith.constant 0 : i32
        %dma_start3A_100 = tpu.memref_slice %arg6[%arg0, %mul3A_99, %dma_start3A] : memref<2x10000x16xf32, #tpu.memory_space<hbm>> -> memref<1x1000x16xf32, #tpu.memory_space<hbm>>
        %dma_start3A_101 = tpu.memref_squeeze %dma_start3A_100 : memref<1x1000x16xf32, #tpu.memory_space<hbm>> -> memref<1000x16xf32, #tpu.memory_space<hbm>>
        %dma_start3A_102 = arith.constant 0 : i32
        %dma_start3A_103 = tpu.memref_slice %arg19[%mul3A_97, %dma_start3A_102] : memref<10000x16xf32, #tpu.memory_space<vmem_shared>> -> memref<1000x16xf32, #tpu.memory_space<vmem_shared>>
        tpu.enqueue_dma source(%dma_start3A_103 : memref<1000x16xf32, #tpu.memory_space<vmem_shared>>) target(%dma_start3A_101 : memref<1000x16xf32, #tpu.memory_space<hbm>>) target_semaphore(%run_scoped3A : memref<!tpu.dma_semaphore, #tpu.memory_space<semaphore_mem>>)
        %dma_wait3A = arith.constant 0 : i32
        %dma_wait3A_104 = tpu.memref_slice %arg6[%arg0, %mul3A_99, %dma_wait3A] : memref<2x10000x16xf32, #tpu.memory_space<hbm>> -> memref<1x1000x16xf32, #tpu.memory_space<hbm>>
        %dma_wait3A_105 = tpu.memref_squeeze %dma_wait3A_104 : memref<1x1000x16xf32, #tpu.memory_space<hbm>> -> memref<1000x16xf32, #tpu.memory_space<hbm>>
        %dma_wait3A_106 = arith.constant 0 : i32
        %dma_wait3A_107 = tpu.memref_slice %arg19[%mul3A_97, %dma_wait3A_106] : memref<10000x16xf32, #tpu.memory_space<vmem_shared>> -> memref<1000x16xf32, #tpu.memory_space<vmem_shared>>
        tpu.wait_dma2 semaphore(%run_scoped3A : memref<!tpu.dma_semaphore, #tpu.memory_space<semaphore_mem>>) src(%dma_wait3A_107 : memref<1000x16xf32, #tpu.memory_space<vmem_shared>>) dst(%dma_wait3A_105 : memref<1000x16xf32, #tpu.memory_space<hbm>>)
        tpu.yield
      }) : () -> ()
    } else {
    }
    return
  }
}

#map = affine_map<(d0, d1) -> (0)>
#map1 = affine_map<(d0, d1) -> (0, 0)>
#map2 = affine_map<(d0, d1) -> (0, 0, 0)>
module attributes {stable_mosaic.version = 14 : i64} {
  func.func @sc_layer(%arg0: i32, %arg1: i32, %arg2: memref<320000xi32, #tpu.memory_space<hbm>>, %arg3: memref<320000xi32, #tpu.memory_space<hbm>>, %arg4: memref<320000xf32, #tpu.memory_space<hbm>>, %arg5: memref<10000xf32, #tpu.memory_space<hbm>>, %arg6: memref<10000xf32, #tpu.memory_space<hbm>>, %arg7: memref<16xf32, #tpu.memory_space<hbm>>, %arg8: memref<10000x64xf32, #tpu.memory_space<hbm>>, %arg9: memref<10000x64xf32, #tpu.memory_space<hbm>>, %arg10: memref<10000x16xf32, #tpu.memory_space<hbm>>, %arg11: memref<2x10000x64xf32, #tpu.memory_space<hbm>>, %arg12: memref<2x10000x16xf32, #tpu.memory_space<hbm>>, %arg13: memref<10000xf32, #tpu.memory_space<vmem>>, %arg14: memref<10000xf32, #tpu.memory_space<vmem>>, %arg15: memref<16xf32, #tpu.memory_space<vmem>>, %arg16: memref<400xi32, #tpu.memory_space<vmem>>, %arg17: memref<400xi32, #tpu.memory_space<vmem>>, %arg18: memref<400xf32, #tpu.memory_space<vmem>>, %arg19: memref<400x64xf32, #tpu.memory_space<vmem>>, %arg20: memref<!tpu.dma_semaphore, #tpu.memory_space<semaphore_mem>>, %arg21: memref<400xi32, #tpu.memory_space<vmem>>, %arg22: memref<400xi32, #tpu.memory_space<vmem>>, %arg23: memref<400xf32, #tpu.memory_space<vmem>>, %arg24: memref<400x64xf32, #tpu.memory_space<vmem>>, %arg25: memref<!tpu.dma_semaphore, #tpu.memory_space<semaphore_mem>>, %arg26: memref<400xf32, #tpu.memory_space<vmem>>, %arg27: memref<400x16xf32, #tpu.memory_space<vmem>>, %arg28: memref<10000x64xf32, #tpu.memory_space<vmem_shared>>, %arg29: memref<10000x16xf32, #tpu.memory_space<vmem_shared>>) attributes {dimension_semantics = [#tpu.dimension_semantics<core_parallel>, #tpu.dimension_semantics<subcore_parallel>], iteration_bounds = array<i64: 2, 16>, scalar_prefetch = 0 : i64, scratch_operands = 17 : i64, tpu.core_type = #tpu.core_type<sc_vector_subcore>, window_params = [{transform_indices = #map}, {transform_indices = #map}, {transform_indices = #map}, {transform_indices = #map}, {transform_indices = #map}, {transform_indices = #map}, {transform_indices = #map1}, {transform_indices = #map1}, {transform_indices = #map1}, {transform_indices = #map2}, {transform_indices = #map2}]} {
    %mul3A = arith.constant 16 : i32
    %mul3A_0 = arith.muli %arg0, %mul3A : i32
    %add3A = arith.addi %mul3A_0, %arg1 : i32
    "tpu.region"() ({
      %run_scoped3A = tpu.sem_alloc : memref<!tpu.dma_semaphore, #tpu.memory_space<semaphore_mem>>
      tpu.enqueue_dma source(%arg5 : memref<10000xf32, #tpu.memory_space<hbm>>) target(%arg13 : memref<10000xf32, #tpu.memory_space<vmem>>) target_semaphore(%run_scoped3A : memref<!tpu.dma_semaphore, #tpu.memory_space<semaphore_mem>>)
      tpu.wait_dma2 semaphore(%run_scoped3A : memref<!tpu.dma_semaphore, #tpu.memory_space<semaphore_mem>>) src(%arg5 : memref<10000xf32, #tpu.memory_space<hbm>>) dst(%arg13 : memref<10000xf32, #tpu.memory_space<vmem>>)
      tpu.yield
    }) : () -> ()
    "tpu.region"() ({
      %run_scoped3A = tpu.sem_alloc : memref<!tpu.dma_semaphore, #tpu.memory_space<semaphore_mem>>
      tpu.enqueue_dma source(%arg6 : memref<10000xf32, #tpu.memory_space<hbm>>) target(%arg14 : memref<10000xf32, #tpu.memory_space<vmem>>) target_semaphore(%run_scoped3A : memref<!tpu.dma_semaphore, #tpu.memory_space<semaphore_mem>>)
      tpu.wait_dma2 semaphore(%run_scoped3A : memref<!tpu.dma_semaphore, #tpu.memory_space<semaphore_mem>>) src(%arg6 : memref<10000xf32, #tpu.memory_space<hbm>>) dst(%arg14 : memref<10000xf32, #tpu.memory_space<vmem>>)
      tpu.yield
    }) : () -> ()
    "tpu.region"() ({
      %run_scoped3A = tpu.sem_alloc : memref<!tpu.dma_semaphore, #tpu.memory_space<semaphore_mem>>
      tpu.enqueue_dma source(%arg7 : memref<16xf32, #tpu.memory_space<hbm>>) target(%arg15 : memref<16xf32, #tpu.memory_space<vmem>>) target_semaphore(%run_scoped3A : memref<!tpu.dma_semaphore, #tpu.memory_space<semaphore_mem>>)
      tpu.wait_dma2 semaphore(%run_scoped3A : memref<!tpu.dma_semaphore, #tpu.memory_space<semaphore_mem>>) src(%arg7 : memref<16xf32, #tpu.memory_space<hbm>>) dst(%arg15 : memref<16xf32, #tpu.memory_space<vmem>>)
      tpu.yield
    }) : () -> ()
    %lt3A = arith.constant 10 : i32
    %lt3A_1 = arith.cmpi slt, %arg1, %lt3A : i32
    %convert_element_type3A = arith.extui %lt3A_1 : i1 to i32
    %cond3A = arith.constant 0 : i32
    %cond3A_2 = arith.cmpi ne, %convert_element_type3A, %cond3A : i32
    scf.if %cond3A_2 {
      %mul3A_47 = arith.constant 1000 : i32
      %mul3A_48 = arith.muli %arg1, %mul3A_47 : i32
      "tpu.region"() ({
        %run_scoped3A = tpu.sem_alloc : memref<!tpu.dma_semaphore, #tpu.memory_space<semaphore_mem>>
        %dma_start3A_49 = arith.constant 0 : i32
        %dma_start3A_50 = tpu.memref_slice %arg28[%mul3A_48, %dma_start3A_49] : memref<10000x64xf32, #tpu.memory_space<vmem_shared>> -> memref<1000x64xf32, #tpu.memory_space<vmem_shared>>
        %dma_start3A_51 = arith.constant 0 : i32
        %dma_start3A_52 = tpu.memref_slice %arg9[%mul3A_48, %dma_start3A_51] : memref<10000x64xf32, #tpu.memory_space<hbm>> -> memref<1000x64xf32, #tpu.memory_space<hbm>>
        tpu.enqueue_dma source(%dma_start3A_52 : memref<1000x64xf32, #tpu.memory_space<hbm>>) target(%dma_start3A_50 : memref<1000x64xf32, #tpu.memory_space<vmem_shared>>) target_semaphore(%run_scoped3A : memref<!tpu.dma_semaphore, #tpu.memory_space<semaphore_mem>>)
        %dma_wait3A_53 = arith.constant 0 : i32
        %dma_wait3A_54 = tpu.memref_slice %arg28[%mul3A_48, %dma_wait3A_53] : memref<10000x64xf32, #tpu.memory_space<vmem_shared>> -> memref<1000x64xf32, #tpu.memory_space<vmem_shared>>
        %dma_wait3A_55 = arith.constant 0 : i32
        %dma_wait3A_56 = tpu.memref_slice %arg9[%mul3A_48, %dma_wait3A_55] : memref<10000x64xf32, #tpu.memory_space<hbm>> -> memref<1000x64xf32, #tpu.memory_space<hbm>>
        tpu.wait_dma2 semaphore(%run_scoped3A : memref<!tpu.dma_semaphore, #tpu.memory_space<semaphore_mem>>) src(%dma_wait3A_56 : memref<1000x64xf32, #tpu.memory_space<hbm>>) dst(%dma_wait3A_54 : memref<1000x64xf32, #tpu.memory_space<vmem_shared>>)
        tpu.yield
      }) : () -> ()
    } else {
    }
    %lt3A_3 = arith.constant 10 : i32
    %lt3A_4 = arith.cmpi slt, %arg1, %lt3A_3 : i32
    %convert_element_type3A_5 = arith.extui %lt3A_4 : i1 to i32
    %cond3A_6 = arith.constant 0 : i32
    %cond3A_7 = arith.cmpi ne, %convert_element_type3A_5, %cond3A_6 : i32
    scf.if %cond3A_7 {
      %mul3A_47 = arith.constant 1000 : i32
      %mul3A_48 = arith.muli %arg1, %mul3A_47 : i32
      "tpu.region"() ({
        %run_scoped3A = tpu.sem_alloc : memref<!tpu.dma_semaphore, #tpu.memory_space<semaphore_mem>>
        %dma_start3A_49 = arith.constant 0 : i32
        %dma_start3A_50 = tpu.memref_slice %arg29[%mul3A_48, %dma_start3A_49] : memref<10000x16xf32, #tpu.memory_space<vmem_shared>> -> memref<1000x16xf32, #tpu.memory_space<vmem_shared>>
        %dma_start3A_51 = arith.constant 0 : i32
        %dma_start3A_52 = tpu.memref_slice %arg10[%mul3A_48, %dma_start3A_51] : memref<10000x16xf32, #tpu.memory_space<hbm>> -> memref<1000x16xf32, #tpu.memory_space<hbm>>
        tpu.enqueue_dma source(%dma_start3A_52 : memref<1000x16xf32, #tpu.memory_space<hbm>>) target(%dma_start3A_50 : memref<1000x16xf32, #tpu.memory_space<vmem_shared>>) target_semaphore(%run_scoped3A : memref<!tpu.dma_semaphore, #tpu.memory_space<semaphore_mem>>)
        %dma_wait3A_53 = arith.constant 0 : i32
        %dma_wait3A_54 = tpu.memref_slice %arg29[%mul3A_48, %dma_wait3A_53] : memref<10000x16xf32, #tpu.memory_space<vmem_shared>> -> memref<1000x16xf32, #tpu.memory_space<vmem_shared>>
        %dma_wait3A_55 = arith.constant 0 : i32
        %dma_wait3A_56 = tpu.memref_slice %arg10[%mul3A_48, %dma_wait3A_55] : memref<10000x16xf32, #tpu.memory_space<hbm>> -> memref<1000x16xf32, #tpu.memory_space<hbm>>
        tpu.wait_dma2 semaphore(%run_scoped3A : memref<!tpu.dma_semaphore, #tpu.memory_space<semaphore_mem>>) src(%dma_wait3A_56 : memref<1000x16xf32, #tpu.memory_space<hbm>>) dst(%dma_wait3A_54 : memref<1000x16xf32, #tpu.memory_space<vmem_shared>>)
        tpu.yield
      }) : () -> ()
    } else {
    }
    %barrier3A = arith.constant 0 : index
    tpu.barrier barrier_id(%barrier3A)
    %get3A = arith.constant 0 : index
    %get3A_8 = tpu.vector_load %arg15[%get3A] {strides = array<i32>} : memref<16xf32, #tpu.memory_space<vmem>>, vector<16xf32>,
    %iota3A = tpu.iota {dimensions = array<i32: 0>} : vector<16xi32>
    %eq3A = arith.constant 0 : i32
    %eq3A_9 = vector.broadcast %eq3A : i32 to vector<16xi32>
    %eq3A_10 = arith.cmpi eq, %iota3A, %eq3A_9 : vector<16xi32>
    %jit3A = arith.constant 1.000000e+00 : f32
    %jit3A_11 = arith.constant 0.000000e+00 : f32
    %broadcast_in_dim3A = vector.broadcast %jit3A : f32 to vector<16xf32>
    %broadcast_in_dim3A_12 = vector.broadcast %jit3A_11 : f32 to vector<16xf32>
    %select_n3A = arith.select %eq3A_10, %broadcast_in_dim3A, %broadcast_in_dim3A_12 : vector<16xi1>, vector<16xf32>
    %mul3A_13 = arith.constant 10000 : i32
    %mul3A_14 = arith.muli %add3A, %mul3A_13 : i32
    %add3A_15 = arith.constant 0 : i32
    %add3A_16 = arith.addi %mul3A_14, %add3A_15 : i32
    "tpu.region"() ({
      %run_scoped3A = tpu.sem_alloc : memref<!tpu.dma_semaphore, #tpu.memory_space<semaphore_mem>>
      %dma_start3A_47 = tpu.memref_slice %arg2[%add3A_16] : memref<320000xi32, #tpu.memory_space<hbm>> -> memref<400xi32, #tpu.memory_space<hbm>>
      %dma_start3A_48 = tpu.memref_slice %arg2[%add3A_16] : memref<320000xi32, #tpu.memory_space<hbm>> -> memref<400xi32, #tpu.memory_space<hbm>>
      tpu.enqueue_dma source(%dma_start3A_48 : memref<400xi32, #tpu.memory_space<hbm>>) target(%arg16 : memref<400xi32, #tpu.memory_space<vmem>>) target_semaphore(%run_scoped3A : memref<!tpu.dma_semaphore, #tpu.memory_space<semaphore_mem>>)
      %dma_wait3A_49 = tpu.memref_slice %arg2[%add3A_16] : memref<320000xi32, #tpu.memory_space<hbm>> -> memref<400xi32, #tpu.memory_space<hbm>>
      %dma_wait3A_50 = tpu.memref_slice %arg2[%add3A_16] : memref<320000xi32, #tpu.memory_space<hbm>> -> memref<400xi32, #tpu.memory_space<hbm>>
      tpu.wait_dma2 semaphore(%run_scoped3A : memref<!tpu.dma_semaphore, #tpu.memory_space<semaphore_mem>>) src(%dma_wait3A_50 : memref<400xi32, #tpu.memory_space<hbm>>) dst(%arg16 : memref<400xi32, #tpu.memory_space<vmem>>)
      tpu.yield
    }) : () -> ()
    "tpu.region"() ({
      %run_scoped3A = tpu.sem_alloc : memref<!tpu.dma_semaphore, #tpu.memory_space<semaphore_mem>>
      %dma_start3A_47 = tpu.memref_slice %arg3[%add3A_16] : memref<320000xi32, #tpu.memory_space<hbm>> -> memref<400xi32, #tpu.memory_space<hbm>>
      %dma_start3A_48 = tpu.memref_slice %arg3[%add3A_16] : memref<320000xi32, #tpu.memory_space<hbm>> -> memref<400xi32, #tpu.memory_space<hbm>>
      tpu.enqueue_dma source(%dma_start3A_48 : memref<400xi32, #tpu.memory_space<hbm>>) target(%arg17 : memref<400xi32, #tpu.memory_space<vmem>>) target_semaphore(%run_scoped3A : memref<!tpu.dma_semaphore, #tpu.memory_space<semaphore_mem>>)
      %dma_wait3A_49 = tpu.memref_slice %arg3[%add3A_16] : memref<320000xi32, #tpu.memory_space<hbm>> -> memref<400xi32, #tpu.memory_space<hbm>>
      %dma_wait3A_50 = tpu.memref_slice %arg3[%add3A_16] : memref<320000xi32, #tpu.memory_space<hbm>> -> memref<400xi32, #tpu.memory_space<hbm>>
      tpu.wait_dma2 semaphore(%run_scoped3A : memref<!tpu.dma_semaphore, #tpu.memory_space<semaphore_mem>>) src(%dma_wait3A_50 : memref<400xi32, #tpu.memory_space<hbm>>) dst(%arg17 : memref<400xi32, #tpu.memory_space<vmem>>)
      tpu.yield
    }) : () -> ()
    "tpu.region"() ({
      %run_scoped3A = tpu.sem_alloc : memref<!tpu.dma_semaphore, #tpu.memory_space<semaphore_mem>>
      %dma_start3A_47 = tpu.memref_slice %arg4[%add3A_16] : memref<320000xf32, #tpu.memory_space<hbm>> -> memref<400xf32, #tpu.memory_space<hbm>>
      %dma_start3A_48 = tpu.memref_slice %arg4[%add3A_16] : memref<320000xf32, #tpu.memory_space<hbm>> -> memref<400xf32, #tpu.memory_space<hbm>>
      tpu.enqueue_dma source(%dma_start3A_48 : memref<400xf32, #tpu.memory_space<hbm>>) target(%arg18 : memref<400xf32, #tpu.memory_space<vmem>>) target_semaphore(%run_scoped3A : memref<!tpu.dma_semaphore, #tpu.memory_space<semaphore_mem>>)
      %dma_wait3A_49 = tpu.memref_slice %arg4[%add3A_16] : memref<320000xf32, #tpu.memory_space<hbm>> -> memref<400xf32, #tpu.memory_space<hbm>>
      %dma_wait3A_50 = tpu.memref_slice %arg4[%add3A_16] : memref<320000xf32, #tpu.memory_space<hbm>> -> memref<400xf32, #tpu.memory_space<hbm>>
      tpu.wait_dma2 semaphore(%run_scoped3A : memref<!tpu.dma_semaphore, #tpu.memory_space<semaphore_mem>>) src(%dma_wait3A_50 : memref<400xf32, #tpu.memory_space<hbm>>) dst(%arg18 : memref<400xf32, #tpu.memory_space<vmem>>)
      tpu.yield
    }) : () -> ()
    %dma_start3A = arith.constant 0 : i32
    %dma_start3A_17 = arith.constant 0 : i32
    %dma_start3A_18 = tpu.memref_slice %arg8[%dma_start3A, %dma_start3A_17] : memref<10000x64xf32, #tpu.memory_space<hbm>> -> memref<10000x64xf32, #tpu.memory_space<hbm>>
    tpu.enqueue_indirect_dma source(%dma_start3A_18 : memref<10000x64xf32, #tpu.memory_space<hbm>>) target(%arg19 : memref<400x64xf32, #tpu.memory_space<vmem>>) offsets(%arg16 : memref<400xi32, #tpu.memory_space<vmem>>) semaphore(%arg20 : memref<!tpu.dma_semaphore, #tpu.memory_space<semaphore_mem>>)
    %scan3A = arith.constant 0 : i32
    %scan3A_19 = arith.constant 0 : i32
    %scan3A_20 = arith.constant 12 : i32
    %scan3A_21 = arith.addi %scan3A_19, %scan3A_20 : i32
    %scan3A_22 = arith.constant 1 : i32
    %scan3A_23 = scf.for %scan3A_47 = %scan3A_19 to %scan3A_21 step %scan3A_22 iter_args(%scan3A_48 = %scan3A) -> (i32)  : i32 {
      %mul3A_49 = arith.constant 2 : i32
      %mul3A_50 = arith.muli %scan3A_47, %mul3A_49 : i32
      %add3A_51 = arith.constant 1 : i32
      %add3A_52 = arith.addi %mul3A_50, %add3A_51 : i32
      %mul3A_53 = arith.constant 10000 : i32
      %mul3A_54 = arith.muli %add3A, %mul3A_53 : i32
      %mul3A_55 = arith.constant 400 : i32
      %mul3A_56 = arith.muli %add3A_52, %mul3A_55 : i32
      %add3A_57 = arith.addi %mul3A_54, %mul3A_56 : i32
      "tpu.region"() ({
        %run_scoped3A = tpu.sem_alloc : memref<!tpu.dma_semaphore, #tpu.memory_space<semaphore_mem>>
        %dma_start3A_106 = tpu.memref_slice %arg2[%add3A_57] : memref<320000xi32, #tpu.memory_space<hbm>> -> memref<400xi32, #tpu.memory_space<hbm>>
        %dma_start3A_107 = tpu.memref_slice %arg2[%add3A_57] : memref<320000xi32, #tpu.memory_space<hbm>> -> memref<400xi32, #tpu.memory_space<hbm>>
        tpu.enqueue_dma source(%dma_start3A_107 : memref<400xi32, #tpu.memory_space<hbm>>) target(%arg21 : memref<400xi32, #tpu.memory_space<vmem>>) target_semaphore(%run_scoped3A : memref<!tpu.dma_semaphore, #tpu.memory_space<semaphore_mem>>)
        %dma_wait3A_108 = tpu.memref_slice %arg2[%add3A_57] : memref<320000xi32, #tpu.memory_space<hbm>> -> memref<400xi32, #tpu.memory_space<hbm>>
        %dma_wait3A_109 = tpu.memref_slice %arg2[%add3A_57] : memref<320000xi32, #tpu.memory_space<hbm>> -> memref<400xi32, #tpu.memory_space<hbm>>
        tpu.wait_dma2 semaphore(%run_scoped3A : memref<!tpu.dma_semaphore, #tpu.memory_space<semaphore_mem>>) src(%dma_wait3A_109 : memref<400xi32, #tpu.memory_space<hbm>>) dst(%arg21 : memref<400xi32, #tpu.memory_space<vmem>>)
        tpu.yield
      }) : () -> ()
      "tpu.region"() ({
        %run_scoped3A = tpu.sem_alloc : memref<!tpu.dma_semaphore, #tpu.memory_space<semaphore_mem>>
        %dma_start3A_106 = tpu.memref_slice %arg3[%add3A_57] : memref<320000xi32, #tpu.memory_space<hbm>> -> memref<400xi32, #tpu.memory_space<hbm>>
        %dma_start3A_107 = tpu.memref_slice %arg3[%add3A_57] : memref<320000xi32, #tpu.memory_space<hbm>> -> memref<400xi32, #tpu.memory_space<hbm>>
        tpu.enqueue_dma source(%dma_start3A_107 : memref<400xi32, #tpu.memory_space<hbm>>) target(%arg22 : memref<400xi32, #tpu.memory_space<vmem>>) target_semaphore(%run_scoped3A : memref<!tpu.dma_semaphore, #tpu.memory_space<semaphore_mem>>)
        %dma_wait3A_108 = tpu.memref_slice %arg3[%add3A_57] : memref<320000xi32, #tpu.memory_space<hbm>> -> memref<400xi32, #tpu.memory_space<hbm>>
        %dma_wait3A_109 = tpu.memref_slice %arg3[%add3A_57] : memref<320000xi32, #tpu.memory_space<hbm>> -> memref<400xi32, #tpu.memory_space<hbm>>
        tpu.wait_dma2 semaphore(%run_scoped3A : memref<!tpu.dma_semaphore, #tpu.memory_space<semaphore_mem>>) src(%dma_wait3A_109 : memref<400xi32, #tpu.memory_space<hbm>>) dst(%arg22 : memref<400xi32, #tpu.memory_space<vmem>>)
        tpu.yield
      }) : () -> ()
      "tpu.region"() ({
        %run_scoped3A = tpu.sem_alloc : memref<!tpu.dma_semaphore, #tpu.memory_space<semaphore_mem>>
        %dma_start3A_106 = tpu.memref_slice %arg4[%add3A_57] : memref<320000xf32, #tpu.memory_space<hbm>> -> memref<400xf32, #tpu.memory_space<hbm>>
        %dma_start3A_107 = tpu.memref_slice %arg4[%add3A_57] : memref<320000xf32, #tpu.memory_space<hbm>> -> memref<400xf32, #tpu.memory_space<hbm>>
        tpu.enqueue_dma source(%dma_start3A_107 : memref<400xf32, #tpu.memory_space<hbm>>) target(%arg23 : memref<400xf32, #tpu.memory_space<vmem>>) target_semaphore(%run_scoped3A : memref<!tpu.dma_semaphore, #tpu.memory_space<semaphore_mem>>)
        %dma_wait3A_108 = tpu.memref_slice %arg4[%add3A_57] : memref<320000xf32, #tpu.memory_space<hbm>> -> memref<400xf32, #tpu.memory_space<hbm>>
        %dma_wait3A_109 = tpu.memref_slice %arg4[%add3A_57] : memref<320000xf32, #tpu.memory_space<hbm>> -> memref<400xf32, #tpu.memory_space<hbm>>
        tpu.wait_dma2 semaphore(%run_scoped3A : memref<!tpu.dma_semaphore, #tpu.memory_space<semaphore_mem>>) src(%dma_wait3A_109 : memref<400xf32, #tpu.memory_space<hbm>>) dst(%arg23 : memref<400xf32, #tpu.memory_space<vmem>>)
        tpu.yield
      }) : () -> ()
      %dma_start3A_58 = arith.constant 0 : i32
      %dma_start3A_59 = arith.constant 0 : i32
      %dma_start3A_60 = tpu.memref_slice %arg8[%dma_start3A_58, %dma_start3A_59] : memref<10000x64xf32, #tpu.memory_space<hbm>> -> memref<10000x64xf32, #tpu.memory_space<hbm>>
      tpu.enqueue_indirect_dma source(%dma_start3A_60 : memref<10000x64xf32, #tpu.memory_space<hbm>>) target(%arg24 : memref<400x64xf32, #tpu.memory_space<vmem>>) offsets(%arg21 : memref<400xi32, #tpu.memory_space<vmem>>) semaphore(%arg25 : memref<!tpu.dma_semaphore, #tpu.memory_space<semaphore_mem>>)
      %scan3A_61 = arith.constant 0 : i32
      %scan3A_62 = arith.constant 0 : i32
      %scan3A_63 = arith.constant 25 : i32
      %scan3A_64 = arith.addi %scan3A_62, %scan3A_63 : i32
      %scan3A_65 = arith.constant 1 : i32
      %scan3A_66 = scf.for %scan3A_106 = %scan3A_62 to %scan3A_64 step %scan3A_65 iter_args(%scan3A_107 = %scan3A_61) -> (i32)  : i32 {
        %mul3A_108 = arith.constant 16 : i32
        %mul3A_109 = arith.muli %scan3A_106, %mul3A_108 : i32
        %multiple_of3A = tpu.assume_multiple %mul3A_109, 16 : i32
        %get3A_110 = arith.index_cast %multiple_of3A : i32 to index
        %get3A_111 = tpu.vector_load %arg16[%get3A_110] {strides = array<i32>} : memref<400xi32, #tpu.memory_space<vmem>>, vector<16xi32>,
        %gather3A = tpu.vector_load_idx %arg13[%get3A_111] : memref<10000xf32, #tpu.memory_space<vmem>>[vector<16xi32>], vector<16xf32>,
        %get3A_112 = arith.index_cast %multiple_of3A : i32 to index
        %get3A_113 = tpu.vector_load %arg17[%get3A_112] {strides = array<i32>} : memref<400xi32, #tpu.memory_space<vmem>>, vector<16xi32>,
        %gather3A_114 = tpu.vector_load_idx %arg14[%get3A_113] : memref<10000xf32, #tpu.memory_space<vmem>>[vector<16xi32>], vector<16xf32>,
        %add3A_115 = arith.addf %gather3A, %gather3A_114 : vector<16xf32>
        %get3A_116 = arith.index_cast %multiple_of3A : i32 to index
        %get3A_117 = tpu.vector_load %arg18[%get3A_116] {strides = array<i32>} : memref<400xf32, #tpu.memory_space<vmem>>, vector<16xf32>,
        %add3A_118 = arith.addf %add3A_115, %get3A_117 : vector<16xf32>
        %gt3A = arith.constant 0.000000e+00 : f32
        %gt3A_119 = vector.broadcast %gt3A : f32 to vector<16xf32>
        %gt3A_120 = arith.cmpf ogt, %add3A_118, %gt3A_119 : vector<16xf32>
        %mul3A_121 = arith.constant 2.000000e-01 : f32
        %mul3A_122 = vector.broadcast %mul3A_121 : f32 to vector<16xf32>
        %mul3A_123 = arith.mulf %mul3A_122, %add3A_118 : vector<16xf32>
        %select_n3A_124 = arith.select %gt3A_120, %add3A_118, %mul3A_123 : vector<16xi1>, vector<16xf32>
        %sub3A = arith.subf %select_n3A_124, %get3A_8 : vector<16xf32>
        %exp3A = math.exp %sub3A : vector<16xf32>
        %swap3A = arith.index_cast %multiple_of3A : i32 to index
        %swap3A_125 = tpu.vector_load %arg26[%swap3A] {strides = array<i32>} : memref<400xf32, #tpu.memory_space<vmem>>, vector<16xf32>,
        tpu.vector_store %arg26[%swap3A], %exp3A {strides = array<i32>} : memref<400xf32, #tpu.memory_space<vmem>>, vector<16xf32>,
        %scan3A_126 = arith.constant 0 : i32
        scf.yield %scan3A_126 : i32
      }
      %scan3A_67 = arith.constant 25 : i32
      %dma_wait3A_68 = arith.constant 0 : i32
      %dma_wait3A_69 = arith.constant 0 : i32
      %dma_wait3A_70 = tpu.memref_slice %arg8[%dma_wait3A_68, %dma_wait3A_69] : memref<10000x64xf32, #tpu.memory_space<hbm>> -> memref<10000x64xf32, #tpu.memory_space<hbm>>
      tpu.wait_indirect_dma semaphore(%arg20 : memref<!tpu.dma_semaphore, #tpu.memory_space<semaphore_mem>>) src(%dma_wait3A_70 : memref<10000x64xf32, #tpu.memory_space<hbm>>) dst(%arg19 : memref<400x64xf32, #tpu.memory_space<vmem>>)
      %scan3A_71 = arith.constant 0 : i32
      %scan3A_72 = arith.constant 0 : i32
      %scan3A_73 = arith.constant 400 : i32
      %scan3A_74 = arith.addi %scan3A_72, %scan3A_73 : i32
      %scan3A_75 = arith.constant 1 : i32
      %scan3A_76 = scf.for %scan3A_106 = %scan3A_72 to %scan3A_74 step %scan3A_75 iter_args(%scan3A_107 = %scan3A_71) -> (i32)  : i32 {
        %broadcast_in_dim3A_108 = vector.broadcast %scan3A_106 : i32 to vector<16xi32>
        %gather3A = tpu.vector_load_idx %arg26[%broadcast_in_dim3A_108] : memref<400xf32, #tpu.memory_space<vmem>>[vector<16xi32>], vector<16xf32>,
        %get3A_109 = arith.index_cast %scan3A_106 : i32 to index
        %get3A_110 = arith.constant 0 : index
        %get3A_111 = tpu.vector_load %arg19[%get3A_109, %get3A_110] {strides = array<i32>} : memref<400x64xf32, #tpu.memory_space<vmem>>, vector<16xf32>,
        %mul3A_112 = arith.mulf %get3A_111, %gather3A : vector<16xf32>
        %swap3A = arith.index_cast %scan3A_106 : i32 to index
        %swap3A_113 = arith.constant 0 : index
        %swap3A_114 = tpu.vector_load %arg19[%swap3A, %swap3A_113] {strides = array<i32>} : memref<400x64xf32, #tpu.memory_space<vmem>>, vector<16xf32>,
        tpu.vector_store %arg19[%swap3A, %swap3A_113], %mul3A_112 {strides = array<i32>} : memref<400x64xf32, #tpu.memory_space<vmem>>, vector<16xf32>,
        %get3A_115 = arith.index_cast %scan3A_106 : i32 to index
        %get3A_116 = arith.constant 16 : index
        %get3A_117 = tpu.vector_load %arg19[%get3A_115, %get3A_116] {strides = array<i32>} : memref<400x64xf32, #tpu.memory_space<vmem>>, vector<16xf32>,
        %mul3A_118 = arith.mulf %get3A_117, %gather3A : vector<16xf32>
        %swap3A_119 = arith.index_cast %scan3A_106 : i32 to index
        %swap3A_120 = arith.constant 16 : index
        %swap3A_121 = tpu.vector_load %arg19[%swap3A_119, %swap3A_120] {strides = array<i32>} : memref<400x64xf32, #tpu.memory_space<vmem>>, vector<16xf32>,
        tpu.vector_store %arg19[%swap3A_119, %swap3A_120], %mul3A_118 {strides = array<i32>} : memref<400x64xf32, #tpu.memory_space<vmem>>, vector<16xf32>,
        %get3A_122 = arith.index_cast %scan3A_106 : i32 to index
        %get3A_123 = arith.constant 32 : index
        %get3A_124 = tpu.vector_load %arg19[%get3A_122, %get3A_123] {strides = array<i32>} : memref<400x64xf32, #tpu.memory_space<vmem>>, vector<16xf32>,
        %mul3A_125 = arith.mulf %get3A_124, %gather3A : vector<16xf32>
        %swap3A_126 = arith.index_cast %scan3A_106 : i32 to index
        %swap3A_127 = arith.constant 32 : index
        %swap3A_128 = tpu.vector_load %arg19[%swap3A_126, %swap3A_127] {strides = array<i32>} : memref<400x64xf32, #tpu.memory_space<vmem>>, vector<16xf32>,
        tpu.vector_store %arg19[%swap3A_126, %swap3A_127], %mul3A_125 {strides = array<i32>} : memref<400x64xf32, #tpu.memory_space<vmem>>, vector<16xf32>,
        %get3A_129 = arith.index_cast %scan3A_106 : i32 to index
        %get3A_130 = arith.constant 48 : index
        %get3A_131 = tpu.vector_load %arg19[%get3A_129, %get3A_130] {strides = array<i32>} : memref<400x64xf32, #tpu.memory_space<vmem>>, vector<16xf32>,
        %mul3A_132 = arith.mulf %get3A_131, %gather3A : vector<16xf32>
        %swap3A_133 = arith.index_cast %scan3A_106 : i32 to index
        %swap3A_134 = arith.constant 48 : index
        %swap3A_135 = tpu.vector_load %arg19[%swap3A_133, %swap3A_134] {strides = array<i32>} : memref<400x64xf32, #tpu.memory_space<vmem>>, vector<16xf32>,
        tpu.vector_store %arg19[%swap3A_133, %swap3A_134], %mul3A_132 {strides = array<i32>} : memref<400x64xf32, #tpu.memory_space<vmem>>, vector<16xf32>,
        %mul3A_136 = arith.mulf %select_n3A, %gather3A : vector<16xf32>
        %swap3A_137 = arith.index_cast %scan3A_106 : i32 to index
        %swap3A_138 = arith.constant 0 : index
        %swap3A_139 = tpu.vector_load %arg27[%swap3A_137, %swap3A_138] {strides = array<i32>} : memref<400x16xf32, #tpu.memory_space<vmem>>, vector<16xf32>,
        tpu.vector_store %arg27[%swap3A_137, %swap3A_138], %mul3A_136 {strides = array<i32>} : memref<400x16xf32, #tpu.memory_space<vmem>>, vector<16xf32>,
        %scan3A_140 = arith.constant 0 : i32
        scf.yield %scan3A_140 : i32
      }
      %scan3A_77 = arith.constant 400 : i32
      "tpu.region"() ({
        %run_scoped3A = tpu.sem_alloc : memref<!tpu.dma_semaphore, #tpu.memory_space<semaphore_mem>>
        %dma_start3A_106 = arith.constant 0 : i32
        %dma_start3A_107 = arith.constant 0 : i32
        %dma_start3A_108 = tpu.memref_slice %arg28[%dma_start3A_106, %dma_start3A_107] : memref<10000x64xf32, #tpu.memory_space<vmem_shared>> -> memref<10000x64xf32, #tpu.memory_space<vmem_shared>>
        tpu.enqueue_indirect_dma source(%arg19 : memref<400x64xf32, #tpu.memory_space<vmem>>) target(%dma_start3A_108 : memref<10000x64xf32, #tpu.memory_space<vmem_shared>>) offsets(%arg17 : memref<400xi32, #tpu.memory_space<vmem>>) semaphore(%run_scoped3A : memref<!tpu.dma_semaphore, #tpu.memory_space<semaphore_mem>>) {add = true}
        %dma_wait3A_109 = arith.constant 0 : i32
        %dma_wait3A_110 = arith.constant 0 : i32
        %dma_wait3A_111 = tpu.memref_slice %arg28[%dma_wait3A_109, %dma_wait3A_110] : memref<10000x64xf32, #tpu.memory_space<vmem_shared>> -> memref<10000x64xf32, #tpu.memory_space<vmem_shared>>
        tpu.wait_indirect_dma semaphore(%run_scoped3A : memref<!tpu.dma_semaphore, #tpu.memory_space<semaphore_mem>>) src(%arg19 : memref<400x64xf32, #tpu.memory_space<vmem>>) dst(%dma_wait3A_111 : memref<10000x64xf32, #tpu.memory_space<vmem_shared>>)
        tpu.yield
      }) : () -> ()
      "tpu.region"() ({
        %run_scoped3A = tpu.sem_alloc : memref<!tpu.dma_semaphore, #tpu.memory_space<semaphore_mem>>
        %dma_start3A_106 = arith.constant 0 : i32
        %dma_start3A_107 = arith.constant 0 : i32
        %dma_start3A_108 = tpu.memref_slice %arg29[%dma_start3A_106, %dma_start3A_107] : memref<10000x16xf32, #tpu.memory_space<vmem_shared>> -> memref<10000x16xf32, #tpu.memory_space<vmem_shared>>
        tpu.enqueue_indirect_dma source(%arg27 : memref<400x16xf32, #tpu.memory_space<vmem>>) target(%dma_start3A_108 : memref<10000x16xf32, #tpu.memory_space<vmem_shared>>) offsets(%arg17 : memref<400xi32, #tpu.memory_space<vmem>>) semaphore(%run_scoped3A : memref<!tpu.dma_semaphore, #tpu.memory_space<semaphore_mem>>) {add = true}
        %dma_wait3A_109 = arith.constant 0 : i32
        %dma_wait3A_110 = arith.constant 0 : i32
        %dma_wait3A_111 = tpu.memref_slice %arg29[%dma_wait3A_109, %dma_wait3A_110] : memref<10000x16xf32, #tpu.memory_space<vmem_shared>> -> memref<10000x16xf32, #tpu.memory_space<vmem_shared>>
        tpu.wait_indirect_dma semaphore(%run_scoped3A : memref<!tpu.dma_semaphore, #tpu.memory_space<semaphore_mem>>) src(%arg27 : memref<400x16xf32, #tpu.memory_space<vmem>>) dst(%dma_wait3A_111 : memref<10000x16xf32, #tpu.memory_space<vmem_shared>>)
        tpu.yield
      }) : () -> ()
      %add3A_78 = arith.constant 2 : i32
      %add3A_79 = arith.addi %mul3A_50, %add3A_78 : i32
      %mul3A_80 = arith.constant 10000 : i32
      %mul3A_81 = arith.muli %add3A, %mul3A_80 : i32
      %mul3A_82 = arith.constant 400 : i32
      %mul3A_83 = arith.muli %add3A_79, %mul3A_82 : i32
      %add3A_84 = arith.addi %mul3A_81, %mul3A_83 : i32
      "tpu.region"() ({
        %run_scoped3A = tpu.sem_alloc : memref<!tpu.dma_semaphore, #tpu.memory_space<semaphore_mem>>
        %dma_start3A_106 = tpu.memref_slice %arg2[%add3A_84] : memref<320000xi32, #tpu.memory_space<hbm>> -> memref<400xi32, #tpu.memory_space<hbm>>
        %dma_start3A_107 = tpu.memref_slice %arg2[%add3A_84] : memref<320000xi32, #tpu.memory_space<hbm>> -> memref<400xi32, #tpu.memory_space<hbm>>
        tpu.enqueue_dma source(%dma_start3A_107 : memref<400xi32, #tpu.memory_space<hbm>>) target(%arg16 : memref<400xi32, #tpu.memory_space<vmem>>) target_semaphore(%run_scoped3A : memref<!tpu.dma_semaphore, #tpu.memory_space<semaphore_mem>>)
        %dma_wait3A_108 = tpu.memref_slice %arg2[%add3A_84] : memref<320000xi32, #tpu.memory_space<hbm>> -> memref<400xi32, #tpu.memory_space<hbm>>
        %dma_wait3A_109 = tpu.memref_slice %arg2[%add3A_84] : memref<320000xi32, #tpu.memory_space<hbm>> -> memref<400xi32, #tpu.memory_space<hbm>>
        tpu.wait_dma2 semaphore(%run_scoped3A : memref<!tpu.dma_semaphore, #tpu.memory_space<semaphore_mem>>) src(%dma_wait3A_109 : memref<400xi32, #tpu.memory_space<hbm>>) dst(%arg16 : memref<400xi32, #tpu.memory_space<vmem>>)
        tpu.yield
      }) : () -> ()
      "tpu.region"() ({
        %run_scoped3A = tpu.sem_alloc : memref<!tpu.dma_semaphore, #tpu.memory_space<semaphore_mem>>
        %dma_start3A_106 = tpu.memref_slice %arg3[%add3A_84] : memref<320000xi32, #tpu.memory_space<hbm>> -> memref<400xi32, #tpu.memory_space<hbm>>
        %dma_start3A_107 = tpu.memref_slice %arg3[%add3A_84] : memref<320000xi32, #tpu.memory_space<hbm>> -> memref<400xi32, #tpu.memory_space<hbm>>
        tpu.enqueue_dma source(%dma_start3A_107 : memref<400xi32, #tpu.memory_space<hbm>>) target(%arg17 : memref<400xi32, #tpu.memory_space<vmem>>) target_semaphore(%run_scoped3A : memref<!tpu.dma_semaphore, #tpu.memory_space<semaphore_mem>>)
        %dma_wait3A_108 = tpu.memref_slice %arg3[%add3A_84] : memref<320000xi32, #tpu.memory_space<hbm>> -> memref<400xi32, #tpu.memory_space<hbm>>
        %dma_wait3A_109 = tpu.memref_slice %arg3[%add3A_84] : memref<320000xi32, #tpu.memory_space<hbm>> -> memref<400xi32, #tpu.memory_space<hbm>>
        tpu.wait_dma2 semaphore(%run_scoped3A : memref<!tpu.dma_semaphore, #tpu.memory_space<semaphore_mem>>) src(%dma_wait3A_109 : memref<400xi32, #tpu.memory_space<hbm>>) dst(%arg17 : memref<400xi32, #tpu.memory_space<vmem>>)
        tpu.yield
      }) : () -> ()
      "tpu.region"() ({
        %run_scoped3A = tpu.sem_alloc : memref<!tpu.dma_semaphore, #tpu.memory_space<semaphore_mem>>
        %dma_start3A_106 = tpu.memref_slice %arg4[%add3A_84] : memref<320000xf32, #tpu.memory_space<hbm>> -> memref<400xf32, #tpu.memory_space<hbm>>
        %dma_start3A_107 = tpu.memref_slice %arg4[%add3A_84] : memref<320000xf32, #tpu.memory_space<hbm>> -> memref<400xf32, #tpu.memory_space<hbm>>
        tpu.enqueue_dma source(%dma_start3A_107 : memref<400xf32, #tpu.memory_space<hbm>>) target(%arg18 : memref<400xf32, #tpu.memory_space<vmem>>) target_semaphore(%run_scoped3A : memref<!tpu.dma_semaphore, #tpu.memory_space<semaphore_mem>>)
        %dma_wait3A_108 = tpu.memref_slice %arg4[%add3A_84] : memref<320000xf32, #tpu.memory_space<hbm>> -> memref<400xf32, #tpu.memory_space<hbm>>
        %dma_wait3A_109 = tpu.memref_slice %arg4[%add3A_84] : memref<320000xf32, #tpu.memory_space<hbm>> -> memref<400xf32, #tpu.memory_space<hbm>>
        tpu.wait_dma2 semaphore(%run_scoped3A : memref<!tpu.dma_semaphore, #tpu.memory_space<semaphore_mem>>) src(%dma_wait3A_109 : memref<400xf32, #tpu.memory_space<hbm>>) dst(%arg18 : memref<400xf32, #tpu.memory_space<vmem>>)
        tpu.yield
      }) : () -> ()
      %dma_start3A_85 = arith.constant 0 : i32
      %dma_start3A_86 = arith.constant 0 : i32
      %dma_start3A_87 = tpu.memref_slice %arg8[%dma_start3A_85, %dma_start3A_86] : memref<10000x64xf32, #tpu.memory_space<hbm>> -> memref<10000x64xf32, #tpu.memory_space<hbm>>
      tpu.enqueue_indirect_dma source(%dma_start3A_87 : memref<10000x64xf32, #tpu.memory_space<hbm>>) target(%arg19 : memref<400x64xf32, #tpu.memory_space<vmem>>) offsets(%arg16 : memref<400xi32, #tpu.memory_space<vmem>>) semaphore(%arg20 : memref<!tpu.dma_semaphore, #tpu.memory_space<semaphore_mem>>)
      %scan3A_88 = arith.constant 0 : i32
      %scan3A_89 = arith.constant 0 : i32
      %scan3A_90 = arith.constant 25 : i32
      %scan3A_91 = arith.addi %scan3A_89, %scan3A_90 : i32
      %scan3A_92 = arith.constant 1 : i32
      %scan3A_93 = scf.for %scan3A_106 = %scan3A_89 to %scan3A_91 step %scan3A_92 iter_args(%scan3A_107 = %scan3A_88) -> (i32)  : i32 {
        %mul3A_108 = arith.constant 16 : i32
        %mul3A_109 = arith.muli %scan3A_106, %mul3A_108 : i32
        %multiple_of3A = tpu.assume_multiple %mul3A_109, 16 : i32
        %get3A_110 = arith.index_cast %multiple_of3A : i32 to index
        %get3A_111 = tpu.vector_load %arg21[%get3A_110] {strides = array<i32>} : memref<400xi32, #tpu.memory_space<vmem>>, vector<16xi32>,
        %gather3A = tpu.vector_load_idx %arg13[%get3A_111] : memref<10000xf32, #tpu.memory_space<vmem>>[vector<16xi32>], vector<16xf32>,
        %get3A_112 = arith.index_cast %multiple_of3A : i32 to index
        %get3A_113 = tpu.vector_load %arg22[%get3A_112] {strides = array<i32>} : memref<400xi32, #tpu.memory_space<vmem>>, vector<16xi32>,
        %gather3A_114 = tpu.vector_load_idx %arg14[%get3A_113] : memref<10000xf32, #tpu.memory_space<vmem>>[vector<16xi32>], vector<16xf32>,
        %add3A_115 = arith.addf %gather3A, %gather3A_114 : vector<16xf32>
        %get3A_116 = arith.index_cast %multiple_of3A : i32 to index
        %get3A_117 = tpu.vector_load %arg23[%get3A_116] {strides = array<i32>} : memref<400xf32, #tpu.memory_space<vmem>>, vector<16xf32>,
        %add3A_118 = arith.addf %add3A_115, %get3A_117 : vector<16xf32>
        %gt3A = arith.constant 0.000000e+00 : f32
        %gt3A_119 = vector.broadcast %gt3A : f32 to vector<16xf32>
        %gt3A_120 = arith.cmpf ogt, %add3A_118, %gt3A_119 : vector<16xf32>
        %mul3A_121 = arith.constant 2.000000e-01 : f32
        %mul3A_122 = vector.broadcast %mul3A_121 : f32 to vector<16xf32>
        %mul3A_123 = arith.mulf %mul3A_122, %add3A_118 : vector<16xf32>
        %select_n3A_124 = arith.select %gt3A_120, %add3A_118, %mul3A_123 : vector<16xi1>, vector<16xf32>
        %sub3A = arith.subf %select_n3A_124, %get3A_8 : vector<16xf32>
        %exp3A = math.exp %sub3A : vector<16xf32>
        %swap3A = arith.index_cast %multiple_of3A : i32 to index
        %swap3A_125 = tpu.vector_load %arg26[%swap3A] {strides = array<i32>} : memref<400xf32, #tpu.memory_space<vmem>>, vector<16xf32>,
        tpu.vector_store %arg26[%swap3A], %exp3A {strides = array<i32>} : memref<400xf32, #tpu.memory_space<vmem>>, vector<16xf32>,
        %scan3A_126 = arith.constant 0 : i32
        scf.yield %scan3A_126 : i32
      }
      %scan3A_94 = arith.constant 25 : i32
      %dma_wait3A_95 = arith.constant 0 : i32
      %dma_wait3A_96 = arith.constant 0 : i32
      %dma_wait3A_97 = tpu.memref_slice %arg8[%dma_wait3A_95, %dma_wait3A_96] : memref<10000x64xf32, #tpu.memory_space<hbm>> -> memref<10000x64xf32, #tpu.memory_space<hbm>>
      tpu.wait_indirect_dma semaphore(%arg25 : memref<!tpu.dma_semaphore, #tpu.memory_space<semaphore_mem>>) src(%dma_wait3A_97 : memref<10000x64xf32, #tpu.memory_space<hbm>>) dst(%arg24 : memref<400x64xf32, #tpu.memory_space<vmem>>)
      %scan3A_98 = arith.constant 0 : i32
      %scan3A_99 = arith.constant 0 : i32
      %scan3A_100 = arith.constant 400 : i32
      %scan3A_101 = arith.addi %scan3A_99, %scan3A_100 : i32
      %scan3A_102 = arith.constant 1 : i32
      %scan3A_103 = scf.for %scan3A_106 = %scan3A_99 to %scan3A_101 step %scan3A_102 iter_args(%scan3A_107 = %scan3A_98) -> (i32)  : i32 {
        %broadcast_in_dim3A_108 = vector.broadcast %scan3A_106 : i32 to vector<16xi32>
        %gather3A = tpu.vector_load_idx %arg26[%broadcast_in_dim3A_108] : memref<400xf32, #tpu.memory_space<vmem>>[vector<16xi32>], vector<16xf32>,
        %get3A_109 = arith.index_cast %scan3A_106 : i32 to index
        %get3A_110 = arith.constant 0 : index
        %get3A_111 = tpu.vector_load %arg24[%get3A_109, %get3A_110] {strides = array<i32>} : memref<400x64xf32, #tpu.memory_space<vmem>>, vector<16xf32>,
        %mul3A_112 = arith.mulf %get3A_111, %gather3A : vector<16xf32>
        %swap3A = arith.index_cast %scan3A_106 : i32 to index
        %swap3A_113 = arith.constant 0 : index
        %swap3A_114 = tpu.vector_load %arg24[%swap3A, %swap3A_113] {strides = array<i32>} : memref<400x64xf32, #tpu.memory_space<vmem>>, vector<16xf32>,
        tpu.vector_store %arg24[%swap3A, %swap3A_113], %mul3A_112 {strides = array<i32>} : memref<400x64xf32, #tpu.memory_space<vmem>>, vector<16xf32>,
        %get3A_115 = arith.index_cast %scan3A_106 : i32 to index
        %get3A_116 = arith.constant 16 : index
        %get3A_117 = tpu.vector_load %arg24[%get3A_115, %get3A_116] {strides = array<i32>} : memref<400x64xf32, #tpu.memory_space<vmem>>, vector<16xf32>,
        %mul3A_118 = arith.mulf %get3A_117, %gather3A : vector<16xf32>
        %swap3A_119 = arith.index_cast %scan3A_106 : i32 to index
        %swap3A_120 = arith.constant 16 : index
        %swap3A_121 = tpu.vector_load %arg24[%swap3A_119, %swap3A_120] {strides = array<i32>} : memref<400x64xf32, #tpu.memory_space<vmem>>, vector<16xf32>,
        tpu.vector_store %arg24[%swap3A_119, %swap3A_120], %mul3A_118 {strides = array<i32>} : memref<400x64xf32, #tpu.memory_space<vmem>>, vector<16xf32>,
        %get3A_122 = arith.index_cast %scan3A_106 : i32 to index
        %get3A_123 = arith.constant 32 : index
        %get3A_124 = tpu.vector_load %arg24[%get3A_122, %get3A_123] {strides = array<i32>} : memref<400x64xf32, #tpu.memory_space<vmem>>, vector<16xf32>,
        %mul3A_125 = arith.mulf %get3A_124, %gather3A : vector<16xf32>
        %swap3A_126 = arith.index_cast %scan3A_106 : i32 to index
        %swap3A_127 = arith.constant 32 : index
        %swap3A_128 = tpu.vector_load %arg24[%swap3A_126, %swap3A_127] {strides = array<i32>} : memref<400x64xf32, #tpu.memory_space<vmem>>, vector<16xf32>,
        tpu.vector_store %arg24[%swap3A_126, %swap3A_127], %mul3A_125 {strides = array<i32>} : memref<400x64xf32, #tpu.memory_space<vmem>>, vector<16xf32>,
        %get3A_129 = arith.index_cast %scan3A_106 : i32 to index
        %get3A_130 = arith.constant 48 : index
        %get3A_131 = tpu.vector_load %arg24[%get3A_129, %get3A_130] {strides = array<i32>} : memref<400x64xf32, #tpu.memory_space<vmem>>, vector<16xf32>,
        %mul3A_132 = arith.mulf %get3A_131, %gather3A : vector<16xf32>
        %swap3A_133 = arith.index_cast %scan3A_106 : i32 to index
        %swap3A_134 = arith.constant 48 : index
        %swap3A_135 = tpu.vector_load %arg24[%swap3A_133, %swap3A_134] {strides = array<i32>} : memref<400x64xf32, #tpu.memory_space<vmem>>, vector<16xf32>,
        tpu.vector_store %arg24[%swap3A_133, %swap3A_134], %mul3A_132 {strides = array<i32>} : memref<400x64xf32, #tpu.memory_space<vmem>>, vector<16xf32>,
        %mul3A_136 = arith.mulf %select_n3A, %gather3A : vector<16xf32>
        %swap3A_137 = arith.index_cast %scan3A_106 : i32 to index
        %swap3A_138 = arith.constant 0 : index
        %swap3A_139 = tpu.vector_load %arg27[%swap3A_137, %swap3A_138] {strides = array<i32>} : memref<400x16xf32, #tpu.memory_space<vmem>>, vector<16xf32>,
        tpu.vector_store %arg27[%swap3A_137, %swap3A_138], %mul3A_136 {strides = array<i32>} : memref<400x16xf32, #tpu.memory_space<vmem>>, vector<16xf32>,
        %scan3A_140 = arith.constant 0 : i32
        scf.yield %scan3A_140 : i32
      }
      %scan3A_104 = arith.constant 400 : i32
      "tpu.region"() ({
        %run_scoped3A = tpu.sem_alloc : memref<!tpu.dma_semaphore, #tpu.memory_space<semaphore_mem>>
        %dma_start3A_106 = arith.constant 0 : i32
        %dma_start3A_107 = arith.constant 0 : i32
        %dma_start3A_108 = tpu.memref_slice %arg28[%dma_start3A_106, %dma_start3A_107] : memref<10000x64xf32, #tpu.memory_space<vmem_shared>> -> memref<10000x64xf32, #tpu.memory_space<vmem_shared>>
        tpu.enqueue_indirect_dma source(%arg24 : memref<400x64xf32, #tpu.memory_space<vmem>>) target(%dma_start3A_108 : memref<10000x64xf32, #tpu.memory_space<vmem_shared>>) offsets(%arg22 : memref<400xi32, #tpu.memory_space<vmem>>) semaphore(%run_scoped3A : memref<!tpu.dma_semaphore, #tpu.memory_space<semaphore_mem>>) {add = true}
        %dma_wait3A_109 = arith.constant 0 : i32
        %dma_wait3A_110 = arith.constant 0 : i32
        %dma_wait3A_111 = tpu.memref_slice %arg28[%dma_wait3A_109, %dma_wait3A_110] : memref<10000x64xf32, #tpu.memory_space<vmem_shared>> -> memref<10000x64xf32, #tpu.memory_space<vmem_shared>>
        tpu.wait_indirect_dma semaphore(%run_scoped3A : memref<!tpu.dma_semaphore, #tpu.memory_space<semaphore_mem>>) src(%arg24 : memref<400x64xf32, #tpu.memory_space<vmem>>) dst(%dma_wait3A_111 : memref<10000x64xf32, #tpu.memory_space<vmem_shared>>)
        tpu.yield
      }) : () -> ()
      "tpu.region"() ({
        %run_scoped3A = tpu.sem_alloc : memref<!tpu.dma_semaphore, #tpu.memory_space<semaphore_mem>>
        %dma_start3A_106 = arith.constant 0 : i32
        %dma_start3A_107 = arith.constant 0 : i32
        %dma_start3A_108 = tpu.memref_slice %arg29[%dma_start3A_106, %dma_start3A_107] : memref<10000x16xf32, #tpu.memory_space<vmem_shared>> -> memref<10000x16xf32, #tpu.memory_space<vmem_shared>>
        tpu.enqueue_indirect_dma source(%arg27 : memref<400x16xf32, #tpu.memory_space<vmem>>) target(%dma_start3A_108 : memref<10000x16xf32, #tpu.memory_space<vmem_shared>>) offsets(%arg22 : memref<400xi32, #tpu.memory_space<vmem>>) semaphore(%run_scoped3A : memref<!tpu.dma_semaphore, #tpu.memory_space<semaphore_mem>>) {add = true}
        %dma_wait3A_109 = arith.constant 0 : i32
        %dma_wait3A_110 = arith.constant 0 : i32
        %dma_wait3A_111 = tpu.memref_slice %arg29[%dma_wait3A_109, %dma_wait3A_110] : memref<10000x16xf32, #tpu.memory_space<vmem_shared>> -> memref<10000x16xf32, #tpu.memory_space<vmem_shared>>
        tpu.wait_indirect_dma semaphore(%run_scoped3A : memref<!tpu.dma_semaphore, #tpu.memory_space<semaphore_mem>>) src(%arg27 : memref<400x16xf32, #tpu.memory_space<vmem>>) dst(%dma_wait3A_111 : memref<10000x16xf32, #tpu.memory_space<vmem_shared>>)
        tpu.yield
      }) : () -> ()
      %scan3A_105 = arith.constant 0 : i32
      scf.yield %scan3A_105 : i32
    }
    %scan3A_24 = arith.constant 12 : i32
    %scan3A_25 = arith.constant 0 : i32
    %scan3A_26 = arith.constant 0 : i32
    %scan3A_27 = arith.constant 25 : i32
    %scan3A_28 = arith.addi %scan3A_26, %scan3A_27 : i32
    %scan3A_29 = arith.constant 1 : i32
    %scan3A_30 = scf.for %scan3A_47 = %scan3A_26 to %scan3A_28 step %scan3A_29 iter_args(%scan3A_48 = %scan3A_25) -> (i32)  : i32 {
      %mul3A_49 = arith.constant 16 : i32
      %mul3A_50 = arith.muli %scan3A_47, %mul3A_49 : i32
      %multiple_of3A = tpu.assume_multiple %mul3A_50, 16 : i32
      %get3A_51 = arith.index_cast %multiple_of3A : i32 to index
      %get3A_52 = tpu.vector_load %arg16[%get3A_51] {strides = array<i32>} : memref<400xi32, #tpu.memory_space<vmem>>, vector<16xi32>,
      %gather3A = tpu.vector_load_idx %arg13[%get3A_52] : memref<10000xf32, #tpu.memory_space<vmem>>[vector<16xi32>], vector<16xf32>,
      %get3A_53 = arith.index_cast %multiple_of3A : i32 to index
      %get3A_54 = tpu.vector_load %arg17[%get3A_53] {strides = array<i32>} : memref<400xi32, #tpu.memory_space<vmem>>, vector<16xi32>,
      %gather3A_55 = tpu.vector_load_idx %arg14[%get3A_54] : memref<10000xf32, #tpu.memory_space<vmem>>[vector<16xi32>], vector<16xf32>,
      %add3A_56 = arith.addf %gather3A, %gather3A_55 : vector<16xf32>
      %get3A_57 = arith.index_cast %multiple_of3A : i32 to index
      %get3A_58 = tpu.vector_load %arg18[%get3A_57] {strides = array<i32>} : memref<400xf32, #tpu.memory_space<vmem>>, vector<16xf32>,
      %add3A_59 = arith.addf %add3A_56, %get3A_58 : vector<16xf32>
      %gt3A = arith.constant 0.000000e+00 : f32
      %gt3A_60 = vector.broadcast %gt3A : f32 to vector<16xf32>
      %gt3A_61 = arith.cmpf ogt, %add3A_59, %gt3A_60 : vector<16xf32>
      %mul3A_62 = arith.constant 2.000000e-01 : f32
      %mul3A_63 = vector.broadcast %mul3A_62 : f32 to vector<16xf32>
      %mul3A_64 = arith.mulf %mul3A_63, %add3A_59 : vector<16xf32>
      %select_n3A_65 = arith.select %gt3A_61, %add3A_59, %mul3A_64 : vector<16xi1>, vector<16xf32>
      %sub3A = arith.subf %select_n3A_65, %get3A_8 : vector<16xf32>
      %exp3A = math.exp %sub3A : vector<16xf32>
      %swap3A = arith.index_cast %multiple_of3A : i32 to index
      %swap3A_66 = tpu.vector_load %arg26[%swap3A] {strides = array<i32>} : memref<400xf32, #tpu.memory_space<vmem>>, vector<16xf32>,
      tpu.vector_store %arg26[%swap3A], %exp3A {strides = array<i32>} : memref<400xf32, #tpu.memory_space<vmem>>, vector<16xf32>,
      %scan3A_67 = arith.constant 0 : i32
      scf.yield %scan3A_67 : i32
    }
    %scan3A_31 = arith.constant 25 : i32
    %dma_wait3A = arith.constant 0 : i32
    %dma_wait3A_32 = arith.constant 0 : i32
    %dma_wait3A_33 = tpu.memref_slice %arg8[%dma_wait3A, %dma_wait3A_32] : memref<10000x64xf32, #tpu.memory_space<hbm>> -> memref<10000x64xf32, #tpu.memory_space<hbm>>
    tpu.wait_indirect_dma semaphore(%arg20 : memref<!tpu.dma_semaphore, #tpu.memory_space<semaphore_mem>>) src(%dma_wait3A_33 : memref<10000x64xf32, #tpu.memory_space<hbm>>) dst(%arg19 : memref<400x64xf32, #tpu.memory_space<vmem>>)
    %scan3A_34 = arith.constant 0 : i32
    %scan3A_35 = arith.constant 0 : i32
    %scan3A_36 = arith.constant 400 : i32
    %scan3A_37 = arith.addi %scan3A_35, %scan3A_36 : i32
    %scan3A_38 = arith.constant 1 : i32
    %scan3A_39 = scf.for %scan3A_47 = %scan3A_35 to %scan3A_37 step %scan3A_38 iter_args(%scan3A_48 = %scan3A_34) -> (i32)  : i32 {
      %broadcast_in_dim3A_49 = vector.broadcast %scan3A_47 : i32 to vector<16xi32>
      %gather3A = tpu.vector_load_idx %arg26[%broadcast_in_dim3A_49] : memref<400xf32, #tpu.memory_space<vmem>>[vector<16xi32>], vector<16xf32>,
      %get3A_50 = arith.index_cast %scan3A_47 : i32 to index
      %get3A_51 = arith.constant 0 : index
      %get3A_52 = tpu.vector_load %arg19[%get3A_50, %get3A_51] {strides = array<i32>} : memref<400x64xf32, #tpu.memory_space<vmem>>, vector<16xf32>,
      %mul3A_53 = arith.mulf %get3A_52, %gather3A : vector<16xf32>
      %swap3A = arith.index_cast %scan3A_47 : i32 to index
      %swap3A_54 = arith.constant 0 : index
      %swap3A_55 = tpu.vector_load %arg19[%swap3A, %swap3A_54] {strides = array<i32>} : memref<400x64xf32, #tpu.memory_space<vmem>>, vector<16xf32>,
      tpu.vector_store %arg19[%swap3A, %swap3A_54], %mul3A_53 {strides = array<i32>} : memref<400x64xf32, #tpu.memory_space<vmem>>, vector<16xf32>,
      %get3A_56 = arith.index_cast %scan3A_47 : i32 to index
      %get3A_57 = arith.constant 16 : index
      %get3A_58 = tpu.vector_load %arg19[%get3A_56, %get3A_57] {strides = array<i32>} : memref<400x64xf32, #tpu.memory_space<vmem>>, vector<16xf32>,
      %mul3A_59 = arith.mulf %get3A_58, %gather3A : vector<16xf32>
      %swap3A_60 = arith.index_cast %scan3A_47 : i32 to index
      %swap3A_61 = arith.constant 16 : index
      %swap3A_62 = tpu.vector_load %arg19[%swap3A_60, %swap3A_61] {strides = array<i32>} : memref<400x64xf32, #tpu.memory_space<vmem>>, vector<16xf32>,
      tpu.vector_store %arg19[%swap3A_60, %swap3A_61], %mul3A_59 {strides = array<i32>} : memref<400x64xf32, #tpu.memory_space<vmem>>, vector<16xf32>,
      %get3A_63 = arith.index_cast %scan3A_47 : i32 to index
      %get3A_64 = arith.constant 32 : index
      %get3A_65 = tpu.vector_load %arg19[%get3A_63, %get3A_64] {strides = array<i32>} : memref<400x64xf32, #tpu.memory_space<vmem>>, vector<16xf32>,
      %mul3A_66 = arith.mulf %get3A_65, %gather3A : vector<16xf32>
      %swap3A_67 = arith.index_cast %scan3A_47 : i32 to index
      %swap3A_68 = arith.constant 32 : index
      %swap3A_69 = tpu.vector_load %arg19[%swap3A_67, %swap3A_68] {strides = array<i32>} : memref<400x64xf32, #tpu.memory_space<vmem>>, vector<16xf32>,
      tpu.vector_store %arg19[%swap3A_67, %swap3A_68], %mul3A_66 {strides = array<i32>} : memref<400x64xf32, #tpu.memory_space<vmem>>, vector<16xf32>,
      %get3A_70 = arith.index_cast %scan3A_47 : i32 to index
      %get3A_71 = arith.constant 48 : index
      %get3A_72 = tpu.vector_load %arg19[%get3A_70, %get3A_71] {strides = array<i32>} : memref<400x64xf32, #tpu.memory_space<vmem>>, vector<16xf32>,
      %mul3A_73 = arith.mulf %get3A_72, %gather3A : vector<16xf32>
      %swap3A_74 = arith.index_cast %scan3A_47 : i32 to index
      %swap3A_75 = arith.constant 48 : index
      %swap3A_76 = tpu.vector_load %arg19[%swap3A_74, %swap3A_75] {strides = array<i32>} : memref<400x64xf32, #tpu.memory_space<vmem>>, vector<16xf32>,
      tpu.vector_store %arg19[%swap3A_74, %swap3A_75], %mul3A_73 {strides = array<i32>} : memref<400x64xf32, #tpu.memory_space<vmem>>, vector<16xf32>,
      %mul3A_77 = arith.mulf %select_n3A, %gather3A : vector<16xf32>
      %swap3A_78 = arith.index_cast %scan3A_47 : i32 to index
      %swap3A_79 = arith.constant 0 : index
      %swap3A_80 = tpu.vector_load %arg27[%swap3A_78, %swap3A_79] {strides = array<i32>} : memref<400x16xf32, #tpu.memory_space<vmem>>, vector<16xf32>,
      tpu.vector_store %arg27[%swap3A_78, %swap3A_79], %mul3A_77 {strides = array<i32>} : memref<400x16xf32, #tpu.memory_space<vmem>>, vector<16xf32>,
      %scan3A_81 = arith.constant 0 : i32
      scf.yield %scan3A_81 : i32
    }
    %scan3A_40 = arith.constant 400 : i32
    "tpu.region"() ({
      %run_scoped3A = tpu.sem_alloc : memref<!tpu.dma_semaphore, #tpu.memory_space<semaphore_mem>>
      %dma_start3A_47 = arith.constant 0 : i32
      %dma_start3A_48 = arith.constant 0 : i32
      %dma_start3A_49 = tpu.memref_slice %arg28[%dma_start3A_47, %dma_start3A_48] : memref<10000x64xf32, #tpu.memory_space<vmem_shared>> -> memref<10000x64xf32, #tpu.memory_space<vmem_shared>>
      tpu.enqueue_indirect_dma source(%arg19 : memref<400x64xf32, #tpu.memory_space<vmem>>) target(%dma_start3A_49 : memref<10000x64xf32, #tpu.memory_space<vmem_shared>>) offsets(%arg17 : memref<400xi32, #tpu.memory_space<vmem>>) semaphore(%run_scoped3A : memref<!tpu.dma_semaphore, #tpu.memory_space<semaphore_mem>>) {add = true}
      %dma_wait3A_50 = arith.constant 0 : i32
      %dma_wait3A_51 = arith.constant 0 : i32
      %dma_wait3A_52 = tpu.memref_slice %arg28[%dma_wait3A_50, %dma_wait3A_51] : memref<10000x64xf32, #tpu.memory_space<vmem_shared>> -> memref<10000x64xf32, #tpu.memory_space<vmem_shared>>
      tpu.wait_indirect_dma semaphore(%run_scoped3A : memref<!tpu.dma_semaphore, #tpu.memory_space<semaphore_mem>>) src(%arg19 : memref<400x64xf32, #tpu.memory_space<vmem>>) dst(%dma_wait3A_52 : memref<10000x64xf32, #tpu.memory_space<vmem_shared>>)
      tpu.yield
    }) : () -> ()
    "tpu.region"() ({
      %run_scoped3A = tpu.sem_alloc : memref<!tpu.dma_semaphore, #tpu.memory_space<semaphore_mem>>
      %dma_start3A_47 = arith.constant 0 : i32
      %dma_start3A_48 = arith.constant 0 : i32
      %dma_start3A_49 = tpu.memref_slice %arg29[%dma_start3A_47, %dma_start3A_48] : memref<10000x16xf32, #tpu.memory_space<vmem_shared>> -> memref<10000x16xf32, #tpu.memory_space<vmem_shared>>
      tpu.enqueue_indirect_dma source(%arg27 : memref<400x16xf32, #tpu.memory_space<vmem>>) target(%dma_start3A_49 : memref<10000x16xf32, #tpu.memory_space<vmem_shared>>) offsets(%arg17 : memref<400xi32, #tpu.memory_space<vmem>>) semaphore(%run_scoped3A : memref<!tpu.dma_semaphore, #tpu.memory_space<semaphore_mem>>) {add = true}
      %dma_wait3A_50 = arith.constant 0 : i32
      %dma_wait3A_51 = arith.constant 0 : i32
      %dma_wait3A_52 = tpu.memref_slice %arg29[%dma_wait3A_50, %dma_wait3A_51] : memref<10000x16xf32, #tpu.memory_space<vmem_shared>> -> memref<10000x16xf32, #tpu.memory_space<vmem_shared>>
      tpu.wait_indirect_dma semaphore(%run_scoped3A : memref<!tpu.dma_semaphore, #tpu.memory_space<semaphore_mem>>) src(%arg27 : memref<400x16xf32, #tpu.memory_space<vmem>>) dst(%dma_wait3A_52 : memref<10000x16xf32, #tpu.memory_space<vmem_shared>>)
      tpu.yield
    }) : () -> ()
    %barrier3A_41 = arith.constant 0 : index
    tpu.barrier barrier_id(%barrier3A_41)
    %lt3A_42 = arith.constant 10 : i32
    %lt3A_43 = arith.cmpi slt, %arg1, %lt3A_42 : i32
    %convert_element_type3A_44 = arith.extui %lt3A_43 : i1 to i32
    %cond3A_45 = arith.constant 0 : i32
    %cond3A_46 = arith.cmpi ne, %convert_element_type3A_44, %cond3A_45 : i32
    scf.if %cond3A_46 {
      %mul3A_47 = arith.constant 1000 : i32
      %mul3A_48 = arith.muli %arg1, %mul3A_47 : i32
      %mul3A_49 = arith.constant 1000 : i32
      %mul3A_50 = arith.muli %arg1, %mul3A_49 : i32
      "tpu.region"() ({
        %run_scoped3A = tpu.sem_alloc : memref<!tpu.dma_semaphore, #tpu.memory_space<semaphore_mem>>
        %dma_start3A_55 = arith.constant 0 : i32
        %dma_start3A_56 = tpu.memref_slice %arg11[%arg0, %mul3A_50, %dma_start3A_55] : memref<2x10000x64xf32, #tpu.memory_space<hbm>> -> memref<1x1000x64xf32, #tpu.memory_space<hbm>>
        %dma_start3A_57 = tpu.memref_squeeze %dma_start3A_56 : memref<1x1000x64xf32, #tpu.memory_space<hbm>> -> memref<1000x64xf32, #tpu.memory_space<hbm>>
        %dma_start3A_58 = arith.constant 0 : i32
        %dma_start3A_59 = tpu.memref_slice %arg28[%mul3A_48, %dma_start3A_58] : memref<10000x64xf32, #tpu.memory_space<vmem_shared>> -> memref<1000x64xf32, #tpu.memory_space<vmem_shared>>
        tpu.enqueue_dma source(%dma_start3A_59 : memref<1000x64xf32, #tpu.memory_space<vmem_shared>>) target(%dma_start3A_57 : memref<1000x64xf32, #tpu.memory_space<hbm>>) target_semaphore(%run_scoped3A : memref<!tpu.dma_semaphore, #tpu.memory_space<semaphore_mem>>)
        %dma_wait3A_60 = arith.constant 0 : i32
        %dma_wait3A_61 = tpu.memref_slice %arg11[%arg0, %mul3A_50, %dma_wait3A_60] : memref<2x10000x64xf32, #tpu.memory_space<hbm>> -> memref<1x1000x64xf32, #tpu.memory_space<hbm>>
        %dma_wait3A_62 = tpu.memref_squeeze %dma_wait3A_61 : memref<1x1000x64xf32, #tpu.memory_space<hbm>> -> memref<1000x64xf32, #tpu.memory_space<hbm>>
        %dma_wait3A_63 = arith.constant 0 : i32
        %dma_wait3A_64 = tpu.memref_slice %arg28[%mul3A_48, %dma_wait3A_63] : memref<10000x64xf32, #tpu.memory_space<vmem_shared>> -> memref<1000x64xf32, #tpu.memory_space<vmem_shared>>
        tpu.wait_dma2 semaphore(%run_scoped3A : memref<!tpu.dma_semaphore, #tpu.memory_space<semaphore_mem>>) src(%dma_wait3A_64 : memref<1000x64xf32, #tpu.memory_space<vmem_shared>>) dst(%dma_wait3A_62 : memref<1000x64xf32, #tpu.memory_space<hbm>>)
        tpu.yield
      }) : () -> ()
      %mul3A_51 = arith.constant 1000 : i32
      %mul3A_52 = arith.muli %arg1, %mul3A_51 : i32
      %mul3A_53 = arith.constant 1000 : i32
      %mul3A_54 = arith.muli %arg1, %mul3A_53 : i32
      "tpu.region"() ({
        %run_scoped3A = tpu.sem_alloc : memref<!tpu.dma_semaphore, #tpu.memory_space<semaphore_mem>>
        %dma_start3A_55 = arith.constant 0 : i32
        %dma_start3A_56 = tpu.memref_slice %arg12[%arg0, %mul3A_54, %dma_start3A_55] : memref<2x10000x16xf32, #tpu.memory_space<hbm>> -> memref<1x1000x16xf32, #tpu.memory_space<hbm>>
        %dma_start3A_57 = tpu.memref_squeeze %dma_start3A_56 : memref<1x1000x16xf32, #tpu.memory_space<hbm>> -> memref<1000x16xf32, #tpu.memory_space<hbm>>
        %dma_start3A_58 = arith.constant 0 : i32
        %dma_start3A_59 = tpu.memref_slice %arg29[%mul3A_52, %dma_start3A_58] : memref<10000x16xf32, #tpu.memory_space<vmem_shared>> -> memref<1000x16xf32, #tpu.memory_space<vmem_shared>>
        tpu.enqueue_dma source(%dma_start3A_59 : memref<1000x16xf32, #tpu.memory_space<vmem_shared>>) target(%dma_start3A_57 : memref<1000x16xf32, #tpu.memory_space<hbm>>) target_semaphore(%run_scoped3A : memref<!tpu.dma_semaphore, #tpu.memory_space<semaphore_mem>>)
        %dma_wait3A_60 = arith.constant 0 : i32
        %dma_wait3A_61 = tpu.memref_slice %arg12[%arg0, %mul3A_54, %dma_wait3A_60] : memref<2x10000x16xf32, #tpu.memory_space<hbm>> -> memref<1x1000x16xf32, #tpu.memory_space<hbm>>
        %dma_wait3A_62 = tpu.memref_squeeze %dma_wait3A_61 : memref<1x1000x16xf32, #tpu.memory_space<hbm>> -> memref<1000x16xf32, #tpu.memory_space<hbm>>
        %dma_wait3A_63 = arith.constant 0 : i32
        %dma_wait3A_64 = tpu.memref_slice %arg29[%mul3A_52, %dma_wait3A_63] : memref<10000x16xf32, #tpu.memory_space<vmem_shared>> -> memref<1000x16xf32, #tpu.memory_space<vmem_shared>>
        tpu.wait_dma2 semaphore(%run_scoped3A : memref<!tpu.dma_semaphore, #tpu.memory_space<semaphore_mem>>) src(%dma_wait3A_64 : memref<1000x16xf32, #tpu.memory_space<vmem_shared>>) dst(%dma_wait3A_62 : memref<1000x16xf32, #tpu.memory_space<hbm>>)
        tpu.yield
      }) : () -> ()
    } else {
    }
    return
  }
}

#map = affine_map<(d0, d1) -> (0)>
#map1 = affine_map<(d0, d1) -> (0, 0)>
#map2 = affine_map<(d0, d1) -> (0, 0, 0)>
module attributes {stable_mosaic.version = 14 : i64} {
  func.func @sc_layer(%arg0: i32, %arg1: i32, %arg2: memref<320000xi32, #tpu.memory_space<hbm>>, %arg3: memref<320000xi32, #tpu.memory_space<hbm>>, %arg4: memref<320000xf32, #tpu.memory_space<hbm>>, %arg5: memref<10000xf32, #tpu.memory_space<hbm>>, %arg6: memref<10000xf32, #tpu.memory_space<hbm>>, %arg7: memref<16xf32, #tpu.memory_space<hbm>>, %arg8: memref<10000x32xf32, #tpu.memory_space<hbm>>, %arg9: memref<10000x32xf32, #tpu.memory_space<hbm>>, %arg10: memref<10000x16xf32, #tpu.memory_space<hbm>>, %arg11: memref<2x10000x32xf32, #tpu.memory_space<hbm>>, %arg12: memref<2x10000x16xf32, #tpu.memory_space<hbm>>, %arg13: memref<10000xf32, #tpu.memory_space<vmem>>, %arg14: memref<10000xf32, #tpu.memory_space<vmem>>, %arg15: memref<16xf32, #tpu.memory_space<vmem>>, %arg16: memref<400xi32, #tpu.memory_space<vmem>>, %arg17: memref<400xi32, #tpu.memory_space<vmem>>, %arg18: memref<400xf32, #tpu.memory_space<vmem>>, %arg19: memref<400x32xf32, #tpu.memory_space<vmem>>, %arg20: memref<!tpu.dma_semaphore, #tpu.memory_space<semaphore_mem>>, %arg21: memref<400xi32, #tpu.memory_space<vmem>>, %arg22: memref<400xi32, #tpu.memory_space<vmem>>, %arg23: memref<400xf32, #tpu.memory_space<vmem>>, %arg24: memref<400x32xf32, #tpu.memory_space<vmem>>, %arg25: memref<!tpu.dma_semaphore, #tpu.memory_space<semaphore_mem>>, %arg26: memref<400xf32, #tpu.memory_space<vmem>>, %arg27: memref<400x16xf32, #tpu.memory_space<vmem>>, %arg28: memref<10000x32xf32, #tpu.memory_space<vmem_shared>>, %arg29: memref<10000x16xf32, #tpu.memory_space<vmem_shared>>) attributes {dimension_semantics = [#tpu.dimension_semantics<core_parallel>, #tpu.dimension_semantics<subcore_parallel>], iteration_bounds = array<i64: 2, 16>, scalar_prefetch = 0 : i64, scratch_operands = 17 : i64, tpu.core_type = #tpu.core_type<sc_vector_subcore>, window_params = [{transform_indices = #map}, {transform_indices = #map}, {transform_indices = #map}, {transform_indices = #map}, {transform_indices = #map}, {transform_indices = #map}, {transform_indices = #map1}, {transform_indices = #map1}, {transform_indices = #map1}, {transform_indices = #map2}, {transform_indices = #map2}]} {
    %mul3A = arith.constant 16 : i32
    %mul3A_0 = arith.muli %arg0, %mul3A : i32
    %add3A = arith.addi %mul3A_0, %arg1 : i32
    "tpu.region"() ({
      %run_scoped3A = tpu.sem_alloc : memref<!tpu.dma_semaphore, #tpu.memory_space<semaphore_mem>>
      tpu.enqueue_dma source(%arg5 : memref<10000xf32, #tpu.memory_space<hbm>>) target(%arg13 : memref<10000xf32, #tpu.memory_space<vmem>>) target_semaphore(%run_scoped3A : memref<!tpu.dma_semaphore, #tpu.memory_space<semaphore_mem>>)
      tpu.wait_dma2 semaphore(%run_scoped3A : memref<!tpu.dma_semaphore, #tpu.memory_space<semaphore_mem>>) src(%arg5 : memref<10000xf32, #tpu.memory_space<hbm>>) dst(%arg13 : memref<10000xf32, #tpu.memory_space<vmem>>)
      tpu.yield
    }) : () -> ()
    "tpu.region"() ({
      %run_scoped3A = tpu.sem_alloc : memref<!tpu.dma_semaphore, #tpu.memory_space<semaphore_mem>>
      tpu.enqueue_dma source(%arg6 : memref<10000xf32, #tpu.memory_space<hbm>>) target(%arg14 : memref<10000xf32, #tpu.memory_space<vmem>>) target_semaphore(%run_scoped3A : memref<!tpu.dma_semaphore, #tpu.memory_space<semaphore_mem>>)
      tpu.wait_dma2 semaphore(%run_scoped3A : memref<!tpu.dma_semaphore, #tpu.memory_space<semaphore_mem>>) src(%arg6 : memref<10000xf32, #tpu.memory_space<hbm>>) dst(%arg14 : memref<10000xf32, #tpu.memory_space<vmem>>)
      tpu.yield
    }) : () -> ()
    "tpu.region"() ({
      %run_scoped3A = tpu.sem_alloc : memref<!tpu.dma_semaphore, #tpu.memory_space<semaphore_mem>>
      tpu.enqueue_dma source(%arg7 : memref<16xf32, #tpu.memory_space<hbm>>) target(%arg15 : memref<16xf32, #tpu.memory_space<vmem>>) target_semaphore(%run_scoped3A : memref<!tpu.dma_semaphore, #tpu.memory_space<semaphore_mem>>)
      tpu.wait_dma2 semaphore(%run_scoped3A : memref<!tpu.dma_semaphore, #tpu.memory_space<semaphore_mem>>) src(%arg7 : memref<16xf32, #tpu.memory_space<hbm>>) dst(%arg15 : memref<16xf32, #tpu.memory_space<vmem>>)
      tpu.yield
    }) : () -> ()
    %lt3A = arith.constant 10 : i32
    %lt3A_1 = arith.cmpi slt, %arg1, %lt3A : i32
    %convert_element_type3A = arith.extui %lt3A_1 : i1 to i32
    %cond3A = arith.constant 0 : i32
    %cond3A_2 = arith.cmpi ne, %convert_element_type3A, %cond3A : i32
    scf.if %cond3A_2 {
      %mul3A_47 = arith.constant 1000 : i32
      %mul3A_48 = arith.muli %arg1, %mul3A_47 : i32
      "tpu.region"() ({
        %run_scoped3A = tpu.sem_alloc : memref<!tpu.dma_semaphore, #tpu.memory_space<semaphore_mem>>
        %dma_start3A_49 = arith.constant 0 : i32
        %dma_start3A_50 = tpu.memref_slice %arg28[%mul3A_48, %dma_start3A_49] : memref<10000x32xf32, #tpu.memory_space<vmem_shared>> -> memref<1000x32xf32, #tpu.memory_space<vmem_shared>>
        %dma_start3A_51 = arith.constant 0 : i32
        %dma_start3A_52 = tpu.memref_slice %arg9[%mul3A_48, %dma_start3A_51] : memref<10000x32xf32, #tpu.memory_space<hbm>> -> memref<1000x32xf32, #tpu.memory_space<hbm>>
        tpu.enqueue_dma source(%dma_start3A_52 : memref<1000x32xf32, #tpu.memory_space<hbm>>) target(%dma_start3A_50 : memref<1000x32xf32, #tpu.memory_space<vmem_shared>>) target_semaphore(%run_scoped3A : memref<!tpu.dma_semaphore, #tpu.memory_space<semaphore_mem>>)
        %dma_wait3A_53 = arith.constant 0 : i32
        %dma_wait3A_54 = tpu.memref_slice %arg28[%mul3A_48, %dma_wait3A_53] : memref<10000x32xf32, #tpu.memory_space<vmem_shared>> -> memref<1000x32xf32, #tpu.memory_space<vmem_shared>>
        %dma_wait3A_55 = arith.constant 0 : i32
        %dma_wait3A_56 = tpu.memref_slice %arg9[%mul3A_48, %dma_wait3A_55] : memref<10000x32xf32, #tpu.memory_space<hbm>> -> memref<1000x32xf32, #tpu.memory_space<hbm>>
        tpu.wait_dma2 semaphore(%run_scoped3A : memref<!tpu.dma_semaphore, #tpu.memory_space<semaphore_mem>>) src(%dma_wait3A_56 : memref<1000x32xf32, #tpu.memory_space<hbm>>) dst(%dma_wait3A_54 : memref<1000x32xf32, #tpu.memory_space<vmem_shared>>)
        tpu.yield
      }) : () -> ()
    } else {
    }
    %lt3A_3 = arith.constant 10 : i32
    %lt3A_4 = arith.cmpi slt, %arg1, %lt3A_3 : i32
    %convert_element_type3A_5 = arith.extui %lt3A_4 : i1 to i32
    %cond3A_6 = arith.constant 0 : i32
    %cond3A_7 = arith.cmpi ne, %convert_element_type3A_5, %cond3A_6 : i32
    scf.if %cond3A_7 {
      %mul3A_47 = arith.constant 1000 : i32
      %mul3A_48 = arith.muli %arg1, %mul3A_47 : i32
      "tpu.region"() ({
        %run_scoped3A = tpu.sem_alloc : memref<!tpu.dma_semaphore, #tpu.memory_space<semaphore_mem>>
        %dma_start3A_49 = arith.constant 0 : i32
        %dma_start3A_50 = tpu.memref_slice %arg29[%mul3A_48, %dma_start3A_49] : memref<10000x16xf32, #tpu.memory_space<vmem_shared>> -> memref<1000x16xf32, #tpu.memory_space<vmem_shared>>
        %dma_start3A_51 = arith.constant 0 : i32
        %dma_start3A_52 = tpu.memref_slice %arg10[%mul3A_48, %dma_start3A_51] : memref<10000x16xf32, #tpu.memory_space<hbm>> -> memref<1000x16xf32, #tpu.memory_space<hbm>>
        tpu.enqueue_dma source(%dma_start3A_52 : memref<1000x16xf32, #tpu.memory_space<hbm>>) target(%dma_start3A_50 : memref<1000x16xf32, #tpu.memory_space<vmem_shared>>) target_semaphore(%run_scoped3A : memref<!tpu.dma_semaphore, #tpu.memory_space<semaphore_mem>>)
        %dma_wait3A_53 = arith.constant 0 : i32
        %dma_wait3A_54 = tpu.memref_slice %arg29[%mul3A_48, %dma_wait3A_53] : memref<10000x16xf32, #tpu.memory_space<vmem_shared>> -> memref<1000x16xf32, #tpu.memory_space<vmem_shared>>
        %dma_wait3A_55 = arith.constant 0 : i32
        %dma_wait3A_56 = tpu.memref_slice %arg10[%mul3A_48, %dma_wait3A_55] : memref<10000x16xf32, #tpu.memory_space<hbm>> -> memref<1000x16xf32, #tpu.memory_space<hbm>>
        tpu.wait_dma2 semaphore(%run_scoped3A : memref<!tpu.dma_semaphore, #tpu.memory_space<semaphore_mem>>) src(%dma_wait3A_56 : memref<1000x16xf32, #tpu.memory_space<hbm>>) dst(%dma_wait3A_54 : memref<1000x16xf32, #tpu.memory_space<vmem_shared>>)
        tpu.yield
      }) : () -> ()
    } else {
    }
    %barrier3A = arith.constant 0 : index
    tpu.barrier barrier_id(%barrier3A)
    %get3A = arith.constant 0 : index
    %get3A_8 = tpu.vector_load %arg15[%get3A] {strides = array<i32>} : memref<16xf32, #tpu.memory_space<vmem>>, vector<16xf32>,
    %iota3A = tpu.iota {dimensions = array<i32: 0>} : vector<16xi32>
    %eq3A = arith.constant 0 : i32
    %eq3A_9 = vector.broadcast %eq3A : i32 to vector<16xi32>
    %eq3A_10 = arith.cmpi eq, %iota3A, %eq3A_9 : vector<16xi32>
    %jit3A = arith.constant 1.000000e+00 : f32
    %jit3A_11 = arith.constant 0.000000e+00 : f32
    %broadcast_in_dim3A = vector.broadcast %jit3A : f32 to vector<16xf32>
    %broadcast_in_dim3A_12 = vector.broadcast %jit3A_11 : f32 to vector<16xf32>
    %select_n3A = arith.select %eq3A_10, %broadcast_in_dim3A, %broadcast_in_dim3A_12 : vector<16xi1>, vector<16xf32>
    %mul3A_13 = arith.constant 10000 : i32
    %mul3A_14 = arith.muli %add3A, %mul3A_13 : i32
    %add3A_15 = arith.constant 0 : i32
    %add3A_16 = arith.addi %mul3A_14, %add3A_15 : i32
    "tpu.region"() ({
      %run_scoped3A = tpu.sem_alloc : memref<!tpu.dma_semaphore, #tpu.memory_space<semaphore_mem>>
      %dma_start3A_47 = tpu.memref_slice %arg2[%add3A_16] : memref<320000xi32, #tpu.memory_space<hbm>> -> memref<400xi32, #tpu.memory_space<hbm>>
      %dma_start3A_48 = tpu.memref_slice %arg2[%add3A_16] : memref<320000xi32, #tpu.memory_space<hbm>> -> memref<400xi32, #tpu.memory_space<hbm>>
      tpu.enqueue_dma source(%dma_start3A_48 : memref<400xi32, #tpu.memory_space<hbm>>) target(%arg16 : memref<400xi32, #tpu.memory_space<vmem>>) target_semaphore(%run_scoped3A : memref<!tpu.dma_semaphore, #tpu.memory_space<semaphore_mem>>)
      %dma_wait3A_49 = tpu.memref_slice %arg2[%add3A_16] : memref<320000xi32, #tpu.memory_space<hbm>> -> memref<400xi32, #tpu.memory_space<hbm>>
      %dma_wait3A_50 = tpu.memref_slice %arg2[%add3A_16] : memref<320000xi32, #tpu.memory_space<hbm>> -> memref<400xi32, #tpu.memory_space<hbm>>
      tpu.wait_dma2 semaphore(%run_scoped3A : memref<!tpu.dma_semaphore, #tpu.memory_space<semaphore_mem>>) src(%dma_wait3A_50 : memref<400xi32, #tpu.memory_space<hbm>>) dst(%arg16 : memref<400xi32, #tpu.memory_space<vmem>>)
      tpu.yield
    }) : () -> ()
    "tpu.region"() ({
      %run_scoped3A = tpu.sem_alloc : memref<!tpu.dma_semaphore, #tpu.memory_space<semaphore_mem>>
      %dma_start3A_47 = tpu.memref_slice %arg3[%add3A_16] : memref<320000xi32, #tpu.memory_space<hbm>> -> memref<400xi32, #tpu.memory_space<hbm>>
      %dma_start3A_48 = tpu.memref_slice %arg3[%add3A_16] : memref<320000xi32, #tpu.memory_space<hbm>> -> memref<400xi32, #tpu.memory_space<hbm>>
      tpu.enqueue_dma source(%dma_start3A_48 : memref<400xi32, #tpu.memory_space<hbm>>) target(%arg17 : memref<400xi32, #tpu.memory_space<vmem>>) target_semaphore(%run_scoped3A : memref<!tpu.dma_semaphore, #tpu.memory_space<semaphore_mem>>)
      %dma_wait3A_49 = tpu.memref_slice %arg3[%add3A_16] : memref<320000xi32, #tpu.memory_space<hbm>> -> memref<400xi32, #tpu.memory_space<hbm>>
      %dma_wait3A_50 = tpu.memref_slice %arg3[%add3A_16] : memref<320000xi32, #tpu.memory_space<hbm>> -> memref<400xi32, #tpu.memory_space<hbm>>
      tpu.wait_dma2 semaphore(%run_scoped3A : memref<!tpu.dma_semaphore, #tpu.memory_space<semaphore_mem>>) src(%dma_wait3A_50 : memref<400xi32, #tpu.memory_space<hbm>>) dst(%arg17 : memref<400xi32, #tpu.memory_space<vmem>>)
      tpu.yield
    }) : () -> ()
    "tpu.region"() ({
      %run_scoped3A = tpu.sem_alloc : memref<!tpu.dma_semaphore, #tpu.memory_space<semaphore_mem>>
      %dma_start3A_47 = tpu.memref_slice %arg4[%add3A_16] : memref<320000xf32, #tpu.memory_space<hbm>> -> memref<400xf32, #tpu.memory_space<hbm>>
      %dma_start3A_48 = tpu.memref_slice %arg4[%add3A_16] : memref<320000xf32, #tpu.memory_space<hbm>> -> memref<400xf32, #tpu.memory_space<hbm>>
      tpu.enqueue_dma source(%dma_start3A_48 : memref<400xf32, #tpu.memory_space<hbm>>) target(%arg18 : memref<400xf32, #tpu.memory_space<vmem>>) target_semaphore(%run_scoped3A : memref<!tpu.dma_semaphore, #tpu.memory_space<semaphore_mem>>)
      %dma_wait3A_49 = tpu.memref_slice %arg4[%add3A_16] : memref<320000xf32, #tpu.memory_space<hbm>> -> memref<400xf32, #tpu.memory_space<hbm>>
      %dma_wait3A_50 = tpu.memref_slice %arg4[%add3A_16] : memref<320000xf32, #tpu.memory_space<hbm>> -> memref<400xf32, #tpu.memory_space<hbm>>
      tpu.wait_dma2 semaphore(%run_scoped3A : memref<!tpu.dma_semaphore, #tpu.memory_space<semaphore_mem>>) src(%dma_wait3A_50 : memref<400xf32, #tpu.memory_space<hbm>>) dst(%arg18 : memref<400xf32, #tpu.memory_space<vmem>>)
      tpu.yield
    }) : () -> ()
    %dma_start3A = arith.constant 0 : i32
    %dma_start3A_17 = arith.constant 0 : i32
    %dma_start3A_18 = tpu.memref_slice %arg8[%dma_start3A, %dma_start3A_17] : memref<10000x32xf32, #tpu.memory_space<hbm>> -> memref<10000x32xf32, #tpu.memory_space<hbm>>
    tpu.enqueue_indirect_dma source(%dma_start3A_18 : memref<10000x32xf32, #tpu.memory_space<hbm>>) target(%arg19 : memref<400x32xf32, #tpu.memory_space<vmem>>) offsets(%arg16 : memref<400xi32, #tpu.memory_space<vmem>>) semaphore(%arg20 : memref<!tpu.dma_semaphore, #tpu.memory_space<semaphore_mem>>)
    %scan3A = arith.constant 0 : i32
    %scan3A_19 = arith.constant 0 : i32
    %scan3A_20 = arith.constant 12 : i32
    %scan3A_21 = arith.addi %scan3A_19, %scan3A_20 : i32
    %scan3A_22 = arith.constant 1 : i32
    %scan3A_23 = scf.for %scan3A_47 = %scan3A_19 to %scan3A_21 step %scan3A_22 iter_args(%scan3A_48 = %scan3A) -> (i32)  : i32 {
      %mul3A_49 = arith.constant 2 : i32
      %mul3A_50 = arith.muli %scan3A_47, %mul3A_49 : i32
      %add3A_51 = arith.constant 1 : i32
      %add3A_52 = arith.addi %mul3A_50, %add3A_51 : i32
      %mul3A_53 = arith.constant 10000 : i32
      %mul3A_54 = arith.muli %add3A, %mul3A_53 : i32
      %mul3A_55 = arith.constant 400 : i32
      %mul3A_56 = arith.muli %add3A_52, %mul3A_55 : i32
      %add3A_57 = arith.addi %mul3A_54, %mul3A_56 : i32
      "tpu.region"() ({
        %run_scoped3A = tpu.sem_alloc : memref<!tpu.dma_semaphore, #tpu.memory_space<semaphore_mem>>
        %dma_start3A_106 = tpu.memref_slice %arg2[%add3A_57] : memref<320000xi32, #tpu.memory_space<hbm>> -> memref<400xi32, #tpu.memory_space<hbm>>
        %dma_start3A_107 = tpu.memref_slice %arg2[%add3A_57] : memref<320000xi32, #tpu.memory_space<hbm>> -> memref<400xi32, #tpu.memory_space<hbm>>
        tpu.enqueue_dma source(%dma_start3A_107 : memref<400xi32, #tpu.memory_space<hbm>>) target(%arg21 : memref<400xi32, #tpu.memory_space<vmem>>) target_semaphore(%run_scoped3A : memref<!tpu.dma_semaphore, #tpu.memory_space<semaphore_mem>>)
        %dma_wait3A_108 = tpu.memref_slice %arg2[%add3A_57] : memref<320000xi32, #tpu.memory_space<hbm>> -> memref<400xi32, #tpu.memory_space<hbm>>
        %dma_wait3A_109 = tpu.memref_slice %arg2[%add3A_57] : memref<320000xi32, #tpu.memory_space<hbm>> -> memref<400xi32, #tpu.memory_space<hbm>>
        tpu.wait_dma2 semaphore(%run_scoped3A : memref<!tpu.dma_semaphore, #tpu.memory_space<semaphore_mem>>) src(%dma_wait3A_109 : memref<400xi32, #tpu.memory_space<hbm>>) dst(%arg21 : memref<400xi32, #tpu.memory_space<vmem>>)
        tpu.yield
      }) : () -> ()
      "tpu.region"() ({
        %run_scoped3A = tpu.sem_alloc : memref<!tpu.dma_semaphore, #tpu.memory_space<semaphore_mem>>
        %dma_start3A_106 = tpu.memref_slice %arg3[%add3A_57] : memref<320000xi32, #tpu.memory_space<hbm>> -> memref<400xi32, #tpu.memory_space<hbm>>
        %dma_start3A_107 = tpu.memref_slice %arg3[%add3A_57] : memref<320000xi32, #tpu.memory_space<hbm>> -> memref<400xi32, #tpu.memory_space<hbm>>
        tpu.enqueue_dma source(%dma_start3A_107 : memref<400xi32, #tpu.memory_space<hbm>>) target(%arg22 : memref<400xi32, #tpu.memory_space<vmem>>) target_semaphore(%run_scoped3A : memref<!tpu.dma_semaphore, #tpu.memory_space<semaphore_mem>>)
        %dma_wait3A_108 = tpu.memref_slice %arg3[%add3A_57] : memref<320000xi32, #tpu.memory_space<hbm>> -> memref<400xi32, #tpu.memory_space<hbm>>
        %dma_wait3A_109 = tpu.memref_slice %arg3[%add3A_57] : memref<320000xi32, #tpu.memory_space<hbm>> -> memref<400xi32, #tpu.memory_space<hbm>>
        tpu.wait_dma2 semaphore(%run_scoped3A : memref<!tpu.dma_semaphore, #tpu.memory_space<semaphore_mem>>) src(%dma_wait3A_109 : memref<400xi32, #tpu.memory_space<hbm>>) dst(%arg22 : memref<400xi32, #tpu.memory_space<vmem>>)
        tpu.yield
      }) : () -> ()
      "tpu.region"() ({
        %run_scoped3A = tpu.sem_alloc : memref<!tpu.dma_semaphore, #tpu.memory_space<semaphore_mem>>
        %dma_start3A_106 = tpu.memref_slice %arg4[%add3A_57] : memref<320000xf32, #tpu.memory_space<hbm>> -> memref<400xf32, #tpu.memory_space<hbm>>
        %dma_start3A_107 = tpu.memref_slice %arg4[%add3A_57] : memref<320000xf32, #tpu.memory_space<hbm>> -> memref<400xf32, #tpu.memory_space<hbm>>
        tpu.enqueue_dma source(%dma_start3A_107 : memref<400xf32, #tpu.memory_space<hbm>>) target(%arg23 : memref<400xf32, #tpu.memory_space<vmem>>) target_semaphore(%run_scoped3A : memref<!tpu.dma_semaphore, #tpu.memory_space<semaphore_mem>>)
        %dma_wait3A_108 = tpu.memref_slice %arg4[%add3A_57] : memref<320000xf32, #tpu.memory_space<hbm>> -> memref<400xf32, #tpu.memory_space<hbm>>
        %dma_wait3A_109 = tpu.memref_slice %arg4[%add3A_57] : memref<320000xf32, #tpu.memory_space<hbm>> -> memref<400xf32, #tpu.memory_space<hbm>>
        tpu.wait_dma2 semaphore(%run_scoped3A : memref<!tpu.dma_semaphore, #tpu.memory_space<semaphore_mem>>) src(%dma_wait3A_109 : memref<400xf32, #tpu.memory_space<hbm>>) dst(%arg23 : memref<400xf32, #tpu.memory_space<vmem>>)
        tpu.yield
      }) : () -> ()
      %dma_start3A_58 = arith.constant 0 : i32
      %dma_start3A_59 = arith.constant 0 : i32
      %dma_start3A_60 = tpu.memref_slice %arg8[%dma_start3A_58, %dma_start3A_59] : memref<10000x32xf32, #tpu.memory_space<hbm>> -> memref<10000x32xf32, #tpu.memory_space<hbm>>
      tpu.enqueue_indirect_dma source(%dma_start3A_60 : memref<10000x32xf32, #tpu.memory_space<hbm>>) target(%arg24 : memref<400x32xf32, #tpu.memory_space<vmem>>) offsets(%arg21 : memref<400xi32, #tpu.memory_space<vmem>>) semaphore(%arg25 : memref<!tpu.dma_semaphore, #tpu.memory_space<semaphore_mem>>)
      %scan3A_61 = arith.constant 0 : i32
      %scan3A_62 = arith.constant 0 : i32
      %scan3A_63 = arith.constant 25 : i32
      %scan3A_64 = arith.addi %scan3A_62, %scan3A_63 : i32
      %scan3A_65 = arith.constant 1 : i32
      %scan3A_66 = scf.for %scan3A_106 = %scan3A_62 to %scan3A_64 step %scan3A_65 iter_args(%scan3A_107 = %scan3A_61) -> (i32)  : i32 {
        %mul3A_108 = arith.constant 16 : i32
        %mul3A_109 = arith.muli %scan3A_106, %mul3A_108 : i32
        %multiple_of3A = tpu.assume_multiple %mul3A_109, 16 : i32
        %get3A_110 = arith.index_cast %multiple_of3A : i32 to index
        %get3A_111 = tpu.vector_load %arg16[%get3A_110] {strides = array<i32>} : memref<400xi32, #tpu.memory_space<vmem>>, vector<16xi32>,
        %gather3A = tpu.vector_load_idx %arg13[%get3A_111] : memref<10000xf32, #tpu.memory_space<vmem>>[vector<16xi32>], vector<16xf32>,
        %get3A_112 = arith.index_cast %multiple_of3A : i32 to index
        %get3A_113 = tpu.vector_load %arg17[%get3A_112] {strides = array<i32>} : memref<400xi32, #tpu.memory_space<vmem>>, vector<16xi32>,
        %gather3A_114 = tpu.vector_load_idx %arg14[%get3A_113] : memref<10000xf32, #tpu.memory_space<vmem>>[vector<16xi32>], vector<16xf32>,
        %add3A_115 = arith.addf %gather3A, %gather3A_114 : vector<16xf32>
        %get3A_116 = arith.index_cast %multiple_of3A : i32 to index
        %get3A_117 = tpu.vector_load %arg18[%get3A_116] {strides = array<i32>} : memref<400xf32, #tpu.memory_space<vmem>>, vector<16xf32>,
        %add3A_118 = arith.addf %add3A_115, %get3A_117 : vector<16xf32>
        %gt3A = arith.constant 0.000000e+00 : f32
        %gt3A_119 = vector.broadcast %gt3A : f32 to vector<16xf32>
        %gt3A_120 = arith.cmpf ogt, %add3A_118, %gt3A_119 : vector<16xf32>
        %mul3A_121 = arith.constant 2.000000e-01 : f32
        %mul3A_122 = vector.broadcast %mul3A_121 : f32 to vector<16xf32>
        %mul3A_123 = arith.mulf %mul3A_122, %add3A_118 : vector<16xf32>
        %select_n3A_124 = arith.select %gt3A_120, %add3A_118, %mul3A_123 : vector<16xi1>, vector<16xf32>
        %sub3A = arith.subf %select_n3A_124, %get3A_8 : vector<16xf32>
        %exp3A = math.exp %sub3A : vector<16xf32>
        %swap3A = arith.index_cast %multiple_of3A : i32 to index
        %swap3A_125 = tpu.vector_load %arg26[%swap3A] {strides = array<i32>} : memref<400xf32, #tpu.memory_space<vmem>>, vector<16xf32>,
        tpu.vector_store %arg26[%swap3A], %exp3A {strides = array<i32>} : memref<400xf32, #tpu.memory_space<vmem>>, vector<16xf32>,
        %scan3A_126 = arith.constant 0 : i32
        scf.yield %scan3A_126 : i32
      }
      %scan3A_67 = arith.constant 25 : i32
      %dma_wait3A_68 = arith.constant 0 : i32
      %dma_wait3A_69 = arith.constant 0 : i32
      %dma_wait3A_70 = tpu.memref_slice %arg8[%dma_wait3A_68, %dma_wait3A_69] : memref<10000x32xf32, #tpu.memory_space<hbm>> -> memref<10000x32xf32, #tpu.memory_space<hbm>>
      tpu.wait_indirect_dma semaphore(%arg20 : memref<!tpu.dma_semaphore, #tpu.memory_space<semaphore_mem>>) src(%dma_wait3A_70 : memref<10000x32xf32, #tpu.memory_space<hbm>>) dst(%arg19 : memref<400x32xf32, #tpu.memory_space<vmem>>)
      %scan3A_71 = arith.constant 0 : i32
      %scan3A_72 = arith.constant 0 : i32
      %scan3A_73 = arith.constant 400 : i32
      %scan3A_74 = arith.addi %scan3A_72, %scan3A_73 : i32
      %scan3A_75 = arith.constant 1 : i32
      %scan3A_76 = scf.for %scan3A_106 = %scan3A_72 to %scan3A_74 step %scan3A_75 iter_args(%scan3A_107 = %scan3A_71) -> (i32)  : i32 {
        %broadcast_in_dim3A_108 = vector.broadcast %scan3A_106 : i32 to vector<16xi32>
        %gather3A = tpu.vector_load_idx %arg26[%broadcast_in_dim3A_108] : memref<400xf32, #tpu.memory_space<vmem>>[vector<16xi32>], vector<16xf32>,
        %get3A_109 = arith.index_cast %scan3A_106 : i32 to index
        %get3A_110 = arith.constant 0 : index
        %get3A_111 = tpu.vector_load %arg19[%get3A_109, %get3A_110] {strides = array<i32>} : memref<400x32xf32, #tpu.memory_space<vmem>>, vector<16xf32>,
        %mul3A_112 = arith.mulf %get3A_111, %gather3A : vector<16xf32>
        %swap3A = arith.index_cast %scan3A_106 : i32 to index
        %swap3A_113 = arith.constant 0 : index
        %swap3A_114 = tpu.vector_load %arg19[%swap3A, %swap3A_113] {strides = array<i32>} : memref<400x32xf32, #tpu.memory_space<vmem>>, vector<16xf32>,
        tpu.vector_store %arg19[%swap3A, %swap3A_113], %mul3A_112 {strides = array<i32>} : memref<400x32xf32, #tpu.memory_space<vmem>>, vector<16xf32>,
        %get3A_115 = arith.index_cast %scan3A_106 : i32 to index
        %get3A_116 = arith.constant 16 : index
        %get3A_117 = tpu.vector_load %arg19[%get3A_115, %get3A_116] {strides = array<i32>} : memref<400x32xf32, #tpu.memory_space<vmem>>, vector<16xf32>,
        %mul3A_118 = arith.mulf %get3A_117, %gather3A : vector<16xf32>
        %swap3A_119 = arith.index_cast %scan3A_106 : i32 to index
        %swap3A_120 = arith.constant 16 : index
        %swap3A_121 = tpu.vector_load %arg19[%swap3A_119, %swap3A_120] {strides = array<i32>} : memref<400x32xf32, #tpu.memory_space<vmem>>, vector<16xf32>,
        tpu.vector_store %arg19[%swap3A_119, %swap3A_120], %mul3A_118 {strides = array<i32>} : memref<400x32xf32, #tpu.memory_space<vmem>>, vector<16xf32>,
        %mul3A_122 = arith.mulf %select_n3A, %gather3A : vector<16xf32>
        %swap3A_123 = arith.index_cast %scan3A_106 : i32 to index
        %swap3A_124 = arith.constant 0 : index
        %swap3A_125 = tpu.vector_load %arg27[%swap3A_123, %swap3A_124] {strides = array<i32>} : memref<400x16xf32, #tpu.memory_space<vmem>>, vector<16xf32>,
        tpu.vector_store %arg27[%swap3A_123, %swap3A_124], %mul3A_122 {strides = array<i32>} : memref<400x16xf32, #tpu.memory_space<vmem>>, vector<16xf32>,
        %scan3A_126 = arith.constant 0 : i32
        scf.yield %scan3A_126 : i32
      }
      %scan3A_77 = arith.constant 400 : i32
      "tpu.region"() ({
        %run_scoped3A = tpu.sem_alloc : memref<!tpu.dma_semaphore, #tpu.memory_space<semaphore_mem>>
        %dma_start3A_106 = arith.constant 0 : i32
        %dma_start3A_107 = arith.constant 0 : i32
        %dma_start3A_108 = tpu.memref_slice %arg28[%dma_start3A_106, %dma_start3A_107] : memref<10000x32xf32, #tpu.memory_space<vmem_shared>> -> memref<10000x32xf32, #tpu.memory_space<vmem_shared>>
        tpu.enqueue_indirect_dma source(%arg19 : memref<400x32xf32, #tpu.memory_space<vmem>>) target(%dma_start3A_108 : memref<10000x32xf32, #tpu.memory_space<vmem_shared>>) offsets(%arg17 : memref<400xi32, #tpu.memory_space<vmem>>) semaphore(%run_scoped3A : memref<!tpu.dma_semaphore, #tpu.memory_space<semaphore_mem>>) {add = true}
        %dma_wait3A_109 = arith.constant 0 : i32
        %dma_wait3A_110 = arith.constant 0 : i32
        %dma_wait3A_111 = tpu.memref_slice %arg28[%dma_wait3A_109, %dma_wait3A_110] : memref<10000x32xf32, #tpu.memory_space<vmem_shared>> -> memref<10000x32xf32, #tpu.memory_space<vmem_shared>>
        tpu.wait_indirect_dma semaphore(%run_scoped3A : memref<!tpu.dma_semaphore, #tpu.memory_space<semaphore_mem>>) src(%arg19 : memref<400x32xf32, #tpu.memory_space<vmem>>) dst(%dma_wait3A_111 : memref<10000x32xf32, #tpu.memory_space<vmem_shared>>)
        tpu.yield
      }) : () -> ()
      "tpu.region"() ({
        %run_scoped3A = tpu.sem_alloc : memref<!tpu.dma_semaphore, #tpu.memory_space<semaphore_mem>>
        %dma_start3A_106 = arith.constant 0 : i32
        %dma_start3A_107 = arith.constant 0 : i32
        %dma_start3A_108 = tpu.memref_slice %arg29[%dma_start3A_106, %dma_start3A_107] : memref<10000x16xf32, #tpu.memory_space<vmem_shared>> -> memref<10000x16xf32, #tpu.memory_space<vmem_shared>>
        tpu.enqueue_indirect_dma source(%arg27 : memref<400x16xf32, #tpu.memory_space<vmem>>) target(%dma_start3A_108 : memref<10000x16xf32, #tpu.memory_space<vmem_shared>>) offsets(%arg17 : memref<400xi32, #tpu.memory_space<vmem>>) semaphore(%run_scoped3A : memref<!tpu.dma_semaphore, #tpu.memory_space<semaphore_mem>>) {add = true}
        %dma_wait3A_109 = arith.constant 0 : i32
        %dma_wait3A_110 = arith.constant 0 : i32
        %dma_wait3A_111 = tpu.memref_slice %arg29[%dma_wait3A_109, %dma_wait3A_110] : memref<10000x16xf32, #tpu.memory_space<vmem_shared>> -> memref<10000x16xf32, #tpu.memory_space<vmem_shared>>
        tpu.wait_indirect_dma semaphore(%run_scoped3A : memref<!tpu.dma_semaphore, #tpu.memory_space<semaphore_mem>>) src(%arg27 : memref<400x16xf32, #tpu.memory_space<vmem>>) dst(%dma_wait3A_111 : memref<10000x16xf32, #tpu.memory_space<vmem_shared>>)
        tpu.yield
      }) : () -> ()
      %add3A_78 = arith.constant 2 : i32
      %add3A_79 = arith.addi %mul3A_50, %add3A_78 : i32
      %mul3A_80 = arith.constant 10000 : i32
      %mul3A_81 = arith.muli %add3A, %mul3A_80 : i32
      %mul3A_82 = arith.constant 400 : i32
      %mul3A_83 = arith.muli %add3A_79, %mul3A_82 : i32
      %add3A_84 = arith.addi %mul3A_81, %mul3A_83 : i32
      "tpu.region"() ({
        %run_scoped3A = tpu.sem_alloc : memref<!tpu.dma_semaphore, #tpu.memory_space<semaphore_mem>>
        %dma_start3A_106 = tpu.memref_slice %arg2[%add3A_84] : memref<320000xi32, #tpu.memory_space<hbm>> -> memref<400xi32, #tpu.memory_space<hbm>>
        %dma_start3A_107 = tpu.memref_slice %arg2[%add3A_84] : memref<320000xi32, #tpu.memory_space<hbm>> -> memref<400xi32, #tpu.memory_space<hbm>>
        tpu.enqueue_dma source(%dma_start3A_107 : memref<400xi32, #tpu.memory_space<hbm>>) target(%arg16 : memref<400xi32, #tpu.memory_space<vmem>>) target_semaphore(%run_scoped3A : memref<!tpu.dma_semaphore, #tpu.memory_space<semaphore_mem>>)
        %dma_wait3A_108 = tpu.memref_slice %arg2[%add3A_84] : memref<320000xi32, #tpu.memory_space<hbm>> -> memref<400xi32, #tpu.memory_space<hbm>>
        %dma_wait3A_109 = tpu.memref_slice %arg2[%add3A_84] : memref<320000xi32, #tpu.memory_space<hbm>> -> memref<400xi32, #tpu.memory_space<hbm>>
        tpu.wait_dma2 semaphore(%run_scoped3A : memref<!tpu.dma_semaphore, #tpu.memory_space<semaphore_mem>>) src(%dma_wait3A_109 : memref<400xi32, #tpu.memory_space<hbm>>) dst(%arg16 : memref<400xi32, #tpu.memory_space<vmem>>)
        tpu.yield
      }) : () -> ()
      "tpu.region"() ({
        %run_scoped3A = tpu.sem_alloc : memref<!tpu.dma_semaphore, #tpu.memory_space<semaphore_mem>>
        %dma_start3A_106 = tpu.memref_slice %arg3[%add3A_84] : memref<320000xi32, #tpu.memory_space<hbm>> -> memref<400xi32, #tpu.memory_space<hbm>>
        %dma_start3A_107 = tpu.memref_slice %arg3[%add3A_84] : memref<320000xi32, #tpu.memory_space<hbm>> -> memref<400xi32, #tpu.memory_space<hbm>>
        tpu.enqueue_dma source(%dma_start3A_107 : memref<400xi32, #tpu.memory_space<hbm>>) target(%arg17 : memref<400xi32, #tpu.memory_space<vmem>>) target_semaphore(%run_scoped3A : memref<!tpu.dma_semaphore, #tpu.memory_space<semaphore_mem>>)
        %dma_wait3A_108 = tpu.memref_slice %arg3[%add3A_84] : memref<320000xi32, #tpu.memory_space<hbm>> -> memref<400xi32, #tpu.memory_space<hbm>>
        %dma_wait3A_109 = tpu.memref_slice %arg3[%add3A_84] : memref<320000xi32, #tpu.memory_space<hbm>> -> memref<400xi32, #tpu.memory_space<hbm>>
        tpu.wait_dma2 semaphore(%run_scoped3A : memref<!tpu.dma_semaphore, #tpu.memory_space<semaphore_mem>>) src(%dma_wait3A_109 : memref<400xi32, #tpu.memory_space<hbm>>) dst(%arg17 : memref<400xi32, #tpu.memory_space<vmem>>)
        tpu.yield
      }) : () -> ()
      "tpu.region"() ({
        %run_scoped3A = tpu.sem_alloc : memref<!tpu.dma_semaphore, #tpu.memory_space<semaphore_mem>>
        %dma_start3A_106 = tpu.memref_slice %arg4[%add3A_84] : memref<320000xf32, #tpu.memory_space<hbm>> -> memref<400xf32, #tpu.memory_space<hbm>>
        %dma_start3A_107 = tpu.memref_slice %arg4[%add3A_84] : memref<320000xf32, #tpu.memory_space<hbm>> -> memref<400xf32, #tpu.memory_space<hbm>>
        tpu.enqueue_dma source(%dma_start3A_107 : memref<400xf32, #tpu.memory_space<hbm>>) target(%arg18 : memref<400xf32, #tpu.memory_space<vmem>>) target_semaphore(%run_scoped3A : memref<!tpu.dma_semaphore, #tpu.memory_space<semaphore_mem>>)
        %dma_wait3A_108 = tpu.memref_slice %arg4[%add3A_84] : memref<320000xf32, #tpu.memory_space<hbm>> -> memref<400xf32, #tpu.memory_space<hbm>>
        %dma_wait3A_109 = tpu.memref_slice %arg4[%add3A_84] : memref<320000xf32, #tpu.memory_space<hbm>> -> memref<400xf32, #tpu.memory_space<hbm>>
        tpu.wait_dma2 semaphore(%run_scoped3A : memref<!tpu.dma_semaphore, #tpu.memory_space<semaphore_mem>>) src(%dma_wait3A_109 : memref<400xf32, #tpu.memory_space<hbm>>) dst(%arg18 : memref<400xf32, #tpu.memory_space<vmem>>)
        tpu.yield
      }) : () -> ()
      %dma_start3A_85 = arith.constant 0 : i32
      %dma_start3A_86 = arith.constant 0 : i32
      %dma_start3A_87 = tpu.memref_slice %arg8[%dma_start3A_85, %dma_start3A_86] : memref<10000x32xf32, #tpu.memory_space<hbm>> -> memref<10000x32xf32, #tpu.memory_space<hbm>>
      tpu.enqueue_indirect_dma source(%dma_start3A_87 : memref<10000x32xf32, #tpu.memory_space<hbm>>) target(%arg19 : memref<400x32xf32, #tpu.memory_space<vmem>>) offsets(%arg16 : memref<400xi32, #tpu.memory_space<vmem>>) semaphore(%arg20 : memref<!tpu.dma_semaphore, #tpu.memory_space<semaphore_mem>>)
      %scan3A_88 = arith.constant 0 : i32
      %scan3A_89 = arith.constant 0 : i32
      %scan3A_90 = arith.constant 25 : i32
      %scan3A_91 = arith.addi %scan3A_89, %scan3A_90 : i32
      %scan3A_92 = arith.constant 1 : i32
      %scan3A_93 = scf.for %scan3A_106 = %scan3A_89 to %scan3A_91 step %scan3A_92 iter_args(%scan3A_107 = %scan3A_88) -> (i32)  : i32 {
        %mul3A_108 = arith.constant 16 : i32
        %mul3A_109 = arith.muli %scan3A_106, %mul3A_108 : i32
        %multiple_of3A = tpu.assume_multiple %mul3A_109, 16 : i32
        %get3A_110 = arith.index_cast %multiple_of3A : i32 to index
        %get3A_111 = tpu.vector_load %arg21[%get3A_110] {strides = array<i32>} : memref<400xi32, #tpu.memory_space<vmem>>, vector<16xi32>,
        %gather3A = tpu.vector_load_idx %arg13[%get3A_111] : memref<10000xf32, #tpu.memory_space<vmem>>[vector<16xi32>], vector<16xf32>,
        %get3A_112 = arith.index_cast %multiple_of3A : i32 to index
        %get3A_113 = tpu.vector_load %arg22[%get3A_112] {strides = array<i32>} : memref<400xi32, #tpu.memory_space<vmem>>, vector<16xi32>,
        %gather3A_114 = tpu.vector_load_idx %arg14[%get3A_113] : memref<10000xf32, #tpu.memory_space<vmem>>[vector<16xi32>], vector<16xf32>,
        %add3A_115 = arith.addf %gather3A, %gather3A_114 : vector<16xf32>
        %get3A_116 = arith.index_cast %multiple_of3A : i32 to index
        %get3A_117 = tpu.vector_load %arg23[%get3A_116] {strides = array<i32>} : memref<400xf32, #tpu.memory_space<vmem>>, vector<16xf32>,
        %add3A_118 = arith.addf %add3A_115, %get3A_117 : vector<16xf32>
        %gt3A = arith.constant 0.000000e+00 : f32
        %gt3A_119 = vector.broadcast %gt3A : f32 to vector<16xf32>
        %gt3A_120 = arith.cmpf ogt, %add3A_118, %gt3A_119 : vector<16xf32>
        %mul3A_121 = arith.constant 2.000000e-01 : f32
        %mul3A_122 = vector.broadcast %mul3A_121 : f32 to vector<16xf32>
        %mul3A_123 = arith.mulf %mul3A_122, %add3A_118 : vector<16xf32>
        %select_n3A_124 = arith.select %gt3A_120, %add3A_118, %mul3A_123 : vector<16xi1>, vector<16xf32>
        %sub3A = arith.subf %select_n3A_124, %get3A_8 : vector<16xf32>
        %exp3A = math.exp %sub3A : vector<16xf32>
        %swap3A = arith.index_cast %multiple_of3A : i32 to index
        %swap3A_125 = tpu.vector_load %arg26[%swap3A] {strides = array<i32>} : memref<400xf32, #tpu.memory_space<vmem>>, vector<16xf32>,
        tpu.vector_store %arg26[%swap3A], %exp3A {strides = array<i32>} : memref<400xf32, #tpu.memory_space<vmem>>, vector<16xf32>,
        %scan3A_126 = arith.constant 0 : i32
        scf.yield %scan3A_126 : i32
      }
      %scan3A_94 = arith.constant 25 : i32
      %dma_wait3A_95 = arith.constant 0 : i32
      %dma_wait3A_96 = arith.constant 0 : i32
      %dma_wait3A_97 = tpu.memref_slice %arg8[%dma_wait3A_95, %dma_wait3A_96] : memref<10000x32xf32, #tpu.memory_space<hbm>> -> memref<10000x32xf32, #tpu.memory_space<hbm>>
      tpu.wait_indirect_dma semaphore(%arg25 : memref<!tpu.dma_semaphore, #tpu.memory_space<semaphore_mem>>) src(%dma_wait3A_97 : memref<10000x32xf32, #tpu.memory_space<hbm>>) dst(%arg24 : memref<400x32xf32, #tpu.memory_space<vmem>>)
      %scan3A_98 = arith.constant 0 : i32
      %scan3A_99 = arith.constant 0 : i32
      %scan3A_100 = arith.constant 400 : i32
      %scan3A_101 = arith.addi %scan3A_99, %scan3A_100 : i32
      %scan3A_102 = arith.constant 1 : i32
      %scan3A_103 = scf.for %scan3A_106 = %scan3A_99 to %scan3A_101 step %scan3A_102 iter_args(%scan3A_107 = %scan3A_98) -> (i32)  : i32 {
        %broadcast_in_dim3A_108 = vector.broadcast %scan3A_106 : i32 to vector<16xi32>
        %gather3A = tpu.vector_load_idx %arg26[%broadcast_in_dim3A_108] : memref<400xf32, #tpu.memory_space<vmem>>[vector<16xi32>], vector<16xf32>,
        %get3A_109 = arith.index_cast %scan3A_106 : i32 to index
        %get3A_110 = arith.constant 0 : index
        %get3A_111 = tpu.vector_load %arg24[%get3A_109, %get3A_110] {strides = array<i32>} : memref<400x32xf32, #tpu.memory_space<vmem>>, vector<16xf32>,
        %mul3A_112 = arith.mulf %get3A_111, %gather3A : vector<16xf32>
        %swap3A = arith.index_cast %scan3A_106 : i32 to index
        %swap3A_113 = arith.constant 0 : index
        %swap3A_114 = tpu.vector_load %arg24[%swap3A, %swap3A_113] {strides = array<i32>} : memref<400x32xf32, #tpu.memory_space<vmem>>, vector<16xf32>,
        tpu.vector_store %arg24[%swap3A, %swap3A_113], %mul3A_112 {strides = array<i32>} : memref<400x32xf32, #tpu.memory_space<vmem>>, vector<16xf32>,
        %get3A_115 = arith.index_cast %scan3A_106 : i32 to index
        %get3A_116 = arith.constant 16 : index
        %get3A_117 = tpu.vector_load %arg24[%get3A_115, %get3A_116] {strides = array<i32>} : memref<400x32xf32, #tpu.memory_space<vmem>>, vector<16xf32>,
        %mul3A_118 = arith.mulf %get3A_117, %gather3A : vector<16xf32>
        %swap3A_119 = arith.index_cast %scan3A_106 : i32 to index
        %swap3A_120 = arith.constant 16 : index
        %swap3A_121 = tpu.vector_load %arg24[%swap3A_119, %swap3A_120] {strides = array<i32>} : memref<400x32xf32, #tpu.memory_space<vmem>>, vector<16xf32>,
        tpu.vector_store %arg24[%swap3A_119, %swap3A_120], %mul3A_118 {strides = array<i32>} : memref<400x32xf32, #tpu.memory_space<vmem>>, vector<16xf32>,
        %mul3A_122 = arith.mulf %select_n3A, %gather3A : vector<16xf32>
        %swap3A_123 = arith.index_cast %scan3A_106 : i32 to index
        %swap3A_124 = arith.constant 0 : index
        %swap3A_125 = tpu.vector_load %arg27[%swap3A_123, %swap3A_124] {strides = array<i32>} : memref<400x16xf32, #tpu.memory_space<vmem>>, vector<16xf32>,
        tpu.vector_store %arg27[%swap3A_123, %swap3A_124], %mul3A_122 {strides = array<i32>} : memref<400x16xf32, #tpu.memory_space<vmem>>, vector<16xf32>,
        %scan3A_126 = arith.constant 0 : i32
        scf.yield %scan3A_126 : i32
      }
      %scan3A_104 = arith.constant 400 : i32
      "tpu.region"() ({
        %run_scoped3A = tpu.sem_alloc : memref<!tpu.dma_semaphore, #tpu.memory_space<semaphore_mem>>
        %dma_start3A_106 = arith.constant 0 : i32
        %dma_start3A_107 = arith.constant 0 : i32
        %dma_start3A_108 = tpu.memref_slice %arg28[%dma_start3A_106, %dma_start3A_107] : memref<10000x32xf32, #tpu.memory_space<vmem_shared>> -> memref<10000x32xf32, #tpu.memory_space<vmem_shared>>
        tpu.enqueue_indirect_dma source(%arg24 : memref<400x32xf32, #tpu.memory_space<vmem>>) target(%dma_start3A_108 : memref<10000x32xf32, #tpu.memory_space<vmem_shared>>) offsets(%arg22 : memref<400xi32, #tpu.memory_space<vmem>>) semaphore(%run_scoped3A : memref<!tpu.dma_semaphore, #tpu.memory_space<semaphore_mem>>) {add = true}
        %dma_wait3A_109 = arith.constant 0 : i32
        %dma_wait3A_110 = arith.constant 0 : i32
        %dma_wait3A_111 = tpu.memref_slice %arg28[%dma_wait3A_109, %dma_wait3A_110] : memref<10000x32xf32, #tpu.memory_space<vmem_shared>> -> memref<10000x32xf32, #tpu.memory_space<vmem_shared>>
        tpu.wait_indirect_dma semaphore(%run_scoped3A : memref<!tpu.dma_semaphore, #tpu.memory_space<semaphore_mem>>) src(%arg24 : memref<400x32xf32, #tpu.memory_space<vmem>>) dst(%dma_wait3A_111 : memref<10000x32xf32, #tpu.memory_space<vmem_shared>>)
        tpu.yield
      }) : () -> ()
      "tpu.region"() ({
        %run_scoped3A = tpu.sem_alloc : memref<!tpu.dma_semaphore, #tpu.memory_space<semaphore_mem>>
        %dma_start3A_106 = arith.constant 0 : i32
        %dma_start3A_107 = arith.constant 0 : i32
        %dma_start3A_108 = tpu.memref_slice %arg29[%dma_start3A_106, %dma_start3A_107] : memref<10000x16xf32, #tpu.memory_space<vmem_shared>> -> memref<10000x16xf32, #tpu.memory_space<vmem_shared>>
        tpu.enqueue_indirect_dma source(%arg27 : memref<400x16xf32, #tpu.memory_space<vmem>>) target(%dma_start3A_108 : memref<10000x16xf32, #tpu.memory_space<vmem_shared>>) offsets(%arg22 : memref<400xi32, #tpu.memory_space<vmem>>) semaphore(%run_scoped3A : memref<!tpu.dma_semaphore, #tpu.memory_space<semaphore_mem>>) {add = true}
        %dma_wait3A_109 = arith.constant 0 : i32
        %dma_wait3A_110 = arith.constant 0 : i32
        %dma_wait3A_111 = tpu.memref_slice %arg29[%dma_wait3A_109, %dma_wait3A_110] : memref<10000x16xf32, #tpu.memory_space<vmem_shared>> -> memref<10000x16xf32, #tpu.memory_space<vmem_shared>>
        tpu.wait_indirect_dma semaphore(%run_scoped3A : memref<!tpu.dma_semaphore, #tpu.memory_space<semaphore_mem>>) src(%arg27 : memref<400x16xf32, #tpu.memory_space<vmem>>) dst(%dma_wait3A_111 : memref<10000x16xf32, #tpu.memory_space<vmem_shared>>)
        tpu.yield
      }) : () -> ()
      %scan3A_105 = arith.constant 0 : i32
      scf.yield %scan3A_105 : i32
    }
    %scan3A_24 = arith.constant 12 : i32
    %scan3A_25 = arith.constant 0 : i32
    %scan3A_26 = arith.constant 0 : i32
    %scan3A_27 = arith.constant 25 : i32
    %scan3A_28 = arith.addi %scan3A_26, %scan3A_27 : i32
    %scan3A_29 = arith.constant 1 : i32
    %scan3A_30 = scf.for %scan3A_47 = %scan3A_26 to %scan3A_28 step %scan3A_29 iter_args(%scan3A_48 = %scan3A_25) -> (i32)  : i32 {
      %mul3A_49 = arith.constant 16 : i32
      %mul3A_50 = arith.muli %scan3A_47, %mul3A_49 : i32
      %multiple_of3A = tpu.assume_multiple %mul3A_50, 16 : i32
      %get3A_51 = arith.index_cast %multiple_of3A : i32 to index
      %get3A_52 = tpu.vector_load %arg16[%get3A_51] {strides = array<i32>} : memref<400xi32, #tpu.memory_space<vmem>>, vector<16xi32>,
      %gather3A = tpu.vector_load_idx %arg13[%get3A_52] : memref<10000xf32, #tpu.memory_space<vmem>>[vector<16xi32>], vector<16xf32>,
      %get3A_53 = arith.index_cast %multiple_of3A : i32 to index
      %get3A_54 = tpu.vector_load %arg17[%get3A_53] {strides = array<i32>} : memref<400xi32, #tpu.memory_space<vmem>>, vector<16xi32>,
      %gather3A_55 = tpu.vector_load_idx %arg14[%get3A_54] : memref<10000xf32, #tpu.memory_space<vmem>>[vector<16xi32>], vector<16xf32>,
      %add3A_56 = arith.addf %gather3A, %gather3A_55 : vector<16xf32>
      %get3A_57 = arith.index_cast %multiple_of3A : i32 to index
      %get3A_58 = tpu.vector_load %arg18[%get3A_57] {strides = array<i32>} : memref<400xf32, #tpu.memory_space<vmem>>, vector<16xf32>,
      %add3A_59 = arith.addf %add3A_56, %get3A_58 : vector<16xf32>
      %gt3A = arith.constant 0.000000e+00 : f32
      %gt3A_60 = vector.broadcast %gt3A : f32 to vector<16xf32>
      %gt3A_61 = arith.cmpf ogt, %add3A_59, %gt3A_60 : vector<16xf32>
      %mul3A_62 = arith.constant 2.000000e-01 : f32
      %mul3A_63 = vector.broadcast %mul3A_62 : f32 to vector<16xf32>
      %mul3A_64 = arith.mulf %mul3A_63, %add3A_59 : vector<16xf32>
      %select_n3A_65 = arith.select %gt3A_61, %add3A_59, %mul3A_64 : vector<16xi1>, vector<16xf32>
      %sub3A = arith.subf %select_n3A_65, %get3A_8 : vector<16xf32>
      %exp3A = math.exp %sub3A : vector<16xf32>
      %swap3A = arith.index_cast %multiple_of3A : i32 to index
      %swap3A_66 = tpu.vector_load %arg26[%swap3A] {strides = array<i32>} : memref<400xf32, #tpu.memory_space<vmem>>, vector<16xf32>,
      tpu.vector_store %arg26[%swap3A], %exp3A {strides = array<i32>} : memref<400xf32, #tpu.memory_space<vmem>>, vector<16xf32>,
      %scan3A_67 = arith.constant 0 : i32
      scf.yield %scan3A_67 : i32
    }
    %scan3A_31 = arith.constant 25 : i32
    %dma_wait3A = arith.constant 0 : i32
    %dma_wait3A_32 = arith.constant 0 : i32
    %dma_wait3A_33 = tpu.memref_slice %arg8[%dma_wait3A, %dma_wait3A_32] : memref<10000x32xf32, #tpu.memory_space<hbm>> -> memref<10000x32xf32, #tpu.memory_space<hbm>>
    tpu.wait_indirect_dma semaphore(%arg20 : memref<!tpu.dma_semaphore, #tpu.memory_space<semaphore_mem>>) src(%dma_wait3A_33 : memref<10000x32xf32, #tpu.memory_space<hbm>>) dst(%arg19 : memref<400x32xf32, #tpu.memory_space<vmem>>)
    %scan3A_34 = arith.constant 0 : i32
    %scan3A_35 = arith.constant 0 : i32
    %scan3A_36 = arith.constant 400 : i32
    %scan3A_37 = arith.addi %scan3A_35, %scan3A_36 : i32
    %scan3A_38 = arith.constant 1 : i32
    %scan3A_39 = scf.for %scan3A_47 = %scan3A_35 to %scan3A_37 step %scan3A_38 iter_args(%scan3A_48 = %scan3A_34) -> (i32)  : i32 {
      %broadcast_in_dim3A_49 = vector.broadcast %scan3A_47 : i32 to vector<16xi32>
      %gather3A = tpu.vector_load_idx %arg26[%broadcast_in_dim3A_49] : memref<400xf32, #tpu.memory_space<vmem>>[vector<16xi32>], vector<16xf32>,
      %get3A_50 = arith.index_cast %scan3A_47 : i32 to index
      %get3A_51 = arith.constant 0 : index
      %get3A_52 = tpu.vector_load %arg19[%get3A_50, %get3A_51] {strides = array<i32>} : memref<400x32xf32, #tpu.memory_space<vmem>>, vector<16xf32>,
      %mul3A_53 = arith.mulf %get3A_52, %gather3A : vector<16xf32>
      %swap3A = arith.index_cast %scan3A_47 : i32 to index
      %swap3A_54 = arith.constant 0 : index
      %swap3A_55 = tpu.vector_load %arg19[%swap3A, %swap3A_54] {strides = array<i32>} : memref<400x32xf32, #tpu.memory_space<vmem>>, vector<16xf32>,
      tpu.vector_store %arg19[%swap3A, %swap3A_54], %mul3A_53 {strides = array<i32>} : memref<400x32xf32, #tpu.memory_space<vmem>>, vector<16xf32>,
      %get3A_56 = arith.index_cast %scan3A_47 : i32 to index
      %get3A_57 = arith.constant 16 : index
      %get3A_58 = tpu.vector_load %arg19[%get3A_56, %get3A_57] {strides = array<i32>} : memref<400x32xf32, #tpu.memory_space<vmem>>, vector<16xf32>,
      %mul3A_59 = arith.mulf %get3A_58, %gather3A : vector<16xf32>
      %swap3A_60 = arith.index_cast %scan3A_47 : i32 to index
      %swap3A_61 = arith.constant 16 : index
      %swap3A_62 = tpu.vector_load %arg19[%swap3A_60, %swap3A_61] {strides = array<i32>} : memref<400x32xf32, #tpu.memory_space<vmem>>, vector<16xf32>,
      tpu.vector_store %arg19[%swap3A_60, %swap3A_61], %mul3A_59 {strides = array<i32>} : memref<400x32xf32, #tpu.memory_space<vmem>>, vector<16xf32>,
      %mul3A_63 = arith.mulf %select_n3A, %gather3A : vector<16xf32>
      %swap3A_64 = arith.index_cast %scan3A_47 : i32 to index
      %swap3A_65 = arith.constant 0 : index
      %swap3A_66 = tpu.vector_load %arg27[%swap3A_64, %swap3A_65] {strides = array<i32>} : memref<400x16xf32, #tpu.memory_space<vmem>>, vector<16xf32>,
      tpu.vector_store %arg27[%swap3A_64, %swap3A_65], %mul3A_63 {strides = array<i32>} : memref<400x16xf32, #tpu.memory_space<vmem>>, vector<16xf32>,
      %scan3A_67 = arith.constant 0 : i32
      scf.yield %scan3A_67 : i32
    }
    %scan3A_40 = arith.constant 400 : i32
    "tpu.region"() ({
      %run_scoped3A = tpu.sem_alloc : memref<!tpu.dma_semaphore, #tpu.memory_space<semaphore_mem>>
      %dma_start3A_47 = arith.constant 0 : i32
      %dma_start3A_48 = arith.constant 0 : i32
      %dma_start3A_49 = tpu.memref_slice %arg28[%dma_start3A_47, %dma_start3A_48] : memref<10000x32xf32, #tpu.memory_space<vmem_shared>> -> memref<10000x32xf32, #tpu.memory_space<vmem_shared>>
      tpu.enqueue_indirect_dma source(%arg19 : memref<400x32xf32, #tpu.memory_space<vmem>>) target(%dma_start3A_49 : memref<10000x32xf32, #tpu.memory_space<vmem_shared>>) offsets(%arg17 : memref<400xi32, #tpu.memory_space<vmem>>) semaphore(%run_scoped3A : memref<!tpu.dma_semaphore, #tpu.memory_space<semaphore_mem>>) {add = true}
      %dma_wait3A_50 = arith.constant 0 : i32
      %dma_wait3A_51 = arith.constant 0 : i32
      %dma_wait3A_52 = tpu.memref_slice %arg28[%dma_wait3A_50, %dma_wait3A_51] : memref<10000x32xf32, #tpu.memory_space<vmem_shared>> -> memref<10000x32xf32, #tpu.memory_space<vmem_shared>>
      tpu.wait_indirect_dma semaphore(%run_scoped3A : memref<!tpu.dma_semaphore, #tpu.memory_space<semaphore_mem>>) src(%arg19 : memref<400x32xf32, #tpu.memory_space<vmem>>) dst(%dma_wait3A_52 : memref<10000x32xf32, #tpu.memory_space<vmem_shared>>)
      tpu.yield
    }) : () -> ()
    "tpu.region"() ({
      %run_scoped3A = tpu.sem_alloc : memref<!tpu.dma_semaphore, #tpu.memory_space<semaphore_mem>>
      %dma_start3A_47 = arith.constant 0 : i32
      %dma_start3A_48 = arith.constant 0 : i32
      %dma_start3A_49 = tpu.memref_slice %arg29[%dma_start3A_47, %dma_start3A_48] : memref<10000x16xf32, #tpu.memory_space<vmem_shared>> -> memref<10000x16xf32, #tpu.memory_space<vmem_shared>>
      tpu.enqueue_indirect_dma source(%arg27 : memref<400x16xf32, #tpu.memory_space<vmem>>) target(%dma_start3A_49 : memref<10000x16xf32, #tpu.memory_space<vmem_shared>>) offsets(%arg17 : memref<400xi32, #tpu.memory_space<vmem>>) semaphore(%run_scoped3A : memref<!tpu.dma_semaphore, #tpu.memory_space<semaphore_mem>>) {add = true}
      %dma_wait3A_50 = arith.constant 0 : i32
      %dma_wait3A_51 = arith.constant 0 : i32
      %dma_wait3A_52 = tpu.memref_slice %arg29[%dma_wait3A_50, %dma_wait3A_51] : memref<10000x16xf32, #tpu.memory_space<vmem_shared>> -> memref<10000x16xf32, #tpu.memory_space<vmem_shared>>
      tpu.wait_indirect_dma semaphore(%run_scoped3A : memref<!tpu.dma_semaphore, #tpu.memory_space<semaphore_mem>>) src(%arg27 : memref<400x16xf32, #tpu.memory_space<vmem>>) dst(%dma_wait3A_52 : memref<10000x16xf32, #tpu.memory_space<vmem_shared>>)
      tpu.yield
    }) : () -> ()
    %barrier3A_41 = arith.constant 0 : index
    tpu.barrier barrier_id(%barrier3A_41)
    %lt3A_42 = arith.constant 10 : i32
    %lt3A_43 = arith.cmpi slt, %arg1, %lt3A_42 : i32
    %convert_element_type3A_44 = arith.extui %lt3A_43 : i1 to i32
    %cond3A_45 = arith.constant 0 : i32
    %cond3A_46 = arith.cmpi ne, %convert_element_type3A_44, %cond3A_45 : i32
    scf.if %cond3A_46 {
      %mul3A_47 = arith.constant 1000 : i32
      %mul3A_48 = arith.muli %arg1, %mul3A_47 : i32
      %mul3A_49 = arith.constant 1000 : i32
      %mul3A_50 = arith.muli %arg1, %mul3A_49 : i32
      "tpu.region"() ({
        %run_scoped3A = tpu.sem_alloc : memref<!tpu.dma_semaphore, #tpu.memory_space<semaphore_mem>>
        %dma_start3A_55 = arith.constant 0 : i32
        %dma_start3A_56 = tpu.memref_slice %arg11[%arg0, %mul3A_50, %dma_start3A_55] : memref<2x10000x32xf32, #tpu.memory_space<hbm>> -> memref<1x1000x32xf32, #tpu.memory_space<hbm>>
        %dma_start3A_57 = tpu.memref_squeeze %dma_start3A_56 : memref<1x1000x32xf32, #tpu.memory_space<hbm>> -> memref<1000x32xf32, #tpu.memory_space<hbm>>
        %dma_start3A_58 = arith.constant 0 : i32
        %dma_start3A_59 = tpu.memref_slice %arg28[%mul3A_48, %dma_start3A_58] : memref<10000x32xf32, #tpu.memory_space<vmem_shared>> -> memref<1000x32xf32, #tpu.memory_space<vmem_shared>>
        tpu.enqueue_dma source(%dma_start3A_59 : memref<1000x32xf32, #tpu.memory_space<vmem_shared>>) target(%dma_start3A_57 : memref<1000x32xf32, #tpu.memory_space<hbm>>) target_semaphore(%run_scoped3A : memref<!tpu.dma_semaphore, #tpu.memory_space<semaphore_mem>>)
        %dma_wait3A_60 = arith.constant 0 : i32
        %dma_wait3A_61 = tpu.memref_slice %arg11[%arg0, %mul3A_50, %dma_wait3A_60] : memref<2x10000x32xf32, #tpu.memory_space<hbm>> -> memref<1x1000x32xf32, #tpu.memory_space<hbm>>
        %dma_wait3A_62 = tpu.memref_squeeze %dma_wait3A_61 : memref<1x1000x32xf32, #tpu.memory_space<hbm>> -> memref<1000x32xf32, #tpu.memory_space<hbm>>
        %dma_wait3A_63 = arith.constant 0 : i32
        %dma_wait3A_64 = tpu.memref_slice %arg28[%mul3A_48, %dma_wait3A_63] : memref<10000x32xf32, #tpu.memory_space<vmem_shared>> -> memref<1000x32xf32, #tpu.memory_space<vmem_shared>>
        tpu.wait_dma2 semaphore(%run_scoped3A : memref<!tpu.dma_semaphore, #tpu.memory_space<semaphore_mem>>) src(%dma_wait3A_64 : memref<1000x32xf32, #tpu.memory_space<vmem_shared>>) dst(%dma_wait3A_62 : memref<1000x32xf32, #tpu.memory_space<hbm>>)
        tpu.yield
      }) : () -> ()
      %mul3A_51 = arith.constant 1000 : i32
      %mul3A_52 = arith.muli %arg1, %mul3A_51 : i32
      %mul3A_53 = arith.constant 1000 : i32
      %mul3A_54 = arith.muli %arg1, %mul3A_53 : i32
      "tpu.region"() ({
        %run_scoped3A = tpu.sem_alloc : memref<!tpu.dma_semaphore, #tpu.memory_space<semaphore_mem>>
        %dma_start3A_55 = arith.constant 0 : i32
        %dma_start3A_56 = tpu.memref_slice %arg12[%arg0, %mul3A_54, %dma_start3A_55] : memref<2x10000x16xf32, #tpu.memory_space<hbm>> -> memref<1x1000x16xf32, #tpu.memory_space<hbm>>
        %dma_start3A_57 = tpu.memref_squeeze %dma_start3A_56 : memref<1x1000x16xf32, #tpu.memory_space<hbm>> -> memref<1000x16xf32, #tpu.memory_space<hbm>>
        %dma_start3A_58 = arith.constant 0 : i32
        %dma_start3A_59 = tpu.memref_slice %arg29[%mul3A_52, %dma_start3A_58] : memref<10000x16xf32, #tpu.memory_space<vmem_shared>> -> memref<1000x16xf32, #tpu.memory_space<vmem_shared>>
        tpu.enqueue_dma source(%dma_start3A_59 : memref<1000x16xf32, #tpu.memory_space<vmem_shared>>) target(%dma_start3A_57 : memref<1000x16xf32, #tpu.memory_space<hbm>>) target_semaphore(%run_scoped3A : memref<!tpu.dma_semaphore, #tpu.memory_space<semaphore_mem>>)
        %dma_wait3A_60 = arith.constant 0 : i32
        %dma_wait3A_61 = tpu.memref_slice %arg12[%arg0, %mul3A_54, %dma_wait3A_60] : memref<2x10000x16xf32, #tpu.memory_space<hbm>> -> memref<1x1000x16xf32, #tpu.memory_space<hbm>>
        %dma_wait3A_62 = tpu.memref_squeeze %dma_wait3A_61 : memref<1x1000x16xf32, #tpu.memory_space<hbm>> -> memref<1000x16xf32, #tpu.memory_space<hbm>>
        %dma_wait3A_63 = arith.constant 0 : i32
        %dma_wait3A_64 = tpu.memref_slice %arg29[%mul3A_52, %dma_wait3A_63] : memref<10000x16xf32, #tpu.memory_space<vmem_shared>> -> memref<1000x16xf32, #tpu.memory_space<vmem_shared>>
        tpu.wait_dma2 semaphore(%run_scoped3A : memref<!tpu.dma_semaphore, #tpu.memory_space<semaphore_mem>>) src(%dma_wait3A_64 : memref<1000x16xf32, #tpu.memory_space<vmem_shared>>) dst(%dma_wait3A_62 : memref<1000x16xf32, #tpu.memory_space<hbm>>)
        tpu.yield
      }) : () -> ()
    } else {
    }
    return
  }
}

module attributes {stable_mosaic.version = 14 : i64} {
  func.func @_tc_a_body(%arg0: memref<10000x128xf32, #tpu.memory_space<vmem>>, %arg1: memref<128x32xf32, #tpu.memory_space<vmem>>, %arg2: memref<32xf32, #tpu.memory_space<vmem>>, %arg3: memref<32xf32, #tpu.memory_space<vmem>>, %arg4: memref<4x32xf32, #tpu.memory_space<vmem>>, %arg5: memref<32xf32, #tpu.memory_space<vmem>>, %arg6: memref<4x64xf32, #tpu.memory_space<vmem>>, %arg7: memref<64xf32, #tpu.memory_space<vmem>>, %arg8: memref<4x64xf32, #tpu.memory_space<vmem>>, %arg9: memref<64xf32, #tpu.memory_space<vmem>>, %arg10: memref<2x320000xi32, #tpu.memory_space<vmem>>, %arg11: memref<10000x32xf32, #tpu.memory_space<vmem>>, %arg12: memref<10000xf32, #tpu.memory_space<vmem>>, %arg13: memref<10000xf32, #tpu.memory_space<vmem>>, %arg14: memref<1x2xf32, #tpu.memory_space<vmem>>, %arg15: memref<12x16xf32, #tpu.memory_space<vmem>>, %arg16: memref<320000xi32, #tpu.memory_space<vmem>>, %arg17: memref<320000xi32, #tpu.memory_space<vmem>>) attributes {dimension_semantics = [], scalar_prefetch = 0 : i64, scratch_operands = 0 : i64, tpu.core_type = #tpu.core_type<tc>} {
    %get3A = arith.constant 0 : index
    %get3A_0 = arith.constant 0 : index
    %get3A_1 = vector.load %arg0[%get3A, %get3A_0] : memref<10000x128xf32, #tpu.memory_space<vmem>>, vector<10000x128xf32>
    %get3A_2 = arith.constant 0 : index
    %get3A_3 = arith.constant 0 : index
    %get3A_4 = vector.load %arg1[%get3A_2, %get3A_3] : memref<128x32xf32, #tpu.memory_space<vmem>>, vector<128x32xf32>
    %dot_general3A = arith.constant dense<0.000000e+00> : vector<10000x32xf32>
    %dot_general3A_5 = tpu.matmul %get3A_1, %get3A_4, %dot_general3A {dimension_numbers = #tpu.dot_dimension_numbers<[1], [0], [0], [1], [0, 0, 1, 1], [], []>, transpose_lhs_hint = false} : vector<10000x128xf32>, vector<128x32xf32>, vector<10000x32xf32> -> vector<10000x32xf32>
    %swap3A = arith.constant 0 : index
    %swap3A_6 = arith.constant 0 : index
    %swap3A_7 = vector.load %arg11[%swap3A, %swap3A_6] : memref<10000x32xf32, #tpu.memory_space<vmem>>, vector<10000x32xf32>
    tpu.vector_store %arg11[%swap3A, %swap3A_6], %dot_general3A_5 {strides = array<i32>} : memref<10000x32xf32, #tpu.memory_space<vmem>>, vector<10000x32xf32>,
    %get3A_8 = arith.constant 0 : index
    %get3A_9 = vector.load %arg2[%get3A_8] : memref<32xf32, #tpu.memory_space<vmem>>, vector<32xf32>
    %dot_general3A_10 = arith.constant dense<0.000000e+00> : vector<10000xf32>
    %dot_general3A_11 = tpu.matmul %dot_general3A_5, %get3A_9, %dot_general3A_10 {dimension_numbers = #tpu.dot_dimension_numbers<[1], [0], [0], [], [0, 0], [], []>, transpose_lhs_hint = false} : vector<10000x32xf32>, vector<32xf32>, vector<10000xf32> -> vector<10000xf32>
    %get3A_12 = arith.constant 0 : index
    %get3A_13 = vector.load %arg3[%get3A_12] : memref<32xf32, #tpu.memory_space<vmem>>, vector<32xf32>
    %dot_general3A_14 = arith.constant dense<0.000000e+00> : vector<10000xf32>
    %dot_general3A_15 = tpu.matmul %dot_general3A_5, %get3A_13, %dot_general3A_14 {dimension_numbers = #tpu.dot_dimension_numbers<[1], [0], [0], [], [0, 0], [], []>, transpose_lhs_hint = false} : vector<10000x32xf32>, vector<32xf32>, vector<10000xf32> -> vector<10000xf32>
    %swap3A_16 = arith.constant 0 : index
    %swap3A_17 = vector.load %arg12[%swap3A_16] : memref<10000xf32, #tpu.memory_space<vmem>>, vector<10000xf32>
    tpu.vector_store %arg12[%swap3A_16], %dot_general3A_11 {strides = array<i32>} : memref<10000xf32, #tpu.memory_space<vmem>>, vector<10000xf32>,
    %swap3A_18 = arith.constant 0 : index
    %swap3A_19 = vector.load %arg13[%swap3A_18] : memref<10000xf32, #tpu.memory_space<vmem>>, vector<10000xf32>
    tpu.vector_store %arg13[%swap3A_18], %dot_general3A_15 {strides = array<i32>} : memref<10000xf32, #tpu.memory_space<vmem>>, vector<10000xf32>,
    %reduce_max3A = vector.shape_cast %dot_general3A_11 : vector<10000xf32> to vector<1x10000xf32>
    %reduce_max3A_20 = arith.constant dense<0xFF800000> : vector<1xf32>
    %reduce_max3A_21 = vector.multi_reduction <maximumf>, %reduce_max3A, %reduce_max3A_20 [1] : vector<1x10000xf32> to vector<1xf32>
    %reduce_max3A_22 = vector.shape_cast %reduce_max3A_21 : vector<1xf32> to vector<1x1xf32>
    %reduce_max3A_23 = vector.extract %reduce_max3A_22[0, 0] : f32 from vector<1x1xf32>
    %reduce_max3A_24 = vector.shape_cast %dot_general3A_15 : vector<10000xf32> to vector<1x10000xf32>
    %reduce_max3A_25 = arith.constant dense<0xFF800000> : vector<1xf32>
    %reduce_max3A_26 = vector.multi_reduction <maximumf>, %reduce_max3A_24, %reduce_max3A_25 [1] : vector<1x10000xf32> to vector<1xf32>
    %reduce_max3A_27 = vector.shape_cast %reduce_max3A_26 : vector<1xf32> to vector<1x1xf32>
    %reduce_max3A_28 = vector.extract %reduce_max3A_27[0, 0] : f32 from vector<1x1xf32>
    %stack3A = vector.broadcast %reduce_max3A_23 : f32 to vector<1xf32>
    %stack3A_29 = vector.broadcast %reduce_max3A_28 : f32 to vector<1xf32>
    %stack3A_30 = tpu.concatenate %stack3A, %stack3A_29 in 0 : vector<1xf32>, vector<1xf32> -> vector<2xf32>
    %broadcast_in_dim3A = vector.shape_cast %stack3A_30 : vector<2xf32> to vector<1x2xf32>
    %swap3A_31 = arith.constant 0 : index
    %swap3A_32 = arith.constant 0 : index
    %swap3A_33 = vector.load %arg14[%swap3A_31, %swap3A_32] : memref<1x2xf32, #tpu.memory_space<vmem>>, vector<1x2xf32>
    tpu.vector_store %arg14[%swap3A_31, %swap3A_32], %broadcast_in_dim3A {strides = array<i32>} : memref<1x2xf32, #tpu.memory_space<vmem>>, vector<1x2xf32>,
    %get3A_34 = arith.constant 0 : index
    %get3A_35 = arith.constant 0 : index
    %get3A_36 = vector.load %arg4[%get3A_34, %get3A_35] : memref<4x32xf32, #tpu.memory_space<vmem>>, vector<4x32xf32>
    %get3A_37 = arith.constant 0 : index
    %get3A_38 = vector.load %arg5[%get3A_37] : memref<32xf32, #tpu.memory_space<vmem>>, vector<32xf32>
    %dot_general3A_39 = arith.constant dense<0.000000e+00> : vector<4xf32>
    %dot_general3A_40 = tpu.matmul %get3A_36, %get3A_38, %dot_general3A_39 {dimension_numbers = #tpu.dot_dimension_numbers<[1], [0], [0], [], [0, 0], [], []>, transpose_lhs_hint = false} : vector<4x32xf32>, vector<32xf32>, vector<4xf32> -> vector<4xf32>
    %get3A_41 = arith.constant 0 : index
    %get3A_42 = arith.constant 0 : index
    %get3A_43 = vector.load %arg6[%get3A_41, %get3A_42] : memref<4x64xf32, #tpu.memory_space<vmem>>, vector<4x64xf32>
    %get3A_44 = arith.constant 0 : index
    %get3A_45 = vector.load %arg7[%get3A_44] : memref<64xf32, #tpu.memory_space<vmem>>, vector<64xf32>
    %dot_general3A_46 = arith.constant dense<0.000000e+00> : vector<4xf32>
    %dot_general3A_47 = tpu.matmul %get3A_43, %get3A_45, %dot_general3A_46 {dimension_numbers = #tpu.dot_dimension_numbers<[1], [0], [0], [], [0, 0], [], []>, transpose_lhs_hint = false} : vector<4x64xf32>, vector<64xf32>, vector<4xf32> -> vector<4xf32>
    %get3A_48 = arith.constant 0 : index
    %get3A_49 = arith.constant 0 : index
    %get3A_50 = vector.load %arg8[%get3A_48, %get3A_49] : memref<4x64xf32, #tpu.memory_space<vmem>>, vector<4x64xf32>
    %get3A_51 = arith.constant 0 : index
    %get3A_52 = vector.load %arg9[%get3A_51] : memref<64xf32, #tpu.memory_space<vmem>>, vector<64xf32>
    %dot_general3A_53 = arith.constant dense<0.000000e+00> : vector<4xf32>
    %dot_general3A_54 = tpu.matmul %get3A_50, %get3A_52, %dot_general3A_53 {dimension_numbers = #tpu.dot_dimension_numbers<[1], [0], [0], [], [0, 0], [], []>, transpose_lhs_hint = false} : vector<4x64xf32>, vector<64xf32>, vector<4xf32> -> vector<4xf32>
    %concatenate3A = tpu.concatenate %dot_general3A_40, %dot_general3A_47, %dot_general3A_54 in 0 : vector<4xf32>, vector<4xf32>, vector<4xf32> -> vector<12xf32>
    %broadcast_in_dim3A_55 = vector.shape_cast %concatenate3A : vector<12xf32> to vector<12x1xf32>
    %broadcast_in_dim3A_56 = arith.constant 1.000000e+00 : f32
    %broadcast_in_dim3A_57 = vector.broadcast %broadcast_in_dim3A_56 : f32 to vector<1x16xf32>
    %mul3A = vector.broadcast %broadcast_in_dim3A_55 : vector<12x1xf32> to vector<12x16xf32>
    %mul3A_58 = vector.broadcast %broadcast_in_dim3A_57 : vector<1x16xf32> to vector<12x16xf32>
    %mul3A_59 = arith.mulf %mul3A, %mul3A_58 : vector<12x16xf32>
    %swap3A_60 = arith.constant 0 : index
    %swap3A_61 = arith.constant 0 : index
    %swap3A_62 = vector.load %arg15[%swap3A_60, %swap3A_61] : memref<12x16xf32, #tpu.memory_space<vmem>>, vector<12x16xf32>
    tpu.vector_store %arg15[%swap3A_60, %swap3A_61], %mul3A_59 {strides = array<i32>} : memref<12x16xf32, #tpu.memory_space<vmem>>, vector<12x16xf32>,
    %get3A_63 = arith.constant 0 : index
    %get3A_64 = arith.constant 0 : index
    %get3A_65 = vector.load %arg10[%get3A_63, %get3A_64] : memref<2x320000xi32, #tpu.memory_space<vmem>>, vector<2x320000xi32>
    %slice3A = vector.extract_strided_slice %get3A_65 {offsets = [0, 0], sizes = [1, 320000], strides = [1, 1]} : vector<2x320000xi32> to vector<1x320000xi32>
    %squeeze3A = vector.shape_cast %slice3A : vector<1x320000xi32> to vector<320000xi32>
    %swap3A_66 = arith.constant 0 : index
    %swap3A_67 = vector.load %arg16[%swap3A_66] : memref<320000xi32, #tpu.memory_space<vmem>>, vector<320000xi32>
    tpu.vector_store %arg16[%swap3A_66], %squeeze3A {strides = array<i32>} : memref<320000xi32, #tpu.memory_space<vmem>>, vector<320000xi32>,
    %slice3A_68 = vector.extract_strided_slice %get3A_65 {offsets = [1, 0], sizes = [1, 320000], strides = [1, 1]} : vector<2x320000xi32> to vector<1x320000xi32>
    %squeeze3A_69 = vector.shape_cast %slice3A_68 : vector<1x320000xi32> to vector<320000xi32>
    %swap3A_70 = arith.constant 0 : index
    %swap3A_71 = vector.load %arg17[%swap3A_70] : memref<320000xi32, #tpu.memory_space<vmem>>, vector<320000xi32>
    tpu.vector_store %arg17[%swap3A_70], %squeeze3A_69 {strides = array<i32>} : memref<320000xi32, #tpu.memory_space<vmem>>, vector<320000xi32>,
    return
  }
}

module attributes {stable_mosaic.version = 14 : i64} {
  func.func @_tc_b_body(%arg0: memref<10000x16xf32, #tpu.memory_space<vmem>>, %arg1: memref<10000x16xf32, #tpu.memory_space<vmem>>, %arg2: memref<10000xf32, #tpu.memory_space<vmem>>, %arg3: memref<10000xf32, #tpu.memory_space<vmem>>, %arg4: memref<10000xf32, #tpu.memory_space<vmem>>, %arg5: memref<1x3xf32, #tpu.memory_space<vmem>>) attributes {dimension_semantics = [], scalar_prefetch = 0 : i64, scratch_operands = 0 : i64, tpu.core_type = #tpu.core_type<tc>} {
    %get3A = arith.constant 0 : index
    %get3A_0 = arith.constant 0 : index
    %get3A_1 = vector.load %arg0[%get3A, %get3A_0] : memref<10000x16xf32, #tpu.memory_space<vmem>>, vector<10000x16xf32>
    %get3A_2 = arith.constant 0 : index
    %get3A_3 = arith.constant 0 : index
    %get3A_4 = vector.load %arg1[%get3A_2, %get3A_3] : memref<10000x16xf32, #tpu.memory_space<vmem>>, vector<10000x16xf32>
    %add3A = arith.addf %get3A_1, %get3A_4 : vector<10000x16xf32>
    %slice3A = vector.extract_strided_slice %add3A {offsets = [0, 3], sizes = [10000, 1], strides = [1, 1]} : vector<10000x16xf32> to vector<10000x1xf32>
    %squeeze3A = vector.shape_cast %slice3A : vector<10000x1xf32> to vector<10000xf32>
    %jit3A = arith.constant 1.000000e+00 : f32
    %max3A = vector.broadcast %jit3A : f32 to vector<10000xf32>
    %max3A_5 = arith.maximumf %max3A, %squeeze3A : vector<10000xf32>
    %slice3A_6 = vector.extract_strided_slice %add3A {offsets = [0, 0], sizes = [10000, 1], strides = [1, 1]} : vector<10000x16xf32> to vector<10000x1xf32>
    %squeeze3A_7 = vector.shape_cast %slice3A_6 : vector<10000x1xf32> to vector<10000xf32>
    %div3A = arith.divf %squeeze3A_7, %max3A_5 : vector<10000xf32>
    %swap3A = arith.constant 0 : index
    %swap3A_8 = vector.load %arg2[%swap3A] : memref<10000xf32, #tpu.memory_space<vmem>>, vector<10000xf32>
    tpu.vector_store %arg2[%swap3A], %div3A {strides = array<i32>} : memref<10000xf32, #tpu.memory_space<vmem>>, vector<10000xf32>,
    %reduce_max3A = vector.shape_cast %div3A : vector<10000xf32> to vector<1x10000xf32>
    %reduce_max3A_9 = arith.constant dense<0xFF800000> : vector<1xf32>
    %reduce_max3A_10 = vector.multi_reduction <maximumf>, %reduce_max3A, %reduce_max3A_9 [1] : vector<1x10000xf32> to vector<1xf32>
    %reduce_max3A_11 = vector.shape_cast %reduce_max3A_10 : vector<1xf32> to vector<1x1xf32>
    %reduce_max3A_12 = vector.extract %reduce_max3A_11[0, 0] : f32 from vector<1x1xf32>
    %slice3A_13 = vector.extract_strided_slice %add3A {offsets = [0, 1], sizes = [10000, 1], strides = [1, 1]} : vector<10000x16xf32> to vector<10000x1xf32>
    %squeeze3A_14 = vector.shape_cast %slice3A_13 : vector<10000x1xf32> to vector<10000xf32>
    %div3A_15 = arith.divf %squeeze3A_14, %max3A_5 : vector<10000xf32>
    %swap3A_16 = arith.constant 0 : index
    %swap3A_17 = vector.load %arg3[%swap3A_16] : memref<10000xf32, #tpu.memory_space<vmem>>, vector<10000xf32>
    tpu.vector_store %arg3[%swap3A_16], %div3A_15 {strides = array<i32>} : memref<10000xf32, #tpu.memory_space<vmem>>, vector<10000xf32>,
    %reduce_max3A_18 = vector.shape_cast %div3A_15 : vector<10000xf32> to vector<1x10000xf32>
    %reduce_max3A_19 = arith.constant dense<0xFF800000> : vector<1xf32>
    %reduce_max3A_20 = vector.multi_reduction <maximumf>, %reduce_max3A_18, %reduce_max3A_19 [1] : vector<1x10000xf32> to vector<1xf32>
    %reduce_max3A_21 = vector.shape_cast %reduce_max3A_20 : vector<1xf32> to vector<1x1xf32>
    %reduce_max3A_22 = vector.extract %reduce_max3A_21[0, 0] : f32 from vector<1x1xf32>
    %slice3A_23 = vector.extract_strided_slice %add3A {offsets = [0, 2], sizes = [10000, 1], strides = [1, 1]} : vector<10000x16xf32> to vector<10000x1xf32>
    %squeeze3A_24 = vector.shape_cast %slice3A_23 : vector<10000x1xf32> to vector<10000xf32>
    %div3A_25 = arith.divf %squeeze3A_24, %max3A_5 : vector<10000xf32>
    %swap3A_26 = arith.constant 0 : index
    %swap3A_27 = vector.load %arg4[%swap3A_26] : memref<10000xf32, #tpu.memory_space<vmem>>, vector<10000xf32>
    tpu.vector_store %arg4[%swap3A_26], %div3A_25 {strides = array<i32>} : memref<10000xf32, #tpu.memory_space<vmem>>, vector<10000xf32>,
    %reduce_max3A_28 = vector.shape_cast %div3A_25 : vector<10000xf32> to vector<1x10000xf32>
    %reduce_max3A_29 = arith.constant dense<0xFF800000> : vector<1xf32>
    %reduce_max3A_30 = vector.multi_reduction <maximumf>, %reduce_max3A_28, %reduce_max3A_29 [1] : vector<1x10000xf32> to vector<1xf32>
    %reduce_max3A_31 = vector.shape_cast %reduce_max3A_30 : vector<1xf32> to vector<1x1xf32>
    %reduce_max3A_32 = vector.extract %reduce_max3A_31[0, 0] : f32 from vector<1x1xf32>
    %stack3A = vector.broadcast %reduce_max3A_12 : f32 to vector<1xf32>
    %stack3A_33 = vector.broadcast %reduce_max3A_22 : f32 to vector<1xf32>
    %stack3A_34 = vector.broadcast %reduce_max3A_32 : f32 to vector<1xf32>
    %stack3A_35 = tpu.concatenate %stack3A, %stack3A_33, %stack3A_34 in 0 : vector<1xf32>, vector<1xf32>, vector<1xf32> -> vector<3xf32>
    %broadcast_in_dim3A = vector.shape_cast %stack3A_35 : vector<3xf32> to vector<1x3xf32>
    %swap3A_36 = arith.constant 0 : index
    %swap3A_37 = arith.constant 0 : index
    %swap3A_38 = vector.load %arg5[%swap3A_36, %swap3A_37] : memref<1x3xf32, #tpu.memory_space<vmem>>, vector<1x3xf32>
    tpu.vector_store %arg5[%swap3A_36, %swap3A_37], %broadcast_in_dim3A {strides = array<i32>} : memref<1x3xf32, #tpu.memory_space<vmem>>, vector<1x3xf32>,
    return
  }
}

module attributes {stable_mosaic.version = 14 : i64} {
  func.func @_tc_lj_body(%arg0: memref<10000x32xf32, #tpu.memory_space<vmem>>, %arg1: memref<10000x32xf32, #tpu.memory_space<vmem>>, %arg2: memref<10000x16xf32, #tpu.memory_space<vmem>>, %arg3: memref<10000x16xf32, #tpu.memory_space<vmem>>, %arg4: memref<10000x32xf32, #tpu.memory_space<vmem>>, %arg5: memref<10000xf32, #tpu.memory_space<vmem>>, %arg6: memref<10000xf32, #tpu.memory_space<vmem>>, %arg7: memref<10000xf32, #tpu.memory_space<vmem>>, %arg8: memref<1xf32, #tpu.memory_space<smem>>, %arg9: memref<32xf32, #tpu.memory_space<vmem>>, %arg10: memref<32x64xf32, #tpu.memory_space<vmem>>, %arg11: memref<64xf32, #tpu.memory_space<vmem>>, %arg12: memref<64xf32, #tpu.memory_space<vmem>>, %arg13: memref<10000x64xf32, #tpu.memory_space<vmem>>, %arg14: memref<10000xf32, #tpu.memory_space<vmem>>, %arg15: memref<10000xf32, #tpu.memory_space<vmem>>, %arg16: memref<1x2xf32, #tpu.memory_space<vmem>>) attributes {dimension_semantics = [], scalar_prefetch = 0 : i64, scratch_operands = 0 : i64, tpu.core_type = #tpu.core_type<tc>} {
    %get3A = arith.constant 0 : index
    %get3A_0 = vector.load %arg5[%get3A] : memref<10000xf32, #tpu.memory_space<vmem>>, vector<10000xf32>
    %get3A_1 = arith.constant 0 : index
    %get3A_2 = vector.load %arg6[%get3A_1] : memref<10000xf32, #tpu.memory_space<vmem>>, vector<10000xf32>
    %add3A = arith.addf %get3A_0, %get3A_2 : vector<10000xf32>
    %get3A_3 = arith.constant 0 : index
    %get3A_4 = vector.load %arg7[%get3A_3] : memref<10000xf32, #tpu.memory_space<vmem>>, vector<10000xf32>
    %add3A_5 = arith.addf %add3A, %get3A_4 : vector<10000xf32>
    %gt3A = arith.constant 0.000000e+00 : f32
    %gt3A_6 = vector.broadcast %gt3A : f32 to vector<10000xf32>
    %gt3A_7 = arith.cmpf ogt, %add3A_5, %gt3A_6 : vector<10000xf32>
    %mul3A = arith.constant 2.000000e-01 : f32
    %mul3A_8 = vector.broadcast %mul3A : f32 to vector<10000xf32>
    %mul3A_9 = arith.mulf %mul3A_8, %add3A_5 : vector<10000xf32>
    %select_n3A = arith.select %gt3A_7, %add3A_5, %mul3A_9 : vector<10000xi1>, vector<10000xf32>
    %get3A_10 = arith.constant 0 : index
    %get3A_11 = memref.load %arg8[%get3A_10] : memref<1xf32, #tpu.memory_space<smem>>
    %sub3A = vector.broadcast %get3A_11 : f32 to vector<10000xf32>
    %sub3A_12 = arith.subf %select_n3A, %sub3A : vector<10000xf32>
    %exp3A = math.exp %sub3A_12 : vector<10000xf32>
    %broadcast_in_dim3A = vector.shape_cast %exp3A : vector<10000xf32> to vector<10000x1xf32>
    %get3A_13 = arith.constant 0 : index
    %get3A_14 = arith.constant 0 : index
    %get3A_15 = vector.load %arg0[%get3A_13, %get3A_14] : memref<10000x32xf32, #tpu.memory_space<vmem>>, vector<10000x32xf32>
    %get3A_16 = arith.constant 0 : index
    %get3A_17 = arith.constant 0 : index
    %get3A_18 = vector.load %arg1[%get3A_16, %get3A_17] : memref<10000x32xf32, #tpu.memory_space<vmem>>, vector<10000x32xf32>
    %add3A_19 = arith.addf %get3A_15, %get3A_18 : vector<10000x32xf32>
    %get3A_20 = arith.constant 0 : index
    %get3A_21 = arith.constant 0 : index
    %get3A_22 = vector.load %arg2[%get3A_20, %get3A_21] : memref<10000x16xf32, #tpu.memory_space<vmem>>, vector<10000x16xf32>
    %get3A_23 = arith.constant 0 : index
    %get3A_24 = arith.constant 0 : index
    %get3A_25 = vector.load %arg3[%get3A_23, %get3A_24] : memref<10000x16xf32, #tpu.memory_space<vmem>>, vector<10000x16xf32>
    %add3A_26 = arith.addf %get3A_22, %get3A_25 : vector<10000x16xf32>
    %slice3A = vector.extract_strided_slice %add3A_26 {offsets = [0, 0], sizes = [10000, 1], strides = [1, 1]} : vector<10000x16xf32> to vector<10000x1xf32>
    %get3A_27 = arith.constant 0 : index
    %get3A_28 = arith.constant 0 : index
    %get3A_29 = vector.load %arg4[%get3A_27, %get3A_28] : memref<10000x32xf32, #tpu.memory_space<vmem>>, vector<10000x32xf32>
    %mul3A_30 = vector.broadcast %broadcast_in_dim3A : vector<10000x1xf32> to vector<10000x32xf32>
    %mul3A_31 = arith.mulf %mul3A_30, %get3A_29 : vector<10000x32xf32>
    %add3A_32 = arith.addf %add3A_19, %mul3A_31 : vector<10000x32xf32>
    %add3A_33 = arith.addf %slice3A, %broadcast_in_dim3A : vector<10000x1xf32>
    %div3A = vector.broadcast %add3A_33 : vector<10000x1xf32> to vector<10000x32xf32>
    %div3A_34 = arith.divf %add3A_32, %div3A : vector<10000x32xf32>
    %get3A_35 = arith.constant 0 : index
    %get3A_36 = vector.load %arg9[%get3A_35] : memref<32xf32, #tpu.memory_space<vmem>>, vector<32xf32>
    %broadcast_in_dim3A_37 = vector.shape_cast %get3A_36 : vector<32xf32> to vector<1x32xf32>
    %add3A_38 = vector.broadcast %broadcast_in_dim3A_37 : vector<1x32xf32> to vector<10000x32xf32>
    %add3A_39 = arith.addf %div3A_34, %add3A_38 : vector<10000x32xf32>
    %max3A = arith.constant 0.000000e+00 : f32
    %max3A_40 = vector.broadcast %max3A : f32 to vector<10000x32xf32>
    %max3A_41 = arith.maximumf %add3A_39, %max3A_40 : vector<10000x32xf32>
    %get3A_42 = arith.constant 0 : index
    %get3A_43 = arith.constant 0 : index
    %get3A_44 = vector.load %arg10[%get3A_42, %get3A_43] : memref<32x64xf32, #tpu.memory_space<vmem>>, vector<32x64xf32>
    %dot_general3A = arith.constant dense<0.000000e+00> : vector<10000x64xf32>
    %dot_general3A_45 = tpu.matmul %max3A_41, %get3A_44, %dot_general3A {dimension_numbers = #tpu.dot_dimension_numbers<[1], [0], [0], [1], [0, 0, 1, 1], [], []>, transpose_lhs_hint = false} : vector<10000x32xf32>, vector<32x64xf32>, vector<10000x64xf32> -> vector<10000x64xf32>
    %swap3A = arith.constant 0 : index
    %swap3A_46 = arith.constant 0 : index
    %swap3A_47 = vector.load %arg13[%swap3A, %swap3A_46] : memref<10000x64xf32, #tpu.memory_space<vmem>>, vector<10000x64xf32>
    tpu.vector_store %arg13[%swap3A, %swap3A_46], %dot_general3A_45 {strides = array<i32>} : memref<10000x64xf32, #tpu.memory_space<vmem>>, vector<10000x64xf32>,
    %get3A_48 = arith.constant 0 : index
    %get3A_49 = vector.load %arg11[%get3A_48] : memref<64xf32, #tpu.memory_space<vmem>>, vector<64xf32>
    %dot_general3A_50 = arith.constant dense<0.000000e+00> : vector<10000xf32>
    %dot_general3A_51 = tpu.matmul %dot_general3A_45, %get3A_49, %dot_general3A_50 {dimension_numbers = #tpu.dot_dimension_numbers<[1], [0], [0], [], [0, 0], [], []>, transpose_lhs_hint = false} : vector<10000x64xf32>, vector<64xf32>, vector<10000xf32> -> vector<10000xf32>
    %get3A_52 = arith.constant 0 : index
    %get3A_53 = vector.load %arg12[%get3A_52] : memref<64xf32, #tpu.memory_space<vmem>>, vector<64xf32>
    %dot_general3A_54 = arith.constant dense<0.000000e+00> : vector<10000xf32>
    %dot_general3A_55 = tpu.matmul %dot_general3A_45, %get3A_53, %dot_general3A_54 {dimension_numbers = #tpu.dot_dimension_numbers<[1], [0], [0], [], [0, 0], [], []>, transpose_lhs_hint = false} : vector<10000x64xf32>, vector<64xf32>, vector<10000xf32> -> vector<10000xf32>
    %swap3A_56 = arith.constant 0 : index
    %swap3A_57 = vector.load %arg14[%swap3A_56] : memref<10000xf32, #tpu.memory_space<vmem>>, vector<10000xf32>
    tpu.vector_store %arg14[%swap3A_56], %dot_general3A_51 {strides = array<i32>} : memref<10000xf32, #tpu.memory_space<vmem>>, vector<10000xf32>,
    %swap3A_58 = arith.constant 0 : index
    %swap3A_59 = vector.load %arg15[%swap3A_58] : memref<10000xf32, #tpu.memory_space<vmem>>, vector<10000xf32>
    tpu.vector_store %arg15[%swap3A_58], %dot_general3A_55 {strides = array<i32>} : memref<10000xf32, #tpu.memory_space<vmem>>, vector<10000xf32>,
    %reduce_max3A = vector.shape_cast %dot_general3A_51 : vector<10000xf32> to vector<1x10000xf32>
    %reduce_max3A_60 = arith.constant dense<0xFF800000> : vector<1xf32>
    %reduce_max3A_61 = vector.multi_reduction <maximumf>, %reduce_max3A, %reduce_max3A_60 [1] : vector<1x10000xf32> to vector<1xf32>
    %reduce_max3A_62 = vector.shape_cast %reduce_max3A_61 : vector<1xf32> to vector<1x1xf32>
    %reduce_max3A_63 = vector.extract %reduce_max3A_62[0, 0] : f32 from vector<1x1xf32>
    %reduce_max3A_64 = vector.shape_cast %dot_general3A_55 : vector<10000xf32> to vector<1x10000xf32>
    %reduce_max3A_65 = arith.constant dense<0xFF800000> : vector<1xf32>
    %reduce_max3A_66 = vector.multi_reduction <maximumf>, %reduce_max3A_64, %reduce_max3A_65 [1] : vector<1x10000xf32> to vector<1xf32>
    %reduce_max3A_67 = vector.shape_cast %reduce_max3A_66 : vector<1xf32> to vector<1x1xf32>
    %reduce_max3A_68 = vector.extract %reduce_max3A_67[0, 0] : f32 from vector<1x1xf32>
    %stack3A = vector.broadcast %reduce_max3A_63 : f32 to vector<1xf32>
    %stack3A_69 = vector.broadcast %reduce_max3A_68 : f32 to vector<1xf32>
    %stack3A_70 = tpu.concatenate %stack3A, %stack3A_69 in 0 : vector<1xf32>, vector<1xf32> -> vector<2xf32>
    %broadcast_in_dim3A_71 = vector.shape_cast %stack3A_70 : vector<2xf32> to vector<1x2xf32>
    %swap3A_72 = arith.constant 0 : index
    %swap3A_73 = arith.constant 0 : index
    %swap3A_74 = vector.load %arg16[%swap3A_72, %swap3A_73] : memref<1x2xf32, #tpu.memory_space<vmem>>, vector<1x2xf32>
    tpu.vector_store %arg16[%swap3A_72, %swap3A_73], %broadcast_in_dim3A_71 {strides = array<i32>} : memref<1x2xf32, #tpu.memory_space<vmem>>, vector<1x2xf32>,
    return
  }
}

module attributes {stable_mosaic.version = 14 : i64} {
  func.func @_tc_lj_body(%arg0: memref<10000x64xf32, #tpu.memory_space<vmem>>, %arg1: memref<10000x64xf32, #tpu.memory_space<vmem>>, %arg2: memref<10000x16xf32, #tpu.memory_space<vmem>>, %arg3: memref<10000x16xf32, #tpu.memory_space<vmem>>, %arg4: memref<10000x64xf32, #tpu.memory_space<vmem>>, %arg5: memref<10000xf32, #tpu.memory_space<vmem>>, %arg6: memref<10000xf32, #tpu.memory_space<vmem>>, %arg7: memref<10000xf32, #tpu.memory_space<vmem>>, %arg8: memref<1xf32, #tpu.memory_space<smem>>, %arg9: memref<64xf32, #tpu.memory_space<vmem>>, %arg10: memref<64x64xf32, #tpu.memory_space<vmem>>, %arg11: memref<64xf32, #tpu.memory_space<vmem>>, %arg12: memref<64xf32, #tpu.memory_space<vmem>>, %arg13: memref<10000x64xf32, #tpu.memory_space<vmem>>, %arg14: memref<10000xf32, #tpu.memory_space<vmem>>, %arg15: memref<10000xf32, #tpu.memory_space<vmem>>, %arg16: memref<1x2xf32, #tpu.memory_space<vmem>>) attributes {dimension_semantics = [], scalar_prefetch = 0 : i64, scratch_operands = 0 : i64, tpu.core_type = #tpu.core_type<tc>} {
    %get3A = arith.constant 0 : index
    %get3A_0 = vector.load %arg5[%get3A] : memref<10000xf32, #tpu.memory_space<vmem>>, vector<10000xf32>
    %get3A_1 = arith.constant 0 : index
    %get3A_2 = vector.load %arg6[%get3A_1] : memref<10000xf32, #tpu.memory_space<vmem>>, vector<10000xf32>
    %add3A = arith.addf %get3A_0, %get3A_2 : vector<10000xf32>
    %get3A_3 = arith.constant 0 : index
    %get3A_4 = vector.load %arg7[%get3A_3] : memref<10000xf32, #tpu.memory_space<vmem>>, vector<10000xf32>
    %add3A_5 = arith.addf %add3A, %get3A_4 : vector<10000xf32>
    %gt3A = arith.constant 0.000000e+00 : f32
    %gt3A_6 = vector.broadcast %gt3A : f32 to vector<10000xf32>
    %gt3A_7 = arith.cmpf ogt, %add3A_5, %gt3A_6 : vector<10000xf32>
    %mul3A = arith.constant 2.000000e-01 : f32
    %mul3A_8 = vector.broadcast %mul3A : f32 to vector<10000xf32>
    %mul3A_9 = arith.mulf %mul3A_8, %add3A_5 : vector<10000xf32>
    %select_n3A = arith.select %gt3A_7, %add3A_5, %mul3A_9 : vector<10000xi1>, vector<10000xf32>
    %get3A_10 = arith.constant 0 : index
    %get3A_11 = memref.load %arg8[%get3A_10] : memref<1xf32, #tpu.memory_space<smem>>
    %sub3A = vector.broadcast %get3A_11 : f32 to vector<10000xf32>
    %sub3A_12 = arith.subf %select_n3A, %sub3A : vector<10000xf32>
    %exp3A = math.exp %sub3A_12 : vector<10000xf32>
    %broadcast_in_dim3A = vector.shape_cast %exp3A : vector<10000xf32> to vector<10000x1xf32>
    %get3A_13 = arith.constant 0 : index
    %get3A_14 = arith.constant 0 : index
    %get3A_15 = vector.load %arg0[%get3A_13, %get3A_14] : memref<10000x64xf32, #tpu.memory_space<vmem>>, vector<10000x64xf32>
    %get3A_16 = arith.constant 0 : index
    %get3A_17 = arith.constant 0 : index
    %get3A_18 = vector.load %arg1[%get3A_16, %get3A_17] : memref<10000x64xf32, #tpu.memory_space<vmem>>, vector<10000x64xf32>
    %add3A_19 = arith.addf %get3A_15, %get3A_18 : vector<10000x64xf32>
    %get3A_20 = arith.constant 0 : index
    %get3A_21 = arith.constant 0 : index
    %get3A_22 = vector.load %arg2[%get3A_20, %get3A_21] : memref<10000x16xf32, #tpu.memory_space<vmem>>, vector<10000x16xf32>
    %get3A_23 = arith.constant 0 : index
    %get3A_24 = arith.constant 0 : index
    %get3A_25 = vector.load %arg3[%get3A_23, %get3A_24] : memref<10000x16xf32, #tpu.memory_space<vmem>>, vector<10000x16xf32>
    %add3A_26 = arith.addf %get3A_22, %get3A_25 : vector<10000x16xf32>
    %slice3A = vector.extract_strided_slice %add3A_26 {offsets = [0, 0], sizes = [10000, 1], strides = [1, 1]} : vector<10000x16xf32> to vector<10000x1xf32>
    %get3A_27 = arith.constant 0 : index
    %get3A_28 = arith.constant 0 : index
    %get3A_29 = vector.load %arg4[%get3A_27, %get3A_28] : memref<10000x64xf32, #tpu.memory_space<vmem>>, vector<10000x64xf32>
    %mul3A_30 = vector.broadcast %broadcast_in_dim3A : vector<10000x1xf32> to vector<10000x64xf32>
    %mul3A_31 = arith.mulf %mul3A_30, %get3A_29 : vector<10000x64xf32>
    %add3A_32 = arith.addf %add3A_19, %mul3A_31 : vector<10000x64xf32>
    %add3A_33 = arith.addf %slice3A, %broadcast_in_dim3A : vector<10000x1xf32>
    %div3A = vector.broadcast %add3A_33 : vector<10000x1xf32> to vector<10000x64xf32>
    %div3A_34 = arith.divf %add3A_32, %div3A : vector<10000x64xf32>
    %get3A_35 = arith.constant 0 : index
    %get3A_36 = vector.load %arg9[%get3A_35] : memref<64xf32, #tpu.memory_space<vmem>>, vector<64xf32>
    %broadcast_in_dim3A_37 = vector.shape_cast %get3A_36 : vector<64xf32> to vector<1x64xf32>
    %add3A_38 = vector.broadcast %broadcast_in_dim3A_37 : vector<1x64xf32> to vector<10000x64xf32>
    %add3A_39 = arith.addf %div3A_34, %add3A_38 : vector<10000x64xf32>
    %max3A = arith.constant 0.000000e+00 : f32
    %max3A_40 = vector.broadcast %max3A : f32 to vector<10000x64xf32>
    %max3A_41 = arith.maximumf %add3A_39, %max3A_40 : vector<10000x64xf32>
    %get3A_42 = arith.constant 0 : index
    %get3A_43 = arith.constant 0 : index
    %get3A_44 = vector.load %arg10[%get3A_42, %get3A_43] : memref<64x64xf32, #tpu.memory_space<vmem>>, vector<64x64xf32>
    %dot_general3A = arith.constant dense<0.000000e+00> : vector<10000x64xf32>
    %dot_general3A_45 = tpu.matmul %max3A_41, %get3A_44, %dot_general3A {dimension_numbers = #tpu.dot_dimension_numbers<[1], [0], [0], [1], [0, 0, 1, 1], [], []>, transpose_lhs_hint = false} : vector<10000x64xf32>, vector<64x64xf32>, vector<10000x64xf32> -> vector<10000x64xf32>
    %swap3A = arith.constant 0 : index
    %swap3A_46 = arith.constant 0 : index
    %swap3A_47 = vector.load %arg13[%swap3A, %swap3A_46] : memref<10000x64xf32, #tpu.memory_space<vmem>>, vector<10000x64xf32>
    tpu.vector_store %arg13[%swap3A, %swap3A_46], %dot_general3A_45 {strides = array<i32>} : memref<10000x64xf32, #tpu.memory_space<vmem>>, vector<10000x64xf32>,
    %get3A_48 = arith.constant 0 : index
    %get3A_49 = vector.load %arg11[%get3A_48] : memref<64xf32, #tpu.memory_space<vmem>>, vector<64xf32>
    %dot_general3A_50 = arith.constant dense<0.000000e+00> : vector<10000xf32>
    %dot_general3A_51 = tpu.matmul %dot_general3A_45, %get3A_49, %dot_general3A_50 {dimension_numbers = #tpu.dot_dimension_numbers<[1], [0], [0], [], [0, 0], [], []>, transpose_lhs_hint = false} : vector<10000x64xf32>, vector<64xf32>, vector<10000xf32> -> vector<10000xf32>
    %get3A_52 = arith.constant 0 : index
    %get3A_53 = vector.load %arg12[%get3A_52] : memref<64xf32, #tpu.memory_space<vmem>>, vector<64xf32>
    %dot_general3A_54 = arith.constant dense<0.000000e+00> : vector<10000xf32>
    %dot_general3A_55 = tpu.matmul %dot_general3A_45, %get3A_53, %dot_general3A_54 {dimension_numbers = #tpu.dot_dimension_numbers<[1], [0], [0], [], [0, 0], [], []>, transpose_lhs_hint = false} : vector<10000x64xf32>, vector<64xf32>, vector<10000xf32> -> vector<10000xf32>
    %swap3A_56 = arith.constant 0 : index
    %swap3A_57 = vector.load %arg14[%swap3A_56] : memref<10000xf32, #tpu.memory_space<vmem>>, vector<10000xf32>
    tpu.vector_store %arg14[%swap3A_56], %dot_general3A_51 {strides = array<i32>} : memref<10000xf32, #tpu.memory_space<vmem>>, vector<10000xf32>,
    %swap3A_58 = arith.constant 0 : index
    %swap3A_59 = vector.load %arg15[%swap3A_58] : memref<10000xf32, #tpu.memory_space<vmem>>, vector<10000xf32>
    tpu.vector_store %arg15[%swap3A_58], %dot_general3A_55 {strides = array<i32>} : memref<10000xf32, #tpu.memory_space<vmem>>, vector<10000xf32>,
    %reduce_max3A = vector.shape_cast %dot_general3A_51 : vector<10000xf32> to vector<1x10000xf32>
    %reduce_max3A_60 = arith.constant dense<0xFF800000> : vector<1xf32>
    %reduce_max3A_61 = vector.multi_reduction <maximumf>, %reduce_max3A, %reduce_max3A_60 [1] : vector<1x10000xf32> to vector<1xf32>
    %reduce_max3A_62 = vector.shape_cast %reduce_max3A_61 : vector<1xf32> to vector<1x1xf32>
    %reduce_max3A_63 = vector.extract %reduce_max3A_62[0, 0] : f32 from vector<1x1xf32>
    %reduce_max3A_64 = vector.shape_cast %dot_general3A_55 : vector<10000xf32> to vector<1x10000xf32>
    %reduce_max3A_65 = arith.constant dense<0xFF800000> : vector<1xf32>
    %reduce_max3A_66 = vector.multi_reduction <maximumf>, %reduce_max3A_64, %reduce_max3A_65 [1] : vector<1x10000xf32> to vector<1xf32>
    %reduce_max3A_67 = vector.shape_cast %reduce_max3A_66 : vector<1xf32> to vector<1x1xf32>
    %reduce_max3A_68 = vector.extract %reduce_max3A_67[0, 0] : f32 from vector<1x1xf32>
    %stack3A = vector.broadcast %reduce_max3A_63 : f32 to vector<1xf32>
    %stack3A_69 = vector.broadcast %reduce_max3A_68 : f32 to vector<1xf32>
    %stack3A_70 = tpu.concatenate %stack3A, %stack3A_69 in 0 : vector<1xf32>, vector<1xf32> -> vector<2xf32>
    %broadcast_in_dim3A_71 = vector.shape_cast %stack3A_70 : vector<2xf32> to vector<1x2xf32>
    %swap3A_72 = arith.constant 0 : index
    %swap3A_73 = arith.constant 0 : index
    %swap3A_74 = vector.load %arg16[%swap3A_72, %swap3A_73] : memref<1x2xf32, #tpu.memory_space<vmem>>, vector<1x2xf32>
    tpu.vector_store %arg16[%swap3A_72, %swap3A_73], %broadcast_in_dim3A_71 {strides = array<i32>} : memref<1x2xf32, #tpu.memory_space<vmem>>, vector<1x2xf32>,
    return
  }
}

module attributes {stable_mosaic.version = 14 : i64} {
  func.func @_tc_l4_body(%arg0: memref<10000x64xf32, #tpu.memory_space<vmem>>, %arg1: memref<10000x64xf32, #tpu.memory_space<vmem>>, %arg2: memref<10000x16xf32, #tpu.memory_space<vmem>>, %arg3: memref<10000x16xf32, #tpu.memory_space<vmem>>, %arg4: memref<10000x64xf32, #tpu.memory_space<vmem>>, %arg5: memref<10000xf32, #tpu.memory_space<vmem>>, %arg6: memref<10000xf32, #tpu.memory_space<vmem>>, %arg7: memref<10000xf32, #tpu.memory_space<vmem>>, %arg8: memref<1xf32, #tpu.memory_space<smem>>, %arg9: memref<64xf32, #tpu.memory_space<vmem>>, %arg10: memref<64x512xf32, #tpu.memory_space<vmem>>, %arg11: memref<512xf32, #tpu.memory_space<vmem>>, %arg12: memref<10000x512xf32, #tpu.memory_space<vmem>>) attributes {dimension_semantics = [], scalar_prefetch = 0 : i64, scratch_operands = 0 : i64, tpu.core_type = #tpu.core_type<tc>} {
    %get3A = arith.constant 0 : index
    %get3A_0 = vector.load %arg5[%get3A] : memref<10000xf32, #tpu.memory_space<vmem>>, vector<10000xf32>
    %get3A_1 = arith.constant 0 : index
    %get3A_2 = vector.load %arg6[%get3A_1] : memref<10000xf32, #tpu.memory_space<vmem>>, vector<10000xf32>
    %add3A = arith.addf %get3A_0, %get3A_2 : vector<10000xf32>
    %get3A_3 = arith.constant 0 : index
    %get3A_4 = vector.load %arg7[%get3A_3] : memref<10000xf32, #tpu.memory_space<vmem>>, vector<10000xf32>
    %add3A_5 = arith.addf %add3A, %get3A_4 : vector<10000xf32>
    %gt3A = arith.constant 0.000000e+00 : f32
    %gt3A_6 = vector.broadcast %gt3A : f32 to vector<10000xf32>
    %gt3A_7 = arith.cmpf ogt, %add3A_5, %gt3A_6 : vector<10000xf32>
    %mul3A = arith.constant 2.000000e-01 : f32
    %mul3A_8 = vector.broadcast %mul3A : f32 to vector<10000xf32>
    %mul3A_9 = arith.mulf %mul3A_8, %add3A_5 : vector<10000xf32>
    %select_n3A = arith.select %gt3A_7, %add3A_5, %mul3A_9 : vector<10000xi1>, vector<10000xf32>
    %get3A_10 = arith.constant 0 : index
    %get3A_11 = memref.load %arg8[%get3A_10] : memref<1xf32, #tpu.memory_space<smem>>
    %sub3A = vector.broadcast %get3A_11 : f32 to vector<10000xf32>
    %sub3A_12 = arith.subf %select_n3A, %sub3A : vector<10000xf32>
    %exp3A = math.exp %sub3A_12 : vector<10000xf32>
    %broadcast_in_dim3A = vector.shape_cast %exp3A : vector<10000xf32> to vector<10000x1xf32>
    %get3A_13 = arith.constant 0 : index
    %get3A_14 = arith.constant 0 : index
    %get3A_15 = vector.load %arg0[%get3A_13, %get3A_14] : memref<10000x64xf32, #tpu.memory_space<vmem>>, vector<10000x64xf32>
    %get3A_16 = arith.constant 0 : index
    %get3A_17 = arith.constant 0 : index
    %get3A_18 = vector.load %arg1[%get3A_16, %get3A_17] : memref<10000x64xf32, #tpu.memory_space<vmem>>, vector<10000x64xf32>
    %add3A_19 = arith.addf %get3A_15, %get3A_18 : vector<10000x64xf32>
    %get3A_20 = arith.constant 0 : index
    %get3A_21 = arith.constant 0 : index
    %get3A_22 = vector.load %arg2[%get3A_20, %get3A_21] : memref<10000x16xf32, #tpu.memory_space<vmem>>, vector<10000x16xf32>
    %get3A_23 = arith.constant 0 : index
    %get3A_24 = arith.constant 0 : index
    %get3A_25 = vector.load %arg3[%get3A_23, %get3A_24] : memref<10000x16xf32, #tpu.memory_space<vmem>>, vector<10000x16xf32>
    %add3A_26 = arith.addf %get3A_22, %get3A_25 : vector<10000x16xf32>
    %slice3A = vector.extract_strided_slice %add3A_26 {offsets = [0, 0], sizes = [10000, 1], strides = [1, 1]} : vector<10000x16xf32> to vector<10000x1xf32>
    %get3A_27 = arith.constant 0 : index
    %get3A_28 = arith.constant 0 : index
    %get3A_29 = vector.load %arg4[%get3A_27, %get3A_28] : memref<10000x64xf32, #tpu.memory_space<vmem>>, vector<10000x64xf32>
    %mul3A_30 = vector.broadcast %broadcast_in_dim3A : vector<10000x1xf32> to vector<10000x64xf32>
    %mul3A_31 = arith.mulf %mul3A_30, %get3A_29 : vector<10000x64xf32>
    %add3A_32 = arith.addf %add3A_19, %mul3A_31 : vector<10000x64xf32>
    %add3A_33 = arith.addf %slice3A, %broadcast_in_dim3A : vector<10000x1xf32>
    %div3A = vector.broadcast %add3A_33 : vector<10000x1xf32> to vector<10000x64xf32>
    %div3A_34 = arith.divf %add3A_32, %div3A : vector<10000x64xf32>
    %get3A_35 = arith.constant 0 : index
    %get3A_36 = vector.load %arg9[%get3A_35] : memref<64xf32, #tpu.memory_space<vmem>>, vector<64xf32>
    %broadcast_in_dim3A_37 = vector.shape_cast %get3A_36 : vector<64xf32> to vector<1x64xf32>
    %add3A_38 = vector.broadcast %broadcast_in_dim3A_37 : vector<1x64xf32> to vector<10000x64xf32>
    %add3A_39 = arith.addf %div3A_34, %add3A_38 : vector<10000x64xf32>
    %max3A = arith.constant 0.000000e+00 : f32
    %max3A_40 = vector.broadcast %max3A : f32 to vector<10000x64xf32>
    %max3A_41 = arith.maximumf %add3A_39, %max3A_40 : vector<10000x64xf32>
    %get3A_42 = arith.constant 0 : index
    %get3A_43 = arith.constant 0 : index
    %get3A_44 = vector.load %arg10[%get3A_42, %get3A_43] : memref<64x512xf32, #tpu.memory_space<vmem>>, vector<64x512xf32>
    %dot_general3A = arith.constant dense<0.000000e+00> : vector<10000x512xf32>
    %dot_general3A_45 = tpu.matmul %max3A_41, %get3A_44, %dot_general3A {dimension_numbers = #tpu.dot_dimension_numbers<[1], [0], [0], [1], [0, 0, 1, 1], [], []>, transpose_lhs_hint = false} : vector<10000x64xf32>, vector<64x512xf32>, vector<10000x512xf32> -> vector<10000x512xf32>
    %get3A_46 = arith.constant 0 : index
    %get3A_47 = vector.load %arg11[%get3A_46] : memref<512xf32, #tpu.memory_space<vmem>>, vector<512xf32>
    %broadcast_in_dim3A_48 = vector.shape_cast %get3A_47 : vector<512xf32> to vector<1x512xf32>
    %add3A_49 = vector.broadcast %broadcast_in_dim3A_48 : vector<1x512xf32> to vector<10000x512xf32>
    %add3A_50 = arith.addf %dot_general3A_45, %add3A_49 : vector<10000x512xf32>
    %swap3A = arith.constant 0 : index
    %swap3A_51 = arith.constant 0 : index
    %swap3A_52 = vector.load %arg12[%swap3A, %swap3A_51] : memref<10000x512xf32, #tpu.memory_space<vmem>>, vector<10000x512xf32>
    tpu.vector_store %arg12[%swap3A, %swap3A_51], %add3A_50 {strides = array<i32>} : memref<10000x512xf32, #tpu.memory_space<vmem>>, vector<10000x512xf32>,
    return
  }
}

</mosaic_0001>

<sc_bundles>
// kernel: kernel.11.cloned.1.call-start
scs
__scs_entry_jumppad:
0x0: {  	(pc) =	sbr.rel $0x88, $3  }
0x1: {  	(tag) =	ssettag $0x0;
	lr =	simm.s32 $0x1  }
0x2: {  	[smem:$0x3F8A] =	sst lr;
	_ =	strace $0xD0000000  }
0x3: {  	_ = 	snop  }
0x4: {  	_ = 	snop  }
0x5: {  	_ = 	snop  }
0x6: {  	_ = 	snop  }
0x7: {  	_ = 	snop  }
__scs_overlays_trampoline_lowered:
0x8: {  	[smem:$0x3F99] =	sst s0  }
0x9: {  	[smem:$0x3F9A] =	sst s1  }
0xa: {  	[smem:$0x3F9B] =	sst s2  }
0xb: {  	[smem:$0x3F9C] =	sst s3  }
0xc: {  	[smem:$0x3F9D] =	sst s4  }
0xd: {  	[smem:$0x3F9E] =	sst s5  }
0xe: {  	[smem:$0x3F9F] =	sst s6  }
0xf: {  	[smem:$0x3FA0] =	sst s7  }
0x10: {  	[smem:$0x3FA1] =	sst s8  }
0x11: {  	[smem:$0x3FA2] =	sst s9;
	s0 =	simm.s32 @!p0 $0x0  }
0x12: {  	s1 =	sld [smem:$0x3F88];
	s0 =	simm.s32 @p0 $0x1  }
0x13: {  	[smem:$0x3FA3] =	sst s0;
	s0 =	simm.s32 @!p1 $0x0  }
0x14: {  	s2 =	sld [smem:$0x3F87];
	s0 =	simm.s32 @p1 $0x1  }
0x15: {  	[smem:$0x3FA4] =	sst s0;
	s0 =	simm.s32 @!p2 $0x0  }
0x16: {  	s3 =	sld [smem:$0x3FDB];
	s0 =	simm.s32 @p2 $0x1  }
0x17: {  	s4 =	simm.s32 $0x1BF5;
	[smem:$0x3FA6] =	sst s0  }
0x18: {  	s0 =	sld [smem:$0x3F89];
	_ =	swait.ge [sflag:s4], $0x0  }
0x19: {  	s7 =	sld [smem:$0x3F8A]  }
0x1a: {  	s8 =	sadd.s32 $0xFFFFE003, lr  }
0x1b: {  	s9 =	sadd.s32 $0xFFFFFEF7, lr;
	s5 =	simm.s32 $0xFFFFFFFF;
	p2 =	slt.u32 s8, $0xFFFFF086  }
0x1c: {  	p1 =	slt.u32 s9, $0xF7A;
	s5 =	simm.s32 @!p2 $0x0  }
0x1d: {  	s5 =	simm.s32 @p1 $0x1;
	p0 =	seq.s32 s7, s2  }
0x1e: {  	s7 =	smul.u32 @!p0 $0xF7A, s2;
	p2 =	seq.s32 @!p0 s5, $0x0  }
0x1f: {  	s9 =	smul.u32 $0xF7A, s1;
	s8 =	simm.s32 @!p0 $0x1BF5;
	p2 =	por !p2, p0  }
0x20: {  	[sflag:s8] =	ssyncset.s32 @!p0 $0xFFFFF086;
	s6 =	sadd.s32 @!p0 s3, s7;
	s7 =	simm.s32 @!p0 $0x108  }
0x21: {  	s3 =	sadd.s32 s3, s9;
	s6 =	sadd.s32 @!p0 $0x88, s6;
	s7 =	simm.s32 @p2 $0x1082  }
0x22: {  	[simem:s7], [sflag:s8] =	dma.local @!p0 [hbm:s6], $0xF7A  }
0x23: {  	s9 =	sor.u32 $0xD0000000, s2;
	s6 =	simm.s32 $0x108;
	_ =	swait.ge @!p0 [sflag:s8], $0x0  }
0x24: {  	s3 =	sadd.s32 $0x88, s3;
	s6 =	simm.s32 @!p1 $0x1082;
	[sflag:s4] =	ssyncset.s32 $0xFFFFF086  }
0x25: {  	[simem:s6], [sflag:s4] =	dma.local [hbm:s3], $0xF7A  }
0x26: {  	[smem:$0x3F8A] =	sst s1;
	(tag) =	ssettag s2;
	_ =	strace s9  }
0x27: {  	s1 =	sld [smem:$0x3F9A]  }
0x28: {  	s2 =	sld [smem:$0x3F9B]  }
0x29: {  	s4 =	sld [smem:$0x3F9D]  }
0x2a: {  	p0 =	seq.s32 s5, $0x0;
	s5 =	sld [smem:$0x3F9E]  }
0x2b: {  	s6 =	sld [smem:$0x3F9F]  }
0x2c: {  	s7 =	sld [smem:$0x3FA0]  }
0x2d: {  	s3 =	simm.s32 $0x108;
	s8 =	sld [smem:$0x3FA1]  }
0x2e: {  	s3 =	simm.s32 @!p0 $0x1082;
	s9 =	sld [smem:$0x3FA2]  }
0x2f: {  	lr =	sadd.s32 s0, s3;
	s0 =	sld [smem:$0x3F99]  }
0x30: {  	s3 =	sld [smem:$0x3F9C]  }
0x31: {  	[smem:$0x3FA5] =	sst s10  }
0x32: {  	s10 =	sld [smem:$0x3FA3];
	_ =	sdelay $0x3  }
0x33: {  	p0 =	seq.s32 s10, $0x1;
	s10 =	sld [smem:$0x3FA5];
	_ =	sdelay $0x3  }
0x34: {  	[smem:$0x3FA5] =	sst s10  }
0x35: {  	s10 =	sld [smem:$0x3FA4];
	_ =	sdelay $0x3  }
0x36: {  	p1 =	seq.s32 s10, $0x1;
	s10 =	sld [smem:$0x3FA5];
	_ =	sdelay $0x3  }
0x37: {  	[smem:$0x3FA5] =	sst s10  }
0x38: {  	s10 =	sld [smem:$0x3FA6]  }
0x39: {  	_ = 	snop;
	(pc) =	sbr.ind lr, $3  }
0x3a: {  	_ = 	snop  }
0x3b: {  	_ = 	snop  }
0x3c: {  	p2 =	seq.s32 s10, $0x1;
	s10 =	sld [smem:$0x3FA5]  }
0x3d: {  	_ =	shalt  }
0x3e: {  	_ =	shalt  }
0x3f: {  	_ =	shalt  }
0x40: {  	_ =	shalt  }
0x41: {  	_ =	shalt  }
0x42: {  	_ =	shalt  }
0x43: {  	_ =	shalt  }
0x44: {  	_ =	shalt  }
0x45: {  	_ =	shalt  }
0x46: {  	_ =	shalt  }
0x47: {  	_ =	shalt  }
0x48: {  	_ =	shalt  }
0x49: {  	_ =	shalt  }
0x4a: {  	_ =	shalt  }
0x4b: {  	_ =	shalt  }
0x4c: {  	_ =	shalt  }
0x4d: {  	_ =	shalt  }
0x4e: {  	_ =	shalt  }
0x4f: {  	_ =	shalt  }
0x50: {  	_ =	shalt  }
0x51: {  	_ =	shalt  }
0x52: {  	_ =	shalt  }
0x53: {  	_ =	shalt  }
0x54: {  	_ =	shalt  }
0x55: {  	_ =	shalt  }
0x56: {  	_ =	shalt  }
0x57: {  	_ =	shalt  }
0x58: {  	_ =	shalt  }
0x59: {  	_ =	shalt  }
0x5a: {  	_ =	shalt  }
0x5b: {  	_ =	shalt  }
0x5c: {  	_ =	shalt  }
0x5d: {  	_ =	shalt  }
0x5e: {  	_ =	shalt  }
0x5f: {  	_ =	shalt  }
0x60: {  	_ =	shalt  }
0x61: {  	_ =	shalt  }
0x62: {  	_ =	shalt  }
0x63: {  	_ =	shalt  }
0x64: {  	_ =	shalt  }
0x65: {  	_ =	shalt  }
0x66: {  	_ =	shalt  }
0x67: {  	_ =	shalt  }
0x68: {  	_ =	shalt  }
0x69: {  	_ =	shalt  }
0x6a: {  	_ =	shalt  }
0x6b: {  	_ =	shalt  }
0x6c: {  	_ =	shalt  }
0x6d: {  	_ =	shalt  }
0x6e: {  	_ =	shalt  }
0x6f: {  	_ =	shalt  }
0x70: {  	_ =	shalt  }
0x71: {  	_ =	shalt  }
0x72: {  	_ =	shalt  }
0x73: {  	_ =	shalt  }
0x74: {  	_ =	shalt  }
0x75: {  	_ =	shalt  }
0x76: {  	_ =	shalt  }
0x77: {  	_ =	shalt  }
0x78: {  	_ =	shalt  }
0x79: {  	_ =	shalt  }
0x7a: {  	_ =	shalt  }
0x7b: {  	_ =	shalt  }
0x7c: {  	_ =	shalt  }
0x7d: {  	_ =	shalt  }
0x7e: {  	_ =	shalt  }
0x7f: {  	_ =	shalt  }
0x80: {  	_ =	shalt  }
0x81: {  	_ =	shalt  }
0x82: {  	_ =	shalt  }
0x83: {  	_ =	shalt  }
0x84: {  	_ =	shalt  }
0x85: {  	_ =	shalt  }
0x86: {  	_ =	shalt  }
0x87: {  	_ =	shalt  }
.Lfunc_end0:
.L_simem_size_0:
called_computation_lowered:
.L_overlay_start_0:
0x88: {  	s2 =	sld [smem:$0x3FD9]  }
0x89: {  	s3 =	sld [smem:$0x3FFE];
	_ =	sdelay $0x1  }
0x8a: {  	s1 =	srdreg.scid  }
0x8b: {  	s0 =	sand.u32 $0x1, s1  }
0x8c: {  	s17 =	sshll.u32 s0, $0xA;
	s2 =	sadd.s32 s3, s2  }
0x8d: {  	s2 =	sadd.s32 s2, s17  }
0x8e: {  	[smem:$0x3FB1] =	sst s2  }
0x8f: {  	_ = 	snop  }
0x90: {  	s2 =	sld [smem:$0x3FD0];
	(tm) =	ssettm $0x1  }
0x91: {  	s18 =	sld [smem:$0x3FFB];
	_ =	sdelay $0x3  }
0x92: {  	_ =	strace s18  }
0x93: {  	s3 =	sld [smem:$0x3FFC];
	_ =	sdelay $0x3  }
0x94: {  	_ =	strace s3  }
0x95: {  	s3 =	sld [smem:$0x3FFD];
	_ =	sdelay $0x3  }
0x96: {  	_ =	strace s3  }
0x97: {  	_ =	strace $0x8FFFFFFF  }
0x98: {  	s19 =	sld [smem:$0x3FDB];
	_ =	sdelay $0x1  }
0x99: {  	s4 =	simm.s32 $_scs_section_size  }
0x9a: {  	s5 =	simm.s32 $_size__tile_overlayer_lowered;
	s6 =	simm.s32 $_tile_overlayer_lowered  }
0x9b: {  	s22 =	simm.s32 $0x1BFF;
	s21 =	sshll.u32 s6, $0x1;
	s3 =	sadd.s32 s4, s19  }
0x9c: {  	s7 =	simm.s32 $0x0;
	s20 =	sshll.u32 s5, $0x1;
	s5 =	sadd.s32 s21, s3  }
0x9d: {  	[timem:s7], [sflag:s22] =	dma.local [hbm:s5], s20  }
0x9e: {  	_ =	swait.ge [sflag:s22], s20  }
0x9f: {  	s4 =	ssub.s32 $0x0, s20;
	[sflag:s22] =	ssyncset.done $0x0  }
0xa0: {  	[sflag:s22] =	ssyncadd.s32 s4;
	_ =	sdelay $0x1  }
0xa1: {  	s23 =	simm.s32 $0x1B8B  }
0xa2: {  	_ =	swait.ge [sflag:s23], $0x1  }
0xa3: {  	[sflag:s23] =	ssyncset.done $0x0  }
0xa4: {  	s25 =	simm.s32 $0x1B8E;
	s24 =	sld [smem:$0x3FFE];
	[sflag:s23] =	ssyncadd.s32 $0xFFFFFFFF  }
0xa5: {  	s26 =	simm.s32 $execute0_lowered;
	[smem:$0x3FD2] =	sst s25  }
0xa6: {  	s5 =	sshll.u32 s26, $0x1;
	_ =	strace $0x80000046;
	[dreg:$0x1] =	wrdreg $0xFFFFFFFF  }
0xa7: {  	s28 =	simm.s32 $_size_execute0_lowered;
	s3 =	sadd.s32 s3, s5;
	[dreg:$0x0] =	wrdreg $0x0  }
0xa8: {  	s5 =	sshll.u32 s28, $0x1;
	[dreg:$0x2] =	wrdreg s3  }
0xa9: {  	[dreg:$0x3] =	wrdreg s5  }
0xaa: {  	[dreg:$0x4] =	wrdreg $0xC0  }
0xab: {  	_ =	task [dreg:s7], $0x5FFFF  }
0xac: {  	[dreg:$0x1] =	wrdreg $0xFFFFFFFF  }
0xad: {  	[dreg:$0x0] =	wrdreg $0x60  }
0xae: {  	[dreg:$0x2] =	wrdreg s2  }
0xaf: {  	[dreg:$0x3] =	wrdreg s24  }
0xb0: {  	[dreg:$0x4] =	wrdreg $0x26700  }
0xb1: {  	[dreg:$0x5] =	wrdreg $0x9  }
0xb2: {  	_ =	task.clear_ibuf [dreg:s7], $0x6FFFF;
	_ =	strace $0x90000046  }
0xb3: {  	s29 =	simm.s32 $0x9;
	_ =	strace $0x80000048  }
0xb4: {  	_ =	swait.ge [sflag:s29], $0x1  }
0xb5: {  	[sflag:s29] =	ssyncadd.s32 $0xFFFFFFFF  }
0xb6: {  	_ =	strace $0x90000048  }
0xb7: {  	_ =	sfence  }
0xb8: {  	s30 =	sld [smem:$0x0];
	_ =	sdelay $0x2  }
0xb9: {  	s31 =	sshll.u32 s1, $0xD;
	s1 =	sshrl.u32 s1, $0x2  }
0xba: {  	s3 =	sand.u32 $0x4000, s31;
	s1 =	sadd.s32 s1, s30  }
0xbb: {  	s0 =	sor.u32 s3, s0;
	s1 =	sshll.u32 s1, $0x11  }
0xbc: {  	s0 =	sor.u32 s1, s0  }
0xbd: {  	s0 =	sadd.s32 $0x8F2B, s0  }
0xbe: {  	[sflag:s0] =	ssyncadd.remote.s32 $0x1  }
0xbf: {  	_ =	sfence.sel $0xFFFF  }
0xc0: {  	[dreg:$0x0] =	wrdreg $0xFFFFFFFF;
	(pc) =	sbr.abs _section_cstart, $3  }
0xc1: {  	[dreg:$0x1] =	wrdreg $0xFFFFFFFF  }
0xc2: {  	_ =	task.clear_ibuf [dreg:s7], $0x2FFFF;
	_ =	strace $0x9FFFFFFF  }
0xc3: {  	(tm) =	ssettm $0x7FFFFFFF  }
tec
execute0_lowered:
.L_overlay_start_1:
0x0: {  	(tag) =	ssettag $0x1  }
0x1: {  	s2 =	rddreg [dreg:$0x0]  }
0x2: {  	s0 =	rddreg [dreg:$0x1]  }
0x3: {  	s3 =	rddreg [dreg:$0x2]  }
0x4: {  	s15 =	stileid.u32;
	s1 =	srdreg.scid;
	s4 =	simm.s32 $0x0  }
0x5: {  	s16 =	simm.s32 $0x1;
	s19 =	simm.s32 $0x700;
	s20 =	simm.s32 $0x890  }
0x6: {  	s21 =	simm.s32 $0xA20;
	s22 =	simm.s32 $0xBB0;
	s23 =	simm.s32 $0x190  }
0x7: {  	s24 =	simm.s32 $0xD40;
	s26 =	simm.s32 $0x0;
	s30 =	simm.s32 $0x0  }
0x8: {  	s5 =	smul.u32 $0x3E80, s15;
	s1 =	sand.u32 $0x1, s1;
	[smem:$0x7FF] =	sst s4  }
0x9: {  	s6 =	sadd.s32 $0x44600, s0;
	s10 =	smul.u32 $0x30, s15;
	p0 =	sgt.u32 s15, $0x9  }
0xa: {  	s7 =	smul.u32 $0x27100, s1;
	_ =	strace $0x80000047;
	[dreg:$0x4] =	wrdreg s6  }
0xb: {  	s6 =	sadd.s32 $0x8C00, s0;
	s9 =	smul.u32 $0x300, s1;
	s12 =	ssub.s32 $0x2, s1  }
0xc: {  	s1 =	sshll.u32 s1, $0x4;
	s8 =	sshrl.u32 s5, $0x3;
	s14 =	sshrl.u32 s12, $0x1  }
0xd: {  	s1 =	sor.u32 s15, s1;
	s7 =	sadd.s32 s5, s7;
	s11 =	sadd.s32 s8, s0  }
0xe: {  	s8 =	sadd.s32 $0x5D600, s0;
	s10 =	sadd.s32 s10, s9;
	s9 =	sadd.s32 $0x67400, s0  }
0xf: {  	s29 =	ssub.s32 s12, s14;
	s5 =	sadd.s32 s5, s3;
	s7 =	sshrl.u32 s7, $0x3  }
0x10: {  	s10 =	sshrl.u32 s10, $0x3;
	s11 =	sadd.s32 $0x44800, s11;
	s14 =	smax.u32 s29, $0x1  }
0x11: {  	vm0 =	vcmask $0x300;
	v4 =	vimm.f32 $0.0e+00;
	s13 =	sadd.s32 s7, s0;
	s7 =	sadd.s32 $0x53800, s0;
	s0 =	sadd.s32 s10, s0  }
0x12: {  	v3 =	vlaneseq.u32;
	vm14 =	vcmask $0x704;
	vm15 =	vcmask $0xB08;
	s18 =	sshrl.u32 @!p0 s5, $0x3;
	[dreg:$0x5] =	wrdreg s11;
	s0 =	sadd.s32 $0x49800, s0  }
0x13: {  	vm1 =	vcmask $0xF0C;
	v0 =	vsel vm0, $0x3F800000, v4;
	v1 =	vsel vm14, $0x3F800000, v4;
	s31 =	sadd.s32 $0x49A00, s13;
	[dreg:$0x6] =	wrdreg s0;
	s0 =	sshll.u32 @!p0 s15, $0x6  }
0x14: {  	v2 =	vsel vm15, $0x3F800000, v4;
	v3 =	vmul.u32 $0x4, v3;
	v4 =	vsel vm1, $0x3F800000, v4;
	s11 =	smul.u32 $0x2710, s1;
	[dreg:$0x7] =	wrdreg s31;
	s17 =	sor.u32 @!p0 $0x1C01, s0  }
.LBB2_1:
0x15: {  	s0 =	rddreg [dreg:$0x4];
	s1 =	simm.s32 $0x640  }
0x16: {  	[tilespmem:s1], [sflag:$0x1] =	stream.linear.gather [hbm4b:s0+s4], $0xC0, $0x38;
	[tilespmem:$0x4D80] =	vst v63  }
0x17: {  	_ =	swait.ge [sflag:s16], $0xC0  }
0x18: {  	[sflag:s16] =	ssyncset.done $0x0  }
0x19: {  	s0 =	rddreg [dreg:$0x5];
	[sflag:s16] =	ssyncadd.s32 $0xFFFFFF40  }
0x1a: {  	[spmem:s18], [sflag:s17] =	dma.local @!p0 [hbm:s0], $0x7D0  }
0x1b: {  	s0 =	simm.s32 @!p0 $0x1  }
0x1c: {  	_ =	swait.ge @!p0 [sflag:s0], $0x7D0  }
0x1d: {  	[sflag:s0] =	ssyncset.done @!p0 $0x0  }
0x1e: {  	[sflag:s0] =	ssyncadd.s32 @!p0 $0xFFFFF830  }
0x1f: {  	[bflag:$0x0] =	sbarrier.arrive $0xFFFF  }
0x20: {  	v5 =	vld [tilespmem:$0x640]  }
0x21: {  	v6 =	vld [tilespmem:$0x650]  }
0x22: {  	v7 =	vld [tilespmem:$0x660]  }
0x23: {  	v8 =	vld [tilespmem:$0x670]  }
0x24: {  	v9 =	vld [tilespmem:$0x680]  }
0x25: {  	v10 =	vld [tilespmem:$0x690]  }
0x26: {  	v11 =	vld [tilespmem:$0x6A0]  }
0x27: {  	v12 =	vld [tilespmem:$0x6B0]  }
0x28: {  	v13 =	vld [tilespmem:$0x6C0]  }
0x29: {  	v14 =	vld [tilespmem:$0x6D0]  }
0x2a: {  	v15 =	vld [tilespmem:$0x6E0]  }
0x2b: {  	v16 =	vimm.f32 $-3.000000010e+38;
	v18 =	vimm.f32 $-3.000000010e+38;
	v19 =	vimm.f32 $-3.000000010e+38;
	s28 =	simm.s32 $0x0;
	v17 =	vld [tilespmem:$0x6F0]  }
.LBB2_2:
0x2c: {  	s0 =	smul.u32 $0x190, s28;
	_ =	sdelay $0x1  }
0x2d: {  	s0 =	sadd.s32 s11, s0  }
0x2e: {  	s29 =	sshrl.u32 s0, $0x3  }
0x2f: {  	s1 =	sadd.s32 s6, s29  }
0x30: {  	v20 =	vmov s30;
	[tilespmem:s19], [sflag:$0x1] =	stream.linear.gather [hbm4b:s1+s30], $0x190, $0x38;
	[tilespmem:$0x4D80] =	vst v63  }
0x31: {  	v20 =	vshll.u32 v20, $0x2;
	_ =	swait.ge [sflag:s16], $0x190  }
0x32: {  	v20 =	vor.u32 v3, v20;
	s0 =	sshrl.u32 s0, $0x1;
	[sflag:s16] =	ssyncset.done $0x0  }
0x33: {  	v21 =	vor.u32 $0x2, v20;
	s0 =	sadd.s32 s2, s0;
	[sflag:s16] =	ssyncadd.s32 $0xFFFFFE70  }
0x34: {  	[tilespmem:s30], [sflag:$0x1] =	stream.linear.gather [hbm4b:s0+s30], $0x640, $0x38;
	[tilespmem:$0x4D80] =	vst v63  }
0x35: {  	v22 =	vor.u32 $0x3, v20;
	_ =	swait.ge [sflag:s16], $0x640  }
0x36: {  	[sflag:s16] =	ssyncset.done $0x0  }
0x37: {  	v23 =	vor.u32 $0x1, v20;
	[sflag:s16] =	ssyncadd.s32 $0xFFFFF9C0  }
0x38: {  	v21 =	vld.idx.msk [tilespmem:v21+s30+$0x0], $0xffff;
	_ =	sdelay $0x1  }
0x39: {  	s25 =	simm.s32 $0x10;
	v22 =	vld.idx.msk [tilespmem:v22+s30+$0x0], $0xffff  }
0x3a: {  	s31 =	simm.s32 $0x890;
	v24 =	vmov s25;
	v25 =	vld.idx.msk [tilespmem:v20+s30+$0x0], $0xffff  }
0x3b: {  	s15 =	simm.s32 $0xBB0;
	s10 =	simm.s32 $0x20;
	s5 =	simm.s32 $0x890;
	v20 =	vshll.u32 v24, $0x2;
	v23 =	vld.idx.msk [tilespmem:v23+s30+$0x0], $0xffff  }
0x3c: {  	s25 =	simm.s32 $0xA20;
	s1 =	simm.s32 $0xBC0;
	s0 =	simm.s32 $0xA20;
	v20 =	vor.u32 v3, v20;
	v26 =	vmul.f32 v21, v7;
	v24 =	vmul.f32 v21, v11  }
.LBB2_3:
0x3d: {  	s31 =	sadd.s32 $0x10, s31  }
0x3e: {  	v27 =	vor.u32 $0x1, v20;
	v28 =	vor.u32 $0x2, v20;
	v29 =	vmul.f32 v22, v8;
	s0 =	sadd.s32 $0x10, s0;
	s12 =	smov.u32 s10;
	s13 =	sadd.s32 $0x10, s10  }
0x3f: {  	p1 =	sne.s32 s10, $0x180;
	v30 =	vor.u32 $0x3, v20;
	v31 =	vmul.f32 v25, v5;
	v32 =	vmul.f32 v25, v9  }
0x40: {  	v25 =	vmul.f32 v25, v13;
	v33 =	vmul.f32 v23, v6  }
0x41: {  	v34 =	vmul.f32 v23, v14;
	v26 =	vadd.f32 v29, v26;
	v29 =	vmul.f32 v22, v12  }
0x42: {  	v23 =	vmul.f32 v23, v10;
	v22 =	vmul.f32 v22, v17;
	v31 =	vadd.f32 v33, v31  }
0x43: {  	v21 =	vmul.f32 v21, v15;
	v25 =	vadd.f32 v34, v25;
	v24 =	vadd.f32 v29, v24  }
0x44: {  	v23 =	vadd.f32 v23, v32;
	v26 =	vadd.f32 v26, v31  }
0x45: {  	v21 =	vadd.f32 v22, v21  }
0x46: {  	v22 =	vadd.f32 v24, v23;
	v19 =	vmax.f32 v19, v26;
	[tilespmem:s5+$0x0] =	vst v26;
	s5 =	smov.u32 s31  }
0x47: {  	v21 =	vadd.f32 v21, v25  }
0x48: {  	v18 =	vmax.f32 v18, v22;
	[tilespmem:s25+$0x0] =	vst v22;
	s25 =	smov.u32 s0  }
0x49: {  	v16 =	vmax.f32 v16, v21;
	[tilespmem:s15+$0x0] =	vst v21;
	s15 =	smov.u32 s1  }
0x4a: {  	v21 =	vld.idx.msk [tilespmem:v28+s30+$0x0], $0xffff  }
0x4b: {  	v22 =	vld.idx.msk [tilespmem:v30+s30+$0x0], $0xffff  }
.Ltmp0:
0x4c: {  	v25 =	vld.idx.msk [tilespmem:v20+s30+$0x0], $0xffff;
	(pc) =	sbr.rel @p1 .LBB2_3-.Ltmp0, $4  }
0x4d: {  	v23 =	vld.idx.msk [tilespmem:v27+s30+$0x0], $0xffff  }
0x4e: {  	v20 =	vmov s12  }
0x4f: {  	v20 =	vshll.u32 v20, $0x2  }
0x50: {  	s10 =	smov.u32 s13;
	s1 =	sadd.s32 $0x10, s1;
	v20 =	vor.u32 v3, v20;
	v26 =	vmul.f32 v21, v7;
	v24 =	vmul.f32 v21, v11  }
0x51: {  	v27 =	vmul.f32 v22, v8  }
0x52: {  	v28 =	vmul.f32 v25, v5;
	v29 =	vmul.f32 v25, v9  }
0x53: {  	v50 =	vmul.f32 v22, v12;
	v22 =	vmul.f32 v22, v17  }
0x54: {  	v21 =	vmul.f32 v21, v15;
	v30 =	vmul.f32 v23, v6  }
0x55: {  	v31 =	vmul.f32 v23, v14;
	v23 =	vmul.f32 v23, v10;
	v26 =	vadd.f32 v27, v26  }
0x56: {  	v49 =	vmul.f32 v25, v13;
	v24 =	vadd.f32 v50, v24;
	v28 =	vadd.f32 v30, v28  }
0x57: {  	v21 =	vadd.f32 v22, v21;
	v23 =	vadd.f32 v23, v29  }
0x58: {  	v51 =	vor.u32 $0x2, v20;
	v25 =	vadd.f32 v31, v49;
	v26 =	vadd.f32 v26, v28  }
0x59: {  	v22 =	vor.u32 $0x3, v20;
	v23 =	vadd.f32 v24, v23  }
0x5a: {  	v21 =	vadd.f32 v21, v25;
	[tilespmem:s5+$0x0] =	vst v26  }
0x5b: {  	v52 =	vor.u32 $0x1, v20;
	[tilespmem:s25+$0x0] =	vst v23  }
0x5c: {  	[tilespmem:s15+$0x0] =	vst v21  }
0x5d: {  	v53 =	vld.idx.msk [tilespmem:v51+s30+$0x0], $0xffff  }
0x5e: {  	v22 =	vld.idx.msk [tilespmem:v22+s30+$0x0], $0xffff  }
0x5f: {  	v20 =	vld.idx.msk [tilespmem:v20+s30+$0x0], $0xffff  }
0x60: {  	v24 =	vld.idx.msk [tilespmem:v52+s30+$0x0], $0xffff;
	_ =	sdelay $0x1  }
0x61: {  	v27 =	vmul.f32 v53, v7  }
0x62: {  	v54 =	vmul.f32 v53, v11;
	v55 =	vmul.f32 v22, v8  }
0x63: {  	v56 =	vmul.f32 v20, v5;
	v57 =	vmul.f32 v20, v9  }
0x64: {  	v32 =	vmul.f32 v24, v6;
	v20 =	vmul.f32 v20, v13  }
0x65: {  	v58 =	vmul.f32 v22, v12;
	v33 =	vmul.f32 v24, v14  }
0x66: {  	v24 =	vmul.f32 v24, v10;
	v22 =	vmul.f32 v22, v17;
	v27 =	vadd.f32 v55, v27  }
0x67: {  	v25 =	vmul.f32 v53, v15;
	v30 =	vadd.f32 v32, v56;
	v28 =	vadd.f32 v58, v54  }
0x68: {  	v20 =	vadd.f32 v33, v20;
	v24 =	vadd.f32 v24, v57  }
0x69: {  	v59 =	vmov s30;
	v22 =	vadd.f32 v22, v25;
	v27 =	vadd.f32 v27, v30  }
0x6a: {  	s15 =	sadd.s32 $0x10, s31;
	v24 =	vadd.f32 v28, v24  }
0x6b: {  	s0 =	sadd.s32 $0x10, s0;
	v20 =	vadd.f32 v22, v20;
	[tilespmem:s15+$0x0] =	vst v27  }
0x6c: {  	[tilespmem:s0+$0x0] =	vst v24  }
0x6d: {  	[tilespmem:s1+$0x0] =	vst v20  }
0x6e: {  	v22 =	vld.idx.msk [tilespmem:v59+s20+$0x0], $0xffff  }
0x6f: {  	v60 =	vld.idx.msk [tilespmem:v59+s21+$0x0], $0xffff  }
0x70: {  	v25 =	vld.idx.msk [tilespmem:v59+s22+$0x0], $0xffff;
	_ =	sdelay $0x3  }
0x71: {  	v22 =	vmul.f32 v0, v22  }
0x72: {  	v28 =	vmul.f32 v1, v60;
	v25 =	vmul.f32 v2, v25  }
0x73: {  	s25 =	simm.s32 $0x1  }
0x74: {  	v61 =	vmov s25;
	v22 =	vadd.f32 v28, v22;
	v25 =	vadd.f32 v4, v25;
	_ =	sdelay $0x1  }
0x75: {  	v22 =	vadd.f32 v25, v22  }
0x76: {  	s0 =	simm.s32 $0xD40  }
0x77: {  	[tilespmem:s0+$0x0] =	vst v22  }
0x78: {  	v22 =	vld.idx.msk [tilespmem:v61+s20+$0x0], $0xffff  }
0x79: {  	v62 =	vld.idx.msk [tilespmem:v61+s21+$0x0], $0xffff  }
0x7a: {  	v63 =	vld.idx.msk [tilespmem:v61+s22+$0x0], $0xffff;
	_ =	sdelay $0x3  }
0x7b: {  	v22 =	vmul.f32 v0, v22  }
0x7c: {  	v16 =	vmax.f32 v16, v21;
	v25 =	vmul.f32 v1, v62;
	v28 =	vmul.f32 v2, v63  }
0x7d: {  	v18 =	vmax.f32 v18, v23;
	s31 =	simm.s32 $0x2;
	v16 =	vmax.f32 v16, v20  }
0x7e: {  	v20 =	vmov s31;
	v22 =	vadd.f32 v25, v22;
	v23 =	vadd.f32 v4, v28  }
0x7f: {  	v19 =	vmax.f32 v19, v26  }
0x80: {  	v19 =	vmax.f32 v19, v27;
	v18 =	vmax.f32 v18, v24;
	s1 =	simm.s32 $0x3;
	v21 =	vadd.f32 v23, v22  }
.LBB2_5:
0x81: {  	p1 =	sne.s32 s1, $0x18F;
	s0 =	sadd.s32 $0x10, s0  }
0x82: {  	[tilespmem:s0+$0x0] =	vst v21  }
0x83: {  	v21 =	vld.idx.msk [tilespmem:v20+s20+$0x0], $0xffff  }
0x84: {  	v22 =	vld.idx.msk [tilespmem:v20+s21+$0x0], $0xffff  }
0x85: {  	v20 =	vld.idx.msk [tilespmem:v20+s22+$0x0], $0xffff;
	_ =	sdelay $0x4  }
0x86: {  	v21 =	vmul.f32 v0, v21  }
.Ltmp1:
0x87: {  	v22 =	vmul.f32 v1, v22;
	v23 =	vmul.f32 v2, v20;
	(pc) =	sbr.rel @p1 .LBB2_5-.Ltmp1, $3  }
0x88: {  	_ = 	snop  }
0x89: {  	v20 =	vmov s1;
	v21 =	vadd.f32 v22, v21;
	v22 =	vadd.f32 v4, v23;
	_ =	sdelay $0x1  }
0x8a: {  	s1 =	sadd.s32 $0x1, s1;
	v21 =	vadd.f32 v22, v21  }
0x8b: {  	_ =	sdelay $0x1  }
0x8c: {  	s0 =	sadd.s32 $0x10, s0  }
0x8d: {  	[tilespmem:s0+$0x0] =	vst v21  }
0x8e: {  	v21 =	vld.idx.msk [tilespmem:v20+s20+$0x0], $0xffff  }
0x8f: {  	v22 =	vld.idx.msk [tilespmem:v20+s21+$0x0], $0xffff  }
0x90: {  	v20 =	vld.idx.msk [tilespmem:v20+s22+$0x0], $0xffff;
	_ =	sdelay $0x3  }
0x91: {  	v21 =	vmul.f32 v0, v21  }
0x92: {  	v22 =	vmul.f32 v1, v22;
	v20 =	vmul.f32 v2, v20;
	_ =	sdelay $0x1  }
0x93: {  	v21 =	vadd.f32 v22, v21;
	v20 =	vadd.f32 v4, v20;
	_ =	sdelay $0x1  }
0x94: {  	v20 =	vadd.f32 v20, v21  }
0x95: {  	s0 =	sadd.s32 $0x10, s0  }
0x96: {  	[tilespmem:s0+$0x0] =	vst v20  }
0x97: {  	[spmem:s3] =	stream.indirect.scatter.add.f32 [tilespmem:s24], [sflag:$0x1], $0x10, s19, s23, $0xb8;
	[tilespmem:$0x4D80] =	vst v63  }
0x98: {  	_ =	swait.ge [sflag:s16], $0x1900  }
0x99: {  	[sflag:s16] =	ssyncset.done $0x0  }
0x9a: {  	s15 =	sadd.s32 s7, s29;
	[sflag:s16] =	ssyncadd.s32 $0xFFFFE700  }
0x9b: {  	[hbm4b:s15+s4] =	stream.linear.scatter [tilespmem:s20], [sflag:$0x1], $0x190, $0x38;
	[tilespmem:$0x4D80] =	vst v63  }
0x9c: {  	_ =	swait.ge [sflag:s16], $0x190  }
0x9d: {  	[sflag:s16] =	ssyncset.done $0x0  }
0x9e: {  	s25 =	sadd.s32 s8, s29;
	[sflag:s16] =	ssyncadd.s32 $0xFFFFFE70  }
0x9f: {  	[hbm4b:s25+s4] =	stream.linear.scatter [tilespmem:s21], [sflag:$0x1], $0x190, $0x38;
	[tilespmem:$0x4D80] =	vst v63  }
0xa0: {  	s28 =	sadd.s32 $0x1, s28;
	_ =	swait.ge [sflag:s16], $0x190  }
0xa1: {  	p1 =	sne.s32 s28, $0x19;
	[sflag:s16] =	ssyncset.done $0x0  }
.Ltmp2:
0xa2: {  	s31 =	sadd.s32 s9, s29;
	[sflag:s16] =	ssyncadd.s32 $0xFFFFFE70;
	(pc) =	sbr.rel @p1 .LBB2_2-.Ltmp2, $4  }
0xa3: {  	[hbm4b:s31+s4] =	stream.linear.scatter [tilespmem:s22], [sflag:$0x1], $0x190, $0x38;
	[tilespmem:$0x4D80] =	vst v63  }
0xa4: {  	_ =	swait.ge [sflag:s16], $0x190  }
0xa5: {  	[sflag:s16] =	ssyncset.done $0x0  }
0xa6: {  	[sflag:s16] =	ssyncadd.s32 $0xFFFFFE70  }
0xa7: {  	[tilespmem:$0x2640] =	vst v19  }
0xa8: {  	[tilespmem:$0x2650] =	vst v18  }
0xa9: {  	[tilespmem:$0x2660] =	vst v16;
	s0 =	rddreg [dreg:$0x6];
	s1 =	simm.s32 $0x2640  }
0xaa: {  	[hbm4b:s0+s4] =	stream.linear.scatter [tilespmem:s1], [sflag:$0x1], $0x30, $0x38;
	[tilespmem:$0x4D80] =	vst v63  }
0xab: {  	_ =	swait.ge [sflag:s16], $0x30  }
0xac: {  	[sflag:s16] =	ssyncset.done $0x0  }
0xad: {  	[sflag:s16] =	ssyncadd.s32 $0xFFFFFFD0  }
0xae: {  	s26 =	sadd.s32 $0x1, s26;
	[bflag:$0x0] =	sbarrier.arrive $0xFFFF  }
0xaf: {  	p1 =	sne.s32 s26, s14;
	s0 =	rddreg [dreg:$0x7]  }
0xb0: {  	[hbm:s0], [sflag:s17] =	dma.local @!p0 [spmem:s18], $0x7D0  }
.Ltmp3:
0xb1: {  	_ = 	snop;
	(pc) =	sbr.rel @p1 .LBB2_1-.Ltmp3, $4  }
0xb2: {  	s0 =	simm.s32 @!p0 $0x1  }
0xb3: {  	_ =	swait.ge @!p0 [sflag:s0], $0x7D0  }
0xb4: {  	[sflag:s0] =	ssyncset.done @!p0 $0x0  }
0xb5: {  	[sflag:s0] =	ssyncadd.s32 @!p0 $0xFFFFF830  }
0xb6: {  	_ =	sfence.sel $0x180000  }
0xb7: {  	[bflag:$0x0] =	sbarrier.arrive $0xFFFF  }
0xb8: {  	_ =	strace $0x90000047  }
0xb9: {  	s0 =	stileid.u32;
	[bflag:$0x2] =	sbarrier.arrive $0xFFFF  }
0xba: {  	p0 =	sne.s32 s0, $0x0;
	s0 =	rddreg [dreg:$0x3]  }
0xbb: {  	s0 =	sadd.s32 @!p0 $0x100000, s0  }
0xbc: {  	[sflag:s0] =	ssyncadd.tile.s32 @!p0 $0x1;
	_ =	shalt  }
.Lfunc_end2:
_tile_overlayer_lowered:
.L_overlay_start_2:
0xbd: {  	(tag) =	ssettag $0x2  }
0xbe: {  	s0 =	rddreg [dreg:$0x0];
	s2 =	stileid.u32  }
0xbf: {  	s1 =	rddreg [dreg:$0x1];
	p0 =	sne.s32 s2, $0x0  }
0xc0: {  	s3 =	rddreg [dreg:$0x2];
	[bflag:$0x3] =	sbarrier.arrive $0xFFFF;
	s2 =	simm.s32 @!p0 $0x1C01  }
0xc1: {  	[timem:s3], [sflag:s2] =	dma.local @!p0 [hbm:s0], s1  }
0xc2: {  	s0 =	simm.s32 @!p0 $0x1  }
0xc3: {  	_ =	swait.ge @!p0 [sflag:s0], s1  }
0xc4: {  	s1 =	ssub.s32 @!p0 $0x0, s1;
	[sflag:s0] =	ssyncset.done @!p0 $0x0  }
0xc5: {  	[sflag:s0] =	ssyncadd.s32 @!p0 s1  }
0xc6: {  	[bflag:$0x3] =	sbarrier.arrive $0xFFFF  }
0xc7: {  	_ =	shalt  }

// kernel: kernel.14.cloned.1.call-start
scs
__scs_entry_jumppad:
0x0: {  	(pc) =	sbr.rel $0x88, $3  }
0x1: {  	(tag) =	ssettag $0x0;
	lr =	simm.s32 $0x1  }
0x2: {  	[smem:$0x3F8A] =	sst lr;
	_ =	strace $0xD0000000  }
0x3: {  	_ = 	snop  }
0x4: {  	_ = 	snop  }
0x5: {  	_ = 	snop  }
0x6: {  	_ = 	snop  }
0x7: {  	_ = 	snop  }
__scs_overlays_trampoline_lowered:
0x8: {  	[smem:$0x3F99] =	sst s0  }
0x9: {  	[smem:$0x3F9A] =	sst s1  }
0xa: {  	[smem:$0x3F9B] =	sst s2  }
0xb: {  	[smem:$0x3F9C] =	sst s3  }
0xc: {  	[smem:$0x3F9D] =	sst s4  }
0xd: {  	[smem:$0x3F9E] =	sst s5  }
0xe: {  	[smem:$0x3F9F] =	sst s6  }
0xf: {  	[smem:$0x3FA0] =	sst s7  }
0x10: {  	[smem:$0x3FA1] =	sst s8  }
0x11: {  	[smem:$0x3FA2] =	sst s9;
	s0 =	simm.s32 @!p0 $0x0  }
0x12: {  	s1 =	sld [smem:$0x3F88];
	s0 =	simm.s32 @p0 $0x1  }
0x13: {  	[smem:$0x3FA3] =	sst s0;
	s0 =	simm.s32 @!p1 $0x0  }
0x14: {  	s2 =	sld [smem:$0x3F87];
	s0 =	simm.s32 @p1 $0x1  }
0x15: {  	[smem:$0x3FA4] =	sst s0;
	s0 =	simm.s32 @!p2 $0x0  }
0x16: {  	s3 =	sld [smem:$0x3FDB];
	s0 =	simm.s32 @p2 $0x1  }
0x17: {  	s4 =	simm.s32 $0x1BF5;
	[smem:$0x3FA6] =	sst s0  }
0x18: {  	s0 =	sld [smem:$0x3F89];
	_ =	swait.ge [sflag:s4], $0x0  }
0x19: {  	s7 =	sld [smem:$0x3F8A]  }
0x1a: {  	s8 =	sadd.s32 $0xFFFFE003, lr  }
0x1b: {  	s9 =	sadd.s32 $0xFFFFFEF7, lr;
	s5 =	simm.s32 $0xFFFFFFFF;
	p2 =	slt.u32 s8, $0xFFFFF086  }
0x1c: {  	p1 =	slt.u32 s9, $0xF7A;
	s5 =	simm.s32 @!p2 $0x0  }
0x1d: {  	s5 =	simm.s32 @p1 $0x1;
	p0 =	seq.s32 s7, s2  }
0x1e: {  	s7 =	smul.u32 @!p0 $0xF7A, s2;
	p2 =	seq.s32 @!p0 s5, $0x0  }
0x1f: {  	s9 =	smul.u32 $0xF7A, s1;
	s8 =	simm.s32 @!p0 $0x1BF5;
	p2 =	por !p2, p0  }
0x20: {  	[sflag:s8] =	ssyncset.s32 @!p0 $0xFFFFF086;
	s6 =	sadd.s32 @!p0 s3, s7;
	s7 =	simm.s32 @!p0 $0x108  }
0x21: {  	s3 =	sadd.s32 s3, s9;
	s6 =	sadd.s32 @!p0 $0x88, s6;
	s7 =	simm.s32 @p2 $0x1082  }
0x22: {  	[simem:s7], [sflag:s8] =	dma.local @!p0 [hbm:s6], $0xF7A  }
0x23: {  	s9 =	sor.u32 $0xD0000000, s2;
	s6 =	simm.s32 $0x108;
	_ =	swait.ge @!p0 [sflag:s8], $0x0  }
0x24: {  	s3 =	sadd.s32 $0x88, s3;
	s6 =	simm.s32 @!p1 $0x1082;
	[sflag:s4] =	ssyncset.s32 $0xFFFFF086  }
0x25: {  	[simem:s6], [sflag:s4] =	dma.local [hbm:s3], $0xF7A  }
0x26: {  	[smem:$0x3F8A] =	sst s1;
	(tag) =	ssettag s2;
	_ =	strace s9  }
0x27: {  	s1 =	sld [smem:$0x3F9A]  }
0x28: {  	s2 =	sld [smem:$0x3F9B]  }
0x29: {  	s4 =	sld [smem:$0x3F9D]  }
0x2a: {  	p0 =	seq.s32 s5, $0x0;
	s5 =	sld [smem:$0x3F9E]  }
0x2b: {  	s6 =	sld [smem:$0x3F9F]  }
0x2c: {  	s7 =	sld [smem:$0x3FA0]  }
0x2d: {  	s3 =	simm.s32 $0x108;
	s8 =	sld [smem:$0x3FA1]  }
0x2e: {  	s3 =	simm.s32 @!p0 $0x1082;
	s9 =	sld [smem:$0x3FA2]  }
0x2f: {  	lr =	sadd.s32 s0, s3;
	s0 =	sld [smem:$0x3F99]  }
0x30: {  	s3 =	sld [smem:$0x3F9C]  }
0x31: {  	[smem:$0x3FA5] =	sst s10  }
0x32: {  	s10 =	sld [smem:$0x3FA3];
	_ =	sdelay $0x3  }
0x33: {  	p0 =	seq.s32 s10, $0x1;
	s10 =	sld [smem:$0x3FA5];
	_ =	sdelay $0x3  }
0x34: {  	[smem:$0x3FA5] =	sst s10  }
0x35: {  	s10 =	sld [smem:$0x3FA4];
	_ =	sdelay $0x3  }
0x36: {  	p1 =	seq.s32 s10, $0x1;
	s10 =	sld [smem:$0x3FA5];
	_ =	sdelay $0x3  }
0x37: {  	[smem:$0x3FA5] =	sst s10  }
0x38: {  	s10 =	sld [smem:$0x3FA6]  }
0x39: {  	_ = 	snop;
	(pc) =	sbr.ind lr, $3  }
0x3a: {  	_ = 	snop  }
0x3b: {  	_ = 	snop  }
0x3c: {  	p2 =	seq.s32 s10, $0x1;
	s10 =	sld [smem:$0x3FA5]  }
0x3d: {  	_ =	shalt  }
0x3e: {  	_ =	shalt  }
0x3f: {  	_ =	shalt  }
0x40: {  	_ =	shalt  }
0x41: {  	_ =	shalt  }
0x42: {  	_ =	shalt  }
0x43: {  	_ =	shalt  }
0x44: {  	_ =	shalt  }
0x45: {  	_ =	shalt  }
0x46: {  	_ =	shalt  }
0x47: {  	_ =	shalt  }
0x48: {  	_ =	shalt  }
0x49: {  	_ =	shalt  }
0x4a: {  	_ =	shalt  }
0x4b: {  	_ =	shalt  }
0x4c: {  	_ =	shalt  }
0x4d: {  	_ =	shalt  }
0x4e: {  	_ =	shalt  }
0x4f: {  	_ =	shalt  }
0x50: {  	_ =	shalt  }
0x51: {  	_ =	shalt  }
0x52: {  	_ =	shalt  }
0x53: {  	_ =	shalt  }
0x54: {  	_ =	shalt  }
0x55: {  	_ =	shalt  }
0x56: {  	_ =	shalt  }
0x57: {  	_ =	shalt  }
0x58: {  	_ =	shalt  }
0x59: {  	_ =	shalt  }
0x5a: {  	_ =	shalt  }
0x5b: {  	_ =	shalt  }
0x5c: {  	_ =	shalt  }
0x5d: {  	_ =	shalt  }
0x5e: {  	_ =	shalt  }
0x5f: {  	_ =	shalt  }
0x60: {  	_ =	shalt  }
0x61: {  	_ =	shalt  }
0x62: {  	_ =	shalt  }
0x63: {  	_ =	shalt  }
0x64: {  	_ =	shalt  }
0x65: {  	_ =	shalt  }
0x66: {  	_ =	shalt  }
0x67: {  	_ =	shalt  }
0x68: {  	_ =	shalt  }
0x69: {  	_ =	shalt  }
0x6a: {  	_ =	shalt  }
0x6b: {  	_ =	shalt  }
0x6c: {  	_ =	shalt  }
0x6d: {  	_ =	shalt  }
0x6e: {  	_ =	shalt  }
0x6f: {  	_ =	shalt  }
0x70: {  	_ =	shalt  }
0x71: {  	_ =	shalt  }
0x72: {  	_ =	shalt  }
0x73: {  	_ =	shalt  }
0x74: {  	_ =	shalt  }
0x75: {  	_ =	shalt  }
0x76: {  	_ =	shalt  }
0x77: {  	_ =	shalt  }
0x78: {  	_ =	shalt  }
0x79: {  	_ =	shalt  }
0x7a: {  	_ =	shalt  }
0x7b: {  	_ =	shalt  }
0x7c: {  	_ =	shalt  }
0x7d: {  	_ =	shalt  }
0x7e: {  	_ =	shalt  }
0x7f: {  	_ =	shalt  }
0x80: {  	_ =	shalt  }
0x81: {  	_ =	shalt  }
0x82: {  	_ =	shalt  }
0x83: {  	_ =	shalt  }
0x84: {  	_ =	shalt  }
0x85: {  	_ =	shalt  }
0x86: {  	_ =	shalt  }
0x87: {  	_ =	shalt  }
.Lfunc_end0:
.L_simem_size_0:
called_computation.1_lowered:
.L_overlay_start_0:
0x88: {  	s2 =	sld [smem:$0x3FD9]  }
0x89: {  	s3 =	sld [smem:$0x3FFE];
	_ =	sdelay $0x1  }
0x8a: {  	s1 =	srdreg.scid  }
0x8b: {  	s0 =	sand.u32 $0x1, s1  }
0x8c: {  	s17 =	sshll.u32 s0, $0xA;
	s2 =	sadd.s32 s3, s2  }
0x8d: {  	s2 =	sadd.s32 s2, s17  }
0x8e: {  	[smem:$0x3FB1] =	sst s2  }
0x8f: {  	_ = 	snop  }
0x90: {  	s2 =	sld [smem:$0x3FD0];
	(tm) =	ssettm $0x1  }
0x91: {  	s18 =	sld [smem:$0x3FFB];
	_ =	sdelay $0x3  }
0x92: {  	_ =	strace s18  }
0x93: {  	s3 =	sld [smem:$0x3FFC];
	_ =	sdelay $0x3  }
0x94: {  	_ =	strace s3  }
0x95: {  	s3 =	sld [smem:$0x3FFD];
	_ =	sdelay $0x3  }
0x96: {  	_ =	strace s3  }
0x97: {  	_ =	strace $0x8FFFFFFF  }
0x98: {  	s19 =	sld [smem:$0x3FDB];
	_ =	sdelay $0x1  }
0x99: {  	s4 =	simm.s32 $_scs_section_size  }
0x9a: {  	s5 =	simm.s32 $_size__tile_overlayer_lowered;
	s6 =	simm.s32 $_tile_overlayer_lowered  }
0x9b: {  	s22 =	simm.s32 $0x1BFF;
	s21 =	sshll.u32 s6, $0x1;
	s3 =	sadd.s32 s4, s19  }
0x9c: {  	s7 =	simm.s32 $0x0;
	s20 =	sshll.u32 s5, $0x1;
	s5 =	sadd.s32 s21, s3  }
0x9d: {  	[timem:s7], [sflag:s22] =	dma.local [hbm:s5], s20  }
0x9e: {  	_ =	swait.ge [sflag:s22], s20  }
0x9f: {  	s4 =	ssub.s32 $0x0, s20;
	[sflag:s22] =	ssyncset.done $0x0  }
0xa0: {  	[sflag:s22] =	ssyncadd.s32 s4;
	_ =	sdelay $0x1  }
0xa1: {  	s23 =	simm.s32 $0x1B8B  }
0xa2: {  	_ =	swait.ge [sflag:s23], $0x1  }
0xa3: {  	[sflag:s23] =	ssyncset.done $0x0  }
0xa4: {  	s25 =	simm.s32 $0x1B8E;
	s24 =	sld [smem:$0x3FFE];
	[sflag:s23] =	ssyncadd.s32 $0xFFFFFFFF  }
0xa5: {  	s26 =	simm.s32 $execute0_lowered;
	[smem:$0x3FD2] =	sst s25  }
0xa6: {  	s5 =	sshll.u32 s26, $0x1;
	_ =	strace $0x80000049;
	[dreg:$0x1] =	wrdreg $0xFFFFFFFF  }
0xa7: {  	s28 =	simm.s32 $_size_execute0_lowered;
	s3 =	sadd.s32 s3, s5;
	[dreg:$0x0] =	wrdreg $0x0  }
0xa8: {  	s5 =	sshll.u32 s28, $0x1;
	[dreg:$0x2] =	wrdreg s3  }
0xa9: {  	[dreg:$0x3] =	wrdreg s5  }
0xaa: {  	[dreg:$0x4] =	wrdreg $0xC0  }
0xab: {  	_ =	task [dreg:s7], $0x5FFFF  }
0xac: {  	[dreg:$0x1] =	wrdreg $0xFFFFFFFF  }
0xad: {  	[dreg:$0x0] =	wrdreg $0x60  }
0xae: {  	[dreg:$0x2] =	wrdreg s24  }
0xaf: {  	[dreg:$0x3] =	wrdreg s2  }
0xb0: {  	[dreg:$0x4] =	wrdreg $0xD6200  }
0xb1: {  	[dreg:$0x5] =	wrdreg $0x124400  }
0xb2: {  	[dreg:$0x6] =	wrdreg $0x9  }
0xb3: {  	_ =	task.clear_ibuf [dreg:s7], $0x7FFFF;
	_ =	strace $0x90000049  }
0xb4: {  	s29 =	simm.s32 $0x9;
	_ =	strace $0x8000004B  }
0xb5: {  	_ =	swait.ge [sflag:s29], $0x1  }
0xb6: {  	[sflag:s29] =	ssyncadd.s32 $0xFFFFFFFF  }
0xb7: {  	_ =	strace $0x9000004B  }
0xb8: {  	_ =	sfence  }
0xb9: {  	s30 =	sld [smem:$0x0];
	_ =	sdelay $0x2  }
0xba: {  	s31 =	sshll.u32 s1, $0xD;
	s1 =	sshrl.u32 s1, $0x2  }
0xbb: {  	s3 =	sand.u32 $0x4000, s31;
	s1 =	sadd.s32 s1, s30  }
0xbc: {  	s0 =	sor.u32 s3, s0;
	s1 =	sshll.u32 s1, $0x11  }
0xbd: {  	s0 =	sor.u32 s1, s0  }
0xbe: {  	s0 =	sadd.s32 $0x8F2B, s0  }
0xbf: {  	[sflag:s0] =	ssyncadd.remote.s32 $0x1  }
0xc0: {  	_ =	sfence.sel $0xFFFF  }
0xc1: {  	[dreg:$0x0] =	wrdreg $0xFFFFFFFF;
	(pc) =	sbr.abs _section_cstart, $3  }
0xc2: {  	[dreg:$0x1] =	wrdreg $0xFFFFFFFF  }
0xc3: {  	_ =	task.clear_ibuf [dreg:s7], $0x2FFFF;
	_ =	strace $0x9FFFFFFF  }
0xc4: {  	(tm) =	ssettm $0x7FFFFFFF  }
0xc5: {  	_ =	shalt  }
tec
execute0_lowered:
.L_overlay_start_1:
0x0: {  	(tag) =	ssettag $0x1  }
0x1: {  	s0 =	rddreg [dreg:$0x0]  }
0x2: {  	s4 =	rddreg [dreg:$0x1]  }
0x3: {  	s1 =	rddreg [dreg:$0x2]  }
0x4: {  	s2 =	rddreg [dreg:$0x3];
	s3 =	simm.s32 $0x0;
	s18 =	stileid.u32  }
0x5: {  	s10 =	srdreg.scid;
	s28 =	simm.s32 $0x4E30;
	s29 =	simm.s32 $0x4FC0  }
0x6: {  	s30 =	simm.s32 $0x5150;
	s31 =	simm.s32 $0x190;
	[smem:$0x7FF] =	sst s3  }
0x7: {  	s5 =	sadd.s32 $0x12A00, s0;
	s6 =	sadd.s32 $0x8C00, s0;
	s7 =	sadd.s32 $0x53800, s0  }
0x8: {  	s8 =	sadd.s32 $0x1C800, s0;
	s19 =	smul.u32 $0x7D00, s18;
	s9 =	sadd.s32 $0x1CE00, s0  }
0x9: {  	s26 =	smul.u32 $0x3E80, s18;
	_ =	strace $0x8000004A;
	[dreg:$0x5] =	wrdreg s8  }
0xa: {  	s11 =	sadd.s32 $0x49800, s0;
	s10 =	sand.u32 $0x1, s10;
	[dreg:$0x6] =	wrdreg s9  }
0xb: {  	p0 =	sgt.u32 s18, $0x9;
	[dreg:$0x7] =	wrdreg s11;
	s11 =	sadd.s32 $0x71200, s0  }
0xc: {  	s14 =	smul.u32 $0x27100, s10;
	s15 =	sshll.u32 s10, $0x4;
	s16 =	ssub.s32 $0x2, s10  }
0xd: {  	s10 =	smul.u32 $0x4E200, s10;
	s12 =	sshrl.u32 s19, $0x3;
	s13 =	sshrl.u32 s26, $0x3  }
0xe: {  	s15 =	sor.u32 s18, s15;
	s17 =	sshrl.u32 s16, $0x1;
	s20 =	sadd.s32 s19, s1  }
0xf: {  	s9 =	sadd.s32 s26, s2;
	s12 =	sadd.s32 s12, s0;
	s13 =	sadd.s32 s13, s0  }
0x10: {  	s14 =	sadd.s32 s26, s14;
	s15 =	smul.u32 $0x2710, s15;
	[dreg:$0x8] =	wrdreg s20  }
0x11: {  	s17 =	ssub.s32 s16, s17;
	[dreg:$0xa] =	wrdreg s9;
	s8 =	sadd.s32 s19, s10  }
0x12: {  	s9 =	simm.s32 $0x8990;
	s10 =	simm.s32 $0x1;
	s16 =	simm.s32 $0x0  }
0x13: {  	s14 =	sshrl.u32 s14, $0x3;
	s12 =	sadd.s32 $0x49A00, s12;
	s22 =	sadd.s32 $0x44800, s13  }
0x14: {  	s8 =	sshrl.u32 s8, $0x3;
	s26 =	smax.u32 s17, $0x1;
	[dreg:$0x9] =	wrdreg s12  }
0x15: {  	s13 =	simm.s32 $0xBD20;
	s0 =	sadd.s32 s14, s0;
	[dreg:$0xb] =	wrdreg s22  }
0x16: {  	s21 =	sshrl.u32 s15, $0x3;
	s4 =	sadd.s32 s4, s8;
	[dreg:$0x11] =	wrdreg s26  }
0x17: {  	s19 =	sadd.s32 $0x190, s15;
	s23 =	sadd.s32 s5, s21;
	[dreg:$0xf] =	wrdreg s4  }
0x18: {  	s20 =	sadd.s32 $0x320, s15;
	s24 =	sadd.s32 s6, s21;
	[dreg:$0xc] =	wrdreg s23  }
0x19: {  	s26 =	simm.s32 $0x84E0;
	s25 =	sadd.s32 s7, s21;
	[dreg:$0xd] =	wrdreg s24  }
0x1a: {  	s12 =	simm.s32 $0xBB90;
	s0 =	sadd.s32 $0x7B400, s0;
	[dreg:$0xe] =	wrdreg s25  }
0x1b: {  	v0 =	vimm.f32 $0.0e+00;
	vm0 =	vcmask $0x300;
	s14 =	simm.s32 $0x2;
	s4 =	simm.s32 $0x8670;
	[dreg:$0x10] =	wrdreg s0  }
0x1c: {  	v0 =	vsel vm0, $0x3F800000, v0;
	s24 =	simm.s32 $0x3;
	s25 =	simm.s32 $0x2710;
	s0 =	simm.s32 $0x52E0  }
.LBB2_1:
0x1d: {  	[dreg:$0x12] =	wrdreg s16  }
0x1e: {  	s8 =	rddreg [dreg:$0x5]  }
0x1f: {  	[tilespmem:s3], [sflag:$0x3] =	stream.linear.gather [hbm4b:s8+s3], $0x2710, $0x38;
	[tilespmem:$0x14B50] =	vst v63  }
0x20: {  	_ =	swait.ge [sflag:s24], $0x2710  }
0x21: {  	[sflag:s24] =	ssyncset.done $0x0  }
0x22: {  	s17 =	rddreg [dreg:$0x6];
	[sflag:s24] =	ssyncadd.s32 $0xFFFFD8F0  }
0x23: {  	[tilespmem:s25], [sflag:$0x3] =	stream.linear.gather [hbm4b:s17+s3], $0x2710, $0x38;
	[tilespmem:$0x14B50] =	vst v63  }
0x24: {  	_ =	swait.ge [sflag:s24], $0x2710  }
0x25: {  	s15 =	simm.s32 $0x4E20;
	[sflag:s24] =	ssyncset.done $0x0  }
0x26: {  	s8 =	stileid.u32;
	s18 =	rddreg [dreg:$0x7];
	[sflag:s24] =	ssyncadd.s32 $0xFFFFD8F0  }
0x27: {  	[tilespmem:s15], [sflag:$0x3] =	stream.linear.gather [hbm4b:s18+s3], $0x10, $0x38;
	[tilespmem:$0x14B50] =	vst v63  }
0x28: {  	s16 =	sshll.u32 @!p0 s8, $0x6;
	_ =	swait.ge [sflag:s24], $0x10  }
0x29: {  	s15 =	sor.u32 @!p0 $0x1C03, s16;
	s8 =	rddreg [dreg:$0x8]  }
0x2a: {  	[sflag:s24] =	ssyncset.done $0x0;
	s16 =	sshrl.u32 @!p0 s8, $0x3;
	s8 =	rddreg [dreg:$0x9]  }
0x2b: {  	[sflag:s24] =	ssyncadd.s32 $0xFFFFFFF0;
	[dreg:$0x14] =	wrdreg s16  }
0x2c: {  	[spmem:s16], [sflag:s15] =	dma.local @!p0 [hbm:s8], $0xFA0  }
0x2d: {  	s16 =	simm.s32 @!p0 $0x3  }
0x2e: {  	_ =	swait.ge @!p0 [sflag:s16], $0xFA0;
	[dreg:$0x13] =	wrdreg s15  }
0x2f: {  	s8 =	rddreg [dreg:$0xa]  }
0x30: {  	[sflag:s16] =	ssyncset.done @!p0 $0x0;
	s17 =	sshrl.u32 @!p0 s8, $0x3;
	s8 =	rddreg [dreg:$0xb]  }
0x31: {  	[sflag:s16] =	ssyncadd.s32 @!p0 $0xFFFFF060;
	[dreg:$0x15] =	wrdreg s17  }
0x32: {  	[spmem:s17], [sflag:s15] =	dma.local @!p0 [hbm:s8], $0x7D0  }
0x33: {  	_ =	swait.ge @!p0 [sflag:s16], $0x7D0  }
0x34: {  	[sflag:s16] =	ssyncset.done @!p0 $0x0  }
0x35: {  	[sflag:s16] =	ssyncadd.s32 @!p0 $0xFFFFF830  }
0x36: {  	[bflag:$0x0] =	sbarrier.arrive $0xFFFF  }
0x37: {  	s21 =	rddreg [dreg:$0xc]  }
0x38: {  	v1 =	vld [tilespmem:$0x4E20];
	[tilespmem:s28], [sflag:$0x3] =	stream.linear.gather [hbm4b:s21+s3], $0x190, $0x38  }
0x39: {  	_ =	swait.ge [sflag:s24], $0x190  }
0x3a: {  	[sflag:s24] =	ssyncset.done $0x0  }
0x3b: {  	s22 =	rddreg [dreg:$0xd];
	[sflag:s24] =	ssyncadd.s32 $0xFFFFFE70  }
0x3c: {  	[tilespmem:s29], [sflag:$0x3] =	stream.linear.gather [hbm4b:s22+s3], $0x190, $0x38;
	[tilespmem:$0x14B50] =	vst v63  }
0x3d: {  	_ =	swait.ge [sflag:s24], $0x190  }
0x3e: {  	[sflag:s24] =	ssyncset.done $0x0  }
0x3f: {  	s23 =	rddreg [dreg:$0xe];
	[sflag:s24] =	ssyncadd.s32 $0xFFFFFE70  }
0x40: {  	[tilespmem:s30], [sflag:$0x3] =	stream.linear.gather [hbm4b:s23+s3], $0x190, $0x38;
	[tilespmem:$0x14B50] =	vst v63  }
0x41: {  	_ =	swait.ge [sflag:s24], $0x190  }
0x42: {  	[sflag:s24] =	ssyncset.done $0x0  }
0x43: {  	s21 =	simm.s32 $0x0;
	[sflag:s24] =	ssyncadd.s32 $0xFFFFFE70  }
0x44: {  	[tilespmem:s0], [sflag:$0x1] =	stream.indirect.gather [hbm4b:s11+s31], $0x20, s28, s31, $0xb8;
	[tilespmem:$0x14B50] =	vst v63  }
.LBB2_2:
0x45: {  	s22 =	smul.u32 $0x320, s21;
	_ =	sdelay $0x1  }
0x46: {  	s16 =	sadd.s32 s22, s19  }
0x47: {  	s16 =	sshrl.u32 s16, $0x3  }
0x48: {  	s18 =	simm.s32 $0x0;
	s17 =	sadd.s32 s5, s16  }
0x49: {  	[tilespmem:s26], [sflag:$0x3] =	stream.linear.gather [hbm4b:s17+s18], $0x190, $0x38;
	[tilespmem:$0x14B50] =	vst v63  }
0x4a: {  	_ =	swait.ge [sflag:s24], $0x190  }
0x4b: {  	[sflag:s24] =	ssyncset.done $0x0  }
0x4c: {  	s23 =	sadd.s32 s6, s16;
	[sflag:s24] =	ssyncadd.s32 $0xFFFFFE70  }
0x4d: {  	[tilespmem:s4], [sflag:$0x3] =	stream.linear.gather [hbm4b:s23+s18], $0x190, $0x38;
	[tilespmem:$0x14B50] =	vst v63  }
0x4e: {  	_ =	swait.ge [sflag:s24], $0x190  }
0x4f: {  	[sflag:s24] =	ssyncset.done $0x0  }
0x50: {  	s8 =	simm.s32 $0x8800;
	s16 =	sadd.s32 s7, s16;
	[sflag:s24] =	ssyncadd.s32 $0xFFFFFE70  }
0x51: {  	[tilespmem:s8], [sflag:$0x3] =	stream.linear.gather [hbm4b:s16+s18], $0x190, $0x38;
	[tilespmem:$0x14B50] =	vst v63  }
0x52: {  	_ =	swait.ge [sflag:s24], $0x190  }
0x53: {  	[sflag:s24] =	ssyncset.done $0x0  }
0x54: {  	s23 =	simm.s32 $0x0;
	[sflag:s24] =	ssyncadd.s32 $0xFFFFFE70  }
0x55: {  	[tilespmem:s9], [sflag:$0x2] =	stream.indirect.gather [hbm4b:s11+s31], $0x20, s26, s31, $0xb8;
	[tilespmem:$0x14B50] =	vst v63  }
0x56: {  	v2 =	vld [tilespmem:s23+$0x4FC0]  }
0x57: {  	v3 =	vld [tilespmem:s23+$0x4E30];
	_ =	sdelay $0x6  }
0x58: {  	v2 =	vld.idx.msk [tilespmem:v2+s25+$0x0], $0xffff  }
0x59: {  	v3 =	vld.idx.msk [tilespmem:v3+s3+$0x0], $0xffff;
	_ =	sdelay $0x1  }
0x5a: {  	v4 =	vld [tilespmem:s23+$0x5150];
	_ =	sdelay $0x2  }
0x5b: {  	v2 =	vadd.f32 v2, v3;
	_ =	sdelay $0x1  }
0x5c: {  	v2 =	vadd.f32 v4, v2;
	_ =	sdelay $0x1  }
0x5d: {  	v3 =	vmul.f32 $2.000000030e-01, v2  }
0x5e: {  	vm0 =	vgt.f32 v2, $0.0e+00  }
0x5f: {  	v2 =	vsel vm0, v2, v3  }
0x60: {  	v2 =	vsub.f32 v2, v1;
	_ =	sdelay $0x1  }
0x61: {  	v2 =	vmul.f32 $1.442695020e+00, v2;
	_ =	sdelay $0x1  }
0x62: {  	(erf) = vpow2.f32 v2;
	_ =	sdelay $0x1  }
0x63: {  	s18 =	simm.s32 $0x10  }
0x64: {  	s17 =	simm.s32 $0x80;
	v2 =	vld [tilespmem:s18+$0x4FC0]  }
.LBB2_3:
0x65: {  	p1 =	sne.s32 s17, $0x600;
	v3 =	vld [tilespmem:s18+$0x4E30];
	_ =	sdelay $0x4  }
0x66: {  	v4 =	vpop (erf)  }
0x67: {  	[tilespmem:s23+$0xBB90] =	vst v4;
	s23 =	smov.u32 s18  }
0x68: {  	v2 =	vld.idx.msk [tilespmem:v2+s25+$0x0], $0xffff  }
0x69: {  	v3 =	vld.idx.msk [tilespmem:v3+s3+$0x0], $0xffff;
	_ =	sdelay $0x2  }
0x6a: {  	v4 =	vld [tilespmem:s23+$0x5150];
	_ =	sdelay $0x2  }
0x6b: {  	v2 =	vadd.f32 v2, v3;
	_ =	sdelay $0x1  }
0x6c: {  	v2 =	vadd.f32 v4, v2;
	_ =	sdelay $0x1  }
0x6d: {  	v3 =	vmul.f32 $2.000000030e-01, v2  }
0x6e: {  	vm0 =	vgt.f32 v2, $0.0e+00  }
0x6f: {  	v2 =	vsel vm0, v2, v3  }
0x70: {  	v2 =	vsub.f32 v2, v1;
	_ =	sdelay $0x1  }
0x71: {  	v2 =	vmul.f32 $1.442695020e+00, v2  }
.Ltmp0:
0x72: {  	(pc) =	sbr.rel @p1 .LBB2_3-.Ltmp0, $3  }
0x73: {  	(erf) = vpow2.f32 v2;
	_ =	sdelay $0x1  }
0x74: {  	s18 =	sshra.s32 s17, $0x2  }
0x75: {  	s17 =	sadd.s32 $0x40, s17;
	v2 =	vld [tilespmem:s18+$0x4FC0]  }
0x76: {  	_ = 	snop  }
0x77: {  	v3 =	vld [tilespmem:s18+$0x4E30];
	_ =	sdelay $0x4  }
0x78: {  	v4 =	vpop (erf)  }
0x79: {  	[tilespmem:s23+$0xBB90] =	vst v4  }
0x7a: {  	v2 =	vld.idx.msk [tilespmem:v2+s25+$0x0], $0xffff  }
0x7b: {  	v3 =	vld.idx.msk [tilespmem:v3+s3+$0x0], $0xffff;
	_ =	sdelay $0x1  }
0x7c: {  	v4 =	vld [tilespmem:s18+$0x5150];
	_ =	sdelay $0x2  }
0x7d: {  	v2 =	vadd.f32 v2, v3;
	_ =	sdelay $0x1  }
0x7e: {  	v2 =	vadd.f32 v4, v2;
	_ =	sdelay $0x1  }
0x7f: {  	v3 =	vmul.f32 $2.000000030e-01, v2  }
0x80: {  	vm0 =	vgt.f32 v2, $0.0e+00  }
0x81: {  	v2 =	vsel vm0, v2, v3  }
0x82: {  	v2 =	vsub.f32 v2, v1;
	_ =	sdelay $0x1  }
0x83: {  	v2 =	vmul.f32 $1.442695020e+00, v2;
	_ =	sdelay $0x1  }
0x84: {  	(erf) = vpow2.f32 v2;
	_ =	sdelay $0x7  }
0x85: {  	s16 =	simm.s32 $0x0  }
0x86: {  	v3 =	vmov s16;
	v2 =	vpop (erf)  }
0x87: {  	[tilespmem:s18+$0xBB90] =	vst v2  }
0x88: {  	_ =	swait.ge [sflag:s10], $0x3200  }
0x89: {  	[sflag:s10] =	ssyncset.done $0x0  }
0x8a: {  	[sflag:s10] =	ssyncadd.s32 $0xFFFFCE00  }
0x8b: {  	s23 =	simm.s32 $0x52F0;
	v3 =	vld.idx.msk [tilespmem:v3+s12+$0x0], $0xffff  }
0x8c: {  	v2 =	vld [tilespmem:s23+$0xFFFFFFF0];
	_ =	sdelay $0x1  }
0x8d: {  	v4 =	vld [tilespmem:s23+$0x0];
	_ =	sdelay $0x2  }
0x8e: {  	v5 =	vmul.f32 v2, v3  }
0x8f: {  	s15 =	simm.s32 $0x1  }
0x90: {  	s17 =	simm.s32 $0xBD20;
	s16 =	simm.s32 $0x2;
	s18 =	simm.s32 $0xBD20;
	v4 =	vmul.f32 v4, v3;
	v2 =	vmov s15;
	v3 =	vmul.f32 v0, v3;
	[tilespmem:s23+$0xFFFFFFF0] =	vst v5  }
.LBB2_5:
0x91: {  	s17 =	sadd.s32 $0x10, s17  }
0x92: {  	[tilespmem:s23+$0x0] =	vst v4;
	s23 =	sadd.s32 $0x20, s23;
	s15 =	smov.u32 s16;
	s8 =	sadd.s32 $0x1, s16  }
0x93: {  	p1 =	sne.s32 s16, $0x18F;
	[tilespmem:s18+$0x0] =	vst v3;
	s18 =	smov.u32 s17  }
0x94: {  	v3 =	vld [tilespmem:s23+$0x0]  }
0x95: {  	v5 =	vld.idx.msk [tilespmem:v2+s12+$0x0], $0xffff  }
0x96: {  	v2 =	vld [tilespmem:s23+$0xFFFFFFF0];
	_ =	sdelay $0x2  }
.Ltmp1:
0x97: {  	(pc) =	sbr.rel @p1 .LBB2_5-.Ltmp1, $4  }
0x98: {  	_ = 	snop  }
0x99: {  	v4 =	vmul.f32 v3, v5;
	v6 =	vmul.f32 v2, v5  }
0x9a: {  	v3 =	vmul.f32 v0, v5;
	v2 =	vmov s15  }
0x9b: {  	s16 =	smov.u32 s8;
	[tilespmem:s23+$0xFFFFFFF0] =	vst v6  }
0x9c: {  	_ =	sdelay $0x1  }
0x9d: {  	[tilespmem:s23+$0x0] =	vst v4  }
0x9e: {  	[tilespmem:s18+$0x0] =	vst v3  }
0x9f: {  	s8 =	sadd.s32 $0x20, s23;
	v2 =	vld.idx.msk [tilespmem:v2+s12+$0x0], $0xffff  }
0xa0: {  	v3 =	vld [tilespmem:s8+$0xFFFFFFF0]  }
0xa1: {  	v4 =	vld [tilespmem:s8+$0x0];
	_ =	sdelay $0x3  }
0xa2: {  	v3 =	vmul.f32 v3, v2  }
0xa3: {  	v4 =	vmul.f32 v4, v2  }
0xa4: {  	v2 =	vmul.f32 v0, v2;
	[tilespmem:s8+$0xFFFFFFF0] =	vst v3  }
0xa5: {  	s15 =	sadd.s32 $0x10, s17;
	[tilespmem:s8+$0x0] =	vst v4  }
0xa6: {  	[tilespmem:s15+$0x0] =	vst v2  }
0xa7: {  	[spmem:s1] =	stream.indirect.scatter.add.f32 [tilespmem:s0], [sflag:$0x3], $0x20, s29, s31, $0xb8;
	[tilespmem:$0x14B50] =	vst v63  }
0xa8: {  	_ =	swait.ge [sflag:s24], $0x3200  }
0xa9: {  	[sflag:s24] =	ssyncset.done $0x0  }
0xaa: {  	[sflag:s24] =	ssyncadd.s32 $0xFFFFCE00  }
0xab: {  	[spmem:s2] =	stream.indirect.scatter.add.f32 [tilespmem:s13], [sflag:$0x3], $0x10, s29, s31, $0xb8;
	[tilespmem:$0x14B50] =	vst v63  }
0xac: {  	s18 =	sadd.s32 s22, s20;
	_ =	swait.ge [sflag:s24], $0x1900  }
0xad: {  	s8 =	sshrl.u32 s18, $0x3;
	[sflag:s24] =	ssyncset.done $0x0  }
0xae: {  	s16 =	simm.s32 $0x0;
	s22 =	sadd.s32 s5, s8;
	[sflag:s24] =	ssyncadd.s32 $0xFFFFE700  }
0xaf: {  	[tilespmem:s28], [sflag:$0x3] =	stream.linear.gather [hbm4b:s22+s16], $0x190, $0x38;
	[tilespmem:$0x14B50] =	vst v63  }
0xb0: {  	_ =	swait.ge [sflag:s24], $0x190  }
0xb1: {  	[sflag:s24] =	ssyncset.done $0x0  }
0xb2: {  	s23 =	sadd.s32 s6, s8;
	[sflag:s24] =	ssyncadd.s32 $0xFFFFFE70  }
0xb3: {  	[tilespmem:s29], [sflag:$0x3] =	stream.linear.gather [hbm4b:s23+s16], $0x190, $0x38;
	[tilespmem:$0x14B50] =	vst v63  }
0xb4: {  	_ =	swait.ge [sflag:s24], $0x190  }
0xb5: {  	[sflag:s24] =	ssyncset.done $0x0  }
0xb6: {  	s8 =	sadd.s32 s7, s8;
	[sflag:s24] =	ssyncadd.s32 $0xFFFFFE70  }
0xb7: {  	[tilespmem:s30], [sflag:$0x3] =	stream.linear.gather [hbm4b:s8+s16], $0x190, $0x38;
	[tilespmem:$0x14B50] =	vst v63  }
0xb8: {  	_ =	swait.ge [sflag:s24], $0x190  }
0xb9: {  	[sflag:s24] =	ssyncset.done $0x0  }
0xba: {  	s22 =	simm.s32 $0x0;
	[sflag:s24] =	ssyncadd.s32 $0xFFFFFE70  }
0xbb: {  	[tilespmem:s0], [sflag:$0x1] =	stream.indirect.gather [hbm4b:s11+s31], $0x20, s28, s31, $0xb8;
	[tilespmem:$0x14B50] =	vst v63  }
0xbc: {  	v2 =	vld [tilespmem:s22+$0x8670]  }
0xbd: {  	v3 =	vld [tilespmem:s22+$0x84E0];
	_ =	sdelay $0x6  }
0xbe: {  	v2 =	vld.idx.msk [tilespmem:v2+s25+$0x0], $0xffff  }
0xbf: {  	v3 =	vld.idx.msk [tilespmem:v3+s3+$0x0], $0xffff;
	_ =	sdelay $0x1  }
0xc0: {  	v63 =	vld [tilespmem:s22+$0x8800];
	_ =	sdelay $0x2  }
0xc1: {  	v2 =	vadd.f32 v2, v3;
	_ =	sdelay $0x1  }
0xc2: {  	v2 =	vadd.f32 v63, v2;
	_ =	sdelay $0x1  }
0xc3: {  	v3 =	vmul.f32 $2.000000030e-01, v2  }
0xc4: {  	vm0 =	vgt.f32 v2, $0.0e+00  }
0xc5: {  	v2 =	vsel vm0, v2, v3  }
0xc6: {  	v2 =	vsub.f32 v2, v1;
	_ =	sdelay $0x1  }
0xc7: {  	v2 =	vmul.f32 $1.442695020e+00, v2;
	_ =	sdelay $0x1  }
0xc8: {  	(erf) = vpow2.f32 v2;
	_ =	sdelay $0x1  }
0xc9: {  	s18 =	simm.s32 $0x10  }
0xca: {  	s17 =	simm.s32 $0x80;
	v2 =	vld [tilespmem:s18+$0x8670]  }
.LBB2_7:
0xcb: {  	p1 =	sne.s32 s17, $0x600;
	v3 =	vld [tilespmem:s18+$0x84E0];
	_ =	sdelay $0x4  }
0xcc: {  	v4 =	vpop (erf)  }
0xcd: {  	[tilespmem:s22+$0xBB90] =	vst v4;
	s22 =	smov.u32 s18  }
0xce: {  	v2 =	vld.idx.msk [tilespmem:v2+s25+$0x0], $0xffff  }
0xcf: {  	v3 =	vld.idx.msk [tilespmem:v3+s3+$0x0], $0xffff;
	_ =	sdelay $0x2  }
0xd0: {  	v4 =	vld [tilespmem:s22+$0x8800];
	_ =	sdelay $0x2  }
0xd1: {  	v2 =	vadd.f32 v2, v3;
	_ =	sdelay $0x1  }
0xd2: {  	v2 =	vadd.f32 v4, v2;
	_ =	sdelay $0x1  }
0xd3: {  	v3 =	vmul.f32 $2.000000030e-01, v2  }
0xd4: {  	vm0 =	vgt.f32 v2, $0.0e+00  }
0xd5: {  	v2 =	vsel vm0, v2, v3  }
0xd6: {  	v2 =	vsub.f32 v2, v1;
	_ =	sdelay $0x1  }
0xd7: {  	v2 =	vmul.f32 $1.442695020e+00, v2  }
.Ltmp2:
0xd8: {  	(pc) =	sbr.rel @p1 .LBB2_7-.Ltmp2, $3  }
0xd9: {  	(erf) = vpow2.f32 v2;
	_ =	sdelay $0x1  }
0xda: {  	s18 =	sshra.s32 s17, $0x2  }
0xdb: {  	s17 =	sadd.s32 $0x40, s17;
	v2 =	vld [tilespmem:s18+$0x8670]  }
0xdc: {  	_ = 	snop  }
0xdd: {  	v3 =	vld [tilespmem:s18+$0x84E0];
	_ =	sdelay $0x4  }
0xde: {  	v4 =	vpop (erf)  }
0xdf: {  	[tilespmem:s22+$0xBB90] =	vst v4  }
0xe0: {  	v2 =	vld.idx.msk [tilespmem:v2+s25+$0x0], $0xffff  }
0xe1: {  	v3 =	vld.idx.msk [tilespmem:v3+s3+$0x0], $0xffff;
	_ =	sdelay $0x1  }
0xe2: {  	v4 =	vld [tilespmem:s18+$0x8800];
	_ =	sdelay $0x2  }
0xe3: {  	v2 =	vadd.f32 v2, v3;
	_ =	sdelay $0x1  }
0xe4: {  	v2 =	vadd.f32 v4, v2;
	_ =	sdelay $0x1  }
0xe5: {  	v3 =	vmul.f32 $2.000000030e-01, v2  }
0xe6: {  	vm0 =	vgt.f32 v2, $0.0e+00  }
0xe7: {  	v2 =	vsel vm0, v2, v3  }
0xe8: {  	v2 =	vsub.f32 v2, v1;
	_ =	sdelay $0x1  }
0xe9: {  	v2 =	vmul.f32 $1.442695020e+00, v2;
	_ =	sdelay $0x1  }
0xea: {  	(erf) = vpow2.f32 v2;
	_ =	sdelay $0x7  }
0xeb: {  	s8 =	simm.s32 $0x0  }
0xec: {  	v3 =	vmov s8;
	v2 =	vpop (erf)  }
0xed: {  	[tilespmem:s18+$0xBB90] =	vst v2  }
0xee: {  	_ =	swait.ge [sflag:s14], $0x3200  }
0xef: {  	[sflag:s14] =	ssyncset.done $0x0  }
0xf0: {  	[sflag:s14] =	ssyncadd.s32 $0xFFFFCE00  }
0xf1: {  	s22 =	simm.s32 $0x89A0;
	v3 =	vld.idx.msk [tilespmem:v3+s12+$0x0], $0xffff  }
0xf2: {  	v2 =	vld [tilespmem:s22+$0xFFFFFFF0];
	_ =	sdelay $0x1  }
0xf3: {  	v4 =	vld [tilespmem:s22+$0x0];
	_ =	sdelay $0x2  }
0xf4: {  	v5 =	vmul.f32 v2, v3  }
0xf5: {  	s23 =	simm.s32 $0x1  }
0xf6: {  	s17 =	simm.s32 $0xBD20;
	s16 =	simm.s32 $0x2;
	s18 =	simm.s32 $0xBD20;
	v4 =	vmul.f32 v4, v3;
	v2 =	vmov s23;
	v3 =	vmul.f32 v0, v3;
	[tilespmem:s22+$0xFFFFFFF0] =	vst v5  }
.LBB2_9:
0xf7: {  	s17 =	sadd.s32 $0x10, s17  }
0xf8: {  	[tilespmem:s22+$0x0] =	vst v4;
	s22 =	sadd.s32 $0x20, s22;
	s8 =	smov.u32 s16;
	s15 =	sadd.s32 $0x1, s16  }
0xf9: {  	p1 =	sne.s32 s16, $0x18F;
	[tilespmem:s18+$0x0] =	vst v3;
	s18 =	smov.u32 s17  }
0xfa: {  	v3 =	vld [tilespmem:s22+$0x0]  }
0xfb: {  	v5 =	vld.idx.msk [tilespmem:v2+s12+$0x0], $0xffff  }
0xfc: {  	v2 =	vld [tilespmem:s22+$0xFFFFFFF0];
	_ =	sdelay $0x2  }
.Ltmp3:
0xfd: {  	(pc) =	sbr.rel @p1 .LBB2_9-.Ltmp3, $4  }
0xfe: {  	_ = 	snop  }
0xff: {  	v4 =	vmul.f32 v3, v5;
	v6 =	vmul.f32 v2, v5  }
0x100: {  	v3 =	vmul.f32 v0, v5;
	v2 =	vmov s8  }
0x101: {  	s16 =	smov.u32 s15;
	[tilespmem:s22+$0xFFFFFFF0] =	vst v6  }
0x102: {  	_ =	sdelay $0x1  }
0x103: {  	[tilespmem:s22+$0x0] =	vst v4  }
0x104: {  	[tilespmem:s18+$0x0] =	vst v3  }
0x105: {  	s8 =	sadd.s32 $0x20, s22;
	v2 =	vld.idx.msk [tilespmem:v2+s12+$0x0], $0xffff  }
0x106: {  	v3 =	vld [tilespmem:s8+$0xFFFFFFF0]  }
0x107: {  	v4 =	vld [tilespmem:s8+$0x0];
	_ =	sdelay $0x3  }
0x108: {  	v3 =	vmul.f32 v3, v2  }
0x109: {  	v4 =	vmul.f32 v4, v2  }
0x10a: {  	v2 =	vmul.f32 v0, v2;
	[tilespmem:s8+$0xFFFFFFF0] =	vst v3  }
0x10b: {  	s15 =	sadd.s32 $0x10, s17;
	[tilespmem:s8+$0x0] =	vst v4  }
0x10c: {  	[tilespmem:s15+$0x0] =	vst v2  }
0x10d: {  	[spmem:s1] =	stream.indirect.scatter.add.f32 [tilespmem:s9], [sflag:$0x3], $0x20, s4, s31, $0xb8;
	[tilespmem:$0x14B50] =	vst v63  }
0x10e: {  	s21 =	sadd.s32 $0x1, s21;
	_ =	swait.ge [sflag:s24], $0x3200  }
0x10f: {  	p1 =	sne.s32 s21, $0xC;
	[sflag:s24] =	ssyncset.done $0x0  }
.Ltmp4:
0x110: {  	[sflag:s24] =	ssyncadd.s32 $0xFFFFCE00;
	(pc) =	sbr.rel @p1 .LBB2_2-.Ltmp4, $4  }
0x111: {  	[spmem:s2] =	stream.indirect.scatter.add.f32 [tilespmem:s13], [sflag:$0x3], $0x10, s4, s31, $0xb8;
	[tilespmem:$0x14B50] =	vst v63  }
0x112: {  	_ =	swait.ge [sflag:s24], $0x1900  }
0x113: {  	[sflag:s24] =	ssyncset.done $0x0  }
0x114: {  	[sflag:s24] =	ssyncadd.s32 $0xFFFFE700  }
0x115: {  	s21 =	simm.s32 $0x0  }
0x116: {  	v2 =	vld [tilespmem:s21+$0x4FC0]  }
0x117: {  	v3 =	vld [tilespmem:s21+$0x4E30];
	_ =	sdelay $0x6  }
0x118: {  	v2 =	vld.idx.msk [tilespmem:v2+s25+$0x0], $0xffff  }
0x119: {  	v3 =	vld.idx.msk [tilespmem:v3+s3+$0x0], $0xffff;
	_ =	sdelay $0x1  }
0x11a: {  	v4 =	vld [tilespmem:s21+$0x5150];
	_ =	sdelay $0x2  }
0x11b: {  	v2 =	vadd.f32 v2, v3;
	_ =	sdelay $0x1  }
0x11c: {  	v2 =	vadd.f32 v4, v2;
	_ =	sdelay $0x1  }
0x11d: {  	v3 =	vmul.f32 $2.000000030e-01, v2  }
0x11e: {  	vm0 =	vgt.f32 v2, $0.0e+00  }
0x11f: {  	v2 =	vsel vm0, v2, v3  }
0x120: {  	v2 =	vsub.f32 v2, v1;
	_ =	sdelay $0x1  }
0x121: {  	v2 =	vmul.f32 $1.442695020e+00, v2;
	_ =	sdelay $0x1  }
0x122: {  	(erf) = vpow2.f32 v2;
	_ =	sdelay $0x1  }
0x123: {  	s18 =	simm.s32 $0x10  }
0x124: {  	s17 =	simm.s32 $0x80;
	v2 =	vld [tilespmem:s18+$0x4FC0]  }
.LBB2_12:
0x125: {  	p1 =	sne.s32 s17, $0x600;
	v3 =	vld [tilespmem:s18+$0x4E30];
	_ =	sdelay $0x4  }
0x126: {  	v4 =	vpop (erf)  }
0x127: {  	[tilespmem:s21+$0xBB90] =	vst v4;
	s21 =	smov.u32 s18  }
0x128: {  	v2 =	vld.idx.msk [tilespmem:v2+s25+$0x0], $0xffff  }
0x129: {  	v3 =	vld.idx.msk [tilespmem:v3+s3+$0x0], $0xffff;
	_ =	sdelay $0x2  }
0x12a: {  	v4 =	vld [tilespmem:s21+$0x5150];
	_ =	sdelay $0x2  }
0x12b: {  	v2 =	vadd.f32 v2, v3;
	_ =	sdelay $0x1  }
0x12c: {  	v2 =	vadd.f32 v4, v2;
	_ =	sdelay $0x1  }
0x12d: {  	v3 =	vmul.f32 $2.000000030e-01, v2  }
0x12e: {  	vm0 =	vgt.f32 v2, $0.0e+00  }
0x12f: {  	v2 =	vsel vm0, v2, v3  }
0x130: {  	v2 =	vsub.f32 v2, v1;
	_ =	sdelay $0x1  }
0x131: {  	v2 =	vmul.f32 $1.442695020e+00, v2  }
.Ltmp5:
0x132: {  	(pc) =	sbr.rel @p1 .LBB2_12-.Ltmp5, $3  }
0x133: {  	(erf) = vpow2.f32 v2;
	_ =	sdelay $0x1  }
0x134: {  	s18 =	sshra.s32 s17, $0x2  }
0x135: {  	s17 =	sadd.s32 $0x40, s17;
	v2 =	vld [tilespmem:s18+$0x4FC0]  }
0x136: {  	_ = 	snop  }
0x137: {  	v3 =	vld [tilespmem:s18+$0x4E30];
	_ =	sdelay $0x4  }
0x138: {  	v4 =	vpop (erf)  }
0x139: {  	[tilespmem:s21+$0xBB90] =	vst v4  }
0x13a: {  	v2 =	vld.idx.msk [tilespmem:v2+s25+$0x0], $0xffff  }
0x13b: {  	v3 =	vld.idx.msk [tilespmem:v3+s3+$0x0], $0xffff;
	_ =	sdelay $0x1  }
0x13c: {  	v4 =	vld [tilespmem:s18+$0x5150];
	_ =	sdelay $0x2  }
0x13d: {  	v2 =	vadd.f32 v2, v3;
	_ =	sdelay $0x1  }
0x13e: {  	v2 =	vadd.f32 v4, v2;
	_ =	sdelay $0x1  }
0x13f: {  	v3 =	vmul.f32 $2.000000030e-01, v2  }
0x140: {  	vm0 =	vgt.f32 v2, $0.0e+00  }
0x141: {  	v2 =	vsel vm0, v2, v3  }
0x142: {  	v1 =	vsub.f32 v2, v1;
	_ =	sdelay $0x1  }
0x143: {  	v1 =	vmul.f32 $1.442695020e+00, v1;
	_ =	sdelay $0x1  }
0x144: {  	(erf) = vpow2.f32 v1;
	_ =	sdelay $0x7  }
0x145: {  	s8 =	simm.s32 $0x0  }
0x146: {  	v2 =	vmov s8;
	v1 =	vpop (erf)  }
0x147: {  	[tilespmem:s18+$0xBB90] =	vst v1  }
0x148: {  	_ =	swait.ge [sflag:s10], $0x3200  }
0x149: {  	[sflag:s10] =	ssyncset.done $0x0  }
0x14a: {  	[sflag:s10] =	ssyncadd.s32 $0xFFFFCE00  }
0x14b: {  	s21 =	simm.s32 $0x52F0;
	v2 =	vld.idx.msk [tilespmem:v2+s12+$0x0], $0xffff  }
0x14c: {  	v1 =	vld [tilespmem:s21+$0xFFFFFFF0];
	_ =	sdelay $0x1  }
0x14d: {  	v3 =	vld [tilespmem:s21+$0x0];
	_ =	sdelay $0x2  }
0x14e: {  	v4 =	vmul.f32 v1, v2  }
0x14f: {  	s23 =	simm.s32 $0x1  }
0x150: {  	s17 =	simm.s32 $0xBD20;
	s16 =	simm.s32 $0x2;
	s18 =	simm.s32 $0xBD20;
	v3 =	vmul.f32 v3, v2;
	v1 =	vmov s23;
	v2 =	vmul.f32 v0, v2;
	[tilespmem:s21+$0xFFFFFFF0] =	vst v4  }
.LBB2_14:
0x151: {  	s17 =	sadd.s32 $0x10, s17  }
0x152: {  	[tilespmem:s21+$0x0] =	vst v3;
	s21 =	sadd.s32 $0x20, s21;
	s8 =	smov.u32 s16;
	s15 =	sadd.s32 $0x1, s16  }
0x153: {  	p1 =	sne.s32 s16, $0x18F;
	[tilespmem:s18+$0x0] =	vst v2;
	s18 =	smov.u32 s17  }
0x154: {  	v2 =	vld [tilespmem:s21+$0x0]  }
0x155: {  	v4 =	vld.idx.msk [tilespmem:v1+s12+$0x0], $0xffff  }
0x156: {  	v1 =	vld [tilespmem:s21+$0xFFFFFFF0];
	_ =	sdelay $0x2  }
.Ltmp6:
0x157: {  	(pc) =	sbr.rel @p1 .LBB2_14-.Ltmp6, $4  }
0x158: {  	_ = 	snop  }
0x159: {  	v3 =	vmul.f32 v2, v4;
	v5 =	vmul.f32 v1, v4  }
0x15a: {  	v2 =	vmul.f32 v0, v4;
	v1 =	vmov s8  }
0x15b: {  	s16 =	smov.u32 s15;
	[tilespmem:s21+$0xFFFFFFF0] =	vst v5  }
0x15c: {  	_ =	sdelay $0x1  }
0x15d: {  	[tilespmem:s21+$0x0] =	vst v3  }
0x15e: {  	[tilespmem:s18+$0x0] =	vst v2  }
0x15f: {  	s8 =	sadd.s32 $0x20, s21;
	v1 =	vld.idx.msk [tilespmem:v1+s12+$0x0], $0xffff  }
0x160: {  	v2 =	vld [tilespmem:s8+$0xFFFFFFF0]  }
0x161: {  	v3 =	vld [tilespmem:s8+$0x0];
	_ =	sdelay $0x3  }
0x162: {  	v2 =	vmul.f32 v2, v1  }
0x163: {  	v3 =	vmul.f32 v3, v1  }
0x164: {  	v1 =	vmul.f32 v0, v1;
	[tilespmem:s8+$0xFFFFFFF0] =	vst v2  }
0x165: {  	s15 =	sadd.s32 $0x10, s17;
	[tilespmem:s8+$0x0] =	vst v3  }
0x166: {  	[tilespmem:s15+$0x0] =	vst v1  }
0x167: {  	[spmem:s1] =	stream.indirect.scatter.add.f32 [tilespmem:s0], [sflag:$0x3], $0x20, s29, s31, $0xb8;
	[tilespmem:$0x14B50] =	vst v63  }
0x168: {  	_ =	swait.ge [sflag:s24], $0x3200  }
0x169: {  	[sflag:s24] =	ssyncset.done $0x0  }
0x16a: {  	[sflag:s24] =	ssyncadd.s32 $0xFFFFCE00  }
0x16b: {  	[spmem:s2] =	stream.indirect.scatter.add.f32 [tilespmem:s13], [sflag:$0x3], $0x10, s29, s31, $0xb8;
	[tilespmem:$0x14B50] =	vst v63  }
0x16c: {  	_ =	swait.ge [sflag:s24], $0x1900  }
0x16d: {  	[sflag:s24] =	ssyncset.done $0x0  }
0x16e: {  	[sflag:s24] =	ssyncadd.s32 $0xFFFFE700  }
0x16f: {  	[bflag:$0x0] =	sbarrier.arrive $0xFFFF  }
0x170: {  	s8 =	rddreg [dreg:$0xf]  }
0x171: {  	s16 =	rddreg [dreg:$0x13]  }
0x172: {  	s15 =	rddreg [dreg:$0x14]  }
0x173: {  	[hbm:s8], [sflag:s16] =	dma.local @!p0 [spmem:s15], $0xFA0  }
0x174: {  	s8 =	simm.s32 @!p0 $0x3  }
0x175: {  	_ =	swait.ge @!p0 [sflag:s8], $0xFA0  }
0x176: {  	[sflag:s8] =	ssyncset.done @!p0 $0x0;
	s15 =	rddreg [dreg:$0x10]  }
0x177: {  	s17 =	rddreg [dreg:$0x15];
	[sflag:s8] =	ssyncadd.s32 @!p0 $0xFFFFF060  }
0x178: {  	[hbm:s15], [sflag:s16] =	dma.local @!p0 [spmem:s17], $0x7D0  }
0x179: {  	_ =	swait.ge @!p0 [sflag:s8], $0x7D0  }
0x17a: {  	s22 =	rddreg [dreg:$0x12]  }
0x17b: {  	s23 =	rddreg [dreg:$0x11];
	s16 =	sadd.s32 $0x1, s22  }
0x17c: {  	p1 =	sne.s32 s16, s23  }
.Ltmp7:
0x17d: {  	_ = 	snop;
	(pc) =	sbr.rel @p1 .LBB2_1-.Ltmp7, $3  }
0x17e: {  	_ =	sdelay $0x1  }
0x17f: {  	[sflag:s8] =	ssyncset.done @!p0 $0x0  }
0x180: {  	[sflag:s8] =	ssyncadd.s32 @!p0 $0xFFFFF830  }
0x181: {  	_ =	sfence.sel $0x180000  }
0x182: {  	[bflag:$0x0] =	sbarrier.arrive $0xFFFF  }
0x183: {  	_ =	strace $0x9000004A  }
0x184: {  	s0 =	stileid.u32;
	[bflag:$0x2] =	sbarrier.arrive $0xFFFF  }
0x185: {  	p0 =	sne.s32 s0, $0x0;
	s0 =	rddreg [dreg:$0x4]  }
0x186: {  	s0 =	sadd.s32 @!p0 $0x100000, s0  }
0x187: {  	[sflag:s0] =	ssyncadd.tile.s32 @!p0 $0x1;
	_ =	shalt  }
.Lfunc_end2:
_tile_overlayer_lowered:
.L_overlay_start_2:
0x188: {  	(tag) =	ssettag $0x2  }
0x189: {  	s0 =	rddreg [dreg:$0x0];
	s2 =	stileid.u32  }
0x18a: {  	s1 =	rddreg [dreg:$0x1];
	p0 =	sne.s32 s2, $0x0  }
0x18b: {  	s3 =	rddreg [dreg:$0x2];
	[bflag:$0x3] =	sbarrier.arrive $0xFFFF;
	s2 =	simm.s32 @!p0 $0x1C03  }
0x18c: {  	[timem:s3], [sflag:s2] =	dma.local @!p0 [hbm:s0], s1  }
0x18d: {  	s0 =	simm.s32 @!p0 $0x3  }
0x18e: {  	_ =	swait.ge @!p0 [sflag:s0], s1  }
0x18f: {  	s1 =	ssub.s32 @!p0 $0x0, s1;
	[sflag:s0] =	ssyncset.done @!p0 $0x0  }
0x190: {  	[sflag:s0] =	ssyncadd.s32 @!p0 s1  }
0x191: {  	[bflag:$0x3] =	sbarrier.arrive $0xFFFF  }
0x192: {  	_ =	shalt  }

// kernel: kernel.17.cloned.1.call-start
scs
__scs_entry_jumppad:
0x0: {  	(pc) =	sbr.rel $0x88, $3  }
0x1: {  	(tag) =	ssettag $0x0;
	lr =	simm.s32 $0x1  }
0x2: {  	[smem:$0x3F8A] =	sst lr;
	_ =	strace $0xD0000000  }
0x3: {  	_ = 	snop  }
0x4: {  	_ = 	snop  }
0x5: {  	_ = 	snop  }
0x6: {  	_ = 	snop  }
0x7: {  	_ = 	snop  }
__scs_overlays_trampoline_lowered:
0x8: {  	[smem:$0x3F99] =	sst s0  }
0x9: {  	[smem:$0x3F9A] =	sst s1  }
0xa: {  	[smem:$0x3F9B] =	sst s2  }
0xb: {  	[smem:$0x3F9C] =	sst s3  }
0xc: {  	[smem:$0x3F9D] =	sst s4  }
0xd: {  	[smem:$0x3F9E] =	sst s5  }
0xe: {  	[smem:$0x3F9F] =	sst s6  }
0xf: {  	[smem:$0x3FA0] =	sst s7  }
0x10: {  	[smem:$0x3FA1] =	sst s8  }
0x11: {  	[smem:$0x3FA2] =	sst s9;
	s0 =	simm.s32 @!p0 $0x0  }
0x12: {  	s1 =	sld [smem:$0x3F88];
	s0 =	simm.s32 @p0 $0x1  }
0x13: {  	[smem:$0x3FA3] =	sst s0;
	s0 =	simm.s32 @!p1 $0x0  }
0x14: {  	s2 =	sld [smem:$0x3F87];
	s0 =	simm.s32 @p1 $0x1  }
0x15: {  	[smem:$0x3FA4] =	sst s0;
	s0 =	simm.s32 @!p2 $0x0  }
0x16: {  	s3 =	sld [smem:$0x3FDB];
	s0 =	simm.s32 @p2 $0x1  }
0x17: {  	s4 =	simm.s32 $0x1BF5;
	[smem:$0x3FA6] =	sst s0  }
0x18: {  	s0 =	sld [smem:$0x3F89];
	_ =	swait.ge [sflag:s4], $0x0  }
0x19: {  	s7 =	sld [smem:$0x3F8A]  }
0x1a: {  	s8 =	sadd.s32 $0xFFFFE003, lr  }
0x1b: {  	s9 =	sadd.s32 $0xFFFFFEF7, lr;
	s5 =	simm.s32 $0xFFFFFFFF;
	p2 =	slt.u32 s8, $0xFFFFF086  }
0x1c: {  	p1 =	slt.u32 s9, $0xF7A;
	s5 =	simm.s32 @!p2 $0x0  }
0x1d: {  	s5 =	simm.s32 @p1 $0x1;
	p0 =	seq.s32 s7, s2  }
0x1e: {  	s7 =	smul.u32 @!p0 $0xF7A, s2;
	p2 =	seq.s32 @!p0 s5, $0x0  }
0x1f: {  	s9 =	smul.u32 $0xF7A, s1;
	s8 =	simm.s32 @!p0 $0x1BF5;
	p2 =	por !p2, p0  }
0x20: {  	[sflag:s8] =	ssyncset.s32 @!p0 $0xFFFFF086;
	s6 =	sadd.s32 @!p0 s3, s7;
	s7 =	simm.s32 @!p0 $0x108  }
0x21: {  	s3 =	sadd.s32 s3, s9;
	s6 =	sadd.s32 @!p0 $0x88, s6;
	s7 =	simm.s32 @p2 $0x1082  }
0x22: {  	[simem:s7], [sflag:s8] =	dma.local @!p0 [hbm:s6], $0xF7A  }
0x23: {  	s9 =	sor.u32 $0xD0000000, s2;
	s6 =	simm.s32 $0x108;
	_ =	swait.ge @!p0 [sflag:s8], $0x0  }
0x24: {  	s3 =	sadd.s32 $0x88, s3;
	s6 =	simm.s32 @!p1 $0x1082;
	[sflag:s4] =	ssyncset.s32 $0xFFFFF086  }
0x25: {  	[simem:s6], [sflag:s4] =	dma.local [hbm:s3], $0xF7A  }
0x26: {  	[smem:$0x3F8A] =	sst s1;
	(tag) =	ssettag s2;
	_ =	strace s9  }
0x27: {  	s1 =	sld [smem:$0x3F9A]  }
0x28: {  	s2 =	sld [smem:$0x3F9B]  }
0x29: {  	s4 =	sld [smem:$0x3F9D]  }
0x2a: {  	p0 =	seq.s32 s5, $0x0;
	s5 =	sld [smem:$0x3F9E]  }
0x2b: {  	s6 =	sld [smem:$0x3F9F]  }
0x2c: {  	s7 =	sld [smem:$0x3FA0]  }
0x2d: {  	s3 =	simm.s32 $0x108;
	s8 =	sld [smem:$0x3FA1]  }
0x2e: {  	s3 =	simm.s32 @!p0 $0x1082;
	s9 =	sld [smem:$0x3FA2]  }
0x2f: {  	lr =	sadd.s32 s0, s3;
	s0 =	sld [smem:$0x3F99]  }
0x30: {  	s3 =	sld [smem:$0x3F9C]  }
0x31: {  	[smem:$0x3FA5] =	sst s10  }
0x32: {  	s10 =	sld [smem:$0x3FA3];
	_ =	sdelay $0x3  }
0x33: {  	p0 =	seq.s32 s10, $0x1;
	s10 =	sld [smem:$0x3FA5];
	_ =	sdelay $0x3  }
0x34: {  	[smem:$0x3FA5] =	sst s10  }
0x35: {  	s10 =	sld [smem:$0x3FA4];
	_ =	sdelay $0x3  }
0x36: {  	p1 =	seq.s32 s10, $0x1;
	s10 =	sld [smem:$0x3FA5];
	_ =	sdelay $0x3  }
0x37: {  	[smem:$0x3FA5] =	sst s10  }
0x38: {  	s10 =	sld [smem:$0x3FA6]  }
0x39: {  	_ = 	snop;
	(pc) =	sbr.ind lr, $3  }
0x3a: {  	_ = 	snop  }
0x3b: {  	_ = 	snop  }
0x3c: {  	p2 =	seq.s32 s10, $0x1;
	s10 =	sld [smem:$0x3FA5]  }
0x3d: {  	_ =	shalt  }
0x3e: {  	_ =	shalt  }
0x3f: {  	_ =	shalt  }
0x40: {  	_ =	shalt  }
0x41: {  	_ =	shalt  }
0x42: {  	_ =	shalt  }
0x43: {  	_ =	shalt  }
0x44: {  	_ =	shalt  }
0x45: {  	_ =	shalt  }
0x46: {  	_ =	shalt  }
0x47: {  	_ =	shalt  }
0x48: {  	_ =	shalt  }
0x49: {  	_ =	shalt  }
0x4a: {  	_ =	shalt  }
0x4b: {  	_ =	shalt  }
0x4c: {  	_ =	shalt  }
0x4d: {  	_ =	shalt  }
0x4e: {  	_ =	shalt  }
0x4f: {  	_ =	shalt  }
0x50: {  	_ =	shalt  }
0x51: {  	_ =	shalt  }
0x52: {  	_ =	shalt  }
0x53: {  	_ =	shalt  }
0x54: {  	_ =	shalt  }
0x55: {  	_ =	shalt  }
0x56: {  	_ =	shalt  }
0x57: {  	_ =	shalt  }
0x58: {  	_ =	shalt  }
0x59: {  	_ =	shalt  }
0x5a: {  	_ =	shalt  }
0x5b: {  	_ =	shalt  }
0x5c: {  	_ =	shalt  }
0x5d: {  	_ =	shalt  }
0x5e: {  	_ =	shalt  }
0x5f: {  	_ =	shalt  }
0x60: {  	_ =	shalt  }
0x61: {  	_ =	shalt  }
0x62: {  	_ =	shalt  }
0x63: {  	_ =	shalt  }
0x64: {  	_ =	shalt  }
0x65: {  	_ =	shalt  }
0x66: {  	_ =	shalt  }
0x67: {  	_ =	shalt  }
0x68: {  	_ =	shalt  }
0x69: {  	_ =	shalt  }
0x6a: {  	_ =	shalt  }
0x6b: {  	_ =	shalt  }
0x6c: {  	_ =	shalt  }
0x6d: {  	_ =	shalt  }
0x6e: {  	_ =	shalt  }
0x6f: {  	_ =	shalt  }
0x70: {  	_ =	shalt  }
0x71: {  	_ =	shalt  }
0x72: {  	_ =	shalt  }
0x73: {  	_ =	shalt  }
0x74: {  	_ =	shalt  }
0x75: {  	_ =	shalt  }
0x76: {  	_ =	shalt  }
0x77: {  	_ =	shalt  }
0x78: {  	_ =	shalt  }
0x79: {  	_ =	shalt  }
0x7a: {  	_ =	shalt  }
0x7b: {  	_ =	shalt  }
0x7c: {  	_ =	shalt  }
0x7d: {  	_ =	shalt  }
0x7e: {  	_ =	shalt  }
0x7f: {  	_ =	shalt  }
0x80: {  	_ =	shalt  }
0x81: {  	_ =	shalt  }
0x82: {  	_ =	shalt  }
0x83: {  	_ =	shalt  }
0x84: {  	_ =	shalt  }
0x85: {  	_ =	shalt  }
0x86: {  	_ =	shalt  }
0x87: {  	_ =	shalt  }
.Lfunc_end0:
.L_simem_size_0:
called_computation.2_lowered:
.L_overlay_start_0:
0x88: {  	s2 =	sld [smem:$0x3FD9]  }
0x89: {  	s3 =	sld [smem:$0x3FFE];
	_ =	sdelay $0x1  }
0x8a: {  	s1 =	srdreg.scid  }
0x8b: {  	s0 =	sand.u32 $0x1, s1  }
0x8c: {  	s17 =	sshll.u32 s0, $0xA;
	s2 =	sadd.s32 s3, s2  }
0x8d: {  	s2 =	sadd.s32 s2, s17  }
0x8e: {  	[smem:$0x3FB1] =	sst s2  }
0x8f: {  	_ = 	snop  }
0x90: {  	s2 =	sld [smem:$0x3FD0];
	(tm) =	ssettm $0x1  }
0x91: {  	s18 =	sld [smem:$0x3FFB];
	_ =	sdelay $0x3  }
0x92: {  	_ =	strace s18  }
0x93: {  	s3 =	sld [smem:$0x3FFC];
	_ =	sdelay $0x3  }
0x94: {  	_ =	strace s3  }
0x95: {  	s3 =	sld [smem:$0x3FFD];
	_ =	sdelay $0x3  }
0x96: {  	_ =	strace s3  }
0x97: {  	_ =	strace $0x8FFFFFFF  }
0x98: {  	s19 =	sld [smem:$0x3FDB];
	_ =	sdelay $0x1  }
0x99: {  	s4 =	simm.s32 $_scs_section_size  }
0x9a: {  	s5 =	simm.s32 $_size__tile_overlayer_lowered;
	s6 =	simm.s32 $_tile_overlayer_lowered  }
0x9b: {  	s22 =	simm.s32 $0x1BFF;
	s21 =	sshll.u32 s6, $0x1;
	s3 =	sadd.s32 s4, s19  }
0x9c: {  	s7 =	simm.s32 $0x0;
	s20 =	sshll.u32 s5, $0x1;
	s5 =	sadd.s32 s21, s3  }
0x9d: {  	[timem:s7], [sflag:s22] =	dma.local [hbm:s5], s20  }
0x9e: {  	_ =	swait.ge [sflag:s22], s20  }
0x9f: {  	s4 =	ssub.s32 $0x0, s20;
	[sflag:s22] =	ssyncset.done $0x0  }
0xa0: {  	[sflag:s22] =	ssyncadd.s32 s4;
	_ =	sdelay $0x1  }
0xa1: {  	s23 =	simm.s32 $0x1B8B  }
0xa2: {  	_ =	swait.ge [sflag:s23], $0x1  }
0xa3: {  	[sflag:s23] =	ssyncset.done $0x0  }
0xa4: {  	s25 =	simm.s32 $0x1B8E;
	s24 =	sld [smem:$0x3FFE];
	[sflag:s23] =	ssyncadd.s32 $0xFFFFFFFF  }
0xa5: {  	s26 =	simm.s32 $execute0_lowered;
	[smem:$0x3FD2] =	sst s25  }
0xa6: {  	s5 =	sshll.u32 s26, $0x1;
	_ =	strace $0x8000004C;
	[dreg:$0x1] =	wrdreg $0xFFFFFFFF  }
0xa7: {  	s28 =	simm.s32 $_size_execute0_lowered;
	s3 =	sadd.s32 s3, s5;
	[dreg:$0x0] =	wrdreg $0x0  }
0xa8: {  	s5 =	sshll.u32 s28, $0x1;
	[dreg:$0x2] =	wrdreg s3  }
0xa9: {  	[dreg:$0x3] =	wrdreg s5  }
0xaa: {  	[dreg:$0x4] =	wrdreg $0xC0  }
0xab: {  	_ =	task [dreg:s7], $0x5FFFF  }
0xac: {  	[dreg:$0x1] =	wrdreg $0xFFFFFFFF  }
0xad: {  	[dreg:$0x0] =	wrdreg $0x60  }
0xae: {  	[dreg:$0x2] =	wrdreg s24  }
0xaf: {  	[dreg:$0x3] =	wrdreg s2  }
0xb0: {  	[dreg:$0x4] =	wrdreg $0x13A200  }
0xb1: {  	[dreg:$0x5] =	wrdreg $0x1D6600  }
0xb2: {  	[dreg:$0x6] =	wrdreg $0x9  }
0xb3: {  	_ =	task.clear_ibuf [dreg:s7], $0x7FFFF;
	_ =	strace $0x9000004C  }
0xb4: {  	s29 =	simm.s32 $0x9;
	_ =	strace $0x8000004E  }
0xb5: {  	_ =	swait.ge [sflag:s29], $0x1  }
0xb6: {  	[sflag:s29] =	ssyncadd.s32 $0xFFFFFFFF  }
0xb7: {  	_ =	strace $0x9000004E  }
0xb8: {  	_ =	sfence  }
0xb9: {  	s30 =	sld [smem:$0x0];
	_ =	sdelay $0x2  }
0xba: {  	s31 =	sshll.u32 s1, $0xD;
	s1 =	sshrl.u32 s1, $0x2  }
0xbb: {  	s3 =	sand.u32 $0x4000, s31;
	s1 =	sadd.s32 s1, s30  }
0xbc: {  	s0 =	sor.u32 s3, s0;
	s1 =	sshll.u32 s1, $0x11  }
0xbd: {  	s0 =	sor.u32 s1, s0  }
0xbe: {  	s0 =	sadd.s32 $0x8F2B, s0  }
0xbf: {  	[sflag:s0] =	ssyncadd.remote.s32 $0x1  }
0xc0: {  	_ =	sfence.sel $0xFFFF  }
0xc1: {  	[dreg:$0x0] =	wrdreg $0xFFFFFFFF;
	(pc) =	sbr.abs _section_cstart, $3  }
0xc2: {  	[dreg:$0x1] =	wrdreg $0xFFFFFFFF  }
0xc3: {  	_ =	task.clear_ibuf [dreg:s7], $0x2FFFF;
	_ =	strace $0x9FFFFFFF  }
0xc4: {  	(tm) =	ssettm $0x7FFFFFFF  }
0xc5: {  	_ =	shalt  }
tec
execute0_lowered:
.L_overlay_start_1:
0x0: {  	(tag) =	ssettag $0x1  }
0x1: {  	s0 =	rddreg [dreg:$0x0]  }
0x2: {  	s4 =	rddreg [dreg:$0x1]  }
0x3: {  	s1 =	rddreg [dreg:$0x2]  }
0x4: {  	s2 =	rddreg [dreg:$0x3];
	s3 =	simm.s32 $0x0  }
0x5: {  	s18 =	stileid.u32;
	s10 =	srdreg.scid;
	s28 =	simm.s32 $0x4E30  }
0x6: {  	s29 =	simm.s32 $0x4FC0;
	s31 =	simm.s32 $0x190;
	[smem:$0x7FF] =	sst s3  }
0x7: {  	s5 =	sadd.s32 $0x12A00, s0;
	s6 =	sadd.s32 $0x8C00, s0;
	s7 =	sadd.s32 $0x5D600, s0  }
0x8: {  	s8 =	sadd.s32 $0x43A00, s0;
	s20 =	smul.u32 $0xFA00, s18;
	s9 =	sadd.s32 $0x44000, s0  }
0x9: {  	s30 =	smul.u32 $0x3E80, s18;
	_ =	strace $0x8000004D;
	[dreg:$0x5] =	wrdreg s8  }
0xa: {  	s11 =	sadd.s32 $0x44600, s0;
	s10 =	sand.u32 $0x1, s10;
	[dreg:$0x6] =	wrdreg s9  }
0xb: {  	p0 =	sgt.u32 s18, $0x9;
	[dreg:$0x7] =	wrdreg s11;
	s11 =	sadd.s32 $0x49800, s0  }
0xc: {  	s14 =	smul.u32 $0x27100, s10;
	s15 =	sshll.u32 s10, $0x4;
	s16 =	ssub.s32 $0x2, s10  }
0xd: {  	s10 =	smul.u32 $0x9C400, s10;
	s12 =	sshrl.u32 s20, $0x3;
	s13 =	sshrl.u32 s30, $0x3  }
0xe: {  	s15 =	sor.u32 s18, s15;
	s17 =	sshrl.u32 s16, $0x1;
	s21 =	sadd.s32 s20, s1  }
0xf: {  	s9 =	sadd.s32 s30, s2;
	s12 =	sadd.s32 s12, s0;
	s13 =	sadd.s32 s13, s0  }
0x10: {  	s14 =	sadd.s32 s30, s14;
	s15 =	smul.u32 $0x2710, s15;
	[dreg:$0x8] =	wrdreg s21  }
0x11: {  	s17 =	ssub.s32 s16, s17;
	[dreg:$0xa] =	wrdreg s9;
	s8 =	sadd.s32 s20, s10  }
0x12: {  	s9 =	simm.s32 $0xBB90;
	s10 =	simm.s32 $0x1;
	s16 =	simm.s32 $0x0  }
0x13: {  	s14 =	sshrl.u32 s14, $0x3;
	s12 =	sadd.s32 $0x7B200, s12;
	s23 =	sadd.s32 $0x44800, s13  }
0x14: {  	s8 =	sshrl.u32 s8, $0x3;
	s30 =	smax.u32 s17, $0x1;
	[dreg:$0x9] =	wrdreg s12  }
0x15: {  	s13 =	simm.s32 $0x12120;
	s0 =	sadd.s32 s14, s0;
	[dreg:$0xb] =	wrdreg s23  }
0x16: {  	s22 =	sshrl.u32 s15, $0x3;
	s4 =	sadd.s32 s4, s8;
	[dreg:$0x11] =	wrdreg s30  }
0x17: {  	s19 =	sadd.s32 $0x190, s15;
	s24 =	sadd.s32 s5, s22;
	[dreg:$0xf] =	wrdreg s4  }
0x18: {  	s20 =	sadd.s32 $0x320, s15;
	s25 =	sadd.s32 s6, s22;
	[dreg:$0xc] =	wrdreg s24  }
0x19: {  	s12 =	simm.s32 $0x11F90;
	s26 =	sadd.s32 s7, s22;
	[dreg:$0xd] =	wrdreg s25  }
0x1a: {  	s14 =	simm.s32 $0x2;
	s0 =	sadd.s32 $0x71200, s0;
	[dreg:$0xe] =	wrdreg s26  }
0x1b: {  	v0 =	vimm.f32 $0.0e+00;
	vm0 =	vcmask $0x300;
	s4 =	simm.s32 $0xB870;
	[dreg:$0x10] =	wrdreg s0;
	s24 =	simm.s32 $0x3  }
0x1c: {  	v0 =	vsel vm0, $0x3F800000, v0;
	s25 =	simm.s32 $0x2710;
	s0 =	simm.s32 $0x52E0;
	s26 =	simm.s32 $0xB6E0  }
.LBB2_1:
0x1d: {  	[dreg:$0x12] =	wrdreg s16  }
0x1e: {  	s8 =	rddreg [dreg:$0x5]  }
0x1f: {  	[tilespmem:s3], [sflag:$0x3] =	stream.linear.gather [hbm4b:s8+s3], $0x2710, $0x38;
	[tilespmem:$0x1FD70] =	vst v63  }
0x20: {  	_ =	swait.ge [sflag:s24], $0x2710  }
0x21: {  	[sflag:s24] =	ssyncset.done $0x0  }
0x22: {  	s17 =	rddreg [dreg:$0x6];
	[sflag:s24] =	ssyncadd.s32 $0xFFFFD8F0  }
0x23: {  	[tilespmem:s25], [sflag:$0x3] =	stream.linear.gather [hbm4b:s17+s3], $0x2710, $0x38;
	[tilespmem:$0x1FD70] =	vst v63  }
0x24: {  	_ =	swait.ge [sflag:s24], $0x2710  }
0x25: {  	s15 =	simm.s32 $0x4E20;
	[sflag:s24] =	ssyncset.done $0x0  }
0x26: {  	s8 =	stileid.u32;
	s18 =	rddreg [dreg:$0x7];
	[sflag:s24] =	ssyncadd.s32 $0xFFFFD8F0  }
0x27: {  	[tilespmem:s15], [sflag:$0x3] =	stream.linear.gather [hbm4b:s18+s3], $0x10, $0x38;
	[tilespmem:$0x1FD70] =	vst v63  }
0x28: {  	s8 =	sshll.u32 @!p0 s8, $0x6;
	_ =	swait.ge [sflag:s24], $0x10  }
0x29: {  	s16 =	sor.u32 @!p0 $0x1C03, s8;
	s8 =	rddreg [dreg:$0x8]  }
0x2a: {  	[sflag:s24] =	ssyncset.done $0x0;
	s15 =	sshrl.u32 @!p0 s8, $0x3;
	s8 =	rddreg [dreg:$0x9]  }
0x2b: {  	[sflag:s24] =	ssyncadd.s32 $0xFFFFFFF0;
	[dreg:$0x14] =	wrdreg s15  }
0x2c: {  	[spmem:s15], [sflag:s16] =	dma.local @!p0 [hbm:s8], $0x1F40  }
0x2d: {  	s8 =	simm.s32 @!p0 $0x3  }
0x2e: {  	_ =	swait.ge @!p0 [sflag:s8], $0x1F40;
	[dreg:$0x13] =	wrdreg s16  }
0x2f: {  	s15 =	rddreg [dreg:$0xa]  }
0x30: {  	[sflag:s8] =	ssyncset.done @!p0 $0x0;
	s17 =	sshrl.u32 @!p0 s15, $0x3;
	s15 =	rddreg [dreg:$0xb]  }
0x31: {  	[sflag:s8] =	ssyncadd.s32 @!p0 $0xFFFFE0C0;
	[dreg:$0x15] =	wrdreg s17  }
0x32: {  	[spmem:s17], [sflag:s16] =	dma.local @!p0 [hbm:s15], $0x7D0  }
0x33: {  	_ =	swait.ge @!p0 [sflag:s8], $0x7D0  }
0x34: {  	[sflag:s8] =	ssyncset.done @!p0 $0x0  }
0x35: {  	[sflag:s8] =	ssyncadd.s32 @!p0 $0xFFFFF830  }
0x36: {  	[bflag:$0x0] =	sbarrier.arrive $0xFFFF  }
0x37: {  	s21 =	rddreg [dreg:$0xc]  }
0x38: {  	v1 =	vld [tilespmem:$0x4E20];
	[tilespmem:s28], [sflag:$0x3] =	stream.linear.gather [hbm4b:s21+s3], $0x190, $0x38  }
0x39: {  	_ =	swait.ge [sflag:s24], $0x190  }
0x3a: {  	[sflag:s24] =	ssyncset.done $0x0  }
0x3b: {  	s22 =	rddreg [dreg:$0xd];
	[sflag:s24] =	ssyncadd.s32 $0xFFFFFE70  }
0x3c: {  	[tilespmem:s29], [sflag:$0x3] =	stream.linear.gather [hbm4b:s22+s3], $0x190, $0x38;
	[tilespmem:$0x1FD70] =	vst v63  }
0x3d: {  	_ =	swait.ge [sflag:s24], $0x190  }
0x3e: {  	[sflag:s24] =	ssyncset.done $0x0  }
0x3f: {  	s30 =	simm.s32 $0x5150;
	s23 =	rddreg [dreg:$0xe];
	[sflag:s24] =	ssyncadd.s32 $0xFFFFFE70  }
0x40: {  	[tilespmem:s30], [sflag:$0x3] =	stream.linear.gather [hbm4b:s23+s3], $0x190, $0x38;
	[tilespmem:$0x1FD70] =	vst v63  }
0x41: {  	_ =	swait.ge [sflag:s24], $0x190  }
0x42: {  	[sflag:s24] =	ssyncset.done $0x0  }
0x43: {  	s21 =	simm.s32 $0x0;
	[sflag:s24] =	ssyncadd.s32 $0xFFFFFE70  }
0x44: {  	[tilespmem:s0], [sflag:$0x1] =	stream.indirect.gather [hbm4b:s11+s31], $0x40, s28, s31, $0xb8;
	[tilespmem:$0x1FD70] =	vst v63  }
.LBB2_2:
0x45: {  	s22 =	smul.u32 $0x320, s21;
	_ =	sdelay $0x1  }
0x46: {  	s8 =	sadd.s32 s22, s19  }
0x47: {  	s8 =	sshrl.u32 s8, $0x3  }
0x48: {  	s16 =	simm.s32 $0x0;
	s15 =	sadd.s32 s5, s8  }
0x49: {  	[tilespmem:s26], [sflag:$0x3] =	stream.linear.gather [hbm4b:s15+s16], $0x190, $0x38;
	[tilespmem:$0x1FD70] =	vst v63  }
0x4a: {  	_ =	swait.ge [sflag:s24], $0x190  }
0x4b: {  	[sflag:s24] =	ssyncset.done $0x0  }
0x4c: {  	s23 =	sadd.s32 s6, s8;
	[sflag:s24] =	ssyncadd.s32 $0xFFFFFE70  }
0x4d: {  	[tilespmem:s4], [sflag:$0x3] =	stream.linear.gather [hbm4b:s23+s16], $0x190, $0x38;
	[tilespmem:$0x1FD70] =	vst v63  }
0x4e: {  	_ =	swait.ge [sflag:s24], $0x190  }
0x4f: {  	[sflag:s24] =	ssyncset.done $0x0  }
0x50: {  	s30 =	simm.s32 $0xBA00;
	s8 =	sadd.s32 s7, s8;
	[sflag:s24] =	ssyncadd.s32 $0xFFFFFE70  }
0x51: {  	[tilespmem:s30], [sflag:$0x3] =	stream.linear.gather [hbm4b:s8+s16], $0x190, $0x38;
	[tilespmem:$0x1FD70] =	vst v63  }
0x52: {  	_ =	swait.ge [sflag:s24], $0x190  }
0x53: {  	[sflag:s24] =	ssyncset.done $0x0  }
0x54: {  	s23 =	simm.s32 $0x0;
	[sflag:s24] =	ssyncadd.s32 $0xFFFFFE70  }
0x55: {  	[tilespmem:s9], [sflag:$0x2] =	stream.indirect.gather [hbm4b:s11+s31], $0x40, s26, s31, $0xb8;
	[tilespmem:$0x1FD70] =	vst v63  }
0x56: {  	v2 =	vld [tilespmem:s23+$0x4FC0]  }
0x57: {  	v3 =	vld [tilespmem:s23+$0x4E30];
	_ =	sdelay $0x6  }
0x58: {  	v2 =	vld.idx.msk [tilespmem:v2+s25+$0x0], $0xffff  }
0x59: {  	v3 =	vld.idx.msk [tilespmem:v3+s3+$0x0], $0xffff;
	_ =	sdelay $0x1  }
0x5a: {  	v4 =	vld [tilespmem:s23+$0x5150];
	_ =	sdelay $0x2  }
0x5b: {  	v2 =	vadd.f32 v2, v3;
	_ =	sdelay $0x1  }
0x5c: {  	v2 =	vadd.f32 v4, v2;
	_ =	sdelay $0x1  }
0x5d: {  	v3 =	vmul.f32 $2.000000030e-01, v2  }
0x5e: {  	vm0 =	vgt.f32 v2, $0.0e+00  }
0x5f: {  	v2 =	vsel vm0, v2, v3  }
0x60: {  	v2 =	vsub.f32 v2, v1;
	_ =	sdelay $0x1  }
0x61: {  	v2 =	vmul.f32 $1.442695020e+00, v2;
	_ =	sdelay $0x1  }
0x62: {  	(erf) = vpow2.f32 v2;
	_ =	sdelay $0x1  }
0x63: {  	s15 =	simm.s32 $0x10  }
0x64: {  	s17 =	simm.s32 $0x80;
	v2 =	vld [tilespmem:s15+$0x4FC0]  }
.LBB2_3:
0x65: {  	p1 =	sne.s32 s17, $0x600;
	v3 =	vld [tilespmem:s15+$0x4E30];
	_ =	sdelay $0x4  }
0x66: {  	v4 =	vpop (erf)  }
0x67: {  	[tilespmem:s23+$0x11F90] =	vst v4;
	s23 =	smov.u32 s15  }
0x68: {  	v2 =	vld.idx.msk [tilespmem:v2+s25+$0x0], $0xffff  }
0x69: {  	v3 =	vld.idx.msk [tilespmem:v3+s3+$0x0], $0xffff;
	_ =	sdelay $0x2  }
0x6a: {  	v4 =	vld [tilespmem:s23+$0x5150];
	_ =	sdelay $0x2  }
0x6b: {  	v2 =	vadd.f32 v2, v3;
	_ =	sdelay $0x1  }
0x6c: {  	v2 =	vadd.f32 v4, v2;
	_ =	sdelay $0x1  }
0x6d: {  	v3 =	vmul.f32 $2.000000030e-01, v2  }
0x6e: {  	vm0 =	vgt.f32 v2, $0.0e+00  }
0x6f: {  	v2 =	vsel vm0, v2, v3  }
0x70: {  	v2 =	vsub.f32 v2, v1;
	_ =	sdelay $0x1  }
0x71: {  	v2 =	vmul.f32 $1.442695020e+00, v2  }
.Ltmp0:
0x72: {  	(pc) =	sbr.rel @p1 .LBB2_3-.Ltmp0, $3  }
0x73: {  	(erf) = vpow2.f32 v2;
	_ =	sdelay $0x1  }
0x74: {  	s15 =	sshra.s32 s17, $0x2  }
0x75: {  	s17 =	sadd.s32 $0x40, s17;
	v2 =	vld [tilespmem:s15+$0x4FC0]  }
0x76: {  	_ = 	snop  }
0x77: {  	v3 =	vld [tilespmem:s15+$0x4E30];
	_ =	sdelay $0x4  }
0x78: {  	v4 =	vpop (erf)  }
0x79: {  	[tilespmem:s23+$0x11F90] =	vst v4  }
0x7a: {  	v2 =	vld.idx.msk [tilespmem:v2+s25+$0x0], $0xffff  }
0x7b: {  	v3 =	vld.idx.msk [tilespmem:v3+s3+$0x0], $0xffff;
	_ =	sdelay $0x1  }
0x7c: {  	v4 =	vld [tilespmem:s15+$0x5150];
	_ =	sdelay $0x2  }
0x7d: {  	v2 =	vadd.f32 v2, v3;
	_ =	sdelay $0x1  }
0x7e: {  	v2 =	vadd.f32 v4, v2;
	_ =	sdelay $0x1  }
0x7f: {  	v3 =	vmul.f32 $2.000000030e-01, v2  }
0x80: {  	vm0 =	vgt.f32 v2, $0.0e+00  }
0x81: {  	v2 =	vsel vm0, v2, v3  }
0x82: {  	v2 =	vsub.f32 v2, v1;
	_ =	sdelay $0x1  }
0x83: {  	v2 =	vmul.f32 $1.442695020e+00, v2;
	_ =	sdelay $0x1  }
0x84: {  	(erf) = vpow2.f32 v2;
	_ =	sdelay $0x8  }
0x85: {  	s8 =	simm.s32 $0x0;
	v2 =	vpop (erf)  }
0x86: {  	[tilespmem:s15+$0x11F90] =	vst v2;
	v2 =	vmov s8  }
0x87: {  	_ =	swait.ge [sflag:s10], $0x6400  }
0x88: {  	[sflag:s10] =	ssyncset.done $0x0  }
0x89: {  	s17 =	simm.s32 $0x5300;
	[sflag:s10] =	ssyncadd.s32 $0xFFFF9C00  }
0x8a: {  	v4 =	vld [tilespmem:s17+$0x10]  }
0x8b: {  	v6 =	vld.idx.msk [tilespmem:v2+s12+$0x0], $0xffff  }
0x8c: {  	v2 =	vld [tilespmem:s17+$0xFFFFFFE0]  }
0x8d: {  	v3 =	vld [tilespmem:s17+$0x0]  }
0x8e: {  	v7 =	vld [tilespmem:s17+$0xFFFFFFF0];
	_ =	sdelay $0x2  }
0x8f: {  	v8 =	vmul.f32 v2, v6  }
0x90: {  	s16 =	simm.s32 $0x1;
	s18 =	simm.s32 $0x5300;
	v2 =	vmul.f32 v0, v6;
	v3 =	vmul.f32 v3, v6  }
0x91: {  	s23 =	simm.s32 $0x12120;
	s8 =	simm.s32 $0x2;
	s15 =	simm.s32 $0x12120;
	v5 =	vmul.f32 v4, v6;
	v4 =	vmul.f32 v7, v6;
	[tilespmem:s17+$0xFFFFFFE0] =	vst v8  }
.LBB2_5:
0x92: {  	s23 =	sadd.s32 $0x10, s23  }
0x93: {  	v6 =	vmov s16;
	[tilespmem:s17+$0x10] =	vst v5;
	s18 =	sadd.s32 $0x40, s18;
	s16 =	smov.u32 s8;
	s30 =	sadd.s32 $0x1, s8  }
0x94: {  	p1 =	sne.s32 s8, $0x18F;
	[tilespmem:s17+$0xFFFFFFF0] =	vst v4  }
0x95: {  	[tilespmem:s17+$0x0] =	vst v3;
	s17 =	smov.u32 s18  }
0x96: {  	[tilespmem:s15+$0x0] =	vst v2;
	s15 =	smov.u32 s23  }
0x97: {  	v4 =	vld [tilespmem:s18+$0x10]  }
0x98: {  	v6 =	vld.idx.msk [tilespmem:v6+s12+$0x0], $0xffff  }
0x99: {  	v2 =	vld [tilespmem:s18+$0xFFFFFFE0]  }
0x9a: {  	v3 =	vld [tilespmem:s18+$0x0]  }
0x9b: {  	v7 =	vld [tilespmem:s18+$0xFFFFFFF0]  }
.Ltmp1:
0x9c: {  	(pc) =	sbr.rel @p1 .LBB2_5-.Ltmp1, $4  }
0x9d: {  	_ = 	snop  }
0x9e: {  	v8 =	vmul.f32 v2, v6;
	v2 =	vmul.f32 v0, v6  }
0x9f: {  	v5 =	vmul.f32 v4, v6;
	v3 =	vmul.f32 v3, v6  }
0xa0: {  	s8 =	smov.u32 s30;
	[tilespmem:s18+$0xFFFFFFE0] =	vst v8;
	v4 =	vmul.f32 v7, v6  }
0xa1: {  	v6 =	vmov s16;
	[tilespmem:s17+$0x10] =	vst v5  }
0xa2: {  	[tilespmem:s17+$0x0] =	vst v3  }
0xa3: {  	[tilespmem:s17+$0xFFFFFFF0] =	vst v4  }
0xa4: {  	s8 =	sadd.s32 $0x40, s18;
	[tilespmem:s15+$0x0] =	vst v2  }
0xa5: {  	v3 =	vld [tilespmem:s8+$0xFFFFFFE0]  }
0xa6: {  	v2 =	vld.idx.msk [tilespmem:v6+s12+$0x0], $0xffff  }
0xa7: {  	v4 =	vld [tilespmem:s8+$0x10]  }
0xa8: {  	v61 =	vld [tilespmem:s8+$0x0]  }
0xa9: {  	v5 =	vld [tilespmem:s8+$0xFFFFFFF0];
	_ =	sdelay $0x1  }
0xaa: {  	v3 =	vmul.f32 v3, v2  }
0xab: {  	v4 =	vmul.f32 v4, v2  }
0xac: {  	v62 =	vmul.f32 v61, v2;
	[tilespmem:s8+$0xFFFFFFE0] =	vst v3  }
0xad: {  	v3 =	vmul.f32 v5, v2;
	[tilespmem:s8+$0x10] =	vst v4  }
0xae: {  	v2 =	vmul.f32 v0, v2;
	[tilespmem:s8+$0x0] =	vst v62  }
0xaf: {  	s16 =	sadd.s32 $0x10, s23;
	[tilespmem:s8+$0xFFFFFFF0] =	vst v3  }
0xb0: {  	[tilespmem:s16+$0x0] =	vst v2  }
0xb1: {  	[spmem:s1] =	stream.indirect.scatter.add.f32 [tilespmem:s0], [sflag:$0x3], $0x40, s29, s31, $0xb8;
	[tilespmem:$0x1FD70] =	vst v63  }
0xb2: {  	_ =	swait.ge [sflag:s24], $0x6400  }
0xb3: {  	[sflag:s24] =	ssyncset.done $0x0  }
0xb4: {  	[sflag:s24] =	ssyncadd.s32 $0xFFFF9C00  }
0xb5: {  	[spmem:s2] =	stream.indirect.scatter.add.f32 [tilespmem:s13], [sflag:$0x3], $0x10, s29, s31, $0xb8;
	[tilespmem:$0x1FD70] =	vst v63  }
0xb6: {  	s17 =	sadd.s32 s22, s20;
	_ =	swait.ge [sflag:s24], $0x1900  }
0xb7: {  	s8 =	sshrl.u32 s17, $0x3;
	[sflag:s24] =	ssyncset.done $0x0  }
0xb8: {  	s22 =	simm.s32 $0x0;
	s18 =	sadd.s32 s5, s8;
	[sflag:s24] =	ssyncadd.s32 $0xFFFFE700  }
0xb9: {  	[tilespmem:s28], [sflag:$0x3] =	stream.linear.gather [hbm4b:s18+s22], $0x190, $0x38;
	[tilespmem:$0x1FD70] =	vst v63  }
0xba: {  	_ =	swait.ge [sflag:s24], $0x190  }
0xbb: {  	[sflag:s24] =	ssyncset.done $0x0  }
0xbc: {  	s23 =	sadd.s32 s6, s8;
	[sflag:s24] =	ssyncadd.s32 $0xFFFFFE70  }
0xbd: {  	[tilespmem:s29], [sflag:$0x3] =	stream.linear.gather [hbm4b:s23+s22], $0x190, $0x38;
	[tilespmem:$0x1FD70] =	vst v63  }
0xbe: {  	_ =	swait.ge [sflag:s24], $0x190  }
0xbf: {  	[sflag:s24] =	ssyncset.done $0x0  }
0xc0: {  	s30 =	simm.s32 $0x5150;
	s8 =	sadd.s32 s7, s8;
	[sflag:s24] =	ssyncadd.s32 $0xFFFFFE70  }
0xc1: {  	[tilespmem:s30], [sflag:$0x3] =	stream.linear.gather [hbm4b:s8+s22], $0x190, $0x38;
	[tilespmem:$0x1FD70] =	vst v63  }
0xc2: {  	_ =	swait.ge [sflag:s24], $0x190  }
0xc3: {  	[sflag:s24] =	ssyncset.done $0x0  }
0xc4: {  	s22 =	simm.s32 $0x0;
	[sflag:s24] =	ssyncadd.s32 $0xFFFFFE70  }
0xc5: {  	[tilespmem:s0], [sflag:$0x1] =	stream.indirect.gather [hbm4b:s11+s31], $0x40, s28, s31, $0xb8;
	[tilespmem:$0x1FD70] =	vst v63  }
0xc6: {  	v2 =	vld [tilespmem:s22+$0xB870]  }
0xc7: {  	v3 =	vld [tilespmem:s22+$0xB6E0];
	_ =	sdelay $0x6  }
0xc8: {  	v2 =	vld.idx.msk [tilespmem:v2+s25+$0x0], $0xffff  }
0xc9: {  	v3 =	vld.idx.msk [tilespmem:v3+s3+$0x0], $0xffff;
	_ =	sdelay $0x1  }
0xca: {  	v63 =	vld [tilespmem:s22+$0xBA00];
	_ =	sdelay $0x2  }
0xcb: {  	v2 =	vadd.f32 v2, v3;
	_ =	sdelay $0x1  }
0xcc: {  	v2 =	vadd.f32 v63, v2;
	_ =	sdelay $0x1  }
0xcd: {  	v3 =	vmul.f32 $2.000000030e-01, v2  }
0xce: {  	vm0 =	vgt.f32 v2, $0.0e+00  }
0xcf: {  	v2 =	vsel vm0, v2, v3  }
0xd0: {  	v2 =	vsub.f32 v2, v1;
	_ =	sdelay $0x1  }
0xd1: {  	v2 =	vmul.f32 $1.442695020e+00, v2;
	_ =	sdelay $0x1  }
0xd2: {  	(erf) = vpow2.f32 v2;
	_ =	sdelay $0x1  }
0xd3: {  	s15 =	simm.s32 $0x10  }
0xd4: {  	s17 =	simm.s32 $0x80;
	v2 =	vld [tilespmem:s15+$0xB870]  }
.LBB2_7:
0xd5: {  	p1 =	sne.s32 s17, $0x600;
	v3 =	vld [tilespmem:s15+$0xB6E0];
	_ =	sdelay $0x4  }
0xd6: {  	v4 =	vpop (erf)  }
0xd7: {  	[tilespmem:s22+$0x11F90] =	vst v4;
	s22 =	smov.u32 s15  }
0xd8: {  	v2 =	vld.idx.msk [tilespmem:v2+s25+$0x0], $0xffff  }
0xd9: {  	v3 =	vld.idx.msk [tilespmem:v3+s3+$0x0], $0xffff;
	_ =	sdelay $0x2  }
0xda: {  	v4 =	vld [tilespmem:s22+$0xBA00];
	_ =	sdelay $0x2  }
0xdb: {  	v2 =	vadd.f32 v2, v3;
	_ =	sdelay $0x1  }
0xdc: {  	v2 =	vadd.f32 v4, v2;
	_ =	sdelay $0x1  }
0xdd: {  	v3 =	vmul.f32 $2.000000030e-01, v2  }
0xde: {  	vm0 =	vgt.f32 v2, $0.0e+00  }
0xdf: {  	v2 =	vsel vm0, v2, v3  }
0xe0: {  	v2 =	vsub.f32 v2, v1;
	_ =	sdelay $0x1  }
0xe1: {  	v2 =	vmul.f32 $1.442695020e+00, v2  }
.Ltmp2:
0xe2: {  	(pc) =	sbr.rel @p1 .LBB2_7-.Ltmp2, $3  }
0xe3: {  	(erf) = vpow2.f32 v2;
	_ =	sdelay $0x1  }
0xe4: {  	s15 =	sshra.s32 s17, $0x2  }
0xe5: {  	s17 =	sadd.s32 $0x40, s17;
	v2 =	vld [tilespmem:s15+$0xB870]  }
0xe6: {  	_ = 	snop  }
0xe7: {  	v3 =	vld [tilespmem:s15+$0xB6E0];
	_ =	sdelay $0x4  }
0xe8: {  	v4 =	vpop (erf)  }
0xe9: {  	[tilespmem:s22+$0x11F90] =	vst v4  }
0xea: {  	v2 =	vld.idx.msk [tilespmem:v2+s25+$0x0], $0xffff  }
0xeb: {  	v3 =	vld.idx.msk [tilespmem:v3+s3+$0x0], $0xffff;
	_ =	sdelay $0x1  }
0xec: {  	v4 =	vld [tilespmem:s15+$0xBA00];
	_ =	sdelay $0x2  }
0xed: {  	v2 =	vadd.f32 v2, v3;
	_ =	sdelay $0x1  }
0xee: {  	v2 =	vadd.f32 v4, v2;
	_ =	sdelay $0x1  }
0xef: {  	v3 =	vmul.f32 $2.000000030e-01, v2  }
0xf0: {  	vm0 =	vgt.f32 v2, $0.0e+00  }
0xf1: {  	v2 =	vsel vm0, v2, v3  }
0xf2: {  	v2 =	vsub.f32 v2, v1;
	_ =	sdelay $0x1  }
0xf3: {  	v2 =	vmul.f32 $1.442695020e+00, v2;
	_ =	sdelay $0x1  }
0xf4: {  	(erf) = vpow2.f32 v2;
	_ =	sdelay $0x8  }
0xf5: {  	s8 =	simm.s32 $0x0;
	v2 =	vpop (erf)  }
0xf6: {  	[tilespmem:s15+$0x11F90] =	vst v2;
	v2 =	vmov s8  }
0xf7: {  	_ =	swait.ge [sflag:s14], $0x6400  }
0xf8: {  	[sflag:s14] =	ssyncset.done $0x0  }
0xf9: {  	s17 =	simm.s32 $0xBBB0;
	[sflag:s14] =	ssyncadd.s32 $0xFFFF9C00  }
0xfa: {  	v4 =	vld [tilespmem:s17+$0x10]  }
0xfb: {  	v6 =	vld.idx.msk [tilespmem:v2+s12+$0x0], $0xffff  }
0xfc: {  	v2 =	vld [tilespmem:s17+$0xFFFFFFE0]  }
0xfd: {  	v3 =	vld [tilespmem:s17+$0x0]  }
0xfe: {  	v7 =	vld [tilespmem:s17+$0xFFFFFFF0];
	_ =	sdelay $0x2  }
0xff: {  	v8 =	vmul.f32 v2, v6  }
0x100: {  	s16 =	simm.s32 $0x1;
	s18 =	simm.s32 $0xBBB0;
	v2 =	vmul.f32 v0, v6;
	v3 =	vmul.f32 v3, v6  }
0x101: {  	s22 =	simm.s32 $0x12120;
	s8 =	simm.s32 $0x2;
	s15 =	simm.s32 $0x12120;
	v5 =	vmul.f32 v4, v6;
	v4 =	vmul.f32 v7, v6;
	[tilespmem:s17+$0xFFFFFFE0] =	vst v8  }
.LBB2_9:
0x102: {  	s22 =	sadd.s32 $0x10, s22  }
0x103: {  	v6 =	vmov s16;
	[tilespmem:s17+$0x10] =	vst v5;
	s18 =	sadd.s32 $0x40, s18;
	s16 =	smov.u32 s8;
	s23 =	sadd.s32 $0x1, s8  }
0x104: {  	p1 =	sne.s32 s8, $0x18F;
	[tilespmem:s17+$0xFFFFFFF0] =	vst v4  }
0x105: {  	[tilespmem:s17+$0x0] =	vst v3;
	s17 =	smov.u32 s18  }
0x106: {  	[tilespmem:s15+$0x0] =	vst v2;
	s15 =	smov.u32 s22  }
0x107: {  	v4 =	vld [tilespmem:s18+$0x10]  }
0x108: {  	v6 =	vld.idx.msk [tilespmem:v6+s12+$0x0], $0xffff  }
0x109: {  	v2 =	vld [tilespmem:s18+$0xFFFFFFE0]  }
0x10a: {  	v3 =	vld [tilespmem:s18+$0x0]  }
0x10b: {  	v7 =	vld [tilespmem:s18+$0xFFFFFFF0]  }
.Ltmp3:
0x10c: {  	(pc) =	sbr.rel @p1 .LBB2_9-.Ltmp3, $4  }
0x10d: {  	_ = 	snop  }
0x10e: {  	v8 =	vmul.f32 v2, v6;
	v2 =	vmul.f32 v0, v6  }
0x10f: {  	v5 =	vmul.f32 v4, v6;
	v3 =	vmul.f32 v3, v6  }
0x110: {  	s8 =	smov.u32 s23;
	[tilespmem:s18+$0xFFFFFFE0] =	vst v8;
	v4 =	vmul.f32 v7, v6  }
0x111: {  	v6 =	vmov s16;
	[tilespmem:s17+$0x10] =	vst v5  }
0x112: {  	[tilespmem:s17+$0x0] =	vst v3  }
0x113: {  	[tilespmem:s17+$0xFFFFFFF0] =	vst v4  }
0x114: {  	s8 =	sadd.s32 $0x40, s18;
	[tilespmem:s15+$0x0] =	vst v2  }
0x115: {  	v3 =	vld [tilespmem:s8+$0xFFFFFFE0]  }
0x116: {  	v2 =	vld.idx.msk [tilespmem:v6+s12+$0x0], $0xffff  }
0x117: {  	v4 =	vld [tilespmem:s8+$0x10]  }
0x118: {  	v62 =	vld [tilespmem:s8+$0x0]  }
0x119: {  	v5 =	vld [tilespmem:s8+$0xFFFFFFF0];
	_ =	sdelay $0x1  }
0x11a: {  	v3 =	vmul.f32 v3, v2  }
0x11b: {  	v4 =	vmul.f32 v4, v2  }
0x11c: {  	v63 =	vmul.f32 v62, v2;
	[tilespmem:s8+$0xFFFFFFE0] =	vst v3  }
0x11d: {  	v3 =	vmul.f32 v5, v2;
	[tilespmem:s8+$0x10] =	vst v4  }
0x11e: {  	v2 =	vmul.f32 v0, v2;
	[tilespmem:s8+$0x0] =	vst v63  }
0x11f: {  	s30 =	sadd.s32 $0x10, s22;
	[tilespmem:s8+$0xFFFFFFF0] =	vst v3  }
0x120: {  	[tilespmem:s30+$0x0] =	vst v2  }
0x121: {  	[spmem:s1] =	stream.indirect.scatter.add.f32 [tilespmem:s9], [sflag:$0x3], $0x40, s4, s31, $0xb8;
	[tilespmem:$0x1FD70] =	vst v63  }
0x122: {  	s21 =	sadd.s32 $0x1, s21;
	_ =	swait.ge [sflag:s24], $0x6400  }
0x123: {  	p1 =	sne.s32 s21, $0xC;
	[sflag:s24] =	ssyncset.done $0x0  }
.Ltmp4:
0x124: {  	[sflag:s24] =	ssyncadd.s32 $0xFFFF9C00;
	(pc) =	sbr.rel @p1 .LBB2_2-.Ltmp4, $4  }
0x125: {  	[spmem:s2] =	stream.indirect.scatter.add.f32 [tilespmem:s13], [sflag:$0x3], $0x10, s4, s31, $0xb8;
	[tilespmem:$0x1FD70] =	vst v63  }
0x126: {  	_ =	swait.ge [sflag:s24], $0x1900  }
0x127: {  	[sflag:s24] =	ssyncset.done $0x0  }
0x128: {  	[sflag:s24] =	ssyncadd.s32 $0xFFFFE700  }
0x129: {  	s21 =	simm.s32 $0x0  }
0x12a: {  	v2 =	vld [tilespmem:s21+$0x4FC0]  }
0x12b: {  	v3 =	vld [tilespmem:s21+$0x4E30];
	_ =	sdelay $0x6  }
0x12c: {  	v2 =	vld.idx.msk [tilespmem:v2+s25+$0x0], $0xffff  }
0x12d: {  	v3 =	vld.idx.msk [tilespmem:v3+s3+$0x0], $0xffff;
	_ =	sdelay $0x1  }
0x12e: {  	v4 =	vld [tilespmem:s21+$0x5150];
	_ =	sdelay $0x2  }
0x12f: {  	v2 =	vadd.f32 v2, v3;
	_ =	sdelay $0x1  }
0x130: {  	v2 =	vadd.f32 v4, v2;
	_ =	sdelay $0x1  }
0x131: {  	v3 =	vmul.f32 $2.000000030e-01, v2  }
0x132: {  	vm0 =	vgt.f32 v2, $0.0e+00  }
0x133: {  	v2 =	vsel vm0, v2, v3  }
0x134: {  	v2 =	vsub.f32 v2, v1;
	_ =	sdelay $0x1  }
0x135: {  	v2 =	vmul.f32 $1.442695020e+00, v2;
	_ =	sdelay $0x1  }
0x136: {  	(erf) = vpow2.f32 v2;
	_ =	sdelay $0x1  }
0x137: {  	s15 =	simm.s32 $0x10  }
0x138: {  	s17 =	simm.s32 $0x80;
	v2 =	vld [tilespmem:s15+$0x4FC0]  }
.LBB2_12:
0x139: {  	p1 =	sne.s32 s17, $0x600;
	v3 =	vld [tilespmem:s15+$0x4E30];
	_ =	sdelay $0x4  }
0x13a: {  	v4 =	vpop (erf)  }
0x13b: {  	[tilespmem:s21+$0x11F90] =	vst v4;
	s21 =	smov.u32 s15  }
0x13c: {  	v2 =	vld.idx.msk [tilespmem:v2+s25+$0x0], $0xffff  }
0x13d: {  	v3 =	vld.idx.msk [tilespmem:v3+s3+$0x0], $0xffff;
	_ =	sdelay $0x2  }
0x13e: {  	v4 =	vld [tilespmem:s21+$0x5150];
	_ =	sdelay $0x2  }
0x13f: {  	v2 =	vadd.f32 v2, v3;
	_ =	sdelay $0x1  }
0x140: {  	v2 =	vadd.f32 v4, v2;
	_ =	sdelay $0x1  }
0x141: {  	v3 =	vmul.f32 $2.000000030e-01, v2  }
0x142: {  	vm0 =	vgt.f32 v2, $0.0e+00  }
0x143: {  	v2 =	vsel vm0, v2, v3  }
0x144: {  	v2 =	vsub.f32 v2, v1;
	_ =	sdelay $0x1  }
0x145: {  	v2 =	vmul.f32 $1.442695020e+00, v2  }
.Ltmp5:
0x146: {  	(pc) =	sbr.rel @p1 .LBB2_12-.Ltmp5, $3  }
0x147: {  	(erf) = vpow2.f32 v2;
	_ =	sdelay $0x1  }
0x148: {  	s15 =	sshra.s32 s17, $0x2  }
0x149: {  	s17 =	sadd.s32 $0x40, s17;
	v2 =	vld [tilespmem:s15+$0x4FC0]  }
0x14a: {  	_ = 	snop  }
0x14b: {  	v3 =	vld [tilespmem:s15+$0x4E30];
	_ =	sdelay $0x4  }
0x14c: {  	v4 =	vpop (erf)  }
0x14d: {  	[tilespmem:s21+$0x11F90] =	vst v4  }
0x14e: {  	v2 =	vld.idx.msk [tilespmem:v2+s25+$0x0], $0xffff  }
0x14f: {  	v3 =	vld.idx.msk [tilespmem:v3+s3+$0x0], $0xffff;
	_ =	sdelay $0x1  }
0x150: {  	v4 =	vld [tilespmem:s15+$0x5150];
	_ =	sdelay $0x2  }
0x151: {  	v2 =	vadd.f32 v2, v3;
	_ =	sdelay $0x1  }
0x152: {  	v2 =	vadd.f32 v4, v2;
	_ =	sdelay $0x1  }
0x153: {  	v3 =	vmul.f32 $2.000000030e-01, v2  }
0x154: {  	vm0 =	vgt.f32 v2, $0.0e+00  }
0x155: {  	v2 =	vsel vm0, v2, v3  }
0x156: {  	v1 =	vsub.f32 v2, v1;
	_ =	sdelay $0x1  }
0x157: {  	v1 =	vmul.f32 $1.442695020e+00, v1;
	_ =	sdelay $0x1  }
0x158: {  	(erf) = vpow2.f32 v1;
	_ =	sdelay $0x8  }
0x159: {  	s8 =	simm.s32 $0x0;
	v1 =	vpop (erf)  }
0x15a: {  	[tilespmem:s15+$0x11F90] =	vst v1;
	v1 =	vmov s8  }
0x15b: {  	_ =	swait.ge [sflag:s10], $0x6400  }
0x15c: {  	[sflag:s10] =	ssyncset.done $0x0  }
0x15d: {  	s17 =	simm.s32 $0x5300;
	[sflag:s10] =	ssyncadd.s32 $0xFFFF9C00  }
0x15e: {  	v3 =	vld [tilespmem:s17+$0x10]  }
0x15f: {  	v5 =	vld.idx.msk [tilespmem:v1+s12+$0x0], $0xffff  }
0x160: {  	v1 =	vld [tilespmem:s17+$0xFFFFFFE0]  }
0x161: {  	v2 =	vld [tilespmem:s17+$0x0]  }
0x162: {  	v6 =	vld [tilespmem:s17+$0xFFFFFFF0];
	_ =	sdelay $0x2  }
0x163: {  	v7 =	vmul.f32 v1, v5  }
0x164: {  	s16 =	simm.s32 $0x1;
	s18 =	simm.s32 $0x5300;
	v1 =	vmul.f32 v0, v5;
	v2 =	vmul.f32 v2, v5  }
0x165: {  	s21 =	simm.s32 $0x12120;
	s8 =	simm.s32 $0x2;
	s15 =	simm.s32 $0x12120;
	v4 =	vmul.f32 v3, v5;
	v3 =	vmul.f32 v6, v5;
	[tilespmem:s17+$0xFFFFFFE0] =	vst v7  }
.LBB2_14:
0x166: {  	s21 =	sadd.s32 $0x10, s21  }
0x167: {  	v5 =	vmov s16;
	[tilespmem:s17+$0x10] =	vst v4;
	s18 =	sadd.s32 $0x40, s18;
	s16 =	smov.u32 s8;
	s22 =	sadd.s32 $0x1, s8  }
0x168: {  	p1 =	sne.s32 s8, $0x18F;
	[tilespmem:s17+$0xFFFFFFF0] =	vst v3  }
0x169: {  	[tilespmem:s17+$0x0] =	vst v2;
	s17 =	smov.u32 s18  }
0x16a: {  	[tilespmem:s15+$0x0] =	vst v1;
	s15 =	smov.u32 s21  }
0x16b: {  	v3 =	vld [tilespmem:s18+$0x10]  }
0x16c: {  	v5 =	vld.idx.msk [tilespmem:v5+s12+$0x0], $0xffff  }
0x16d: {  	v1 =	vld [tilespmem:s18+$0xFFFFFFE0]  }
0x16e: {  	v2 =	vld [tilespmem:s18+$0x0]  }
0x16f: {  	v6 =	vld [tilespmem:s18+$0xFFFFFFF0]  }
.Ltmp6:
0x170: {  	(pc) =	sbr.rel @p1 .LBB2_14-.Ltmp6, $4  }
0x171: {  	_ = 	snop  }
0x172: {  	v7 =	vmul.f32 v1, v5;
	v1 =	vmul.f32 v0, v5  }
0x173: {  	v4 =	vmul.f32 v3, v5;
	v2 =	vmul.f32 v2, v5  }
0x174: {  	s8 =	smov.u32 s22;
	[tilespmem:s18+$0xFFFFFFE0] =	vst v7;
	v3 =	vmul.f32 v6, v5  }
0x175: {  	v5 =	vmov s16;
	[tilespmem:s17+$0x10] =	vst v4  }
0x176: {  	[tilespmem:s17+$0x0] =	vst v2  }
0x177: {  	[tilespmem:s17+$0xFFFFFFF0] =	vst v3  }
0x178: {  	s8 =	sadd.s32 $0x40, s18;
	[tilespmem:s15+$0x0] =	vst v1  }
0x179: {  	v2 =	vld [tilespmem:s8+$0xFFFFFFE0]  }
0x17a: {  	v1 =	vld.idx.msk [tilespmem:v5+s12+$0x0], $0xffff  }
0x17b: {  	v3 =	vld [tilespmem:s8+$0x10]  }
0x17c: {  	v62 =	vld [tilespmem:s8+$0x0]  }
0x17d: {  	v4 =	vld [tilespmem:s8+$0xFFFFFFF0];
	_ =	sdelay $0x1  }
0x17e: {  	v2 =	vmul.f32 v2, v1  }
0x17f: {  	v3 =	vmul.f32 v3, v1  }
0x180: {  	v63 =	vmul.f32 v62, v1;
	[tilespmem:s8+$0xFFFFFFE0] =	vst v2  }
0x181: {  	v2 =	vmul.f32 v4, v1;
	[tilespmem:s8+$0x10] =	vst v3  }
0x182: {  	v1 =	vmul.f32 v0, v1;
	[tilespmem:s8+$0x0] =	vst v63  }
0x183: {  	s22 =	sadd.s32 $0x10, s21;
	[tilespmem:s8+$0xFFFFFFF0] =	vst v2  }
0x184: {  	[tilespmem:s22+$0x0] =	vst v1  }
0x185: {  	[spmem:s1] =	stream.indirect.scatter.add.f32 [tilespmem:s0], [sflag:$0x3], $0x40, s29, s31, $0xb8;
	[tilespmem:$0x1FD70] =	vst v63  }
0x186: {  	_ =	swait.ge [sflag:s24], $0x6400  }
0x187: {  	[sflag:s24] =	ssyncset.done $0x0  }
0x188: {  	[sflag:s24] =	ssyncadd.s32 $0xFFFF9C00  }
0x189: {  	[spmem:s2] =	stream.indirect.scatter.add.f32 [tilespmem:s13], [sflag:$0x3], $0x10, s29, s31, $0xb8;
	[tilespmem:$0x1FD70] =	vst v63  }
0x18a: {  	_ =	swait.ge [sflag:s24], $0x1900  }
0x18b: {  	[sflag:s24] =	ssyncset.done $0x0  }
0x18c: {  	[sflag:s24] =	ssyncadd.s32 $0xFFFFE700  }
0x18d: {  	[bflag:$0x0] =	sbarrier.arrive $0xFFFF  }
0x18e: {  	s8 =	rddreg [dreg:$0xf]  }
0x18f: {  	s16 =	rddreg [dreg:$0x13]  }
0x190: {  	s15 =	rddreg [dreg:$0x14]  }
0x191: {  	[hbm:s8], [sflag:s16] =	dma.local @!p0 [spmem:s15], $0x1F40  }
0x192: {  	s8 =	simm.s32 @!p0 $0x3  }
0x193: {  	_ =	swait.ge @!p0 [sflag:s8], $0x1F40  }
0x194: {  	[sflag:s8] =	ssyncset.done @!p0 $0x0;
	s15 =	rddreg [dreg:$0x10]  }
0x195: {  	s17 =	rddreg [dreg:$0x15];
	[sflag:s8] =	ssyncadd.s32 @!p0 $0xFFFFE0C0  }
0x196: {  	[hbm:s15], [sflag:s16] =	dma.local @!p0 [spmem:s17], $0x7D0  }
0x197: {  	_ =	swait.ge @!p0 [sflag:s8], $0x7D0  }
0x198: {  	s23 =	rddreg [dreg:$0x12]  }
0x199: {  	s30 =	rddreg [dreg:$0x11];
	s16 =	sadd.s32 $0x1, s23  }
0x19a: {  	p1 =	sne.s32 s16, s30  }
.Ltmp7:
0x19b: {  	_ = 	snop;
	(pc) =	sbr.rel @p1 .LBB2_1-.Ltmp7, $3  }
0x19c: {  	_ =	sdelay $0x1  }
0x19d: {  	[sflag:s8] =	ssyncset.done @!p0 $0x0  }
0x19e: {  	[sflag:s8] =	ssyncadd.s32 @!p0 $0xFFFFF830  }
0x19f: {  	_ =	sfence.sel $0x180000  }
0x1a0: {  	[bflag:$0x0] =	sbarrier.arrive $0xFFFF  }
0x1a1: {  	_ =	strace $0x9000004D  }
0x1a2: {  	s0 =	stileid.u32;
	[bflag:$0x2] =	sbarrier.arrive $0xFFFF  }
0x1a3: {  	p0 =	sne.s32 s0, $0x0;
	s0 =	rddreg [dreg:$0x4]  }
0x1a4: {  	s0 =	sadd.s32 @!p0 $0x100000, s0  }
0x1a5: {  	[sflag:s0] =	ssyncadd.tile.s32 @!p0 $0x1;
	_ =	shalt  }
.Lfunc_end2:
_tile_overlayer_lowered:
.L_overlay_start_2:
0x1a6: {  	(tag) =	ssettag $0x2  }
0x1a7: {  	s0 =	rddreg [dreg:$0x0];
	s2 =	stileid.u32  }
0x1a8: {  	s1 =	rddreg [dreg:$0x1];
	p0 =	sne.s32 s2, $0x0  }
0x1a9: {  	s3 =	rddreg [dreg:$0x2];
	[bflag:$0x3] =	sbarrier.arrive $0xFFFF;
	s2 =	simm.s32 @!p0 $0x1C03  }
0x1aa: {  	[timem:s3], [sflag:s2] =	dma.local @!p0 [hbm:s0], s1  }
0x1ab: {  	s0 =	simm.s32 @!p0 $0x3  }
0x1ac: {  	_ =	swait.ge @!p0 [sflag:s0], s1  }
0x1ad: {  	s1 =	ssub.s32 @!p0 $0x0, s1;
	[sflag:s0] =	ssyncset.done @!p0 $0x0  }
0x1ae: {  	[sflag:s0] =	ssyncadd.s32 @!p0 s1  }
0x1af: {  	[bflag:$0x3] =	sbarrier.arrive $0xFFFF  }
0x1b0: {  	_ =	shalt  }

// kernel: kernel.20.cloned.1.call-start
scs
__scs_entry_jumppad:
0x0: {  	(pc) =	sbr.rel $0x88, $3  }
0x1: {  	(tag) =	ssettag $0x0;
	lr =	simm.s32 $0x1  }
0x2: {  	[smem:$0x3F8A] =	sst lr;
	_ =	strace $0xD0000000  }
0x3: {  	_ = 	snop  }
0x4: {  	_ = 	snop  }
0x5: {  	_ = 	snop  }
0x6: {  	_ = 	snop  }
0x7: {  	_ = 	snop  }
__scs_overlays_trampoline_lowered:
0x8: {  	[smem:$0x3F99] =	sst s0  }
0x9: {  	[smem:$0x3F9A] =	sst s1  }
0xa: {  	[smem:$0x3F9B] =	sst s2  }
0xb: {  	[smem:$0x3F9C] =	sst s3  }
0xc: {  	[smem:$0x3F9D] =	sst s4  }
0xd: {  	[smem:$0x3F9E] =	sst s5  }
0xe: {  	[smem:$0x3F9F] =	sst s6  }
0xf: {  	[smem:$0x3FA0] =	sst s7  }
0x10: {  	[smem:$0x3FA1] =	sst s8  }
0x11: {  	[smem:$0x3FA2] =	sst s9;
	s0 =	simm.s32 @!p0 $0x0  }
0x12: {  	s1 =	sld [smem:$0x3F88];
	s0 =	simm.s32 @p0 $0x1  }
0x13: {  	[smem:$0x3FA3] =	sst s0;
	s0 =	simm.s32 @!p1 $0x0  }
0x14: {  	s2 =	sld [smem:$0x3F87];
	s0 =	simm.s32 @p1 $0x1  }
0x15: {  	[smem:$0x3FA4] =	sst s0;
	s0 =	simm.s32 @!p2 $0x0  }
0x16: {  	s3 =	sld [smem:$0x3FDB];
	s0 =	simm.s32 @p2 $0x1  }
0x17: {  	s4 =	simm.s32 $0x1BF5;
	[smem:$0x3FA6] =	sst s0  }
0x18: {  	s0 =	sld [smem:$0x3F89];
	_ =	swait.ge [sflag:s4], $0x0  }
0x19: {  	s7 =	sld [smem:$0x3F8A]  }
0x1a: {  	s8 =	sadd.s32 $0xFFFFE003, lr  }
0x1b: {  	s9 =	sadd.s32 $0xFFFFFEF7, lr;
	s5 =	simm.s32 $0xFFFFFFFF;
	p2 =	slt.u32 s8, $0xFFFFF086  }
0x1c: {  	p1 =	slt.u32 s9, $0xF7A;
	s5 =	simm.s32 @!p2 $0x0  }
0x1d: {  	s5 =	simm.s32 @p1 $0x1;
	p0 =	seq.s32 s7, s2  }
0x1e: {  	s7 =	smul.u32 @!p0 $0xF7A, s2;
	p2 =	seq.s32 @!p0 s5, $0x0  }
0x1f: {  	s9 =	smul.u32 $0xF7A, s1;
	s8 =	simm.s32 @!p0 $0x1BF5;
	p2 =	por !p2, p0  }
0x20: {  	[sflag:s8] =	ssyncset.s32 @!p0 $0xFFFFF086;
	s6 =	sadd.s32 @!p0 s3, s7;
	s7 =	simm.s32 @!p0 $0x108  }
0x21: {  	s3 =	sadd.s32 s3, s9;
	s6 =	sadd.s32 @!p0 $0x88, s6;
	s7 =	simm.s32 @p2 $0x1082  }
0x22: {  	[simem:s7], [sflag:s8] =	dma.local @!p0 [hbm:s6], $0xF7A  }
0x23: {  	s9 =	sor.u32 $0xD0000000, s2;
	s6 =	simm.s32 $0x108;
	_ =	swait.ge @!p0 [sflag:s8], $0x0  }
0x24: {  	s3 =	sadd.s32 $0x88, s3;
	s6 =	simm.s32 @!p1 $0x1082;
	[sflag:s4] =	ssyncset.s32 $0xFFFFF086  }
0x25: {  	[simem:s6], [sflag:s4] =	dma.local [hbm:s3], $0xF7A  }
0x26: {  	[smem:$0x3F8A] =	sst s1;
	(tag) =	ssettag s2;
	_ =	strace s9  }
0x27: {  	s1 =	sld [smem:$0x3F9A]  }
0x28: {  	s2 =	sld [smem:$0x3F9B]  }
0x29: {  	s4 =	sld [smem:$0x3F9D]  }
0x2a: {  	p0 =	seq.s32 s5, $0x0;
	s5 =	sld [smem:$0x3F9E]  }
0x2b: {  	s6 =	sld [smem:$0x3F9F]  }
0x2c: {  	s7 =	sld [smem:$0x3FA0]  }
0x2d: {  	s3 =	simm.s32 $0x108;
	s8 =	sld [smem:$0x3FA1]  }
0x2e: {  	s3 =	simm.s32 @!p0 $0x1082;
	s9 =	sld [smem:$0x3FA2]  }
0x2f: {  	lr =	sadd.s32 s0, s3;
	s0 =	sld [smem:$0x3F99]  }
0x30: {  	s3 =	sld [smem:$0x3F9C]  }
0x31: {  	[smem:$0x3FA5] =	sst s10  }
0x32: {  	s10 =	sld [smem:$0x3FA3];
	_ =	sdelay $0x3  }
0x33: {  	p0 =	seq.s32 s10, $0x1;
	s10 =	sld [smem:$0x3FA5];
	_ =	sdelay $0x3  }
0x34: {  	[smem:$0x3FA5] =	sst s10  }
0x35: {  	s10 =	sld [smem:$0x3FA4];
	_ =	sdelay $0x3  }
0x36: {  	p1 =	seq.s32 s10, $0x1;
	s10 =	sld [smem:$0x3FA5];
	_ =	sdelay $0x3  }
0x37: {  	[smem:$0x3FA5] =	sst s10  }
0x38: {  	s10 =	sld [smem:$0x3FA6]  }
0x39: {  	_ = 	snop;
	(pc) =	sbr.ind lr, $3  }
0x3a: {  	_ = 	snop  }
0x3b: {  	_ = 	snop  }
0x3c: {  	p2 =	seq.s32 s10, $0x1;
	s10 =	sld [smem:$0x3FA5]  }
0x3d: {  	_ =	shalt  }
0x3e: {  	_ =	shalt  }
0x3f: {  	_ =	shalt  }
0x40: {  	_ =	shalt  }
0x41: {  	_ =	shalt  }
0x42: {  	_ =	shalt  }
0x43: {  	_ =	shalt  }
0x44: {  	_ =	shalt  }
0x45: {  	_ =	shalt  }
0x46: {  	_ =	shalt  }
0x47: {  	_ =	shalt  }
0x48: {  	_ =	shalt  }
0x49: {  	_ =	shalt  }
0x4a: {  	_ =	shalt  }
0x4b: {  	_ =	shalt  }
0x4c: {  	_ =	shalt  }
0x4d: {  	_ =	shalt  }
0x4e: {  	_ =	shalt  }
0x4f: {  	_ =	shalt  }
0x50: {  	_ =	shalt  }
0x51: {  	_ =	shalt  }
0x52: {  	_ =	shalt  }
0x53: {  	_ =	shalt  }
0x54: {  	_ =	shalt  }
0x55: {  	_ =	shalt  }
0x56: {  	_ =	shalt  }
0x57: {  	_ =	shalt  }
0x58: {  	_ =	shalt  }
0x59: {  	_ =	shalt  }
0x5a: {  	_ =	shalt  }
0x5b: {  	_ =	shalt  }
0x5c: {  	_ =	shalt  }
0x5d: {  	_ =	shalt  }
0x5e: {  	_ =	shalt  }
0x5f: {  	_ =	shalt  }
0x60: {  	_ =	shalt  }
0x61: {  	_ =	shalt  }
0x62: {  	_ =	shalt  }
0x63: {  	_ =	shalt  }
0x64: {  	_ =	shalt  }
0x65: {  	_ =	shalt  }
0x66: {  	_ =	shalt  }
0x67: {  	_ =	shalt  }
0x68: {  	_ =	shalt  }
0x69: {  	_ =	shalt  }
0x6a: {  	_ =	shalt  }
0x6b: {  	_ =	shalt  }
0x6c: {  	_ =	shalt  }
0x6d: {  	_ =	shalt  }
0x6e: {  	_ =	shalt  }
0x6f: {  	_ =	shalt  }
0x70: {  	_ =	shalt  }
0x71: {  	_ =	shalt  }
0x72: {  	_ =	shalt  }
0x73: {  	_ =	shalt  }
0x74: {  	_ =	shalt  }
0x75: {  	_ =	shalt  }
0x76: {  	_ =	shalt  }
0x77: {  	_ =	shalt  }
0x78: {  	_ =	shalt  }
0x79: {  	_ =	shalt  }
0x7a: {  	_ =	shalt  }
0x7b: {  	_ =	shalt  }
0x7c: {  	_ =	shalt  }
0x7d: {  	_ =	shalt  }
0x7e: {  	_ =	shalt  }
0x7f: {  	_ =	shalt  }
0x80: {  	_ =	shalt  }
0x81: {  	_ =	shalt  }
0x82: {  	_ =	shalt  }
0x83: {  	_ =	shalt  }
0x84: {  	_ =	shalt  }
0x85: {  	_ =	shalt  }
0x86: {  	_ =	shalt  }
0x87: {  	_ =	shalt  }
.Lfunc_end0:
.L_simem_size_0:
called_computation.3_lowered:
.L_overlay_start_0:
0x88: {  	s2 =	sld [smem:$0x3FD9]  }
0x89: {  	s3 =	sld [smem:$0x3FFE];
	_ =	sdelay $0x1  }
0x8a: {  	s1 =	srdreg.scid  }
0x8b: {  	s0 =	sand.u32 $0x1, s1  }
0x8c: {  	s17 =	sshll.u32 s0, $0xA;
	s2 =	sadd.s32 s3, s2  }
0x8d: {  	s2 =	sadd.s32 s2, s17  }
0x8e: {  	[smem:$0x3FB1] =	sst s2  }
0x8f: {  	_ = 	snop  }
0x90: {  	s2 =	sld [smem:$0x3FD0];
	(tm) =	ssettm $0x1  }
0x91: {  	s18 =	sld [smem:$0x3FFB];
	_ =	sdelay $0x3  }
0x92: {  	_ =	strace s18  }
0x93: {  	s3 =	sld [smem:$0x3FFC];
	_ =	sdelay $0x3  }
0x94: {  	_ =	strace s3  }
0x95: {  	s3 =	sld [smem:$0x3FFD];
	_ =	sdelay $0x3  }
0x96: {  	_ =	strace s3  }
0x97: {  	_ =	strace $0x8FFFFFFF  }
0x98: {  	s19 =	sld [smem:$0x3FDB];
	_ =	sdelay $0x1  }
0x99: {  	s4 =	simm.s32 $_scs_section_size  }
0x9a: {  	s5 =	simm.s32 $_size__tile_overlayer_lowered;
	s6 =	simm.s32 $_tile_overlayer_lowered  }
0x9b: {  	s22 =	simm.s32 $0x1BFF;
	s21 =	sshll.u32 s6, $0x1;
	s3 =	sadd.s32 s4, s19  }
0x9c: {  	s7 =	simm.s32 $0x0;
	s20 =	sshll.u32 s5, $0x1;
	s5 =	sadd.s32 s21, s3  }
0x9d: {  	[timem:s7], [sflag:s22] =	dma.local [hbm:s5], s20  }
0x9e: {  	_ =	swait.ge [sflag:s22], s20  }
0x9f: {  	s4 =	ssub.s32 $0x0, s20;
	[sflag:s22] =	ssyncset.done $0x0  }
0xa0: {  	[sflag:s22] =	ssyncadd.s32 s4;
	_ =	sdelay $0x1  }
0xa1: {  	s23 =	simm.s32 $0x1B8B  }
0xa2: {  	_ =	swait.ge [sflag:s23], $0x1  }
0xa3: {  	[sflag:s23] =	ssyncset.done $0x0  }
0xa4: {  	s25 =	simm.s32 $0x1B8E;
	s24 =	sld [smem:$0x3FFE];
	[sflag:s23] =	ssyncadd.s32 $0xFFFFFFFF  }
0xa5: {  	s26 =	simm.s32 $execute0_lowered;
	[smem:$0x3FD2] =	sst s25  }
0xa6: {  	s5 =	sshll.u32 s26, $0x1;
	_ =	strace $0x8000004F;
	[dreg:$0x1] =	wrdreg $0xFFFFFFFF  }
0xa7: {  	s28 =	simm.s32 $_size_execute0_lowered;
	s3 =	sadd.s32 s3, s5;
	[dreg:$0x0] =	wrdreg $0x0  }
0xa8: {  	s5 =	sshll.u32 s28, $0x1;
	[dreg:$0x2] =	wrdreg s3  }
0xa9: {  	[dreg:$0x3] =	wrdreg s5  }
0xaa: {  	[dreg:$0x4] =	wrdreg $0xC0  }
0xab: {  	_ =	task [dreg:s7], $0x5FFFF  }
0xac: {  	[dreg:$0x1] =	wrdreg $0xFFFFFFFF  }
0xad: {  	[dreg:$0x0] =	wrdreg $0x60  }
0xae: {  	[dreg:$0x2] =	wrdreg s24  }
0xaf: {  	[dreg:$0x3] =	wrdreg s2  }
0xb0: {  	[dreg:$0x4] =	wrdreg $0x13A200  }
0xb1: {  	[dreg:$0x5] =	wrdreg $0x1D6600  }
0xb2: {  	[dreg:$0x6] =	wrdreg $0x9  }
0xb3: {  	_ =	task.clear_ibuf [dreg:s7], $0x7FFFF;
	_ =	strace $0x9000004F  }
0xb4: {  	s29 =	simm.s32 $0x9;
	_ =	strace $0x80000051  }
0xb5: {  	_ =	swait.ge [sflag:s29], $0x1  }
0xb6: {  	[sflag:s29] =	ssyncadd.s32 $0xFFFFFFFF  }
0xb7: {  	_ =	strace $0x90000051  }
0xb8: {  	_ =	sfence  }
0xb9: {  	s30 =	sld [smem:$0x0];
	_ =	sdelay $0x2  }
0xba: {  	s31 =	sshll.u32 s1, $0xD;
	s1 =	sshrl.u32 s1, $0x2  }
0xbb: {  	s3 =	sand.u32 $0x4000, s31;
	s1 =	sadd.s32 s1, s30  }
0xbc: {  	s0 =	sor.u32 s3, s0;
	s1 =	sshll.u32 s1, $0x11  }
0xbd: {  	s0 =	sor.u32 s1, s0  }
0xbe: {  	s0 =	sadd.s32 $0x8F2B, s0  }
0xbf: {  	[sflag:s0] =	ssyncadd.remote.s32 $0x1  }
0xc0: {  	_ =	sfence.sel $0xFFFF  }
0xc1: {  	[dreg:$0x0] =	wrdreg $0xFFFFFFFF;
	(pc) =	sbr.abs _section_cstart, $3  }
0xc2: {  	[dreg:$0x1] =	wrdreg $0xFFFFFFFF  }
0xc3: {  	_ =	task.clear_ibuf [dreg:s7], $0x2FFFF;
	_ =	strace $0x9FFFFFFF  }
0xc4: {  	(tm) =	ssettm $0x7FFFFFFF  }
0xc5: {  	_ =	shalt  }
tec
execute0_lowered:
.L_overlay_start_1:
0x0: {  	(tag) =	ssettag $0x1  }
0x1: {  	s0 =	rddreg [dreg:$0x0]  }
0x2: {  	s4 =	rddreg [dreg:$0x1]  }
0x3: {  	s1 =	rddreg [dreg:$0x2]  }
0x4: {  	s2 =	rddreg [dreg:$0x3];
	s3 =	simm.s32 $0x0  }
0x5: {  	s18 =	stileid.u32;
	s10 =	srdreg.scid;
	s28 =	simm.s32 $0x4E30  }
0x6: {  	s29 =	simm.s32 $0x4FC0;
	s31 =	simm.s32 $0x190;
	[smem:$0x7FF] =	sst s3  }
0x7: {  	s5 =	sadd.s32 $0x12A00, s0;
	s6 =	sadd.s32 $0x8C00, s0;
	s7 =	sadd.s32 $0x67400, s0  }
0x8: {  	s8 =	sadd.s32 $0x71200, s0;
	s20 =	smul.u32 $0xFA00, s18;
	s9 =	sadd.s32 $0x71800, s0  }
0x9: {  	s30 =	smul.u32 $0x3E80, s18;
	_ =	strace $0x80000050;
	[dreg:$0x5] =	wrdreg s8  }
0xa: {  	s11 =	sadd.s32 $0x43C00, s0;
	s10 =	sand.u32 $0x1, s10;
	[dreg:$0x6] =	wrdreg s9  }
0xb: {  	p0 =	sgt.u32 s18, $0x9;
	[dreg:$0x7] =	wrdreg s11;
	s11 =	sadd.s32 $0x49800, s0  }
0xc: {  	s14 =	smul.u32 $0x27100, s10;
	s15 =	sshll.u32 s10, $0x4;
	s16 =	ssub.s32 $0x2, s10  }
0xd: {  	s10 =	smul.u32 $0x9C400, s10;
	s12 =	sshrl.u32 s20, $0x3;
	s13 =	sshrl.u32 s30, $0x3  }
0xe: {  	s15 =	sor.u32 s18, s15;
	s17 =	sshrl.u32 s16, $0x1;
	s21 =	sadd.s32 s20, s1  }
0xf: {  	s9 =	sadd.s32 s30, s2;
	s12 =	sadd.s32 s12, s0;
	s13 =	sadd.s32 s13, s0  }
0x10: {  	s14 =	sadd.s32 s30, s14;
	s15 =	smul.u32 $0x2710, s15;
	[dreg:$0x8] =	wrdreg s21  }
0x11: {  	s17 =	ssub.s32 s16, s17;
	[dreg:$0xa] =	wrdreg s9;
	s8 =	sadd.s32 s20, s10  }
0x12: {  	s9 =	simm.s32 $0xBB90;
	s10 =	simm.s32 $0x1;
	s16 =	simm.s32 $0x0  }
0x13: {  	s14 =	sshrl.u32 s14, $0x3;
	s12 =	sadd.s32 $0x7B200, s12;
	s23 =	sadd.s32 $0x44800, s13  }
0x14: {  	s8 =	sshrl.u32 s8, $0x3;
	s30 =	smax.u32 s17, $0x1;
	[dreg:$0x9] =	wrdreg s12  }
0x15: {  	s13 =	simm.s32 $0x12120;
	s0 =	sadd.s32 s14, s0;
	[dreg:$0xb] =	wrdreg s23  }
0x16: {  	s22 =	sshrl.u32 s15, $0x3;
	s4 =	sadd.s32 s4, s8;
	[dreg:$0x11] =	wrdreg s30  }
0x17: {  	s19 =	sadd.s32 $0x190, s15;
	s24 =	sadd.s32 s5, s22;
	[dreg:$0xf] =	wrdreg s4  }
0x18: {  	s20 =	sadd.s32 $0x320, s15;
	s25 =	sadd.s32 s6, s22;
	[dreg:$0xc] =	wrdreg s24  }
0x19: {  	s12 =	simm.s32 $0x11F90;
	s26 =	sadd.s32 s7, s22;
	[dreg:$0xd] =	wrdreg s25  }
0x1a: {  	s14 =	simm.s32 $0x2;
	s0 =	sadd.s32 $0x5D200, s0;
	[dreg:$0xe] =	wrdreg s26  }
0x1b: {  	v0 =	vimm.f32 $0.0e+00;
	vm0 =	vcmask $0x300;
	s4 =	simm.s32 $0xB870;
	[dreg:$0x10] =	wrdreg s0;
	s24 =	simm.s32 $0x3  }
0x1c: {  	v0 =	vsel vm0, $0x3F800000, v0;
	s25 =	simm.s32 $0x2710;
	s0 =	simm.s32 $0x52E0;
	s26 =	simm.s32 $0xB6E0  }
.LBB2_1:
0x1d: {  	[dreg:$0x12] =	wrdreg s16  }
0x1e: {  	s8 =	rddreg [dreg:$0x5]  }
0x1f: {  	[tilespmem:s3], [sflag:$0x3] =	stream.linear.gather [hbm4b:s8+s3], $0x2710, $0x38;
	[tilespmem:$0x1FD70] =	vst v63  }
0x20: {  	_ =	swait.ge [sflag:s24], $0x2710  }
0x21: {  	[sflag:s24] =	ssyncset.done $0x0  }
0x22: {  	s17 =	rddreg [dreg:$0x6];
	[sflag:s24] =	ssyncadd.s32 $0xFFFFD8F0  }
0x23: {  	[tilespmem:s25], [sflag:$0x3] =	stream.linear.gather [hbm4b:s17+s3], $0x2710, $0x38;
	[tilespmem:$0x1FD70] =	vst v63  }
0x24: {  	_ =	swait.ge [sflag:s24], $0x2710  }
0x25: {  	s15 =	simm.s32 $0x4E20;
	[sflag:s24] =	ssyncset.done $0x0  }
0x26: {  	s8 =	stileid.u32;
	s18 =	rddreg [dreg:$0x7];
	[sflag:s24] =	ssyncadd.s32 $0xFFFFD8F0  }
0x27: {  	[tilespmem:s15], [sflag:$0x3] =	stream.linear.gather [hbm4b:s18+s3], $0x10, $0x38;
	[tilespmem:$0x1FD70] =	vst v63  }
0x28: {  	s8 =	sshll.u32 @!p0 s8, $0x6;
	_ =	swait.ge [sflag:s24], $0x10  }
0x29: {  	s16 =	sor.u32 @!p0 $0x1C03, s8;
	s8 =	rddreg [dreg:$0x8]  }
0x2a: {  	[sflag:s24] =	ssyncset.done $0x0;
	s15 =	sshrl.u32 @!p0 s8, $0x3;
	s8 =	rddreg [dreg:$0x9]  }
0x2b: {  	[sflag:s24] =	ssyncadd.s32 $0xFFFFFFF0;
	[dreg:$0x14] =	wrdreg s15  }
0x2c: {  	[spmem:s15], [sflag:s16] =	dma.local @!p0 [hbm:s8], $0x1F40  }
0x2d: {  	s8 =	simm.s32 @!p0 $0x3  }
0x2e: {  	_ =	swait.ge @!p0 [sflag:s8], $0x1F40;
	[dreg:$0x13] =	wrdreg s16  }
0x2f: {  	s15 =	rddreg [dreg:$0xa]  }
0x30: {  	[sflag:s8] =	ssyncset.done @!p0 $0x0;
	s17 =	sshrl.u32 @!p0 s15, $0x3;
	s15 =	rddreg [dreg:$0xb]  }
0x31: {  	[sflag:s8] =	ssyncadd.s32 @!p0 $0xFFFFE0C0;
	[dreg:$0x15] =	wrdreg s17  }
0x32: {  	[spmem:s17], [sflag:s16] =	dma.local @!p0 [hbm:s15], $0x7D0  }
0x33: {  	_ =	swait.ge @!p0 [sflag:s8], $0x7D0  }
0x34: {  	[sflag:s8] =	ssyncset.done @!p0 $0x0  }
0x35: {  	[sflag:s8] =	ssyncadd.s32 @!p0 $0xFFFFF830  }
0x36: {  	[bflag:$0x0] =	sbarrier.arrive $0xFFFF  }
0x37: {  	s21 =	rddreg [dreg:$0xc]  }
0x38: {  	v1 =	vld [tilespmem:$0x4E20];
	[tilespmem:s28], [sflag:$0x3] =	stream.linear.gather [hbm4b:s21+s3], $0x190, $0x38  }
0x39: {  	_ =	swait.ge [sflag:s24], $0x190  }
0x3a: {  	[sflag:s24] =	ssyncset.done $0x0  }
0x3b: {  	s22 =	rddreg [dreg:$0xd];
	[sflag:s24] =	ssyncadd.s32 $0xFFFFFE70  }
0x3c: {  	[tilespmem:s29], [sflag:$0x3] =	stream.linear.gather [hbm4b:s22+s3], $0x190, $0x38;
	[tilespmem:$0x1FD70] =	vst v63  }
0x3d: {  	_ =	swait.ge [sflag:s24], $0x190  }
0x3e: {  	[sflag:s24] =	ssyncset.done $0x0  }
0x3f: {  	s30 =	simm.s32 $0x5150;
	s23 =	rddreg [dreg:$0xe];
	[sflag:s24] =	ssyncadd.s32 $0xFFFFFE70  }
0x40: {  	[tilespmem:s30], [sflag:$0x3] =	stream.linear.gather [hbm4b:s23+s3], $0x190, $0x38;
	[tilespmem:$0x1FD70] =	vst v63  }
0x41: {  	_ =	swait.ge [sflag:s24], $0x190  }
0x42: {  	[sflag:s24] =	ssyncset.done $0x0  }
0x43: {  	s21 =	simm.s32 $0x0;
	[sflag:s24] =	ssyncadd.s32 $0xFFFFFE70  }
0x44: {  	[tilespmem:s0], [sflag:$0x1] =	stream.indirect.gather [hbm4b:s11+s31], $0x40, s28, s31, $0xb8;
	[tilespmem:$0x1FD70] =	vst v63  }
.LBB2_2:
0x45: {  	s22 =	smul.u32 $0x320, s21;
	_ =	sdelay $0x1  }
0x46: {  	s8 =	sadd.s32 s22, s19  }
0x47: {  	s8 =	sshrl.u32 s8, $0x3  }
0x48: {  	s16 =	simm.s32 $0x0;
	s15 =	sadd.s32 s5, s8  }
0x49: {  	[tilespmem:s26], [sflag:$0x3] =	stream.linear.gather [hbm4b:s15+s16], $0x190, $0x38;
	[tilespmem:$0x1FD70] =	vst v63  }
0x4a: {  	_ =	swait.ge [sflag:s24], $0x190  }
0x4b: {  	[sflag:s24] =	ssyncset.done $0x0  }
0x4c: {  	s23 =	sadd.s32 s6, s8;
	[sflag:s24] =	ssyncadd.s32 $0xFFFFFE70  }
0x4d: {  	[tilespmem:s4], [sflag:$0x3] =	stream.linear.gather [hbm4b:s23+s16], $0x190, $0x38;
	[tilespmem:$0x1FD70] =	vst v63  }
0x4e: {  	_ =	swait.ge [sflag:s24], $0x190  }
0x4f: {  	[sflag:s24] =	ssyncset.done $0x0  }
0x50: {  	s30 =	simm.s32 $0xBA00;
	s8 =	sadd.s32 s7, s8;
	[sflag:s24] =	ssyncadd.s32 $0xFFFFFE70  }
0x51: {  	[tilespmem:s30], [sflag:$0x3] =	stream.linear.gather [hbm4b:s8+s16], $0x190, $0x38;
	[tilespmem:$0x1FD70] =	vst v63  }
0x52: {  	_ =	swait.ge [sflag:s24], $0x190  }
0x53: {  	[sflag:s24] =	ssyncset.done $0x0  }
0x54: {  	s23 =	simm.s32 $0x0;
	[sflag:s24] =	ssyncadd.s32 $0xFFFFFE70  }
0x55: {  	[tilespmem:s9], [sflag:$0x2] =	stream.indirect.gather [hbm4b:s11+s31], $0x40, s26, s31, $0xb8;
	[tilespmem:$0x1FD70] =	vst v63  }
0x56: {  	v2 =	vld [tilespmem:s23+$0x4FC0]  }
0x57: {  	v3 =	vld [tilespmem:s23+$0x4E30];
	_ =	sdelay $0x6  }
0x58: {  	v2 =	vld.idx.msk [tilespmem:v2+s25+$0x0], $0xffff  }
0x59: {  	v3 =	vld.idx.msk [tilespmem:v3+s3+$0x0], $0xffff;
	_ =	sdelay $0x1  }
0x5a: {  	v4 =	vld [tilespmem:s23+$0x5150];
	_ =	sdelay $0x2  }
0x5b: {  	v2 =	vadd.f32 v2, v3;
	_ =	sdelay $0x1  }
0x5c: {  	v2 =	vadd.f32 v4, v2;
	_ =	sdelay $0x1  }
0x5d: {  	v3 =	vmul.f32 $2.000000030e-01, v2  }
0x5e: {  	vm0 =	vgt.f32 v2, $0.0e+00  }
0x5f: {  	v2 =	vsel vm0, v2, v3  }
0x60: {  	v2 =	vsub.f32 v2, v1;
	_ =	sdelay $0x1  }
0x61: {  	v2 =	vmul.f32 $1.442695020e+00, v2;
	_ =	sdelay $0x1  }
0x62: {  	(erf) = vpow2.f32 v2;
	_ =	sdelay $0x1  }
0x63: {  	s15 =	simm.s32 $0x10  }
0x64: {  	s17 =	simm.s32 $0x80;
	v2 =	vld [tilespmem:s15+$0x4FC0]  }
.LBB2_3:
0x65: {  	p1 =	sne.s32 s17, $0x600;
	v3 =	vld [tilespmem:s15+$0x4E30];
	_ =	sdelay $0x4  }
0x66: {  	v4 =	vpop (erf)  }
0x67: {  	[tilespmem:s23+$0x11F90] =	vst v4;
	s23 =	smov.u32 s15  }
0x68: {  	v2 =	vld.idx.msk [tilespmem:v2+s25+$0x0], $0xffff  }
0x69: {  	v3 =	vld.idx.msk [tilespmem:v3+s3+$0x0], $0xffff;
	_ =	sdelay $0x2  }
0x6a: {  	v4 =	vld [tilespmem:s23+$0x5150];
	_ =	sdelay $0x2  }
0x6b: {  	v2 =	vadd.f32 v2, v3;
	_ =	sdelay $0x1  }
0x6c: {  	v2 =	vadd.f32 v4, v2;
	_ =	sdelay $0x1  }
0x6d: {  	v3 =	vmul.f32 $2.000000030e-01, v2  }
0x6e: {  	vm0 =	vgt.f32 v2, $0.0e+00  }
0x6f: {  	v2 =	vsel vm0, v2, v3  }
0x70: {  	v2 =	vsub.f32 v2, v1;
	_ =	sdelay $0x1  }
0x71: {  	v2 =	vmul.f32 $1.442695020e+00, v2  }
.Ltmp0:
0x72: {  	(pc) =	sbr.rel @p1 .LBB2_3-.Ltmp0, $3  }
0x73: {  	(erf) = vpow2.f32 v2;
	_ =	sdelay $0x1  }
0x74: {  	s15 =	sshra.s32 s17, $0x2  }
0x75: {  	s17 =	sadd.s32 $0x40, s17;
	v2 =	vld [tilespmem:s15+$0x4FC0]  }
0x76: {  	_ = 	snop  }
0x77: {  	v3 =	vld [tilespmem:s15+$0x4E30];
	_ =	sdelay $0x4  }
0x78: {  	v4 =	vpop (erf)  }
0x79: {  	[tilespmem:s23+$0x11F90] =	vst v4  }
0x7a: {  	v2 =	vld.idx.msk [tilespmem:v2+s25+$0x0], $0xffff  }
0x7b: {  	v3 =	vld.idx.msk [tilespmem:v3+s3+$0x0], $0xffff;
	_ =	sdelay $0x1  }
0x7c: {  	v4 =	vld [tilespmem:s15+$0x5150];
	_ =	sdelay $0x2  }
0x7d: {  	v2 =	vadd.f32 v2, v3;
	_ =	sdelay $0x1  }
0x7e: {  	v2 =	vadd.f32 v4, v2;
	_ =	sdelay $0x1  }
0x7f: {  	v3 =	vmul.f32 $2.000000030e-01, v2  }
0x80: {  	vm0 =	vgt.f32 v2, $0.0e+00  }
0x81: {  	v2 =	vsel vm0, v2, v3  }
0x82: {  	v2 =	vsub.f32 v2, v1;
	_ =	sdelay $0x1  }
0x83: {  	v2 =	vmul.f32 $1.442695020e+00, v2;
	_ =	sdelay $0x1  }
0x84: {  	(erf) = vpow2.f32 v2;
	_ =	sdelay $0x8  }
0x85: {  	s8 =	simm.s32 $0x0;
	v2 =	vpop (erf)  }
0x86: {  	[tilespmem:s15+$0x11F90] =	vst v2;
	v2 =	vmov s8  }
0x87: {  	_ =	swait.ge [sflag:s10], $0x6400  }
0x88: {  	[sflag:s10] =	ssyncset.done $0x0  }
0x89: {  	s17 =	simm.s32 $0x5300;
	[sflag:s10] =	ssyncadd.s32 $0xFFFF9C00  }
0x8a: {  	v4 =	vld [tilespmem:s17+$0x10]  }
0x8b: {  	v6 =	vld.idx.msk [tilespmem:v2+s12+$0x0], $0xffff  }
0x8c: {  	v2 =	vld [tilespmem:s17+$0xFFFFFFE0]  }
0x8d: {  	v3 =	vld [tilespmem:s17+$0x0]  }
0x8e: {  	v7 =	vld [tilespmem:s17+$0xFFFFFFF0];
	_ =	sdelay $0x2  }
0x8f: {  	v8 =	vmul.f32 v2, v6  }
0x90: {  	s16 =	simm.s32 $0x1;
	s18 =	simm.s32 $0x5300;
	v2 =	vmul.f32 v0, v6;
	v3 =	vmul.f32 v3, v6  }
0x91: {  	s23 =	simm.s32 $0x12120;
	s8 =	simm.s32 $0x2;
	s15 =	simm.s32 $0x12120;
	v5 =	vmul.f32 v4, v6;
	v4 =	vmul.f32 v7, v6;
	[tilespmem:s17+$0xFFFFFFE0] =	vst v8  }
.LBB2_5:
0x92: {  	s23 =	sadd.s32 $0x10, s23  }
0x93: {  	v6 =	vmov s16;
	[tilespmem:s17+$0x10] =	vst v5;
	s18 =	sadd.s32 $0x40, s18;
	s16 =	smov.u32 s8;
	s30 =	sadd.s32 $0x1, s8  }
0x94: {  	p1 =	sne.s32 s8, $0x18F;
	[tilespmem:s17+$0xFFFFFFF0] =	vst v4  }
0x95: {  	[tilespmem:s17+$0x0] =	vst v3;
	s17 =	smov.u32 s18  }
0x96: {  	[tilespmem:s15+$0x0] =	vst v2;
	s15 =	smov.u32 s23  }
0x97: {  	v4 =	vld [tilespmem:s18+$0x10]  }
0x98: {  	v6 =	vld.idx.msk [tilespmem:v6+s12+$0x0], $0xffff  }
0x99: {  	v2 =	vld [tilespmem:s18+$0xFFFFFFE0]  }
0x9a: {  	v3 =	vld [tilespmem:s18+$0x0]  }
0x9b: {  	v7 =	vld [tilespmem:s18+$0xFFFFFFF0]  }
.Ltmp1:
0x9c: {  	(pc) =	sbr.rel @p1 .LBB2_5-.Ltmp1, $4  }
0x9d: {  	_ = 	snop  }
0x9e: {  	v8 =	vmul.f32 v2, v6;
	v2 =	vmul.f32 v0, v6  }
0x9f: {  	v5 =	vmul.f32 v4, v6;
	v3 =	vmul.f32 v3, v6  }
0xa0: {  	s8 =	smov.u32 s30;
	[tilespmem:s18+$0xFFFFFFE0] =	vst v8;
	v4 =	vmul.f32 v7, v6  }
0xa1: {  	v6 =	vmov s16;
	[tilespmem:s17+$0x10] =	vst v5  }
0xa2: {  	[tilespmem:s17+$0x0] =	vst v3  }
0xa3: {  	[tilespmem:s17+$0xFFFFFFF0] =	vst v4  }
0xa4: {  	s8 =	sadd.s32 $0x40, s18;
	[tilespmem:s15+$0x0] =	vst v2  }
0xa5: {  	v3 =	vld [tilespmem:s8+$0xFFFFFFE0]  }
0xa6: {  	v2 =	vld.idx.msk [tilespmem:v6+s12+$0x0], $0xffff  }
0xa7: {  	v4 =	vld [tilespmem:s8+$0x10]  }
0xa8: {  	v61 =	vld [tilespmem:s8+$0x0]  }
0xa9: {  	v5 =	vld [tilespmem:s8+$0xFFFFFFF0];
	_ =	sdelay $0x1  }
0xaa: {  	v3 =	vmul.f32 v3, v2  }
0xab: {  	v4 =	vmul.f32 v4, v2  }
0xac: {  	v62 =	vmul.f32 v61, v2;
	[tilespmem:s8+$0xFFFFFFE0] =	vst v3  }
0xad: {  	v3 =	vmul.f32 v5, v2;
	[tilespmem:s8+$0x10] =	vst v4  }
0xae: {  	v2 =	vmul.f32 v0, v2;
	[tilespmem:s8+$0x0] =	vst v62  }
0xaf: {  	s16 =	sadd.s32 $0x10, s23;
	[tilespmem:s8+$0xFFFFFFF0] =	vst v3  }
0xb0: {  	[tilespmem:s16+$0x0] =	vst v2  }
0xb1: {  	[spmem:s1] =	stream.indirect.scatter.add.f32 [tilespmem:s0], [sflag:$0x3], $0x40, s29, s31, $0xb8;
	[tilespmem:$0x1FD70] =	vst v63  }
0xb2: {  	_ =	swait.ge [sflag:s24], $0x6400  }
0xb3: {  	[sflag:s24] =	ssyncset.done $0x0  }
0xb4: {  	[sflag:s24] =	ssyncadd.s32 $0xFFFF9C00  }
0xb5: {  	[spmem:s2] =	stream.indirect.scatter.add.f32 [tilespmem:s13], [sflag:$0x3], $0x10, s29, s31, $0xb8;
	[tilespmem:$0x1FD70] =	vst v63  }
0xb6: {  	s17 =	sadd.s32 s22, s20;
	_ =	swait.ge [sflag:s24], $0x1900  }
0xb7: {  	s8 =	sshrl.u32 s17, $0x3;
	[sflag:s24] =	ssyncset.done $0x0  }
0xb8: {  	s22 =	simm.s32 $0x0;
	s18 =	sadd.s32 s5, s8;
	[sflag:s24] =	ssyncadd.s32 $0xFFFFE700  }
0xb9: {  	[tilespmem:s28], [sflag:$0x3] =	stream.linear.gather [hbm4b:s18+s22], $0x190, $0x38;
	[tilespmem:$0x1FD70] =	vst v63  }
0xba: {  	_ =	swait.ge [sflag:s24], $0x190  }
0xbb: {  	[sflag:s24] =	ssyncset.done $0x0  }
0xbc: {  	s23 =	sadd.s32 s6, s8;
	[sflag:s24] =	ssyncadd.s32 $0xFFFFFE70  }
0xbd: {  	[tilespmem:s29], [sflag:$0x3] =	stream.linear.gather [hbm4b:s23+s22], $0x190, $0x38;
	[tilespmem:$0x1FD70] =	vst v63  }
0xbe: {  	_ =	swait.ge [sflag:s24], $0x190  }
0xbf: {  	[sflag:s24] =	ssyncset.done $0x0  }
0xc0: {  	s30 =	simm.s32 $0x5150;
	s8 =	sadd.s32 s7, s8;
	[sflag:s24] =	ssyncadd.s32 $0xFFFFFE70  }
0xc1: {  	[tilespmem:s30], [sflag:$0x3] =	stream.linear.gather [hbm4b:s8+s22], $0x190, $0x38;
	[tilespmem:$0x1FD70] =	vst v63  }
0xc2: {  	_ =	swait.ge [sflag:s24], $0x190  }
0xc3: {  	[sflag:s24] =	ssyncset.done $0x0  }
0xc4: {  	s22 =	simm.s32 $0x0;
	[sflag:s24] =	ssyncadd.s32 $0xFFFFFE70  }
0xc5: {  	[tilespmem:s0], [sflag:$0x1] =	stream.indirect.gather [hbm4b:s11+s31], $0x40, s28, s31, $0xb8;
	[tilespmem:$0x1FD70] =	vst v63  }
0xc6: {  	v2 =	vld [tilespmem:s22+$0xB870]  }
0xc7: {  	v3 =	vld [tilespmem:s22+$0xB6E0];
	_ =	sdelay $0x6  }
0xc8: {  	v2 =	vld.idx.msk [tilespmem:v2+s25+$0x0], $0xffff  }
0xc9: {  	v3 =	vld.idx.msk [tilespmem:v3+s3+$0x0], $0xffff;
	_ =	sdelay $0x1  }
0xca: {  	v63 =	vld [tilespmem:s22+$0xBA00];
	_ =	sdelay $0x2  }
0xcb: {  	v2 =	vadd.f32 v2, v3;
	_ =	sdelay $0x1  }
0xcc: {  	v2 =	vadd.f32 v63, v2;
	_ =	sdelay $0x1  }
0xcd: {  	v3 =	vmul.f32 $2.000000030e-01, v2  }
0xce: {  	vm0 =	vgt.f32 v2, $0.0e+00  }
0xcf: {  	v2 =	vsel vm0, v2, v3  }
0xd0: {  	v2 =	vsub.f32 v2, v1;
	_ =	sdelay $0x1  }
0xd1: {  	v2 =	vmul.f32 $1.442695020e+00, v2;
	_ =	sdelay $0x1  }
0xd2: {  	(erf) = vpow2.f32 v2;
	_ =	sdelay $0x1  }
0xd3: {  	s15 =	simm.s32 $0x10  }
0xd4: {  	s17 =	simm.s32 $0x80;
	v2 =	vld [tilespmem:s15+$0xB870]  }
.LBB2_7:
0xd5: {  	p1 =	sne.s32 s17, $0x600;
	v3 =	vld [tilespmem:s15+$0xB6E0];
	_ =	sdelay $0x4  }
0xd6: {  	v4 =	vpop (erf)  }
0xd7: {  	[tilespmem:s22+$0x11F90] =	vst v4;
	s22 =	smov.u32 s15  }
0xd8: {  	v2 =	vld.idx.msk [tilespmem:v2+s25+$0x0], $0xffff  }
0xd9: {  	v3 =	vld.idx.msk [tilespmem:v3+s3+$0x0], $0xffff;
	_ =	sdelay $0x2  }
0xda: {  	v4 =	vld [tilespmem:s22+$0xBA00];
	_ =	sdelay $0x2  }
0xdb: {  	v2 =	vadd.f32 v2, v3;
	_ =	sdelay $0x1  }
0xdc: {  	v2 =	vadd.f32 v4, v2;
	_ =	sdelay $0x1  }
0xdd: {  	v3 =	vmul.f32 $2.000000030e-01, v2  }
0xde: {  	vm0 =	vgt.f32 v2, $0.0e+00  }
0xdf: {  	v2 =	vsel vm0, v2, v3  }
0xe0: {  	v2 =	vsub.f32 v2, v1;
	_ =	sdelay $0x1  }
0xe1: {  	v2 =	vmul.f32 $1.442695020e+00, v2  }
.Ltmp2:
0xe2: {  	(pc) =	sbr.rel @p1 .LBB2_7-.Ltmp2, $3  }
0xe3: {  	(erf) = vpow2.f32 v2;
	_ =	sdelay $0x1  }
0xe4: {  	s15 =	sshra.s32 s17, $0x2  }
0xe5: {  	s17 =	sadd.s32 $0x40, s17;
	v2 =	vld [tilespmem:s15+$0xB870]  }
0xe6: {  	_ = 	snop  }
0xe7: {  	v3 =	vld [tilespmem:s15+$0xB6E0];
	_ =	sdelay $0x4  }
0xe8: {  	v4 =	vpop (erf)  }
0xe9: {  	[tilespmem:s22+$0x11F90] =	vst v4  }
0xea: {  	v2 =	vld.idx.msk [tilespmem:v2+s25+$0x0], $0xffff  }
0xeb: {  	v3 =	vld.idx.msk [tilespmem:v3+s3+$0x0], $0xffff;
	_ =	sdelay $0x1  }
0xec: {  	v4 =	vld [tilespmem:s15+$0xBA00];
	_ =	sdelay $0x2  }
0xed: {  	v2 =	vadd.f32 v2, v3;
	_ =	sdelay $0x1  }
0xee: {  	v2 =	vadd.f32 v4, v2;
	_ =	sdelay $0x1  }
0xef: {  	v3 =	vmul.f32 $2.000000030e-01, v2  }
0xf0: {  	vm0 =	vgt.f32 v2, $0.0e+00  }
0xf1: {  	v2 =	vsel vm0, v2, v3  }
0xf2: {  	v2 =	vsub.f32 v2, v1;
	_ =	sdelay $0x1  }
0xf3: {  	v2 =	vmul.f32 $1.442695020e+00, v2;
	_ =	sdelay $0x1  }
0xf4: {  	(erf) = vpow2.f32 v2;
	_ =	sdelay $0x8  }
0xf5: {  	s8 =	simm.s32 $0x0;
	v2 =	vpop (erf)  }
0xf6: {  	[tilespmem:s15+$0x11F90] =	vst v2;
	v2 =	vmov s8  }
0xf7: {  	_ =	swait.ge [sflag:s14], $0x6400  }
0xf8: {  	[sflag:s14] =	ssyncset.done $0x0  }
0xf9: {  	s17 =	simm.s32 $0xBBB0;
	[sflag:s14] =	ssyncadd.s32 $0xFFFF9C00  }
0xfa: {  	v4 =	vld [tilespmem:s17+$0x10]  }
0xfb: {  	v6 =	vld.idx.msk [tilespmem:v2+s12+$0x0], $0xffff  }
0xfc: {  	v2 =	vld [tilespmem:s17+$0xFFFFFFE0]  }
0xfd: {  	v3 =	vld [tilespmem:s17+$0x0]  }
0xfe: {  	v7 =	vld [tilespmem:s17+$0xFFFFFFF0];
	_ =	sdelay $0x2  }
0xff: {  	v8 =	vmul.f32 v2, v6  }
0x100: {  	s16 =	simm.s32 $0x1;
	s18 =	simm.s32 $0xBBB0;
	v2 =	vmul.f32 v0, v6;
	v3 =	vmul.f32 v3, v6  }
0x101: {  	s22 =	simm.s32 $0x12120;
	s8 =	simm.s32 $0x2;
	s15 =	simm.s32 $0x12120;
	v5 =	vmul.f32 v4, v6;
	v4 =	vmul.f32 v7, v6;
	[tilespmem:s17+$0xFFFFFFE0] =	vst v8  }
.LBB2_9:
0x102: {  	s22 =	sadd.s32 $0x10, s22  }
0x103: {  	v6 =	vmov s16;
	[tilespmem:s17+$0x10] =	vst v5;
	s18 =	sadd.s32 $0x40, s18;
	s16 =	smov.u32 s8;
	s23 =	sadd.s32 $0x1, s8  }
0x104: {  	p1 =	sne.s32 s8, $0x18F;
	[tilespmem:s17+$0xFFFFFFF0] =	vst v4  }
0x105: {  	[tilespmem:s17+$0x0] =	vst v3;
	s17 =	smov.u32 s18  }
0x106: {  	[tilespmem:s15+$0x0] =	vst v2;
	s15 =	smov.u32 s22  }
0x107: {  	v4 =	vld [tilespmem:s18+$0x10]  }
0x108: {  	v6 =	vld.idx.msk [tilespmem:v6+s12+$0x0], $0xffff  }
0x109: {  	v2 =	vld [tilespmem:s18+$0xFFFFFFE0]  }
0x10a: {  	v3 =	vld [tilespmem:s18+$0x0]  }
0x10b: {  	v7 =	vld [tilespmem:s18+$0xFFFFFFF0]  }
.Ltmp3:
0x10c: {  	(pc) =	sbr.rel @p1 .LBB2_9-.Ltmp3, $4  }
0x10d: {  	_ = 	snop  }
0x10e: {  	v8 =	vmul.f32 v2, v6;
	v2 =	vmul.f32 v0, v6  }
0x10f: {  	v5 =	vmul.f32 v4, v6;
	v3 =	vmul.f32 v3, v6  }
0x110: {  	s8 =	smov.u32 s23;
	[tilespmem:s18+$0xFFFFFFE0] =	vst v8;
	v4 =	vmul.f32 v7, v6  }
0x111: {  	v6 =	vmov s16;
	[tilespmem:s17+$0x10] =	vst v5  }
0x112: {  	[tilespmem:s17+$0x0] =	vst v3  }
0x113: {  	[tilespmem:s17+$0xFFFFFFF0] =	vst v4  }
0x114: {  	s8 =	sadd.s32 $0x40, s18;
	[tilespmem:s15+$0x0] =	vst v2  }
0x115: {  	v3 =	vld [tilespmem:s8+$0xFFFFFFE0]  }
0x116: {  	v2 =	vld.idx.msk [tilespmem:v6+s12+$0x0], $0xffff  }
0x117: {  	v4 =	vld [tilespmem:s8+$0x10]  }
0x118: {  	v62 =	vld [tilespmem:s8+$0x0]  }
0x119: {  	v5 =	vld [tilespmem:s8+$0xFFFFFFF0];
	_ =	sdelay $0x1  }
0x11a: {  	v3 =	vmul.f32 v3, v2  }
0x11b: {  	v4 =	vmul.f32 v4, v2  }
0x11c: {  	v63 =	vmul.f32 v62, v2;
	[tilespmem:s8+$0xFFFFFFE0] =	vst v3  }
0x11d: {  	v3 =	vmul.f32 v5, v2;
	[tilespmem:s8+$0x10] =	vst v4  }
0x11e: {  	v2 =	vmul.f32 v0, v2;
	[tilespmem:s8+$0x0] =	vst v63  }
0x11f: {  	s30 =	sadd.s32 $0x10, s22;
	[tilespmem:s8+$0xFFFFFFF0] =	vst v3  }
0x120: {  	[tilespmem:s30+$0x0] =	vst v2  }
0x121: {  	[spmem:s1] =	stream.indirect.scatter.add.f32 [tilespmem:s9], [sflag:$0x3], $0x40, s4, s31, $0xb8;
	[tilespmem:$0x1FD70] =	vst v63  }
0x122: {  	s21 =	sadd.s32 $0x1, s21;
	_ =	swait.ge [sflag:s24], $0x6400  }
0x123: {  	p1 =	sne.s32 s21, $0xC;
	[sflag:s24] =	ssyncset.done $0x0  }
.Ltmp4:
0x124: {  	[sflag:s24] =	ssyncadd.s32 $0xFFFF9C00;
	(pc) =	sbr.rel @p1 .LBB2_2-.Ltmp4, $4  }
0x125: {  	[spmem:s2] =	stream.indirect.scatter.add.f32 [tilespmem:s13], [sflag:$0x3], $0x10, s4, s31, $0xb8;
	[tilespmem:$0x1FD70] =	vst v63  }
0x126: {  	_ =	swait.ge [sflag:s24], $0x1900  }
0x127: {  	[sflag:s24] =	ssyncset.done $0x0  }
0x128: {  	[sflag:s24] =	ssyncadd.s32 $0xFFFFE700  }
0x129: {  	s21 =	simm.s32 $0x0  }
0x12a: {  	v2 =	vld [tilespmem:s21+$0x4FC0]  }
0x12b: {  	v3 =	vld [tilespmem:s21+$0x4E30];
	_ =	sdelay $0x6  }
0x12c: {  	v2 =	vld.idx.msk [tilespmem:v2+s25+$0x0], $0xffff  }
0x12d: {  	v3 =	vld.idx.msk [tilespmem:v3+s3+$0x0], $0xffff;
	_ =	sdelay $0x1  }
0x12e: {  	v4 =	vld [tilespmem:s21+$0x5150];
	_ =	sdelay $0x2  }
0x12f: {  	v2 =	vadd.f32 v2, v3;
	_ =	sdelay $0x1  }
0x130: {  	v2 =	vadd.f32 v4, v2;
	_ =	sdelay $0x1  }
0x131: {  	v3 =	vmul.f32 $2.000000030e-01, v2  }
0x132: {  	vm0 =	vgt.f32 v2, $0.0e+00  }
0x133: {  	v2 =	vsel vm0, v2, v3  }
0x134: {  	v2 =	vsub.f32 v2, v1;
	_ =	sdelay $0x1  }
0x135: {  	v2 =	vmul.f32 $1.442695020e+00, v2;
	_ =	sdelay $0x1  }
0x136: {  	(erf) = vpow2.f32 v2;
	_ =	sdelay $0x1  }
0x137: {  	s15 =	simm.s32 $0x10  }
0x138: {  	s17 =	simm.s32 $0x80;
	v2 =	vld [tilespmem:s15+$0x4FC0]  }
.LBB2_12:
0x139: {  	p1 =	sne.s32 s17, $0x600;
	v3 =	vld [tilespmem:s15+$0x4E30];
	_ =	sdelay $0x4  }
0x13a: {  	v4 =	vpop (erf)  }
0x13b: {  	[tilespmem:s21+$0x11F90] =	vst v4;
	s21 =	smov.u32 s15  }
0x13c: {  	v2 =	vld.idx.msk [tilespmem:v2+s25+$0x0], $0xffff  }
0x13d: {  	v3 =	vld.idx.msk [tilespmem:v3+s3+$0x0], $0xffff;
	_ =	sdelay $0x2  }
0x13e: {  	v4 =	vld [tilespmem:s21+$0x5150];
	_ =	sdelay $0x2  }
0x13f: {  	v2 =	vadd.f32 v2, v3;
	_ =	sdelay $0x1  }
0x140: {  	v2 =	vadd.f32 v4, v2;
	_ =	sdelay $0x1  }
0x141: {  	v3 =	vmul.f32 $2.000000030e-01, v2  }
0x142: {  	vm0 =	vgt.f32 v2, $0.0e+00  }
0x143: {  	v2 =	vsel vm0, v2, v3  }
0x144: {  	v2 =	vsub.f32 v2, v1;
	_ =	sdelay $0x1  }
0x145: {  	v2 =	vmul.f32 $1.442695020e+00, v2  }
.Ltmp5:
0x146: {  	(pc) =	sbr.rel @p1 .LBB2_12-.Ltmp5, $3  }
0x147: {  	(erf) = vpow2.f32 v2;
	_ =	sdelay $0x1  }
0x148: {  	s15 =	sshra.s32 s17, $0x2  }
0x149: {  	s17 =	sadd.s32 $0x40, s17;
	v2 =	vld [tilespmem:s15+$0x4FC0]  }
0x14a: {  	_ = 	snop  }
0x14b: {  	v3 =	vld [tilespmem:s15+$0x4E30];
	_ =	sdelay $0x4  }
0x14c: {  	v4 =	vpop (erf)  }
0x14d: {  	[tilespmem:s21+$0x11F90] =	vst v4  }
0x14e: {  	v2 =	vld.idx.msk [tilespmem:v2+s25+$0x0], $0xffff  }
0x14f: {  	v3 =	vld.idx.msk [tilespmem:v3+s3+$0x0], $0xffff;
	_ =	sdelay $0x1  }
0x150: {  	v4 =	vld [tilespmem:s15+$0x5150];
	_ =	sdelay $0x2  }
0x151: {  	v2 =	vadd.f32 v2, v3;
	_ =	sdelay $0x1  }
0x152: {  	v2 =	vadd.f32 v4, v2;
	_ =	sdelay $0x1  }
0x153: {  	v3 =	vmul.f32 $2.000000030e-01, v2  }
0x154: {  	vm0 =	vgt.f32 v2, $0.0e+00  }
0x155: {  	v2 =	vsel vm0, v2, v3  }
0x156: {  	v1 =	vsub.f32 v2, v1;
	_ =	sdelay $0x1  }
0x157: {  	v1 =	vmul.f32 $1.442695020e+00, v1;
	_ =	sdelay $0x1  }
0x158: {  	(erf) = vpow2.f32 v1;
	_ =	sdelay $0x8  }
0x159: {  	s8 =	simm.s32 $0x0;
	v1 =	vpop (erf)  }
0x15a: {  	[tilespmem:s15+$0x11F90] =	vst v1;
	v1 =	vmov s8  }
0x15b: {  	_ =	swait.ge [sflag:s10], $0x6400  }
0x15c: {  	[sflag:s10] =	ssyncset.done $0x0  }
0x15d: {  	s17 =	simm.s32 $0x5300;
	[sflag:s10] =	ssyncadd.s32 $0xFFFF9C00  }
0x15e: {  	v3 =	vld [tilespmem:s17+$0x10]  }
0x15f: {  	v5 =	vld.idx.msk [tilespmem:v1+s12+$0x0], $0xffff  }
0x160: {  	v1 =	vld [tilespmem:s17+$0xFFFFFFE0]  }
0x161: {  	v2 =	vld [tilespmem:s17+$0x0]  }
0x162: {  	v6 =	vld [tilespmem:s17+$0xFFFFFFF0];
	_ =	sdelay $0x2  }
0x163: {  	v7 =	vmul.f32 v1, v5  }
0x164: {  	s16 =	simm.s32 $0x1;
	s18 =	simm.s32 $0x5300;
	v1 =	vmul.f32 v0, v5;
	v2 =	vmul.f32 v2, v5  }
0x165: {  	s21 =	simm.s32 $0x12120;
	s8 =	simm.s32 $0x2;
	s15 =	simm.s32 $0x12120;
	v4 =	vmul.f32 v3, v5;
	v3 =	vmul.f32 v6, v5;
	[tilespmem:s17+$0xFFFFFFE0] =	vst v7  }
.LBB2_14:
0x166: {  	s21 =	sadd.s32 $0x10, s21  }
0x167: {  	v5 =	vmov s16;
	[tilespmem:s17+$0x10] =	vst v4;
	s18 =	sadd.s32 $0x40, s18;
	s16 =	smov.u32 s8;
	s22 =	sadd.s32 $0x1, s8  }
0x168: {  	p1 =	sne.s32 s8, $0x18F;
	[tilespmem:s17+$0xFFFFFFF0] =	vst v3  }
0x169: {  	[tilespmem:s17+$0x0] =	vst v2;
	s17 =	smov.u32 s18  }
0x16a: {  	[tilespmem:s15+$0x0] =	vst v1;
	s15 =	smov.u32 s21  }
0x16b: {  	v3 =	vld [tilespmem:s18+$0x10]  }
0x16c: {  	v5 =	vld.idx.msk [tilespmem:v5+s12+$0x0], $0xffff  }
0x16d: {  	v1 =	vld [tilespmem:s18+$0xFFFFFFE0]  }
0x16e: {  	v2 =	vld [tilespmem:s18+$0x0]  }
0x16f: {  	v6 =	vld [tilespmem:s18+$0xFFFFFFF0]  }
.Ltmp6:
0x170: {  	(pc) =	sbr.rel @p1 .LBB2_14-.Ltmp6, $4  }
0x171: {  	_ = 	snop  }
0x172: {  	v7 =	vmul.f32 v1, v5;
	v1 =	vmul.f32 v0, v5  }
0x173: {  	v4 =	vmul.f32 v3, v5;
	v2 =	vmul.f32 v2, v5  }
0x174: {  	s8 =	smov.u32 s22;
	[tilespmem:s18+$0xFFFFFFE0] =	vst v7;
	v3 =	vmul.f32 v6, v5  }
0x175: {  	v5 =	vmov s16;
	[tilespmem:s17+$0x10] =	vst v4  }
0x176: {  	[tilespmem:s17+$0x0] =	vst v2  }
0x177: {  	[tilespmem:s17+$0xFFFFFFF0] =	vst v3  }
0x178: {  	s8 =	sadd.s32 $0x40, s18;
	[tilespmem:s15+$0x0] =	vst v1  }
0x179: {  	v2 =	vld [tilespmem:s8+$0xFFFFFFE0]  }
0x17a: {  	v1 =	vld.idx.msk [tilespmem:v5+s12+$0x0], $0xffff  }
0x17b: {  	v3 =	vld [tilespmem:s8+$0x10]  }
0x17c: {  	v62 =	vld [tilespmem:s8+$0x0]  }
0x17d: {  	v4 =	vld [tilespmem:s8+$0xFFFFFFF0];
	_ =	sdelay $0x1  }
0x17e: {  	v2 =	vmul.f32 v2, v1  }
0x17f: {  	v3 =	vmul.f32 v3, v1  }
0x180: {  	v63 =	vmul.f32 v62, v1;
	[tilespmem:s8+$0xFFFFFFE0] =	vst v2  }
0x181: {  	v2 =	vmul.f32 v4, v1;
	[tilespmem:s8+$0x10] =	vst v3  }
0x182: {  	v1 =	vmul.f32 v0, v1;
	[tilespmem:s8+$0x0] =	vst v63  }
0x183: {  	s22 =	sadd.s32 $0x10, s21;
	[tilespmem:s8+$0xFFFFFFF0] =	vst v2  }
0x184: {  	[tilespmem:s22+$0x0] =	vst v1  }
0x185: {  	[spmem:s1] =	stream.indirect.scatter.add.f32 [tilespmem:s0], [sflag:$0x3], $0x40, s29, s31, $0xb8;
	[tilespmem:$0x1FD70] =	vst v63  }
0x186: {  	_ =	swait.ge [sflag:s24], $0x6400  }
0x187: {  	[sflag:s24] =	ssyncset.done $0x0  }
0x188: {  	[sflag:s24] =	ssyncadd.s32 $0xFFFF9C00  }
0x189: {  	[spmem:s2] =	stream.indirect.scatter.add.f32 [tilespmem:s13], [sflag:$0x3], $0x10, s29, s31, $0xb8;
	[tilespmem:$0x1FD70] =	vst v63  }
0x18a: {  	_ =	swait.ge [sflag:s24], $0x1900  }
0x18b: {  	[sflag:s24] =	ssyncset.done $0x0  }
0x18c: {  	[sflag:s24] =	ssyncadd.s32 $0xFFFFE700  }
0x18d: {  	[bflag:$0x0] =	sbarrier.arrive $0xFFFF  }
0x18e: {  	s8 =	rddreg [dreg:$0xf]  }
0x18f: {  	s16 =	rddreg [dreg:$0x13]  }
0x190: {  	s15 =	rddreg [dreg:$0x14]  }
0x191: {  	[hbm:s8], [sflag:s16] =	dma.local @!p0 [spmem:s15], $0x1F40  }
0x192: {  	s8 =	simm.s32 @!p0 $0x3  }
0x193: {  	_ =	swait.ge @!p0 [sflag:s8], $0x1F40  }
0x194: {  	[sflag:s8] =	ssyncset.done @!p0 $0x0;
	s15 =	rddreg [dreg:$0x10]  }
0x195: {  	s17 =	rddreg [dreg:$0x15];
	[sflag:s8] =	ssyncadd.s32 @!p0 $0xFFFFE0C0  }
0x196: {  	[hbm:s15], [sflag:s16] =	dma.local @!p0 [spmem:s17], $0x7D0  }
0x197: {  	_ =	swait.ge @!p0 [sflag:s8], $0x7D0  }
0x198: {  	s23 =	rddreg [dreg:$0x12]  }
0x199: {  	s30 =	rddreg [dreg:$0x11];
	s16 =	sadd.s32 $0x1, s23  }
0x19a: {  	p1 =	sne.s32 s16, s30  }
.Ltmp7:
0x19b: {  	_ = 	snop;
	(pc) =	sbr.rel @p1 .LBB2_1-.Ltmp7, $3  }
0x19c: {  	_ =	sdelay $0x1  }
0x19d: {  	[sflag:s8] =	ssyncset.done @!p0 $0x0  }
0x19e: {  	[sflag:s8] =	ssyncadd.s32 @!p0 $0xFFFFF830  }
0x19f: {  	_ =	sfence.sel $0x180000  }
0x1a0: {  	[bflag:$0x0] =	sbarrier.arrive $0xFFFF  }
0x1a1: {  	_ =	strace $0x90000050  }
0x1a2: {  	s0 =	stileid.u32;
	[bflag:$0x2] =	sbarrier.arrive $0xFFFF  }
0x1a3: {  	p0 =	sne.s32 s0, $0x0;
	s0 =	rddreg [dreg:$0x4]  }
0x1a4: {  	s0 =	sadd.s32 @!p0 $0x100000, s0  }
0x1a5: {  	[sflag:s0] =	ssyncadd.tile.s32 @!p0 $0x1;
	_ =	shalt  }
.Lfunc_end2:
_tile_overlayer_lowered:
.L_overlay_start_2:
0x1a6: {  	(tag) =	ssettag $0x2  }
0x1a7: {  	s0 =	rddreg [dreg:$0x0];
	s2 =	stileid.u32  }
0x1a8: {  	s1 =	rddreg [dreg:$0x1];
	p0 =	sne.s32 s2, $0x0  }
0x1a9: {  	s3 =	rddreg [dreg:$0x2];
	[bflag:$0x3] =	sbarrier.arrive $0xFFFF;
	s2 =	simm.s32 @!p0 $0x1C03  }
0x1aa: {  	[timem:s3], [sflag:s2] =	dma.local @!p0 [hbm:s0], s1  }
0x1ab: {  	s0 =	simm.s32 @!p0 $0x3  }
0x1ac: {  	_ =	swait.ge @!p0 [sflag:s0], s1  }
0x1ad: {  	s1 =	ssub.s32 @!p0 $0x0, s1;
	[sflag:s0] =	ssyncset.done @!p0 $0x0  }
0x1ae: {  	[sflag:s0] =	ssyncadd.s32 @!p0 s1  }
0x1af: {  	[bflag:$0x3] =	sbarrier.arrive $0xFFFF  }
0x1b0: {  	_ =	shalt  }

</sc_bundles>
